<compile_context>
chip_gen: v7x
topology: tpu7x:2x2x1
jax: 0.10.2.dev20260603
libtpu: 0.0.44.dev20260713+nightly
codegen_flags: <defaults>
</compile_context>

<pallas_src>
import functools

import jax
import jax.numpy as jnp
from jax import lax
from jax.experimental import pallas as pl
from jax.experimental.pallas import tpu as pltpu, tpu_sc as plsc

_NC = 2
_NS = 16
_K = 80


def _segsum_sc(table, edge_index, with_cnt):
    N, D = table.shape
    E = edge_index.shape[1]
    NW = _NC * _NS
    epw = E // NW
    nblk = epw // _K
    assert epw * NW == E and nblk * _K == epw
    rpt = (N // _NS) & ~7
    rem = N - _NS * rpt

    NB = 3 if with_cnt else 4

    mesh = plsc.VectorSubcoreMesh(core_axis_name="c", subcore_axis_name="s")
    out_type = [jax.ShapeDtypeStruct((_NC, N, D), jnp.float32)]
    scratch = [
        pltpu.VMEM_SHARED((N, D), jnp.float32),
        pltpu.VMEM((NB, _K), jnp.int32),
        pltpu.VMEM((NB, _K), jnp.int32),
        pltpu.VMEM((NB, _K, D), jnp.float32),
        pltpu.SemaphoreType.DMA((NB,)),
        pltpu.SemaphoreType.DMA((NB,)),
        pltpu.SemaphoreType.DMA((NB,)),
    ]
    if with_cnt:
        out_type.append(jax.ShapeDtypeStruct((_NC, _NS, N), jnp.float32))
        scratch += [
            pltpu.VMEM((N,), jnp.float32),
        ]

    @functools.partial(
        pl.kernel, out_type=tuple(out_type), mesh=mesh,
        scratch_types=scratch,
        compiler_params=pltpu.CompilerParams(use_tc_tiling_on_sc=False,
                                             needs_layout_passes=False))
    def k(*refs):
        if with_cnt:
            (table_r, ei_r, zero_r, zcnt_r,
             out_r, cnt_r, acc, srcb, dstb, rows, isem, gsem, ssem,
             cntloc) = refs
        else:
            (table_r, ei_r, zero_r,
             out_r, acc, srcb, dstb, rows, isem, gsem, ssem) = refs
        cid = lax.axis_index("c")
        sid = lax.axis_index("s")
        r0 = sid * rpt

        def rows_of(fn):
            fn(r0, rpt)
            if rem:
                @pl.when(sid == _NS - 1)
                def _():
                    fn(_NS * rpt, rem)

        def zero_slice(o, n):
            pltpu.sync_copy(zero_r.at[pl.ds(0, n)], acc.at[pl.ds(o, n)])
        rows_of(zero_slice)
        if with_cnt:
            pltpu.sync_copy(zcnt_r, cntloc)
        plsc.subcore_barrier()

        wbase = (cid * _NS + sid) * epw

        def issue_idx(b, s):
            base = wbase + b * _K
            pltpu.async_copy(ei_r.at[0, pl.ds(base, _K)], srcb.at[s],
                             isem.at[s])
            pltpu.async_copy(ei_r.at[1, pl.ds(base, _K)], dstb.at[s],
                             isem.at[s])

        def wait_idx(s):
            pltpu.make_async_copy(ei_r.at[0, pl.ds(0, _K)], srcb.at[s],
                                  isem.at[s]).wait()
            pltpu.make_async_copy(ei_r.at[1, pl.ds(0, _K)], dstb.at[s],
                                  isem.at[s]).wait()

        def issue_gather(s):
            pltpu.async_copy(table_r.at[srcb.at[s]], rows.at[s], gsem.at[s])

        def wait_gather(s):
            pltpu.make_async_copy(table_r.at[srcb.at[s]], rows.at[s],
                                  gsem.at[s]).wait()

        def issue_scatter(s):
            pltpu.async_copy(rows.at[s], acc.at[dstb.at[s]], ssem.at[s],
                             add=True)

        def wait_scatter(s):
            pltpu.make_async_copy(rows.at[s], acc.at[dstb.at[s]],
                                  ssem.at[s]).wait()

        ones16 = jnp.ones((16,), jnp.float32)

        def count_block(s):
            if with_cnt:
                for j in range(_K // 16):
                    iv = dstb.at[s][pl.ds(j * 16, 16)]
                    plsc.addupdate_scatter(cntloc, [iv], ones16)

        issue_idx(0, 0)
        issue_idx(1 % nblk, 1 % NB)
        wait_idx(0)
        issue_gather(0)

        def body(b, carry):
            u = lax.rem(b, NB)
            u1 = lax.rem(b + 1, NB)
            u2 = lax.rem(b + 2, NB)

            @pl.when(b >= NB - 2)
            def _():
                wait_scatter(u2)
            issue_idx(lax.rem(b + 2, nblk), u2)
            wait_idx(u1)
            issue_gather(u1)
            wait_gather(u)
            issue_scatter(u)
            count_block(u)
            return carry

        lax.fori_loop(0, nblk, body, 0)
        for j in range(nblk + 2 - NB, nblk):
            wait_scatter(j % NB)
        wait_gather(nblk % NB)
        wait_idx((nblk + 1) % NB)
        plsc.subcore_barrier()

        def write_slice(o, n):
            pltpu.sync_copy(acc.at[pl.ds(o, n)], out_r.at[cid, pl.ds(o, n)])
        rows_of(write_slice)
        if with_cnt:
            pltpu.sync_copy(cntloc, cnt_r.at[cid, sid])

    zero = jnp.zeros((rpt, D), jnp.float32)
    if with_cnt:
        return k(table, edge_index, zero, jnp.zeros((N,), jnp.float32))
    return k(table, edge_index, zero)


def _ln_relu(h, g, b):
    mu = jnp.mean(h, axis=-1, keepdims=True)
    var = jnp.mean((h - mu) ** 2, axis=-1, keepdims=True)
    h = (h - mu) * lax.rsqrt(var + 1e-5) * g + b
    return jnp.maximum(h, 0.0)


def _tc_call(body, n_out, N, R, in_specs_dims, out_dims, *args):
    grid = (N // R,)

    def spec(dims):
        blk = tuple(R if d is None else d for d in dims)
        rowpos = [j for j, d in enumerate(dims) if d is None]
        if rowpos:
            p = rowpos[0]
            return pl.BlockSpec(blk, lambda i, p=p: tuple(
                i if j == p else 0 for j in range(len(blk))))
        return pl.BlockSpec(blk, lambda i: (0,) * len(blk))

    return pl.pallas_call(
        body,
        grid=grid,
        in_specs=[spec(d) for d in in_specs_dims],
        out_specs=[spec(d) for d in out_dims],
        out_shape=[jax.ShapeDtypeStruct(
            tuple(N if d is None else d for d in dims), jnp.float32)
            for dims in out_dims],
    )(*args)


def _dot(a, b):
    return jnp.dot(a, b, preferred_element_type=jnp.float32)


def kernel(z, edge_index, W1l, W1r, b1, W2l, W2r, b2, W3l, W3r, b3,
           W4l, W4r, b4, g1, be1, g2, be2, g3, be3):
    N, D = z.shape
    R = 1000

    b1r, g1r, be1r = b1[None, :], g1[None, :], be1[None, :]
    b2r, g2r, be2r = b2[None, :], g2[None, :], be2[None, :]
    b3r, g3r, be3r = b3[None, :], g3[None, :], be3[None, :]
    W4lp = jnp.pad(W4l, ((0, 0), (0, 16 - W4l.shape[1])))
    W4rp = jnp.pad(W4r, ((0, 0), (0, 16 - W4r.shape[1])))
    b4p = jnp.pad(b4, (0, 16 - b4.shape[0]))[None, :]

    s1, cntp = _segsum_sc(z, edge_index, with_cnt=True)
    cntT = cntp.reshape(_NC * _NS, N).T

    def tc1(s_r, c_r, z_r, wl_r, wr_r, b_r, g_r, be_r, oa_r, ob_r, inv_r):
        c = jnp.maximum(jnp.sum(c_r[...], axis=1), 1.0)
        inv = (1.0 / c)[:, None]
        mean = (s_r[0] + s_r[1]) * inv
        h = _dot(mean, wl_r[...]) + _dot(z_r[...], wr_r[...]) + b_r[...]
        h = _ln_relu(h, g_r[...], be_r[...])
        oa_r[...] = h[:, :128]
        ob_r[...] = h[:, 128:]
        inv_r[...] = jnp.broadcast_to(inv, inv_r.shape)

    x1a, x1b, inv = _tc_call(
        tc1, 3, N, R,
        [(2, None, 128), (None, 32), (None, 128), (128, 256), (128, 256),
         (1, 256), (1, 256), (1, 256)],
        [(None, 128), (None, 128), (None, 16)],
        s1, cntT, z, W1l, W1r, b1r, g1r, be1r)

    sa = _segsum_sc(x1a, edge_index, with_cnt=False)[0]
    sb = _segsum_sc(x1b, edge_index, with_cnt=False)[0]

    def tc2(sa_r, sb_r, inv_r, xa_r, xb_r, wl_r, wr_r, b_r, g_r, be_r,
            w3l_r, o_r, y3_r):
        iv = inv_r[:, :1]
        ma = (sa_r[0] + sa_r[1]) * iv
        mb = (sb_r[0] + sb_r[1]) * iv
        wl = wl_r[...]
        wr = wr_r[...]
        h = (_dot(ma, wl[:128]) + _dot(mb, wl[128:])
             + _dot(xa_r[...], wr[:128]) + _dot(xb_r[...], wr[128:])
             + b_r[...])
        h = _ln_relu(h, g_r[...], be_r[...])
        o_r[...] = h
        y3_r[...] = _dot(h, w3l_r[...])

    x2, y3 = _tc_call(
        tc2, 2, N, R,
        [(2, None, 128), (2, None, 128), (None, 16), (None, 128),
         (None, 128), (256, 256), (256, 256), (1, 256), (1, 256), (1, 256),
         (256, 128)],
        [(None, 256), (None, 128)],
        sa, sb, inv, x1a, x1b, W2l, W2r, b2r, g2r, be2r, W3l)

    s3 = _segsum_sc(y3, edge_index, with_cnt=False)[0]

    def tc3(s_r, inv_r, x2_r, wr_r, b_r, g_r, be_r, w4l_r, o_r, y4_r):
        mean = (s_r[0] + s_r[1]) * inv_r[:, :1]
        h = mean + _dot(x2_r[...], wr_r[...]) + b_r[...]
        h = _ln_relu(h, g_r[...], be_r[...])
        o_r[...] = h
        y4_r[...] = _dot(h, w4l_r[...])

    x3, y4 = _tc_call(
        tc3, 2, N, R,
        [(2, None, 128), (None, 16), (None, 256), (256, 128), (1, 128),
         (1, 128), (1, 128), (128, 16)],
        [(None, 128), (None, 16)],
        s3, inv, x2, W3r, b3r, g3r, be3r, W4lp)

    s4 = _segsum_sc(y4, edge_index, with_cnt=False)[0]

    def tc4(s_r, inv_r, x3_r, wr_r, b_r, o_r):
        mean = (s_r[0] + s_r[1]) * inv_r[:, :1]
        o_r[...] = mean + _dot(x3_r[...], wr_r[...]) + b_r[...]

    (o,) = _tc_call(
        tc4, 1, N, R,
        [(2, None, 16), (None, 16), (None, 128), (128, 16), (1, 16)],
        [(None, 16)],
        s4, inv, x3, W4rp, b4p)

    return o[:, :9]

# --- scband reference (transcript-rebuilt; emitter-appended) ---
"""Pipeline reference for scband-graph-decoder-36326833389700 (READ-ONLY COPY).

The authoritative reference and input builder live on the scoring server;
editing this copy changes nothing except your own understanding.
"""

import jax, jax.numpy as jnp
import numpy as np

N = 10000
E = 320000
D = 128

def _glorot(k, fan_in, fan_out):
    lim = float(np.sqrt(6.0 / (fan_in + fan_out)))
    return jax.random.uniform(k, (fan_in, fan_out), jnp.float32, -lim, lim)

def setup_inputs(seed: int = 0):
    key = jax.random.key(seed)
    ks = jax.random.split(key, 24)
    inp = {}
    inp['z'] = jax.random.normal(ks[0], (N, D), jnp.float32)
    inp['edge_index'] = jax.random.randint(ks[1], (2, E), 0, N, jnp.int32)
    dims = [(128, 256), (256, 256), (256, 128), (128, 9)]
    for i, (fi, fo) in enumerate(dims, start=1):
        inp['W%dl' % i] = _glorot(ks[2 + 3 * i], fi, fo)
        inp['W%dr' % i] = _glorot(ks[3 + 3 * i], fi, fo)
        inp['b%d' % i] = jnp.zeros((fo,), jnp.float32)
    for i, d in enumerate([256, 256, 128], start=1):
        inp['g%d' % i] = jnp.ones((d,), jnp.float32)
        inp['be%d' % i] = jnp.zeros((d,), jnp.float32)
    return inp

def _sage(x, src, dst, Wl, Wr, b):
    n = x.shape[0]
    s = jax.ops.segment_sum(x[src], dst, num_segments=n)
    cnt = jax.ops.segment_sum(jnp.ones((src.shape[0],), jnp.float32), dst, num_segments=n)
    mean = s / jnp.clip(cnt, 1.0, None)[:, None]
    return mean @ Wl + x @ Wr + b

def _ln(x, g, b):
    mu = jnp.mean(x, axis=-1, keepdims=True)
    var = jnp.mean((x - mu) ** 2, axis=-1, keepdims=True)
    return (x - mu) / jnp.sqrt(var + 1e-5) * g + b

def reference(z, edge_index, W1l, W1r, b1, W2l, W2r, b2, W3l, W3r, b3, W4l, W4r, b4, g1, be1, g2, be2, g3, be3):
    src = edge_index[0]
    dst = edge_index[1]
    x = jax.nn.relu(_ln(_sage(z, src, dst, W1l, W1r, b1), g1, be1))
    x = jax.nn.relu(_ln(_sage(x, src, dst, W2l, W2r, b2), g2, be2))
    x = jax.nn.relu(_ln(_sage(x, src, dst, W3l, W3r, b3), g3, be3))
    x = _sage(x, src, dst, W4l, W4r, b4)
    return x

if __name__ == "__main__":
    import jax
    _d = setup_inputs()
    print(jax.jit(kernel)(*tuple(_d.values())))

</pallas_src>

<mosaic_0001>
#map = affine_map<(d0, d1) -> (0, 0)>
#map1 = affine_map<(d0, d1) -> (0, 0, 0)>
module attributes {stable_mosaic.version = 14 : i64} {
  func.func @k(%arg0: i32, %arg1: i32, %arg2: memref<10000x128xf32, #tpu.memory_space<hbm>>, %arg3: memref<2x320000xi32, #tpu.memory_space<hbm>>, %arg4: memref<624x128xf32, #tpu.memory_space<hbm>>, %arg5: memref<2x10000x128xf32, #tpu.memory_space<hbm>>, %arg6: memref<10000x128xf32, #tpu.memory_space<vmem_shared>>, %arg7: memref<4x80xi32, #tpu.memory_space<vmem>>, %arg8: memref<4x80xi32, #tpu.memory_space<vmem>>, %arg9: memref<4x80x128xf32, #tpu.memory_space<vmem>>, %arg10: memref<4x!tpu.dma_semaphore, #tpu.memory_space<semaphore_mem>>, %arg11: memref<4x!tpu.dma_semaphore, #tpu.memory_space<semaphore_mem>>, %arg12: memref<4x!tpu.dma_semaphore, #tpu.memory_space<semaphore_mem>>) attributes {dimension_semantics = [#tpu.dimension_semantics<core_parallel>, #tpu.dimension_semantics<subcore_parallel>], iteration_bounds = array<i64: 2, 16>, scalar_prefetch = 0 : i64, scratch_operands = 7 : i64, tpu.core_type = #tpu.core_type<sc_vector_subcore>, window_params = [{transform_indices = #map}, {transform_indices = #map}, {transform_indices = #map}, {transform_indices = #map1}]} {
    %mul3A = arith.constant 624 : i32
    %mul3A_0 = arith.muli %arg1, %mul3A : i32
    "tpu.region"() ({
      %run_scoped3A = tpu.sem_alloc : memref<!tpu.dma_semaphore, #tpu.memory_space<semaphore_mem>>
      %dma_start3A_209 = arith.constant 0 : i32
      %dma_start3A_210 = tpu.memref_slice %arg6[%mul3A_0, %dma_start3A_209] : memref<10000x128xf32, #tpu.memory_space<vmem_shared>> -> memref<624x128xf32, #tpu.memory_space<vmem_shared>>
      %dma_start3A_211 = arith.constant 0 : i32
      %dma_start3A_212 = arith.constant 0 : i32
      %dma_start3A_213 = tpu.memref_slice %arg4[%dma_start3A_211, %dma_start3A_212] : memref<624x128xf32, #tpu.memory_space<hbm>> -> memref<624x128xf32, #tpu.memory_space<hbm>>
      tpu.enqueue_dma source(%dma_start3A_213 : memref<624x128xf32, #tpu.memory_space<hbm>>) target(%dma_start3A_210 : memref<624x128xf32, #tpu.memory_space<vmem_shared>>) target_semaphore(%run_scoped3A : memref<!tpu.dma_semaphore, #tpu.memory_space<semaphore_mem>>)
      %dma_wait3A_214 = arith.constant 0 : i32
      %dma_wait3A_215 = tpu.memref_slice %arg6[%mul3A_0, %dma_wait3A_214] : memref<10000x128xf32, #tpu.memory_space<vmem_shared>> -> memref<624x128xf32, #tpu.memory_space<vmem_shared>>
      %dma_wait3A_216 = arith.constant 0 : i32
      %dma_wait3A_217 = arith.constant 0 : i32
      %dma_wait3A_218 = tpu.memref_slice %arg4[%dma_wait3A_216, %dma_wait3A_217] : memref<624x128xf32, #tpu.memory_space<hbm>> -> memref<624x128xf32, #tpu.memory_space<hbm>>
      tpu.wait_dma2 semaphore(%run_scoped3A : memref<!tpu.dma_semaphore, #tpu.memory_space<semaphore_mem>>) src(%dma_wait3A_218 : memref<624x128xf32, #tpu.memory_space<hbm>>) dst(%dma_wait3A_215 : memref<624x128xf32, #tpu.memory_space<vmem_shared>>)
      tpu.yield
    }) : () -> ()
    %eq3A = arith.constant 15 : i32
    %eq3A_1 = arith.cmpi eq, %arg1, %eq3A : i32
    %convert_element_type3A = arith.extui %eq3A_1 : i1 to i32
    %cond3A = arith.constant 0 : i32
    %cond3A_2 = arith.cmpi ne, %convert_element_type3A, %cond3A : i32
    scf.if %cond3A_2 {
      "tpu.region"() ({
        %run_scoped3A = tpu.sem_alloc : memref<!tpu.dma_semaphore, #tpu.memory_space<semaphore_mem>>
        %dma_start3A_209 = arith.constant 9984 : i32
        %dma_start3A_210 = arith.constant 0 : i32
        %dma_start3A_211 = tpu.memref_slice %arg6[%dma_start3A_209, %dma_start3A_210] : memref<10000x128xf32, #tpu.memory_space<vmem_shared>> -> memref<16x128xf32, #tpu.memory_space<vmem_shared>>
        %dma_start3A_212 = arith.constant 0 : i32
        %dma_start3A_213 = arith.constant 0 : i32
        %dma_start3A_214 = tpu.memref_slice %arg4[%dma_start3A_212, %dma_start3A_213] : memref<624x128xf32, #tpu.memory_space<hbm>> -> memref<16x128xf32, #tpu.memory_space<hbm>>
        tpu.enqueue_dma source(%dma_start3A_214 : memref<16x128xf32, #tpu.memory_space<hbm>>) target(%dma_start3A_211 : memref<16x128xf32, #tpu.memory_space<vmem_shared>>) target_semaphore(%run_scoped3A : memref<!tpu.dma_semaphore, #tpu.memory_space<semaphore_mem>>)
        %dma_wait3A_215 = arith.constant 9984 : i32
        %dma_wait3A_216 = arith.constant 0 : i32
        %dma_wait3A_217 = tpu.memref_slice %arg6[%dma_wait3A_215, %dma_wait3A_216] : memref<10000x128xf32, #tpu.memory_space<vmem_shared>> -> memref<16x128xf32, #tpu.memory_space<vmem_shared>>
        %dma_wait3A_218 = arith.constant 0 : i32
        %dma_wait3A_219 = arith.constant 0 : i32
        %dma_wait3A_220 = tpu.memref_slice %arg4[%dma_wait3A_218, %dma_wait3A_219] : memref<624x128xf32, #tpu.memory_space<hbm>> -> memref<16x128xf32, #tpu.memory_space<hbm>>
        tpu.wait_dma2 semaphore(%run_scoped3A : memref<!tpu.dma_semaphore, #tpu.memory_space<semaphore_mem>>) src(%dma_wait3A_220 : memref<16x128xf32, #tpu.memory_space<hbm>>) dst(%dma_wait3A_217 : memref<16x128xf32, #tpu.memory_space<vmem_shared>>)
        tpu.yield
      }) : () -> ()
    } else {
    }
    %barrier3A = arith.constant 0 : index
    tpu.barrier barrier_id(%barrier3A)
    %mul3A_3 = arith.constant 16 : i32
    %mul3A_4 = arith.muli %arg0, %mul3A_3 : i32
    %add3A = arith.addi %mul3A_4, %arg1 : i32
    %mul3A_5 = arith.constant 10000 : i32
    %mul3A_6 = arith.muli %add3A, %mul3A_5 : i32
    %broadcast_in_dim3A = arith.constant 1.000000e+00 : f32
    %broadcast_in_dim3A_7 = vector.broadcast %broadcast_in_dim3A : f32 to vector<16xf32>
    %add3A_8 = arith.constant 0 : i32
    %add3A_9 = arith.addi %mul3A_6, %add3A_8 : i32
    %dma_start3A = arith.constant 0 : i32
    %dma_start3A_10 = arith.constant 0 : i32
    %dma_start3A_11 = arith.constant 0 : i32
    %dma_start3A_12 = arith.constant 0 : i32
    %dma_start3A_13 = tpu.memref_slice %arg7[%dma_start3A_10, %dma_start3A_12] : memref<4x80xi32, #tpu.memory_space<vmem>> -> memref<1x80xi32, #tpu.memory_space<vmem>>
    %dma_start3A_14 = tpu.memref_squeeze %dma_start3A_13 : memref<1x80xi32, #tpu.memory_space<vmem>> -> memref<80xi32, #tpu.memory_space<vmem>>
    %dma_start3A_15 = tpu.memref_slice %arg3[%dma_start3A, %add3A_9] : memref<2x320000xi32, #tpu.memory_space<hbm>> -> memref<1x80xi32, #tpu.memory_space<hbm>>
    %dma_start3A_16 = tpu.memref_squeeze %dma_start3A_15 : memref<1x80xi32, #tpu.memory_space<hbm>> -> memref<80xi32, #tpu.memory_space<hbm>>
    %dma_start3A_17 = tpu.memref_slice %arg10[%dma_start3A_11] : memref<4x!tpu.dma_semaphore, #tpu.memory_space<semaphore_mem>> -> memref<1x!tpu.dma_semaphore, #tpu.memory_space<semaphore_mem>>
    %dma_start3A_18 = tpu.memref_squeeze %dma_start3A_17 : memref<1x!tpu.dma_semaphore, #tpu.memory_space<semaphore_mem>> -> memref<!tpu.dma_semaphore, #tpu.memory_space<semaphore_mem>>
    %dma_start3A_19 = arith.constant 0 : i32
    %dma_start3A_20 = tpu.memref_slice %arg7[%dma_start3A_10, %dma_start3A_19] : memref<4x80xi32, #tpu.memory_space<vmem>> -> memref<1x80xi32, #tpu.memory_space<vmem>>
    %dma_start3A_21 = tpu.memref_squeeze %dma_start3A_20 : memref<1x80xi32, #tpu.memory_space<vmem>> -> memref<80xi32, #tpu.memory_space<vmem>>
    %dma_start3A_22 = tpu.memref_slice %arg3[%dma_start3A, %add3A_9] : memref<2x320000xi32, #tpu.memory_space<hbm>> -> memref<1x80xi32, #tpu.memory_space<hbm>>
    %dma_start3A_23 = tpu.memref_squeeze %dma_start3A_22 : memref<1x80xi32, #tpu.memory_space<hbm>> -> memref<80xi32, #tpu.memory_space<hbm>>
    tpu.enqueue_dma source(%dma_start3A_23 : memref<80xi32, #tpu.memory_space<hbm>>) target(%dma_start3A_21 : memref<80xi32, #tpu.memory_space<vmem>>) target_semaphore(%dma_start3A_18 : memref<!tpu.dma_semaphore, #tpu.memory_space<semaphore_mem>>)
    %dma_start3A_24 = arith.constant 1 : i32
    %dma_start3A_25 = arith.constant 0 : i32
    %dma_start3A_26 = arith.constant 0 : i32
    %dma_start3A_27 = arith.constant 0 : i32
    %dma_start3A_28 = tpu.memref_slice %arg8[%dma_start3A_25, %dma_start3A_27] : memref<4x80xi32, #tpu.memory_space<vmem>> -> memref<1x80xi32, #tpu.memory_space<vmem>>
    %dma_start3A_29 = tpu.memref_squeeze %dma_start3A_28 : memref<1x80xi32, #tpu.memory_space<vmem>> -> memref<80xi32, #tpu.memory_space<vmem>>
    %dma_start3A_30 = tpu.memref_slice %arg3[%dma_start3A_24, %add3A_9] : memref<2x320000xi32, #tpu.memory_space<hbm>> -> memref<1x80xi32, #tpu.memory_space<hbm>>
    %dma_start3A_31 = tpu.memref_squeeze %dma_start3A_30 : memref<1x80xi32, #tpu.memory_space<hbm>> -> memref<80xi32, #tpu.memory_space<hbm>>
    %dma_start3A_32 = tpu.memref_slice %arg10[%dma_start3A_26] : memref<4x!tpu.dma_semaphore, #tpu.memory_space<semaphore_mem>> -> memref<1x!tpu.dma_semaphore, #tpu.memory_space<semaphore_mem>>
    %dma_start3A_33 = tpu.memref_squeeze %dma_start3A_32 : memref<1x!tpu.dma_semaphore, #tpu.memory_space<semaphore_mem>> -> memref<!tpu.dma_semaphore, #tpu.memory_space<semaphore_mem>>
    %dma_start3A_34 = arith.constant 0 : i32
    %dma_start3A_35 = tpu.memref_slice %arg8[%dma_start3A_25, %dma_start3A_34] : memref<4x80xi32, #tpu.memory_space<vmem>> -> memref<1x80xi32, #tpu.memory_space<vmem>>
    %dma_start3A_36 = tpu.memref_squeeze %dma_start3A_35 : memref<1x80xi32, #tpu.memory_space<vmem>> -> memref<80xi32, #tpu.memory_space<vmem>>
    %dma_start3A_37 = tpu.memref_slice %arg3[%dma_start3A_24, %add3A_9] : memref<2x320000xi32, #tpu.memory_space<hbm>> -> memref<1x80xi32, #tpu.memory_space<hbm>>
    %dma_start3A_38 = tpu.memref_squeeze %dma_start3A_37 : memref<1x80xi32, #tpu.memory_space<hbm>> -> memref<80xi32, #tpu.memory_space<hbm>>
    tpu.enqueue_dma source(%dma_start3A_38 : memref<80xi32, #tpu.memory_space<hbm>>) target(%dma_start3A_36 : memref<80xi32, #tpu.memory_space<vmem>>) target_semaphore(%dma_start3A_33 : memref<!tpu.dma_semaphore, #tpu.memory_space<semaphore_mem>>)
    %add3A_39 = arith.constant 80 : i32
    %add3A_40 = arith.addi %mul3A_6, %add3A_39 : i32
    %dma_start3A_41 = arith.constant 0 : i32
    %dma_start3A_42 = arith.constant 1 : i32
    %dma_start3A_43 = arith.constant 1 : i32
    %dma_start3A_44 = arith.constant 0 : i32
    %dma_start3A_45 = tpu.memref_slice %arg7[%dma_start3A_42, %dma_start3A_44] : memref<4x80xi32, #tpu.memory_space<vmem>> -> memref<1x80xi32, #tpu.memory_space<vmem>>
    %dma_start3A_46 = tpu.memref_squeeze %dma_start3A_45 : memref<1x80xi32, #tpu.memory_space<vmem>> -> memref<80xi32, #tpu.memory_space<vmem>>
    %dma_start3A_47 = tpu.memref_slice %arg3[%dma_start3A_41, %add3A_40] : memref<2x320000xi32, #tpu.memory_space<hbm>> -> memref<1x80xi32, #tpu.memory_space<hbm>>
    %dma_start3A_48 = tpu.memref_squeeze %dma_start3A_47 : memref<1x80xi32, #tpu.memory_space<hbm>> -> memref<80xi32, #tpu.memory_space<hbm>>
    %dma_start3A_49 = tpu.memref_slice %arg10[%dma_start3A_43] : memref<4x!tpu.dma_semaphore, #tpu.memory_space<semaphore_mem>> -> memref<1x!tpu.dma_semaphore, #tpu.memory_space<semaphore_mem>>
    %dma_start3A_50 = tpu.memref_squeeze %dma_start3A_49 : memref<1x!tpu.dma_semaphore, #tpu.memory_space<semaphore_mem>> -> memref<!tpu.dma_semaphore, #tpu.memory_space<semaphore_mem>>
    %dma_start3A_51 = arith.constant 0 : i32
    %dma_start3A_52 = tpu.memref_slice %arg7[%dma_start3A_42, %dma_start3A_51] : memref<4x80xi32, #tpu.memory_space<vmem>> -> memref<1x80xi32, #tpu.memory_space<vmem>>
    %dma_start3A_53 = tpu.memref_squeeze %dma_start3A_52 : memref<1x80xi32, #tpu.memory_space<vmem>> -> memref<80xi32, #tpu.memory_space<vmem>>
    %dma_start3A_54 = tpu.memref_slice %arg3[%dma_start3A_41, %add3A_40] : memref<2x320000xi32, #tpu.memory_space<hbm>> -> memref<1x80xi32, #tpu.memory_space<hbm>>
    %dma_start3A_55 = tpu.memref_squeeze %dma_start3A_54 : memref<1x80xi32, #tpu.memory_space<hbm>> -> memref<80xi32, #tpu.memory_space<hbm>>
    tpu.enqueue_dma source(%dma_start3A_55 : memref<80xi32, #tpu.memory_space<hbm>>) target(%dma_start3A_53 : memref<80xi32, #tpu.memory_space<vmem>>) target_semaphore(%dma_start3A_50 : memref<!tpu.dma_semaphore, #tpu.memory_space<semaphore_mem>>)
    %dma_start3A_56 = arith.constant 1 : i32
    %dma_start3A_57 = arith.constant 1 : i32
    %dma_start3A_58 = arith.constant 1 : i32
    %dma_start3A_59 = arith.constant 0 : i32
    %dma_start3A_60 = tpu.memref_slice %arg8[%dma_start3A_57, %dma_start3A_59] : memref<4x80xi32, #tpu.memory_space<vmem>> -> memref<1x80xi32, #tpu.memory_space<vmem>>
    %dma_start3A_61 = tpu.memref_squeeze %dma_start3A_60 : memref<1x80xi32, #tpu.memory_space<vmem>> -> memref<80xi32, #tpu.memory_space<vmem>>
    %dma_start3A_62 = tpu.memref_slice %arg3[%dma_start3A_56, %add3A_40] : memref<2x320000xi32, #tpu.memory_space<hbm>> -> memref<1x80xi32, #tpu.memory_space<hbm>>
    %dma_start3A_63 = tpu.memref_squeeze %dma_start3A_62 : memref<1x80xi32, #tpu.memory_space<hbm>> -> memref<80xi32, #tpu.memory_space<hbm>>
    %dma_start3A_64 = tpu.memref_slice %arg10[%dma_start3A_58] : memref<4x!tpu.dma_semaphore, #tpu.memory_space<semaphore_mem>> -> memref<1x!tpu.dma_semaphore, #tpu.memory_space<semaphore_mem>>
    %dma_start3A_65 = tpu.memref_squeeze %dma_start3A_64 : memref<1x!tpu.dma_semaphore, #tpu.memory_space<semaphore_mem>> -> memref<!tpu.dma_semaphore, #tpu.memory_space<semaphore_mem>>
    %dma_start3A_66 = arith.constant 0 : i32
    %dma_start3A_67 = tpu.memref_slice %arg8[%dma_start3A_57, %dma_start3A_66] : memref<4x80xi32, #tpu.memory_space<vmem>> -> memref<1x80xi32, #tpu.memory_space<vmem>>
    %dma_start3A_68 = tpu.memref_squeeze %dma_start3A_67 : memref<1x80xi32, #tpu.memory_space<vmem>> -> memref<80xi32, #tpu.memory_space<vmem>>
    %dma_start3A_69 = tpu.memref_slice %arg3[%dma_start3A_56, %add3A_40] : memref<2x320000xi32, #tpu.memory_space<hbm>> -> memref<1x80xi32, #tpu.memory_space<hbm>>
    %dma_start3A_70 = tpu.memref_squeeze %dma_start3A_69 : memref<1x80xi32, #tpu.memory_space<hbm>> -> memref<80xi32, #tpu.memory_space<hbm>>
    tpu.enqueue_dma source(%dma_start3A_70 : memref<80xi32, #tpu.memory_space<hbm>>) target(%dma_start3A_68 : memref<80xi32, #tpu.memory_space<vmem>>) target_semaphore(%dma_start3A_65 : memref<!tpu.dma_semaphore, #tpu.memory_space<semaphore_mem>>)
    %dma_wait3A = arith.constant 0 : i32
    %dma_wait3A_71 = arith.constant 0 : i32
    %dma_wait3A_72 = arith.constant 0 : i32
    %dma_wait3A_73 = arith.constant 0 : i32
    %dma_wait3A_74 = tpu.memref_slice %arg7[%dma_wait3A_71, %dma_wait3A_73] : memref<4x80xi32, #tpu.memory_space<vmem>> -> memref<1x80xi32, #tpu.memory_space<vmem>>
    %dma_wait3A_75 = tpu.memref_squeeze %dma_wait3A_74 : memref<1x80xi32, #tpu.memory_space<vmem>> -> memref<80xi32, #tpu.memory_space<vmem>>
    %dma_wait3A_76 = arith.constant 0 : i32
    %dma_wait3A_77 = tpu.memref_slice %arg3[%dma_wait3A, %dma_wait3A_76] : memref<2x320000xi32, #tpu.memory_space<hbm>> -> memref<1x80xi32, #tpu.memory_space<hbm>>
    %dma_wait3A_78 = tpu.memref_squeeze %dma_wait3A_77 : memref<1x80xi32, #tpu.memory_space<hbm>> -> memref<80xi32, #tpu.memory_space<hbm>>
    %dma_wait3A_79 = tpu.memref_slice %arg10[%dma_wait3A_72] : memref<4x!tpu.dma_semaphore, #tpu.memory_space<semaphore_mem>> -> memref<1x!tpu.dma_semaphore, #tpu.memory_space<semaphore_mem>>
    %dma_wait3A_80 = tpu.memref_squeeze %dma_wait3A_79 : memref<1x!tpu.dma_semaphore, #tpu.memory_space<semaphore_mem>> -> memref<!tpu.dma_semaphore, #tpu.memory_space<semaphore_mem>>
    %dma_wait3A_81 = arith.constant 0 : i32
    %dma_wait3A_82 = tpu.memref_slice %arg7[%dma_wait3A_71, %dma_wait3A_81] : memref<4x80xi32, #tpu.memory_space<vmem>> -> memref<1x80xi32, #tpu.memory_space<vmem>>
    %dma_wait3A_83 = tpu.memref_squeeze %dma_wait3A_82 : memref<1x80xi32, #tpu.memory_space<vmem>> -> memref<80xi32, #tpu.memory_space<vmem>>
    %dma_wait3A_84 = arith.constant 0 : i32
    %dma_wait3A_85 = tpu.memref_slice %arg3[%dma_wait3A, %dma_wait3A_84] : memref<2x320000xi32, #tpu.memory_space<hbm>> -> memref<1x80xi32, #tpu.memory_space<hbm>>
    %dma_wait3A_86 = tpu.memref_squeeze %dma_wait3A_85 : memref<1x80xi32, #tpu.memory_space<hbm>> -> memref<80xi32, #tpu.memory_space<hbm>>
    tpu.wait_dma2 semaphore(%dma_wait3A_80 : memref<!tpu.dma_semaphore, #tpu.memory_space<semaphore_mem>>) src(%dma_wait3A_86 : memref<80xi32, #tpu.memory_space<hbm>>) dst(%dma_wait3A_83 : memref<80xi32, #tpu.memory_space<vmem>>)
    %dma_wait3A_87 = arith.constant 1 : i32
    %dma_wait3A_88 = arith.constant 0 : i32
    %dma_wait3A_89 = arith.constant 0 : i32
    %dma_wait3A_90 = arith.constant 0 : i32
    %dma_wait3A_91 = tpu.memref_slice %arg8[%dma_wait3A_88, %dma_wait3A_90] : memref<4x80xi32, #tpu.memory_space<vmem>> -> memref<1x80xi32, #tpu.memory_space<vmem>>
    %dma_wait3A_92 = tpu.memref_squeeze %dma_wait3A_91 : memref<1x80xi32, #tpu.memory_space<vmem>> -> memref<80xi32, #tpu.memory_space<vmem>>
    %dma_wait3A_93 = arith.constant 0 : i32
    %dma_wait3A_94 = tpu.memref_slice %arg3[%dma_wait3A_87, %dma_wait3A_93] : memref<2x320000xi32, #tpu.memory_space<hbm>> -> memref<1x80xi32, #tpu.memory_space<hbm>>
    %dma_wait3A_95 = tpu.memref_squeeze %dma_wait3A_94 : memref<1x80xi32, #tpu.memory_space<hbm>> -> memref<80xi32, #tpu.memory_space<hbm>>
    %dma_wait3A_96 = tpu.memref_slice %arg10[%dma_wait3A_89] : memref<4x!tpu.dma_semaphore, #tpu.memory_space<semaphore_mem>> -> memref<1x!tpu.dma_semaphore, #tpu.memory_space<semaphore_mem>>
    %dma_wait3A_97 = tpu.memref_squeeze %dma_wait3A_96 : memref<1x!tpu.dma_semaphore, #tpu.memory_space<semaphore_mem>> -> memref<!tpu.dma_semaphore, #tpu.memory_space<semaphore_mem>>
    %dma_wait3A_98 = arith.constant 0 : i32
    %dma_wait3A_99 = tpu.memref_slice %arg8[%dma_wait3A_88, %dma_wait3A_98] : memref<4x80xi32, #tpu.memory_space<vmem>> -> memref<1x80xi32, #tpu.memory_space<vmem>>
    %dma_wait3A_100 = tpu.memref_squeeze %dma_wait3A_99 : memref<1x80xi32, #tpu.memory_space<vmem>> -> memref<80xi32, #tpu.memory_space<vmem>>
    %dma_wait3A_101 = arith.constant 0 : i32
    %dma_wait3A_102 = tpu.memref_slice %arg3[%dma_wait3A_87, %dma_wait3A_101] : memref<2x320000xi32, #tpu.memory_space<hbm>> -> memref<1x80xi32, #tpu.memory_space<hbm>>
    %dma_wait3A_103 = tpu.memref_squeeze %dma_wait3A_102 : memref<1x80xi32, #tpu.memory_space<hbm>> -> memref<80xi32, #tpu.memory_space<hbm>>
    tpu.wait_dma2 semaphore(%dma_wait3A_97 : memref<!tpu.dma_semaphore, #tpu.memory_space<semaphore_mem>>) src(%dma_wait3A_103 : memref<80xi32, #tpu.memory_space<hbm>>) dst(%dma_wait3A_100 : memref<80xi32, #tpu.memory_space<vmem>>)
    %dma_start3A_104 = arith.constant 0 : i32
    %dma_start3A_105 = arith.constant 0 : i32
    %dma_start3A_106 = arith.constant 0 : i32
    %dma_start3A_107 = arith.constant 0 : i32
    %dma_start3A_108 = arith.constant 0 : i32
    %dma_start3A_109 = tpu.memref_slice %arg9[%dma_start3A_105, %dma_start3A_107, %dma_start3A_108] : memref<4x80x128xf32, #tpu.memory_space<vmem>> -> memref<1x80x128xf32, #tpu.memory_space<vmem>>
    %dma_start3A_110 = tpu.memref_squeeze %dma_start3A_109 : memref<1x80x128xf32, #tpu.memory_space<vmem>> -> memref<80x128xf32, #tpu.memory_space<vmem>>
    %dma_start3A_111 = arith.constant 0 : i32
    %dma_start3A_112 = tpu.memref_slice %arg7[%dma_start3A_104, %dma_start3A_111] : memref<4x80xi32, #tpu.memory_space<vmem>> -> memref<1x80xi32, #tpu.memory_space<vmem>>
    %dma_start3A_113 = tpu.memref_squeeze %dma_start3A_112 : memref<1x80xi32, #tpu.memory_space<vmem>> -> memref<80xi32, #tpu.memory_space<vmem>>
    %dma_start3A_114 = arith.constant 0 : i32
    %dma_start3A_115 = arith.constant 0 : i32
    %dma_start3A_116 = tpu.memref_slice %arg2[%dma_start3A_114, %dma_start3A_115] : memref<10000x128xf32, #tpu.memory_space<hbm>> -> memref<10000x128xf32, #tpu.memory_space<hbm>>
    %dma_start3A_117 = tpu.memref_slice %arg11[%dma_start3A_106] : memref<4x!tpu.dma_semaphore, #tpu.memory_space<semaphore_mem>> -> memref<1x!tpu.dma_semaphore, #tpu.memory_space<semaphore_mem>>
    %dma_start3A_118 = tpu.memref_squeeze %dma_start3A_117 : memref<1x!tpu.dma_semaphore, #tpu.memory_space<semaphore_mem>> -> memref<!tpu.dma_semaphore, #tpu.memory_space<semaphore_mem>>
    tpu.enqueue_indirect_dma source(%dma_start3A_116 : memref<10000x128xf32, #tpu.memory_space<hbm>>) target(%dma_start3A_110 : memref<80x128xf32, #tpu.memory_space<vmem>>) offsets(%dma_start3A_113 : memref<80xi32, #tpu.memory_space<vmem>>) semaphore(%dma_start3A_118 : memref<!tpu.dma_semaphore, #tpu.memory_space<semaphore_mem>>)
    %scan3A = arith.constant 0 : i32
    %scan3A_119 = arith.constant 0 : i32
    %scan3A_120 = arith.constant 125 : i32
    %scan3A_121 = arith.addi %scan3A_119, %scan3A_120 : i32
    %scan3A_122 = arith.constant 1 : i32
    scf.for %scan3A_209 = %scan3A_119 to %scan3A_121 step %scan3A_122  : i32 {
      %rem3A = arith.constant 4 : i32
      %rem3A_210 = arith.remsi %scan3A_209, %rem3A : i32
      %add3A_211 = arith.constant 1 : i32
      %add3A_212 = arith.addi %scan3A_209, %add3A_211 : i32
      %rem3A_213 = arith.constant 4 : i32
      %rem3A_214 = arith.remsi %add3A_212, %rem3A_213 : i32
      %add3A_215 = arith.constant 2 : i32
      %add3A_216 = arith.addi %scan3A_209, %add3A_215 : i32
      %rem3A_217 = arith.constant 4 : i32
      %rem3A_218 = arith.remsi %add3A_216, %rem3A_217 : i32
      %ge3A = arith.constant 2 : i32
      %ge3A_219 = arith.cmpi sge, %scan3A_209, %ge3A : i32
      %convert_element_type3A_220 = arith.extui %ge3A_219 : i1 to i32
      %cond3A_221 = arith.constant 0 : i32
      %cond3A_222 = arith.cmpi ne, %convert_element_type3A_220, %cond3A_221 : i32
      scf.if %cond3A_222 {
        %dma_wait3A_322 = arith.constant 0 : i32
        %dma_wait3A_323 = arith.constant 0 : i32
        %dma_wait3A_324 = tpu.memref_slice %arg9[%rem3A_218, %dma_wait3A_322, %dma_wait3A_323] : memref<4x80x128xf32, #tpu.memory_space<vmem>> -> memref<1x80x128xf32, #tpu.memory_space<vmem>>
        %dma_wait3A_325 = tpu.memref_squeeze %dma_wait3A_324 : memref<1x80x128xf32, #tpu.memory_space<vmem>> -> memref<80x128xf32, #tpu.memory_space<vmem>>
        %dma_wait3A_326 = arith.constant 0 : i32
        %dma_wait3A_327 = tpu.memref_slice %arg8[%rem3A_218, %dma_wait3A_326] : memref<4x80xi32, #tpu.memory_space<vmem>> -> memref<1x80xi32, #tpu.memory_space<vmem>>
        %dma_wait3A_328 = tpu.memref_squeeze %dma_wait3A_327 : memref<1x80xi32, #tpu.memory_space<vmem>> -> memref<80xi32, #tpu.memory_space<vmem>>
        %dma_wait3A_329 = arith.constant 0 : i32
        %dma_wait3A_330 = arith.constant 0 : i32
        %dma_wait3A_331 = tpu.memref_slice %arg6[%dma_wait3A_329, %dma_wait3A_330] : memref<10000x128xf32, #tpu.memory_space<vmem_shared>> -> memref<10000x128xf32, #tpu.memory_space<vmem_shared>>
        %dma_wait3A_332 = tpu.memref_slice %arg12[%rem3A_218] : memref<4x!tpu.dma_semaphore, #tpu.memory_space<semaphore_mem>> -> memref<1x!tpu.dma_semaphore, #tpu.memory_space<semaphore_mem>>
        %dma_wait3A_333 = tpu.memref_squeeze %dma_wait3A_332 : memref<1x!tpu.dma_semaphore, #tpu.memory_space<semaphore_mem>> -> memref<!tpu.dma_semaphore, #tpu.memory_space<semaphore_mem>>
        tpu.wait_indirect_dma semaphore(%dma_wait3A_333 : memref<!tpu.dma_semaphore, #tpu.memory_space<semaphore_mem>>) src(%dma_wait3A_325 : memref<80x128xf32, #tpu.memory_space<vmem>>) dst(%dma_wait3A_331 : memref<10000x128xf32, #tpu.memory_space<vmem_shared>>)
      } else {
      }
      %add3A_223 = arith.constant 2 : i32
      %add3A_224 = arith.addi %scan3A_209, %add3A_223 : i32
      %rem3A_225 = arith.constant 125 : i32
      %rem3A_226 = arith.remsi %add3A_224, %rem3A_225 : i32
      %mul3A_227 = arith.constant 80 : i32
      %mul3A_228 = arith.muli %rem3A_226, %mul3A_227 : i32
      %add3A_229 = arith.addi %mul3A_6, %mul3A_228 : i32
      %dma_start3A_230 = arith.constant 0 : i32
      %dma_start3A_231 = arith.constant 0 : i32
      %dma_start3A_232 = tpu.memref_slice %arg7[%rem3A_218, %dma_start3A_231] : memref<4x80xi32, #tpu.memory_space<vmem>> -> memref<1x80xi32, #tpu.memory_space<vmem>>
      %dma_start3A_233 = tpu.memref_squeeze %dma_start3A_232 : memref<1x80xi32, #tpu.memory_space<vmem>> -> memref<80xi32, #tpu.memory_space<vmem>>
      %dma_start3A_234 = tpu.memref_slice %arg3[%dma_start3A_230, %add3A_229] : memref<2x320000xi32, #tpu.memory_space<hbm>> -> memref<1x80xi32, #tpu.memory_space<hbm>>
      %dma_start3A_235 = tpu.memref_squeeze %dma_start3A_234 : memref<1x80xi32, #tpu.memory_space<hbm>> -> memref<80xi32, #tpu.memory_space<hbm>>
      %dma_start3A_236 = tpu.memref_slice %arg10[%rem3A_218] : memref<4x!tpu.dma_semaphore, #tpu.memory_space<semaphore_mem>> -> memref<1x!tpu.dma_semaphore, #tpu.memory_space<semaphore_mem>>
      %dma_start3A_237 = tpu.memref_squeeze %dma_start3A_236 : memref<1x!tpu.dma_semaphore, #tpu.memory_space<semaphore_mem>> -> memref<!tpu.dma_semaphore, #tpu.memory_space<semaphore_mem>>
      %dma_start3A_238 = arith.constant 0 : i32
      %dma_start3A_239 = tpu.memref_slice %arg7[%rem3A_218, %dma_start3A_238] : memref<4x80xi32, #tpu.memory_space<vmem>> -> memref<1x80xi32, #tpu.memory_space<vmem>>
      %dma_start3A_240 = tpu.memref_squeeze %dma_start3A_239 : memref<1x80xi32, #tpu.memory_space<vmem>> -> memref<80xi32, #tpu.memory_space<vmem>>
      %dma_start3A_241 = tpu.memref_slice %arg3[%dma_start3A_230, %add3A_229] : memref<2x320000xi32, #tpu.memory_space<hbm>> -> memref<1x80xi32, #tpu.memory_space<hbm>>
      %dma_start3A_242 = tpu.memref_squeeze %dma_start3A_241 : memref<1x80xi32, #tpu.memory_space<hbm>> -> memref<80xi32, #tpu.memory_space<hbm>>
      tpu.enqueue_dma source(%dma_start3A_242 : memref<80xi32, #tpu.memory_space<hbm>>) target(%dma_start3A_240 : memref<80xi32, #tpu.memory_space<vmem>>) target_semaphore(%dma_start3A_237 : memref<!tpu.dma_semaphore, #tpu.memory_space<semaphore_mem>>)
      %dma_start3A_243 = arith.constant 1 : i32
      %dma_start3A_244 = arith.constant 0 : i32
      %dma_start3A_245 = tpu.memref_slice %arg8[%rem3A_218, %dma_start3A_244] : memref<4x80xi32, #tpu.memory_space<vmem>> -> memref<1x80xi32, #tpu.memory_space<vmem>>
      %dma_start3A_246 = tpu.memref_squeeze %dma_start3A_245 : memref<1x80xi32, #tpu.memory_space<vmem>> -> memref<80xi32, #tpu.memory_space<vmem>>
      %dma_start3A_247 = tpu.memref_slice %arg3[%dma_start3A_243, %add3A_229] : memref<2x320000xi32, #tpu.memory_space<hbm>> -> memref<1x80xi32, #tpu.memory_space<hbm>>
      %dma_start3A_248 = tpu.memref_squeeze %dma_start3A_247 : memref<1x80xi32, #tpu.memory_space<hbm>> -> memref<80xi32, #tpu.memory_space<hbm>>
      %dma_start3A_249 = tpu.memref_slice %arg10[%rem3A_218] : memref<4x!tpu.dma_semaphore, #tpu.memory_space<semaphore_mem>> -> memref<1x!tpu.dma_semaphore, #tpu.memory_space<semaphore_mem>>
      %dma_start3A_250 = tpu.memref_squeeze %dma_start3A_249 : memref<1x!tpu.dma_semaphore, #tpu.memory_space<semaphore_mem>> -> memref<!tpu.dma_semaphore, #tpu.memory_space<semaphore_mem>>
      %dma_start3A_251 = arith.constant 0 : i32
      %dma_start3A_252 = tpu.memref_slice %arg8[%rem3A_218, %dma_start3A_251] : memref<4x80xi32, #tpu.memory_space<vmem>> -> memref<1x80xi32, #tpu.memory_space<vmem>>
      %dma_start3A_253 = tpu.memref_squeeze %dma_start3A_252 : memref<1x80xi32, #tpu.memory_space<vmem>> -> memref<80xi32, #tpu.memory_space<vmem>>
      %dma_start3A_254 = tpu.memref_slice %arg3[%dma_start3A_243, %add3A_229] : memref<2x320000xi32, #tpu.memory_space<hbm>> -> memref<1x80xi32, #tpu.memory_space<hbm>>
      %dma_start3A_255 = tpu.memref_squeeze %dma_start3A_254 : memref<1x80xi32, #tpu.memory_space<hbm>> -> memref<80xi32, #tpu.memory_space<hbm>>
      tpu.enqueue_dma source(%dma_start3A_255 : memref<80xi32, #tpu.memory_space<hbm>>) target(%dma_start3A_253 : memref<80xi32, #tpu.memory_space<vmem>>) target_semaphore(%dma_start3A_250 : memref<!tpu.dma_semaphore, #tpu.memory_space<semaphore_mem>>)
      %dma_wait3A_256 = arith.constant 0 : i32
      %dma_wait3A_257 = arith.constant 0 : i32
      %dma_wait3A_258 = tpu.memref_slice %arg7[%rem3A_214, %dma_wait3A_257] : memref<4x80xi32, #tpu.memory_space<vmem>> -> memref<1x80xi32, #tpu.memory_space<vmem>>
      %dma_wait3A_259 = tpu.memref_squeeze %dma_wait3A_258 : memref<1x80xi32, #tpu.memory_space<vmem>> -> memref<80xi32, #tpu.memory_space<vmem>>
      %dma_wait3A_260 = arith.constant 0 : i32
      %dma_wait3A_261 = tpu.memref_slice %arg3[%dma_wait3A_256, %dma_wait3A_260] : memref<2x320000xi32, #tpu.memory_space<hbm>> -> memref<1x80xi32, #tpu.memory_space<hbm>>
      %dma_wait3A_262 = tpu.memref_squeeze %dma_wait3A_261 : memref<1x80xi32, #tpu.memory_space<hbm>> -> memref<80xi32, #tpu.memory_space<hbm>>
      %dma_wait3A_263 = tpu.memref_slice %arg10[%rem3A_214] : memref<4x!tpu.dma_semaphore, #tpu.memory_space<semaphore_mem>> -> memref<1x!tpu.dma_semaphore, #tpu.memory_space<semaphore_mem>>
      %dma_wait3A_264 = tpu.memref_squeeze %dma_wait3A_263 : memref<1x!tpu.dma_semaphore, #tpu.memory_space<semaphore_mem>> -> memref<!tpu.dma_semaphore, #tpu.memory_space<semaphore_mem>>
      %dma_wait3A_265 = arith.constant 0 : i32
      %dma_wait3A_266 = tpu.memref_slice %arg7[%rem3A_214, %dma_wait3A_265] : memref<4x80xi32, #tpu.memory_space<vmem>> -> memref<1x80xi32, #tpu.memory_space<vmem>>
      %dma_wait3A_267 = tpu.memref_squeeze %dma_wait3A_266 : memref<1x80xi32, #tpu.memory_space<vmem>> -> memref<80xi32, #tpu.memory_space<vmem>>
      %dma_wait3A_268 = arith.constant 0 : i32
      %dma_wait3A_269 = tpu.memref_slice %arg3[%dma_wait3A_256, %dma_wait3A_268] : memref<2x320000xi32, #tpu.memory_space<hbm>> -> memref<1x80xi32, #tpu.memory_space<hbm>>
      %dma_wait3A_270 = tpu.memref_squeeze %dma_wait3A_269 : memref<1x80xi32, #tpu.memory_space<hbm>> -> memref<80xi32, #tpu.memory_space<hbm>>
      tpu.wait_dma2 semaphore(%dma_wait3A_264 : memref<!tpu.dma_semaphore, #tpu.memory_space<semaphore_mem>>) src(%dma_wait3A_270 : memref<80xi32, #tpu.memory_space<hbm>>) dst(%dma_wait3A_267 : memref<80xi32, #tpu.memory_space<vmem>>)
      %dma_wait3A_271 = arith.constant 1 : i32
      %dma_wait3A_272 = arith.constant 0 : i32
      %dma_wait3A_273 = tpu.memref_slice %arg8[%rem3A_214, %dma_wait3A_272] : memref<4x80xi32, #tpu.memory_space<vmem>> -> memref<1x80xi32, #tpu.memory_space<vmem>>
      %dma_wait3A_274 = tpu.memref_squeeze %dma_wait3A_273 : memref<1x80xi32, #tpu.memory_space<vmem>> -> memref<80xi32, #tpu.memory_space<vmem>>
      %dma_wait3A_275 = arith.constant 0 : i32
      %dma_wait3A_276 = tpu.memref_slice %arg3[%dma_wait3A_271, %dma_wait3A_275] : memref<2x320000xi32, #tpu.memory_space<hbm>> -> memref<1x80xi32, #tpu.memory_space<hbm>>
      %dma_wait3A_277 = tpu.memref_squeeze %dma_wait3A_276 : memref<1x80xi32, #tpu.memory_space<hbm>> -> memref<80xi32, #tpu.memory_space<hbm>>
      %dma_wait3A_278 = tpu.memref_slice %arg10[%rem3A_214] : memref<4x!tpu.dma_semaphore, #tpu.memory_space<semaphore_mem>> -> memref<1x!tpu.dma_semaphore, #tpu.memory_space<semaphore_mem>>
      %dma_wait3A_279 = tpu.memref_squeeze %dma_wait3A_278 : memref<1x!tpu.dma_semaphore, #tpu.memory_space<semaphore_mem>> -> memref<!tpu.dma_semaphore, #tpu.memory_space<semaphore_mem>>
      %dma_wait3A_280 = arith.constant 0 : i32
      %dma_wait3A_281 = tpu.memref_slice %arg8[%rem3A_214, %dma_wait3A_280] : memref<4x80xi32, #tpu.memory_space<vmem>> -> memref<1x80xi32, #tpu.memory_space<vmem>>
      %dma_wait3A_282 = tpu.memref_squeeze %dma_wait3A_281 : memref<1x80xi32, #tpu.memory_space<vmem>> -> memref<80xi32, #tpu.memory_space<vmem>>
      %dma_wait3A_283 = arith.constant 0 : i32
      %dma_wait3A_284 = tpu.memref_slice %arg3[%dma_wait3A_271, %dma_wait3A_283] : memref<2x320000xi32, #tpu.memory_space<hbm>> -> memref<1x80xi32, #tpu.memory_space<hbm>>
      %dma_wait3A_285 = tpu.memref_squeeze %dma_wait3A_284 : memref<1x80xi32, #tpu.memory_space<hbm>> -> memref<80xi32, #tpu.memory_space<hbm>>
      tpu.wait_dma2 semaphore(%dma_wait3A_279 : memref<!tpu.dma_semaphore, #tpu.memory_space<semaphore_mem>>) src(%dma_wait3A_285 : memref<80xi32, #tpu.memory_space<hbm>>) dst(%dma_wait3A_282 : memref<80xi32, #tpu.memory_space<vmem>>)
      %dma_start3A_286 = arith.constant 0 : i32
      %dma_start3A_287 = arith.constant 0 : i32
      %dma_start3A_288 = tpu.memref_slice %arg9[%rem3A_214, %dma_start3A_286, %dma_start3A_287] : memref<4x80x128xf32, #tpu.memory_space<vmem>> -> memref<1x80x128xf32, #tpu.memory_space<vmem>>
      %dma_start3A_289 = tpu.memref_squeeze %dma_start3A_288 : memref<1x80x128xf32, #tpu.memory_space<vmem>> -> memref<80x128xf32, #tpu.memory_space<vmem>>
      %dma_start3A_290 = arith.constant 0 : i32
      %dma_start3A_291 = tpu.memref_slice %arg7[%rem3A_214, %dma_start3A_290] : memref<4x80xi32, #tpu.memory_space<vmem>> -> memref<1x80xi32, #tpu.memory_space<vmem>>
      %dma_start3A_292 = tpu.memref_squeeze %dma_start3A_291 : memref<1x80xi32, #tpu.memory_space<vmem>> -> memref<80xi32, #tpu.memory_space<vmem>>
      %dma_start3A_293 = arith.constant 0 : i32
      %dma_start3A_294 = arith.constant 0 : i32
      %dma_start3A_295 = tpu.memref_slice %arg2[%dma_start3A_293, %dma_start3A_294] : memref<10000x128xf32, #tpu.memory_space<hbm>> -> memref<10000x128xf32, #tpu.memory_space<hbm>>
      %dma_start3A_296 = tpu.memref_slice %arg11[%rem3A_214] : memref<4x!tpu.dma_semaphore, #tpu.memory_space<semaphore_mem>> -> memref<1x!tpu.dma_semaphore, #tpu.memory_space<semaphore_mem>>
      %dma_start3A_297 = tpu.memref_squeeze %dma_start3A_296 : memref<1x!tpu.dma_semaphore, #tpu.memory_space<semaphore_mem>> -> memref<!tpu.dma_semaphore, #tpu.memory_space<semaphore_mem>>
      tpu.enqueue_indirect_dma source(%dma_start3A_295 : memref<10000x128xf32, #tpu.memory_space<hbm>>) target(%dma_start3A_289 : memref<80x128xf32, #tpu.memory_space<vmem>>) offsets(%dma_start3A_292 : memref<80xi32, #tpu.memory_space<vmem>>) semaphore(%dma_start3A_297 : memref<!tpu.dma_semaphore, #tpu.memory_space<semaphore_mem>>)
      %dma_wait3A_298 = arith.constant 0 : i32
      %dma_wait3A_299 = arith.constant 0 : i32
      %dma_wait3A_300 = tpu.memref_slice %arg9[%rem3A_210, %dma_wait3A_298, %dma_wait3A_299] : memref<4x80x128xf32, #tpu.memory_space<vmem>> -> memref<1x80x128xf32, #tpu.memory_space<vmem>>
      %dma_wait3A_301 = tpu.memref_squeeze %dma_wait3A_300 : memref<1x80x128xf32, #tpu.memory_space<vmem>> -> memref<80x128xf32, #tpu.memory_space<vmem>>
      %dma_wait3A_302 = arith.constant 0 : i32
      %dma_wait3A_303 = tpu.memref_slice %arg7[%rem3A_210, %dma_wait3A_302] : memref<4x80xi32, #tpu.memory_space<vmem>> -> memref<1x80xi32, #tpu.memory_space<vmem>>
      %dma_wait3A_304 = tpu.memref_squeeze %dma_wait3A_303 : memref<1x80xi32, #tpu.memory_space<vmem>> -> memref<80xi32, #tpu.memory_space<vmem>>
      %dma_wait3A_305 = arith.constant 0 : i32
      %dma_wait3A_306 = arith.constant 0 : i32
      %dma_wait3A_307 = tpu.memref_slice %arg2[%dma_wait3A_305, %dma_wait3A_306] : memref<10000x128xf32, #tpu.memory_space<hbm>> -> memref<10000x128xf32, #tpu.memory_space<hbm>>
      %dma_wait3A_308 = tpu.memref_slice %arg11[%rem3A_210] : memref<4x!tpu.dma_semaphore, #tpu.memory_space<semaphore_mem>> -> memref<1x!tpu.dma_semaphore, #tpu.memory_space<semaphore_mem>>
      %dma_wait3A_309 = tpu.memref_squeeze %dma_wait3A_308 : memref<1x!tpu.dma_semaphore, #tpu.memory_space<semaphore_mem>> -> memref<!tpu.dma_semaphore, #tpu.memory_space<semaphore_mem>>
      tpu.wait_indirect_dma semaphore(%dma_wait3A_309 : memref<!tpu.dma_semaphore, #tpu.memory_space<semaphore_mem>>) src(%dma_wait3A_307 : memref<10000x128xf32, #tpu.memory_space<hbm>>) dst(%dma_wait3A_301 : memref<80x128xf32, #tpu.memory_space<vmem>>)
      %dma_start3A_310 = arith.constant 0 : i32
      %dma_start3A_311 = arith.constant 0 : i32
      %dma_start3A_312 = tpu.memref_slice %arg9[%rem3A_210, %dma_start3A_310, %dma_start3A_311] : memref<4x80x128xf32, #tpu.memory_space<vmem>> -> memref<1x80x128xf32, #tpu.memory_space<vmem>>
      %dma_start3A_313 = tpu.memref_squeeze %dma_start3A_312 : memref<1x80x128xf32, #tpu.memory_space<vmem>> -> memref<80x128xf32, #tpu.memory_space<vmem>>
      %dma_start3A_314 = arith.constant 0 : i32
      %dma_start3A_315 = tpu.memref_slice %arg8[%rem3A_210, %dma_start3A_314] : memref<4x80xi32, #tpu.memory_space<vmem>> -> memref<1x80xi32, #tpu.memory_space<vmem>>
      %dma_start3A_316 = tpu.memref_squeeze %dma_start3A_315 : memref<1x80xi32, #tpu.memory_space<vmem>> -> memref<80xi32, #tpu.memory_space<vmem>>
      %dma_start3A_317 = arith.constant 0 : i32
      %dma_start3A_318 = arith.constant 0 : i32
      %dma_start3A_319 = tpu.memref_slice %arg6[%dma_start3A_317, %dma_start3A_318] : memref<10000x128xf32, #tpu.memory_space<vmem_shared>> -> memref<10000x128xf32, #tpu.memory_space<vmem_shared>>
      %dma_start3A_320 = tpu.memref_slice %arg12[%rem3A_210] : memref<4x!tpu.dma_semaphore, #tpu.memory_space<semaphore_mem>> -> memref<1x!tpu.dma_semaphore, #tpu.memory_space<semaphore_mem>>
      %dma_start3A_321 = tpu.memref_squeeze %dma_start3A_320 : memref<1x!tpu.dma_semaphore, #tpu.memory_space<semaphore_mem>> -> memref<!tpu.dma_semaphore, #tpu.memory_space<semaphore_mem>>
      tpu.enqueue_indirect_dma source(%dma_start3A_313 : memref<80x128xf32, #tpu.memory_space<vmem>>) target(%dma_start3A_319 : memref<10000x128xf32, #tpu.memory_space<vmem_shared>>) offsets(%dma_start3A_316 : memref<80xi32, #tpu.memory_space<vmem>>) semaphore(%dma_start3A_321 : memref<!tpu.dma_semaphore, #tpu.memory_space<semaphore_mem>>) {add = true}
    }
    %scan3A_123 = arith.constant 125 : i32
    %dma_wait3A_124 = arith.constant 3 : i32
    %dma_wait3A_125 = arith.constant 3 : i32
    %dma_wait3A_126 = arith.constant 3 : i32
    %dma_wait3A_127 = arith.constant 0 : i32
    %dma_wait3A_128 = arith.constant 0 : i32
    %dma_wait3A_129 = tpu.memref_slice %arg9[%dma_wait3A_124, %dma_wait3A_127, %dma_wait3A_128] : memref<4x80x128xf32, #tpu.memory_space<vmem>> -> memref<1x80x128xf32, #tpu.memory_space<vmem>>
    %dma_wait3A_130 = tpu.memref_squeeze %dma_wait3A_129 : memref<1x80x128xf32, #tpu.memory_space<vmem>> -> memref<80x128xf32, #tpu.memory_space<vmem>>
    %dma_wait3A_131 = arith.constant 0 : i32
    %dma_wait3A_132 = tpu.memref_slice %arg8[%dma_wait3A_125, %dma_wait3A_131] : memref<4x80xi32, #tpu.memory_space<vmem>> -> memref<1x80xi32, #tpu.memory_space<vmem>>
    %dma_wait3A_133 = tpu.memref_squeeze %dma_wait3A_132 : memref<1x80xi32, #tpu.memory_space<vmem>> -> memref<80xi32, #tpu.memory_space<vmem>>
    %dma_wait3A_134 = arith.constant 0 : i32
    %dma_wait3A_135 = arith.constant 0 : i32
    %dma_wait3A_136 = tpu.memref_slice %arg6[%dma_wait3A_134, %dma_wait3A_135] : memref<10000x128xf32, #tpu.memory_space<vmem_shared>> -> memref<10000x128xf32, #tpu.memory_space<vmem_shared>>
    %dma_wait3A_137 = tpu.memref_slice %arg12[%dma_wait3A_126] : memref<4x!tpu.dma_semaphore, #tpu.memory_space<semaphore_mem>> -> memref<1x!tpu.dma_semaphore, #tpu.memory_space<semaphore_mem>>
    %dma_wait3A_138 = tpu.memref_squeeze %dma_wait3A_137 : memref<1x!tpu.dma_semaphore, #tpu.memory_space<semaphore_mem>> -> memref<!tpu.dma_semaphore, #tpu.memory_space<semaphore_mem>>
    tpu.wait_indirect_dma semaphore(%dma_wait3A_138 : memref<!tpu.dma_semaphore, #tpu.memory_space<semaphore_mem>>) src(%dma_wait3A_130 : memref<80x128xf32, #tpu.memory_space<vmem>>) dst(%dma_wait3A_136 : memref<10000x128xf32, #tpu.memory_space<vmem_shared>>)
    %dma_wait3A_139 = arith.constant 0 : i32
    %dma_wait3A_140 = arith.constant 0 : i32
    %dma_wait3A_141 = arith.constant 0 : i32
    %dma_wait3A_142 = arith.constant 0 : i32
    %dma_wait3A_143 = arith.constant 0 : i32
    %dma_wait3A_144 = tpu.memref_slice %arg9[%dma_wait3A_139, %dma_wait3A_142, %dma_wait3A_143] : memref<4x80x128xf32, #tpu.memory_space<vmem>> -> memref<1x80x128xf32, #tpu.memory_space<vmem>>
    %dma_wait3A_145 = tpu.memref_squeeze %dma_wait3A_144 : memref<1x80x128xf32, #tpu.memory_space<vmem>> -> memref<80x128xf32, #tpu.memory_space<vmem>>
    %dma_wait3A_146 = arith.constant 0 : i32
    %dma_wait3A_147 = tpu.memref_slice %arg8[%dma_wait3A_140, %dma_wait3A_146] : memref<4x80xi32, #tpu.memory_space<vmem>> -> memref<1x80xi32, #tpu.memory_space<vmem>>
    %dma_wait3A_148 = tpu.memref_squeeze %dma_wait3A_147 : memref<1x80xi32, #tpu.memory_space<vmem>> -> memref<80xi32, #tpu.memory_space<vmem>>
    %dma_wait3A_149 = arith.constant 0 : i32
    %dma_wait3A_150 = arith.constant 0 : i32
    %dma_wait3A_151 = tpu.memref_slice %arg6[%dma_wait3A_149, %dma_wait3A_150] : memref<10000x128xf32, #tpu.memory_space<vmem_shared>> -> memref<10000x128xf32, #tpu.memory_space<vmem_shared>>
    %dma_wait3A_152 = tpu.memref_slice %arg12[%dma_wait3A_141] : memref<4x!tpu.dma_semaphore, #tpu.memory_space<semaphore_mem>> -> memref<1x!tpu.dma_semaphore, #tpu.memory_space<semaphore_mem>>
    %dma_wait3A_153 = tpu.memref_squeeze %dma_wait3A_152 : memref<1x!tpu.dma_semaphore, #tpu.memory_space<semaphore_mem>> -> memref<!tpu.dma_semaphore, #tpu.memory_space<semaphore_mem>>
    tpu.wait_indirect_dma semaphore(%dma_wait3A_153 : memref<!tpu.dma_semaphore, #tpu.memory_space<semaphore_mem>>) src(%dma_wait3A_145 : memref<80x128xf32, #tpu.memory_space<vmem>>) dst(%dma_wait3A_151 : memref<10000x128xf32, #tpu.memory_space<vmem_shared>>)
    %dma_wait3A_154 = arith.constant 1 : i32
    %dma_wait3A_155 = arith.constant 1 : i32
    %dma_wait3A_156 = arith.constant 1 : i32
    %dma_wait3A_157 = arith.constant 0 : i32
    %dma_wait3A_158 = arith.constant 0 : i32
    %dma_wait3A_159 = tpu.memref_slice %arg9[%dma_wait3A_155, %dma_wait3A_157, %dma_wait3A_158] : memref<4x80x128xf32, #tpu.memory_space<vmem>> -> memref<1x80x128xf32, #tpu.memory_space<vmem>>
    %dma_wait3A_160 = tpu.memref_squeeze %dma_wait3A_159 : memref<1x80x128xf32, #tpu.memory_space<vmem>> -> memref<80x128xf32, #tpu.memory_space<vmem>>
    %dma_wait3A_161 = arith.constant 0 : i32
    %dma_wait3A_162 = tpu.memref_slice %arg7[%dma_wait3A_154, %dma_wait3A_161] : memref<4x80xi32, #tpu.memory_space<vmem>> -> memref<1x80xi32, #tpu.memory_space<vmem>>
    %dma_wait3A_163 = tpu.memref_squeeze %dma_wait3A_162 : memref<1x80xi32, #tpu.memory_space<vmem>> -> memref<80xi32, #tpu.memory_space<vmem>>
    %dma_wait3A_164 = arith.constant 0 : i32
    %dma_wait3A_165 = arith.constant 0 : i32
    %dma_wait3A_166 = tpu.memref_slice %arg2[%dma_wait3A_164, %dma_wait3A_165] : memref<10000x128xf32, #tpu.memory_space<hbm>> -> memref<10000x128xf32, #tpu.memory_space<hbm>>
    %dma_wait3A_167 = tpu.memref_slice %arg11[%dma_wait3A_156] : memref<4x!tpu.dma_semaphore, #tpu.memory_space<semaphore_mem>> -> memref<1x!tpu.dma_semaphore, #tpu.memory_space<semaphore_mem>>
    %dma_wait3A_168 = tpu.memref_squeeze %dma_wait3A_167 : memref<1x!tpu.dma_semaphore, #tpu.memory_space<semaphore_mem>> -> memref<!tpu.dma_semaphore, #tpu.memory_space<semaphore_mem>>
    tpu.wait_indirect_dma semaphore(%dma_wait3A_168 : memref<!tpu.dma_semaphore, #tpu.memory_space<semaphore_mem>>) src(%dma_wait3A_166 : memref<10000x128xf32, #tpu.memory_space<hbm>>) dst(%dma_wait3A_160 : memref<80x128xf32, #tpu.memory_space<vmem>>)
    %dma_wait3A_169 = arith.constant 0 : i32
    %dma_wait3A_170 = arith.constant 2 : i32
    %dma_wait3A_171 = arith.constant 2 : i32
    %dma_wait3A_172 = arith.constant 0 : i32
    %dma_wait3A_173 = tpu.memref_slice %arg7[%dma_wait3A_170, %dma_wait3A_172] : memref<4x80xi32, #tpu.memory_space<vmem>> -> memref<1x80xi32, #tpu.memory_space<vmem>>
    %dma_wait3A_174 = tpu.memref_squeeze %dma_wait3A_173 : memref<1x80xi32, #tpu.memory_space<vmem>> -> memref<80xi32, #tpu.memory_space<vmem>>
    %dma_wait3A_175 = arith.constant 0 : i32
    %dma_wait3A_176 = tpu.memref_slice %arg3[%dma_wait3A_169, %dma_wait3A_175] : memref<2x320000xi32, #tpu.memory_space<hbm>> -> memref<1x80xi32, #tpu.memory_space<hbm>>
    %dma_wait3A_177 = tpu.memref_squeeze %dma_wait3A_176 : memref<1x80xi32, #tpu.memory_space<hbm>> -> memref<80xi32, #tpu.memory_space<hbm>>
    %dma_wait3A_178 = tpu.memref_slice %arg10[%dma_wait3A_171] : memref<4x!tpu.dma_semaphore, #tpu.memory_space<semaphore_mem>> -> memref<1x!tpu.dma_semaphore, #tpu.memory_space<semaphore_mem>>
    %dma_wait3A_179 = tpu.memref_squeeze %dma_wait3A_178 : memref<1x!tpu.dma_semaphore, #tpu.memory_space<semaphore_mem>> -> memref<!tpu.dma_semaphore, #tpu.memory_space<semaphore_mem>>
    %dma_wait3A_180 = arith.constant 0 : i32
    %dma_wait3A_181 = tpu.memref_slice %arg7[%dma_wait3A_170, %dma_wait3A_180] : memref<4x80xi32, #tpu.memory_space<vmem>> -> memref<1x80xi32, #tpu.memory_space<vmem>>
    %dma_wait3A_182 = tpu.memref_squeeze %dma_wait3A_181 : memref<1x80xi32, #tpu.memory_space<vmem>> -> memref<80xi32, #tpu.memory_space<vmem>>
    %dma_wait3A_183 = arith.constant 0 : i32
    %dma_wait3A_184 = tpu.memref_slice %arg3[%dma_wait3A_169, %dma_wait3A_183] : memref<2x320000xi32, #tpu.memory_space<hbm>> -> memref<1x80xi32, #tpu.memory_space<hbm>>
    %dma_wait3A_185 = tpu.memref_squeeze %dma_wait3A_184 : memref<1x80xi32, #tpu.memory_space<hbm>> -> memref<80xi32, #tpu.memory_space<hbm>>
    tpu.wait_dma2 semaphore(%dma_wait3A_179 : memref<!tpu.dma_semaphore, #tpu.memory_space<semaphore_mem>>) src(%dma_wait3A_185 : memref<80xi32, #tpu.memory_space<hbm>>) dst(%dma_wait3A_182 : memref<80xi32, #tpu.memory_space<vmem>>)
    %dma_wait3A_186 = arith.constant 1 : i32
    %dma_wait3A_187 = arith.constant 2 : i32
    %dma_wait3A_188 = arith.constant 2 : i32
    %dma_wait3A_189 = arith.constant 0 : i32
    %dma_wait3A_190 = tpu.memref_slice %arg8[%dma_wait3A_187, %dma_wait3A_189] : memref<4x80xi32, #tpu.memory_space<vmem>> -> memref<1x80xi32, #tpu.memory_space<vmem>>
    %dma_wait3A_191 = tpu.memref_squeeze %dma_wait3A_190 : memref<1x80xi32, #tpu.memory_space<vmem>> -> memref<80xi32, #tpu.memory_space<vmem>>
    %dma_wait3A_192 = arith.constant 0 : i32
    %dma_wait3A_193 = tpu.memref_slice %arg3[%dma_wait3A_186, %dma_wait3A_192] : memref<2x320000xi32, #tpu.memory_space<hbm>> -> memref<1x80xi32, #tpu.memory_space<hbm>>
    %dma_wait3A_194 = tpu.memref_squeeze %dma_wait3A_193 : memref<1x80xi32, #tpu.memory_space<hbm>> -> memref<80xi32, #tpu.memory_space<hbm>>
    %dma_wait3A_195 = tpu.memref_slice %arg10[%dma_wait3A_188] : memref<4x!tpu.dma_semaphore, #tpu.memory_space<semaphore_mem>> -> memref<1x!tpu.dma_semaphore, #tpu.memory_space<semaphore_mem>>
    %dma_wait3A_196 = tpu.memref_squeeze %dma_wait3A_195 : memref<1x!tpu.dma_semaphore, #tpu.memory_space<semaphore_mem>> -> memref<!tpu.dma_semaphore, #tpu.memory_space<semaphore_mem>>
    %dma_wait3A_197 = arith.constant 0 : i32
    %dma_wait3A_198 = tpu.memref_slice %arg8[%dma_wait3A_187, %dma_wait3A_197] : memref<4x80xi32, #tpu.memory_space<vmem>> -> memref<1x80xi32, #tpu.memory_space<vmem>>
    %dma_wait3A_199 = tpu.memref_squeeze %dma_wait3A_198 : memref<1x80xi32, #tpu.memory_space<vmem>> -> memref<80xi32, #tpu.memory_space<vmem>>
    %dma_wait3A_200 = arith.constant 0 : i32
    %dma_wait3A_201 = tpu.memref_slice %arg3[%dma_wait3A_186, %dma_wait3A_200] : memref<2x320000xi32, #tpu.memory_space<hbm>> -> memref<1x80xi32, #tpu.memory_space<hbm>>
    %dma_wait3A_202 = tpu.memref_squeeze %dma_wait3A_201 : memref<1x80xi32, #tpu.memory_space<hbm>> -> memref<80xi32, #tpu.memory_space<hbm>>
    tpu.wait_dma2 semaphore(%dma_wait3A_196 : memref<!tpu.dma_semaphore, #tpu.memory_space<semaphore_mem>>) src(%dma_wait3A_202 : memref<80xi32, #tpu.memory_space<hbm>>) dst(%dma_wait3A_199 : memref<80xi32, #tpu.memory_space<vmem>>)
    %barrier3A_203 = arith.constant 0 : index
    tpu.barrier barrier_id(%barrier3A_203)
    "tpu.region"() ({
      %run_scoped3A = tpu.sem_alloc : memref<!tpu.dma_semaphore, #tpu.memory_space<semaphore_mem>>
      %dma_start3A_209 = arith.constant 0 : i32
      %dma_start3A_210 = tpu.memref_slice %arg5[%arg0, %mul3A_0, %dma_start3A_209] : memref<2x10000x128xf32, #tpu.memory_space<hbm>> -> memref<1x624x128xf32, #tpu.memory_space<hbm>>
      %dma_start3A_211 = tpu.memref_squeeze %dma_start3A_210 : memref<1x624x128xf32, #tpu.memory_space<hbm>> -> memref<624x128xf32, #tpu.memory_space<hbm>>
      %dma_start3A_212 = arith.constant 0 : i32
      %dma_start3A_213 = tpu.memref_slice %arg6[%mul3A_0, %dma_start3A_212] : memref<10000x128xf32, #tpu.memory_space<vmem_shared>> -> memref<624x128xf32, #tpu.memory_space<vmem_shared>>
      tpu.enqueue_dma source(%dma_start3A_213 : memref<624x128xf32, #tpu.memory_space<vmem_shared>>) target(%dma_start3A_211 : memref<624x128xf32, #tpu.memory_space<hbm>>) target_semaphore(%run_scoped3A : memref<!tpu.dma_semaphore, #tpu.memory_space<semaphore_mem>>)
      %dma_wait3A_214 = arith.constant 0 : i32
      %dma_wait3A_215 = tpu.memref_slice %arg5[%arg0, %mul3A_0, %dma_wait3A_214] : memref<2x10000x128xf32, #tpu.memory_space<hbm>> -> memref<1x624x128xf32, #tpu.memory_space<hbm>>
      %dma_wait3A_216 = tpu.memref_squeeze %dma_wait3A_215 : memref<1x624x128xf32, #tpu.memory_space<hbm>> -> memref<624x128xf32, #tpu.memory_space<hbm>>
      %dma_wait3A_217 = arith.constant 0 : i32
      %dma_wait3A_218 = tpu.memref_slice %arg6[%mul3A_0, %dma_wait3A_217] : memref<10000x128xf32, #tpu.memory_space<vmem_shared>> -> memref<624x128xf32, #tpu.memory_space<vmem_shared>>
      tpu.wait_dma2 semaphore(%run_scoped3A : memref<!tpu.dma_semaphore, #tpu.memory_space<semaphore_mem>>) src(%dma_wait3A_218 : memref<624x128xf32, #tpu.memory_space<vmem_shared>>) dst(%dma_wait3A_216 : memref<624x128xf32, #tpu.memory_space<hbm>>)
      tpu.yield
    }) : () -> ()
    %eq3A_204 = arith.constant 15 : i32
    %eq3A_205 = arith.cmpi eq, %arg1, %eq3A_204 : i32
    %convert_element_type3A_206 = arith.extui %eq3A_205 : i1 to i32
    %cond3A_207 = arith.constant 0 : i32
    %cond3A_208 = arith.cmpi ne, %convert_element_type3A_206, %cond3A_207 : i32
    scf.if %cond3A_208 {
      "tpu.region"() ({
        %run_scoped3A = tpu.sem_alloc : memref<!tpu.dma_semaphore, #tpu.memory_space<semaphore_mem>>
        %dma_start3A_209 = arith.constant 9984 : i32
        %dma_start3A_210 = arith.constant 0 : i32
        %dma_start3A_211 = tpu.memref_slice %arg5[%arg0, %dma_start3A_209, %dma_start3A_210] : memref<2x10000x128xf32, #tpu.memory_space<hbm>> -> memref<1x16x128xf32, #tpu.memory_space<hbm>>
        %dma_start3A_212 = tpu.memref_squeeze %dma_start3A_211 : memref<1x16x128xf32, #tpu.memory_space<hbm>> -> memref<16x128xf32, #tpu.memory_space<hbm>>
        %dma_start3A_213 = arith.constant 9984 : i32
        %dma_start3A_214 = arith.constant 0 : i32
        %dma_start3A_215 = tpu.memref_slice %arg6[%dma_start3A_213, %dma_start3A_214] : memref<10000x128xf32, #tpu.memory_space<vmem_shared>> -> memref<16x128xf32, #tpu.memory_space<vmem_shared>>
        tpu.enqueue_dma source(%dma_start3A_215 : memref<16x128xf32, #tpu.memory_space<vmem_shared>>) target(%dma_start3A_212 : memref<16x128xf32, #tpu.memory_space<hbm>>) target_semaphore(%run_scoped3A : memref<!tpu.dma_semaphore, #tpu.memory_space<semaphore_mem>>)
        %dma_wait3A_216 = arith.constant 9984 : i32
        %dma_wait3A_217 = arith.constant 0 : i32
        %dma_wait3A_218 = tpu.memref_slice %arg5[%arg0, %dma_wait3A_216, %dma_wait3A_217] : memref<2x10000x128xf32, #tpu.memory_space<hbm>> -> memref<1x16x128xf32, #tpu.memory_space<hbm>>
        %dma_wait3A_219 = tpu.memref_squeeze %dma_wait3A_218 : memref<1x16x128xf32, #tpu.memory_space<hbm>> -> memref<16x128xf32, #tpu.memory_space<hbm>>
        %dma_wait3A_220 = arith.constant 9984 : i32
        %dma_wait3A_221 = arith.constant 0 : i32
        %dma_wait3A_222 = tpu.memref_slice %arg6[%dma_wait3A_220, %dma_wait3A_221] : memref<10000x128xf32, #tpu.memory_space<vmem_shared>> -> memref<16x128xf32, #tpu.memory_space<vmem_shared>>
        tpu.wait_dma2 semaphore(%run_scoped3A : memref<!tpu.dma_semaphore, #tpu.memory_space<semaphore_mem>>) src(%dma_wait3A_222 : memref<16x128xf32, #tpu.memory_space<vmem_shared>>) dst(%dma_wait3A_219 : memref<16x128xf32, #tpu.memory_space<hbm>>)
        tpu.yield
      }) : () -> ()
    } else {
    }
    return
  }
}

#map = affine_map<(d0, d1) -> (0, 0)>
#map1 = affine_map<(d0, d1) -> (0)>
#map2 = affine_map<(d0, d1) -> (0, 0, 0)>
module attributes {stable_mosaic.version = 14 : i64} {
  func.func @k(%arg0: i32, %arg1: i32, %arg2: memref<10000x128xf32, #tpu.memory_space<hbm>>, %arg3: memref<2x320000xi32, #tpu.memory_space<hbm>>, %arg4: memref<624x128xf32, #tpu.memory_space<hbm>>, %arg5: memref<10000xf32, #tpu.memory_space<hbm>>, %arg6: memref<2x10000x128xf32, #tpu.memory_space<hbm>>, %arg7: memref<2x16x10000xf32, #tpu.memory_space<hbm>>, %arg8: memref<10000x128xf32, #tpu.memory_space<vmem_shared>>, %arg9: memref<3x80xi32, #tpu.memory_space<vmem>>, %arg10: memref<3x80xi32, #tpu.memory_space<vmem>>, %arg11: memref<3x80x128xf32, #tpu.memory_space<vmem>>, %arg12: memref<3x!tpu.dma_semaphore, #tpu.memory_space<semaphore_mem>>, %arg13: memref<3x!tpu.dma_semaphore, #tpu.memory_space<semaphore_mem>>, %arg14: memref<3x!tpu.dma_semaphore, #tpu.memory_space<semaphore_mem>>, %arg15: memref<10000xf32, #tpu.memory_space<vmem>>) attributes {dimension_semantics = [#tpu.dimension_semantics<core_parallel>, #tpu.dimension_semantics<subcore_parallel>], iteration_bounds = array<i64: 2, 16>, scalar_prefetch = 0 : i64, scratch_operands = 8 : i64, tpu.core_type = #tpu.core_type<sc_vector_subcore>, window_params = [{transform_indices = #map}, {transform_indices = #map}, {transform_indices = #map}, {transform_indices = #map1}, {transform_indices = #map2}, {transform_indices = #map2}]} {
    %mul3A = arith.constant 624 : i32
    %mul3A_0 = arith.muli %arg1, %mul3A : i32
    "tpu.region"() ({
      %run_scoped3A = tpu.sem_alloc : memref<!tpu.dma_semaphore, #tpu.memory_space<semaphore_mem>>
      %dma_start3A_194 = arith.constant 0 : i32
      %dma_start3A_195 = tpu.memref_slice %arg8[%mul3A_0, %dma_start3A_194] : memref<10000x128xf32, #tpu.memory_space<vmem_shared>> -> memref<624x128xf32, #tpu.memory_space<vmem_shared>>
      %dma_start3A_196 = arith.constant 0 : i32
      %dma_start3A_197 = arith.constant 0 : i32
      %dma_start3A_198 = tpu.memref_slice %arg4[%dma_start3A_196, %dma_start3A_197] : memref<624x128xf32, #tpu.memory_space<hbm>> -> memref<624x128xf32, #tpu.memory_space<hbm>>
      tpu.enqueue_dma source(%dma_start3A_198 : memref<624x128xf32, #tpu.memory_space<hbm>>) target(%dma_start3A_195 : memref<624x128xf32, #tpu.memory_space<vmem_shared>>) target_semaphore(%run_scoped3A : memref<!tpu.dma_semaphore, #tpu.memory_space<semaphore_mem>>)
      %dma_wait3A_199 = arith.constant 0 : i32
      %dma_wait3A_200 = tpu.memref_slice %arg8[%mul3A_0, %dma_wait3A_199] : memref<10000x128xf32, #tpu.memory_space<vmem_shared>> -> memref<624x128xf32, #tpu.memory_space<vmem_shared>>
      %dma_wait3A_201 = arith.constant 0 : i32
      %dma_wait3A_202 = arith.constant 0 : i32
      %dma_wait3A_203 = tpu.memref_slice %arg4[%dma_wait3A_201, %dma_wait3A_202] : memref<624x128xf32, #tpu.memory_space<hbm>> -> memref<624x128xf32, #tpu.memory_space<hbm>>
      tpu.wait_dma2 semaphore(%run_scoped3A : memref<!tpu.dma_semaphore, #tpu.memory_space<semaphore_mem>>) src(%dma_wait3A_203 : memref<624x128xf32, #tpu.memory_space<hbm>>) dst(%dma_wait3A_200 : memref<624x128xf32, #tpu.memory_space<vmem_shared>>)
      tpu.yield
    }) : () -> ()
    %eq3A = arith.constant 15 : i32
    %eq3A_1 = arith.cmpi eq, %arg1, %eq3A : i32
    %convert_element_type3A = arith.extui %eq3A_1 : i1 to i32
    %cond3A = arith.constant 0 : i32
    %cond3A_2 = arith.cmpi ne, %convert_element_type3A, %cond3A : i32
    scf.if %cond3A_2 {
      "tpu.region"() ({
        %run_scoped3A = tpu.sem_alloc : memref<!tpu.dma_semaphore, #tpu.memory_space<semaphore_mem>>
        %dma_start3A_194 = arith.constant 9984 : i32
        %dma_start3A_195 = arith.constant 0 : i32
        %dma_start3A_196 = tpu.memref_slice %arg8[%dma_start3A_194, %dma_start3A_195] : memref<10000x128xf32, #tpu.memory_space<vmem_shared>> -> memref<16x128xf32, #tpu.memory_space<vmem_shared>>
        %dma_start3A_197 = arith.constant 0 : i32
        %dma_start3A_198 = arith.constant 0 : i32
        %dma_start3A_199 = tpu.memref_slice %arg4[%dma_start3A_197, %dma_start3A_198] : memref<624x128xf32, #tpu.memory_space<hbm>> -> memref<16x128xf32, #tpu.memory_space<hbm>>
        tpu.enqueue_dma source(%dma_start3A_199 : memref<16x128xf32, #tpu.memory_space<hbm>>) target(%dma_start3A_196 : memref<16x128xf32, #tpu.memory_space<vmem_shared>>) target_semaphore(%run_scoped3A : memref<!tpu.dma_semaphore, #tpu.memory_space<semaphore_mem>>)
        %dma_wait3A_200 = arith.constant 9984 : i32
        %dma_wait3A_201 = arith.constant 0 : i32
        %dma_wait3A_202 = tpu.memref_slice %arg8[%dma_wait3A_200, %dma_wait3A_201] : memref<10000x128xf32, #tpu.memory_space<vmem_shared>> -> memref<16x128xf32, #tpu.memory_space<vmem_shared>>
        %dma_wait3A_203 = arith.constant 0 : i32
        %dma_wait3A_204 = arith.constant 0 : i32
        %dma_wait3A_205 = tpu.memref_slice %arg4[%dma_wait3A_203, %dma_wait3A_204] : memref<624x128xf32, #tpu.memory_space<hbm>> -> memref<16x128xf32, #tpu.memory_space<hbm>>
        tpu.wait_dma2 semaphore(%run_scoped3A : memref<!tpu.dma_semaphore, #tpu.memory_space<semaphore_mem>>) src(%dma_wait3A_205 : memref<16x128xf32, #tpu.memory_space<hbm>>) dst(%dma_wait3A_202 : memref<16x128xf32, #tpu.memory_space<vmem_shared>>)
        tpu.yield
      }) : () -> ()
    } else {
    }
    "tpu.region"() ({
      %run_scoped3A = tpu.sem_alloc : memref<!tpu.dma_semaphore, #tpu.memory_space<semaphore_mem>>
      tpu.enqueue_dma source(%arg5 : memref<10000xf32, #tpu.memory_space<hbm>>) target(%arg15 : memref<10000xf32, #tpu.memory_space<vmem>>) target_semaphore(%run_scoped3A : memref<!tpu.dma_semaphore, #tpu.memory_space<semaphore_mem>>)
      tpu.wait_dma2 semaphore(%run_scoped3A : memref<!tpu.dma_semaphore, #tpu.memory_space<semaphore_mem>>) src(%arg5 : memref<10000xf32, #tpu.memory_space<hbm>>) dst(%arg15 : memref<10000xf32, #tpu.memory_space<vmem>>)
      tpu.yield
    }) : () -> ()
    %barrier3A = arith.constant 0 : index
    tpu.barrier barrier_id(%barrier3A)
    %mul3A_3 = arith.constant 16 : i32
    %mul3A_4 = arith.muli %arg0, %mul3A_3 : i32
    %add3A = arith.addi %mul3A_4, %arg1 : i32
    %mul3A_5 = arith.constant 10000 : i32
    %mul3A_6 = arith.muli %add3A, %mul3A_5 : i32
    %broadcast_in_dim3A = arith.constant 1.000000e+00 : f32
    %broadcast_in_dim3A_7 = vector.broadcast %broadcast_in_dim3A : f32 to vector<16xf32>
    %add3A_8 = arith.constant 0 : i32
    %add3A_9 = arith.addi %mul3A_6, %add3A_8 : i32
    %dma_start3A = arith.constant 0 : i32
    %dma_start3A_10 = arith.constant 0 : i32
    %dma_start3A_11 = arith.constant 0 : i32
    %dma_start3A_12 = arith.constant 0 : i32
    %dma_start3A_13 = tpu.memref_slice %arg9[%dma_start3A_10, %dma_start3A_12] : memref<3x80xi32, #tpu.memory_space<vmem>> -> memref<1x80xi32, #tpu.memory_space<vmem>>
    %dma_start3A_14 = tpu.memref_squeeze %dma_start3A_13 : memref<1x80xi32, #tpu.memory_space<vmem>> -> memref<80xi32, #tpu.memory_space<vmem>>
    %dma_start3A_15 = tpu.memref_slice %arg3[%dma_start3A, %add3A_9] : memref<2x320000xi32, #tpu.memory_space<hbm>> -> memref<1x80xi32, #tpu.memory_space<hbm>>
    %dma_start3A_16 = tpu.memref_squeeze %dma_start3A_15 : memref<1x80xi32, #tpu.memory_space<hbm>> -> memref<80xi32, #tpu.memory_space<hbm>>
    %dma_start3A_17 = tpu.memref_slice %arg12[%dma_start3A_11] : memref<3x!tpu.dma_semaphore, #tpu.memory_space<semaphore_mem>> -> memref<1x!tpu.dma_semaphore, #tpu.memory_space<semaphore_mem>>
    %dma_start3A_18 = tpu.memref_squeeze %dma_start3A_17 : memref<1x!tpu.dma_semaphore, #tpu.memory_space<semaphore_mem>> -> memref<!tpu.dma_semaphore, #tpu.memory_space<semaphore_mem>>
    %dma_start3A_19 = arith.constant 0 : i32
    %dma_start3A_20 = tpu.memref_slice %arg9[%dma_start3A_10, %dma_start3A_19] : memref<3x80xi32, #tpu.memory_space<vmem>> -> memref<1x80xi32, #tpu.memory_space<vmem>>
    %dma_start3A_21 = tpu.memref_squeeze %dma_start3A_20 : memref<1x80xi32, #tpu.memory_space<vmem>> -> memref<80xi32, #tpu.memory_space<vmem>>
    %dma_start3A_22 = tpu.memref_slice %arg3[%dma_start3A, %add3A_9] : memref<2x320000xi32, #tpu.memory_space<hbm>> -> memref<1x80xi32, #tpu.memory_space<hbm>>
    %dma_start3A_23 = tpu.memref_squeeze %dma_start3A_22 : memref<1x80xi32, #tpu.memory_space<hbm>> -> memref<80xi32, #tpu.memory_space<hbm>>
    tpu.enqueue_dma source(%dma_start3A_23 : memref<80xi32, #tpu.memory_space<hbm>>) target(%dma_start3A_21 : memref<80xi32, #tpu.memory_space<vmem>>) target_semaphore(%dma_start3A_18 : memref<!tpu.dma_semaphore, #tpu.memory_space<semaphore_mem>>)
    %dma_start3A_24 = arith.constant 1 : i32
    %dma_start3A_25 = arith.constant 0 : i32
    %dma_start3A_26 = arith.constant 0 : i32
    %dma_start3A_27 = arith.constant 0 : i32
    %dma_start3A_28 = tpu.memref_slice %arg10[%dma_start3A_25, %dma_start3A_27] : memref<3x80xi32, #tpu.memory_space<vmem>> -> memref<1x80xi32, #tpu.memory_space<vmem>>
    %dma_start3A_29 = tpu.memref_squeeze %dma_start3A_28 : memref<1x80xi32, #tpu.memory_space<vmem>> -> memref<80xi32, #tpu.memory_space<vmem>>
    %dma_start3A_30 = tpu.memref_slice %arg3[%dma_start3A_24, %add3A_9] : memref<2x320000xi32, #tpu.memory_space<hbm>> -> memref<1x80xi32, #tpu.memory_space<hbm>>
    %dma_start3A_31 = tpu.memref_squeeze %dma_start3A_30 : memref<1x80xi32, #tpu.memory_space<hbm>> -> memref<80xi32, #tpu.memory_space<hbm>>
    %dma_start3A_32 = tpu.memref_slice %arg12[%dma_start3A_26] : memref<3x!tpu.dma_semaphore, #tpu.memory_space<semaphore_mem>> -> memref<1x!tpu.dma_semaphore, #tpu.memory_space<semaphore_mem>>
    %dma_start3A_33 = tpu.memref_squeeze %dma_start3A_32 : memref<1x!tpu.dma_semaphore, #tpu.memory_space<semaphore_mem>> -> memref<!tpu.dma_semaphore, #tpu.memory_space<semaphore_mem>>
    %dma_start3A_34 = arith.constant 0 : i32
    %dma_start3A_35 = tpu.memref_slice %arg10[%dma_start3A_25, %dma_start3A_34] : memref<3x80xi32, #tpu.memory_space<vmem>> -> memref<1x80xi32, #tpu.memory_space<vmem>>
    %dma_start3A_36 = tpu.memref_squeeze %dma_start3A_35 : memref<1x80xi32, #tpu.memory_space<vmem>> -> memref<80xi32, #tpu.memory_space<vmem>>
    %dma_start3A_37 = tpu.memref_slice %arg3[%dma_start3A_24, %add3A_9] : memref<2x320000xi32, #tpu.memory_space<hbm>> -> memref<1x80xi32, #tpu.memory_space<hbm>>
    %dma_start3A_38 = tpu.memref_squeeze %dma_start3A_37 : memref<1x80xi32, #tpu.memory_space<hbm>> -> memref<80xi32, #tpu.memory_space<hbm>>
    tpu.enqueue_dma source(%dma_start3A_38 : memref<80xi32, #tpu.memory_space<hbm>>) target(%dma_start3A_36 : memref<80xi32, #tpu.memory_space<vmem>>) target_semaphore(%dma_start3A_33 : memref<!tpu.dma_semaphore, #tpu.memory_space<semaphore_mem>>)
    %add3A_39 = arith.constant 80 : i32
    %add3A_40 = arith.addi %mul3A_6, %add3A_39 : i32
    %dma_start3A_41 = arith.constant 0 : i32
    %dma_start3A_42 = arith.constant 1 : i32
    %dma_start3A_43 = arith.constant 1 : i32
    %dma_start3A_44 = arith.constant 0 : i32
    %dma_start3A_45 = tpu.memref_slice %arg9[%dma_start3A_42, %dma_start3A_44] : memref<3x80xi32, #tpu.memory_space<vmem>> -> memref<1x80xi32, #tpu.memory_space<vmem>>
    %dma_start3A_46 = tpu.memref_squeeze %dma_start3A_45 : memref<1x80xi32, #tpu.memory_space<vmem>> -> memref<80xi32, #tpu.memory_space<vmem>>
    %dma_start3A_47 = tpu.memref_slice %arg3[%dma_start3A_41, %add3A_40] : memref<2x320000xi32, #tpu.memory_space<hbm>> -> memref<1x80xi32, #tpu.memory_space<hbm>>
    %dma_start3A_48 = tpu.memref_squeeze %dma_start3A_47 : memref<1x80xi32, #tpu.memory_space<hbm>> -> memref<80xi32, #tpu.memory_space<hbm>>
    %dma_start3A_49 = tpu.memref_slice %arg12[%dma_start3A_43] : memref<3x!tpu.dma_semaphore, #tpu.memory_space<semaphore_mem>> -> memref<1x!tpu.dma_semaphore, #tpu.memory_space<semaphore_mem>>
    %dma_start3A_50 = tpu.memref_squeeze %dma_start3A_49 : memref<1x!tpu.dma_semaphore, #tpu.memory_space<semaphore_mem>> -> memref<!tpu.dma_semaphore, #tpu.memory_space<semaphore_mem>>
    %dma_start3A_51 = arith.constant 0 : i32
    %dma_start3A_52 = tpu.memref_slice %arg9[%dma_start3A_42, %dma_start3A_51] : memref<3x80xi32, #tpu.memory_space<vmem>> -> memref<1x80xi32, #tpu.memory_space<vmem>>
    %dma_start3A_53 = tpu.memref_squeeze %dma_start3A_52 : memref<1x80xi32, #tpu.memory_space<vmem>> -> memref<80xi32, #tpu.memory_space<vmem>>
    %dma_start3A_54 = tpu.memref_slice %arg3[%dma_start3A_41, %add3A_40] : memref<2x320000xi32, #tpu.memory_space<hbm>> -> memref<1x80xi32, #tpu.memory_space<hbm>>
    %dma_start3A_55 = tpu.memref_squeeze %dma_start3A_54 : memref<1x80xi32, #tpu.memory_space<hbm>> -> memref<80xi32, #tpu.memory_space<hbm>>
    tpu.enqueue_dma source(%dma_start3A_55 : memref<80xi32, #tpu.memory_space<hbm>>) target(%dma_start3A_53 : memref<80xi32, #tpu.memory_space<vmem>>) target_semaphore(%dma_start3A_50 : memref<!tpu.dma_semaphore, #tpu.memory_space<semaphore_mem>>)
    %dma_start3A_56 = arith.constant 1 : i32
    %dma_start3A_57 = arith.constant 1 : i32
    %dma_start3A_58 = arith.constant 1 : i32
    %dma_start3A_59 = arith.constant 0 : i32
    %dma_start3A_60 = tpu.memref_slice %arg10[%dma_start3A_57, %dma_start3A_59] : memref<3x80xi32, #tpu.memory_space<vmem>> -> memref<1x80xi32, #tpu.memory_space<vmem>>
    %dma_start3A_61 = tpu.memref_squeeze %dma_start3A_60 : memref<1x80xi32, #tpu.memory_space<vmem>> -> memref<80xi32, #tpu.memory_space<vmem>>
    %dma_start3A_62 = tpu.memref_slice %arg3[%dma_start3A_56, %add3A_40] : memref<2x320000xi32, #tpu.memory_space<hbm>> -> memref<1x80xi32, #tpu.memory_space<hbm>>
    %dma_start3A_63 = tpu.memref_squeeze %dma_start3A_62 : memref<1x80xi32, #tpu.memory_space<hbm>> -> memref<80xi32, #tpu.memory_space<hbm>>
    %dma_start3A_64 = tpu.memref_slice %arg12[%dma_start3A_58] : memref<3x!tpu.dma_semaphore, #tpu.memory_space<semaphore_mem>> -> memref<1x!tpu.dma_semaphore, #tpu.memory_space<semaphore_mem>>
    %dma_start3A_65 = tpu.memref_squeeze %dma_start3A_64 : memref<1x!tpu.dma_semaphore, #tpu.memory_space<semaphore_mem>> -> memref<!tpu.dma_semaphore, #tpu.memory_space<semaphore_mem>>
    %dma_start3A_66 = arith.constant 0 : i32
    %dma_start3A_67 = tpu.memref_slice %arg10[%dma_start3A_57, %dma_start3A_66] : memref<3x80xi32, #tpu.memory_space<vmem>> -> memref<1x80xi32, #tpu.memory_space<vmem>>
    %dma_start3A_68 = tpu.memref_squeeze %dma_start3A_67 : memref<1x80xi32, #tpu.memory_space<vmem>> -> memref<80xi32, #tpu.memory_space<vmem>>
    %dma_start3A_69 = tpu.memref_slice %arg3[%dma_start3A_56, %add3A_40] : memref<2x320000xi32, #tpu.memory_space<hbm>> -> memref<1x80xi32, #tpu.memory_space<hbm>>
    %dma_start3A_70 = tpu.memref_squeeze %dma_start3A_69 : memref<1x80xi32, #tpu.memory_space<hbm>> -> memref<80xi32, #tpu.memory_space<hbm>>
    tpu.enqueue_dma source(%dma_start3A_70 : memref<80xi32, #tpu.memory_space<hbm>>) target(%dma_start3A_68 : memref<80xi32, #tpu.memory_space<vmem>>) target_semaphore(%dma_start3A_65 : memref<!tpu.dma_semaphore, #tpu.memory_space<semaphore_mem>>)
    %dma_wait3A = arith.constant 0 : i32
    %dma_wait3A_71 = arith.constant 0 : i32
    %dma_wait3A_72 = arith.constant 0 : i32
    %dma_wait3A_73 = arith.constant 0 : i32
    %dma_wait3A_74 = tpu.memref_slice %arg9[%dma_wait3A_71, %dma_wait3A_73] : memref<3x80xi32, #tpu.memory_space<vmem>> -> memref<1x80xi32, #tpu.memory_space<vmem>>
    %dma_wait3A_75 = tpu.memref_squeeze %dma_wait3A_74 : memref<1x80xi32, #tpu.memory_space<vmem>> -> memref<80xi32, #tpu.memory_space<vmem>>
    %dma_wait3A_76 = arith.constant 0 : i32
    %dma_wait3A_77 = tpu.memref_slice %arg3[%dma_wait3A, %dma_wait3A_76] : memref<2x320000xi32, #tpu.memory_space<hbm>> -> memref<1x80xi32, #tpu.memory_space<hbm>>
    %dma_wait3A_78 = tpu.memref_squeeze %dma_wait3A_77 : memref<1x80xi32, #tpu.memory_space<hbm>> -> memref<80xi32, #tpu.memory_space<hbm>>
    %dma_wait3A_79 = tpu.memref_slice %arg12[%dma_wait3A_72] : memref<3x!tpu.dma_semaphore, #tpu.memory_space<semaphore_mem>> -> memref<1x!tpu.dma_semaphore, #tpu.memory_space<semaphore_mem>>
    %dma_wait3A_80 = tpu.memref_squeeze %dma_wait3A_79 : memref<1x!tpu.dma_semaphore, #tpu.memory_space<semaphore_mem>> -> memref<!tpu.dma_semaphore, #tpu.memory_space<semaphore_mem>>
    %dma_wait3A_81 = arith.constant 0 : i32
    %dma_wait3A_82 = tpu.memref_slice %arg9[%dma_wait3A_71, %dma_wait3A_81] : memref<3x80xi32, #tpu.memory_space<vmem>> -> memref<1x80xi32, #tpu.memory_space<vmem>>
    %dma_wait3A_83 = tpu.memref_squeeze %dma_wait3A_82 : memref<1x80xi32, #tpu.memory_space<vmem>> -> memref<80xi32, #tpu.memory_space<vmem>>
    %dma_wait3A_84 = arith.constant 0 : i32
    %dma_wait3A_85 = tpu.memref_slice %arg3[%dma_wait3A, %dma_wait3A_84] : memref<2x320000xi32, #tpu.memory_space<hbm>> -> memref<1x80xi32, #tpu.memory_space<hbm>>
    %dma_wait3A_86 = tpu.memref_squeeze %dma_wait3A_85 : memref<1x80xi32, #tpu.memory_space<hbm>> -> memref<80xi32, #tpu.memory_space<hbm>>
    tpu.wait_dma2 semaphore(%dma_wait3A_80 : memref<!tpu.dma_semaphore, #tpu.memory_space<semaphore_mem>>) src(%dma_wait3A_86 : memref<80xi32, #tpu.memory_space<hbm>>) dst(%dma_wait3A_83 : memref<80xi32, #tpu.memory_space<vmem>>)
    %dma_wait3A_87 = arith.constant 1 : i32
    %dma_wait3A_88 = arith.constant 0 : i32
    %dma_wait3A_89 = arith.constant 0 : i32
    %dma_wait3A_90 = arith.constant 0 : i32
    %dma_wait3A_91 = tpu.memref_slice %arg10[%dma_wait3A_88, %dma_wait3A_90] : memref<3x80xi32, #tpu.memory_space<vmem>> -> memref<1x80xi32, #tpu.memory_space<vmem>>
    %dma_wait3A_92 = tpu.memref_squeeze %dma_wait3A_91 : memref<1x80xi32, #tpu.memory_space<vmem>> -> memref<80xi32, #tpu.memory_space<vmem>>
    %dma_wait3A_93 = arith.constant 0 : i32
    %dma_wait3A_94 = tpu.memref_slice %arg3[%dma_wait3A_87, %dma_wait3A_93] : memref<2x320000xi32, #tpu.memory_space<hbm>> -> memref<1x80xi32, #tpu.memory_space<hbm>>
    %dma_wait3A_95 = tpu.memref_squeeze %dma_wait3A_94 : memref<1x80xi32, #tpu.memory_space<hbm>> -> memref<80xi32, #tpu.memory_space<hbm>>
    %dma_wait3A_96 = tpu.memref_slice %arg12[%dma_wait3A_89] : memref<3x!tpu.dma_semaphore, #tpu.memory_space<semaphore_mem>> -> memref<1x!tpu.dma_semaphore, #tpu.memory_space<semaphore_mem>>
    %dma_wait3A_97 = tpu.memref_squeeze %dma_wait3A_96 : memref<1x!tpu.dma_semaphore, #tpu.memory_space<semaphore_mem>> -> memref<!tpu.dma_semaphore, #tpu.memory_space<semaphore_mem>>
    %dma_wait3A_98 = arith.constant 0 : i32
    %dma_wait3A_99 = tpu.memref_slice %arg10[%dma_wait3A_88, %dma_wait3A_98] : memref<3x80xi32, #tpu.memory_space<vmem>> -> memref<1x80xi32, #tpu.memory_space<vmem>>
    %dma_wait3A_100 = tpu.memref_squeeze %dma_wait3A_99 : memref<1x80xi32, #tpu.memory_space<vmem>> -> memref<80xi32, #tpu.memory_space<vmem>>
    %dma_wait3A_101 = arith.constant 0 : i32
    %dma_wait3A_102 = tpu.memref_slice %arg3[%dma_wait3A_87, %dma_wait3A_101] : memref<2x320000xi32, #tpu.memory_space<hbm>> -> memref<1x80xi32, #tpu.memory_space<hbm>>
    %dma_wait3A_103 = tpu.memref_squeeze %dma_wait3A_102 : memref<1x80xi32, #tpu.memory_space<hbm>> -> memref<80xi32, #tpu.memory_space<hbm>>
    tpu.wait_dma2 semaphore(%dma_wait3A_97 : memref<!tpu.dma_semaphore, #tpu.memory_space<semaphore_mem>>) src(%dma_wait3A_103 : memref<80xi32, #tpu.memory_space<hbm>>) dst(%dma_wait3A_100 : memref<80xi32, #tpu.memory_space<vmem>>)
    %dma_start3A_104 = arith.constant 0 : i32
    %dma_start3A_105 = arith.constant 0 : i32
    %dma_start3A_106 = arith.constant 0 : i32
    %dma_start3A_107 = arith.constant 0 : i32
    %dma_start3A_108 = arith.constant 0 : i32
    %dma_start3A_109 = tpu.memref_slice %arg11[%dma_start3A_105, %dma_start3A_107, %dma_start3A_108] : memref<3x80x128xf32, #tpu.memory_space<vmem>> -> memref<1x80x128xf32, #tpu.memory_space<vmem>>
    %dma_start3A_110 = tpu.memref_squeeze %dma_start3A_109 : memref<1x80x128xf32, #tpu.memory_space<vmem>> -> memref<80x128xf32, #tpu.memory_space<vmem>>
    %dma_start3A_111 = arith.constant 0 : i32
    %dma_start3A_112 = tpu.memref_slice %arg9[%dma_start3A_104, %dma_start3A_111] : memref<3x80xi32, #tpu.memory_space<vmem>> -> memref<1x80xi32, #tpu.memory_space<vmem>>
    %dma_start3A_113 = tpu.memref_squeeze %dma_start3A_112 : memref<1x80xi32, #tpu.memory_space<vmem>> -> memref<80xi32, #tpu.memory_space<vmem>>
    %dma_start3A_114 = arith.constant 0 : i32
    %dma_start3A_115 = arith.constant 0 : i32
    %dma_start3A_116 = tpu.memref_slice %arg2[%dma_start3A_114, %dma_start3A_115] : memref<10000x128xf32, #tpu.memory_space<hbm>> -> memref<10000x128xf32, #tpu.memory_space<hbm>>
    %dma_start3A_117 = tpu.memref_slice %arg13[%dma_start3A_106] : memref<3x!tpu.dma_semaphore, #tpu.memory_space<semaphore_mem>> -> memref<1x!tpu.dma_semaphore, #tpu.memory_space<semaphore_mem>>
    %dma_start3A_118 = tpu.memref_squeeze %dma_start3A_117 : memref<1x!tpu.dma_semaphore, #tpu.memory_space<semaphore_mem>> -> memref<!tpu.dma_semaphore, #tpu.memory_space<semaphore_mem>>
    tpu.enqueue_indirect_dma source(%dma_start3A_116 : memref<10000x128xf32, #tpu.memory_space<hbm>>) target(%dma_start3A_110 : memref<80x128xf32, #tpu.memory_space<vmem>>) offsets(%dma_start3A_113 : memref<80xi32, #tpu.memory_space<vmem>>) semaphore(%dma_start3A_118 : memref<!tpu.dma_semaphore, #tpu.memory_space<semaphore_mem>>)
    %scan3A = arith.constant 0 : i32
    %scan3A_119 = arith.constant 0 : i32
    %scan3A_120 = arith.constant 125 : i32
    %scan3A_121 = arith.addi %scan3A_119, %scan3A_120 : i32
    %scan3A_122 = arith.constant 1 : i32
    scf.for %scan3A_194 = %scan3A_119 to %scan3A_121 step %scan3A_122  : i32 {
      %rem3A = arith.constant 3 : i32
      %rem3A_195 = arith.remsi %scan3A_194, %rem3A : i32
      %add3A_196 = arith.constant 1 : i32
      %add3A_197 = arith.addi %scan3A_194, %add3A_196 : i32
      %rem3A_198 = arith.constant 3 : i32
      %rem3A_199 = arith.remsi %add3A_197, %rem3A_198 : i32
      %add3A_200 = arith.constant 2 : i32
      %add3A_201 = arith.addi %scan3A_194, %add3A_200 : i32
      %rem3A_202 = arith.constant 3 : i32
      %rem3A_203 = arith.remsi %add3A_201, %rem3A_202 : i32
      %ge3A = arith.constant 1 : i32
      %ge3A_204 = arith.cmpi sge, %scan3A_194, %ge3A : i32
      %convert_element_type3A_205 = arith.extui %ge3A_204 : i1 to i32
      %cond3A_206 = arith.constant 0 : i32
      %cond3A_207 = arith.cmpi ne, %convert_element_type3A_205, %cond3A_206 : i32
      scf.if %cond3A_207 {
        %dma_wait3A_331 = arith.constant 0 : i32
        %dma_wait3A_332 = arith.constant 0 : i32
        %dma_wait3A_333 = tpu.memref_slice %arg11[%rem3A_203, %dma_wait3A_331, %dma_wait3A_332] : memref<3x80x128xf32, #tpu.memory_space<vmem>> -> memref<1x80x128xf32, #tpu.memory_space<vmem>>
        %dma_wait3A_334 = tpu.memref_squeeze %dma_wait3A_333 : memref<1x80x128xf32, #tpu.memory_space<vmem>> -> memref<80x128xf32, #tpu.memory_space<vmem>>
        %dma_wait3A_335 = arith.constant 0 : i32
        %dma_wait3A_336 = tpu.memref_slice %arg10[%rem3A_203, %dma_wait3A_335] : memref<3x80xi32, #tpu.memory_space<vmem>> -> memref<1x80xi32, #tpu.memory_space<vmem>>
        %dma_wait3A_337 = tpu.memref_squeeze %dma_wait3A_336 : memref<1x80xi32, #tpu.memory_space<vmem>> -> memref<80xi32, #tpu.memory_space<vmem>>
        %dma_wait3A_338 = arith.constant 0 : i32
        %dma_wait3A_339 = arith.constant 0 : i32
        %dma_wait3A_340 = tpu.memref_slice %arg8[%dma_wait3A_338, %dma_wait3A_339] : memref<10000x128xf32, #tpu.memory_space<vmem_shared>> -> memref<10000x128xf32, #tpu.memory_space<vmem_shared>>
        %dma_wait3A_341 = tpu.memref_slice %arg14[%rem3A_203] : memref<3x!tpu.dma_semaphore, #tpu.memory_space<semaphore_mem>> -> memref<1x!tpu.dma_semaphore, #tpu.memory_space<semaphore_mem>>
        %dma_wait3A_342 = tpu.memref_squeeze %dma_wait3A_341 : memref<1x!tpu.dma_semaphore, #tpu.memory_space<semaphore_mem>> -> memref<!tpu.dma_semaphore, #tpu.memory_space<semaphore_mem>>
        tpu.wait_indirect_dma semaphore(%dma_wait3A_342 : memref<!tpu.dma_semaphore, #tpu.memory_space<semaphore_mem>>) src(%dma_wait3A_334 : memref<80x128xf32, #tpu.memory_space<vmem>>) dst(%dma_wait3A_340 : memref<10000x128xf32, #tpu.memory_space<vmem_shared>>)
      } else {
      }
      %add3A_208 = arith.constant 2 : i32
      %add3A_209 = arith.addi %scan3A_194, %add3A_208 : i32
      %rem3A_210 = arith.constant 125 : i32
      %rem3A_211 = arith.remsi %add3A_209, %rem3A_210 : i32
      %mul3A_212 = arith.constant 80 : i32
      %mul3A_213 = arith.muli %rem3A_211, %mul3A_212 : i32
      %add3A_214 = arith.addi %mul3A_6, %mul3A_213 : i32
      %dma_start3A_215 = arith.constant 0 : i32
      %dma_start3A_216 = arith.constant 0 : i32
      %dma_start3A_217 = tpu.memref_slice %arg9[%rem3A_203, %dma_start3A_216] : memref<3x80xi32, #tpu.memory_space<vmem>> -> memref<1x80xi32, #tpu.memory_space<vmem>>
      %dma_start3A_218 = tpu.memref_squeeze %dma_start3A_217 : memref<1x80xi32, #tpu.memory_space<vmem>> -> memref<80xi32, #tpu.memory_space<vmem>>
      %dma_start3A_219 = tpu.memref_slice %arg3[%dma_start3A_215, %add3A_214] : memref<2x320000xi32, #tpu.memory_space<hbm>> -> memref<1x80xi32, #tpu.memory_space<hbm>>
      %dma_start3A_220 = tpu.memref_squeeze %dma_start3A_219 : memref<1x80xi32, #tpu.memory_space<hbm>> -> memref<80xi32, #tpu.memory_space<hbm>>
      %dma_start3A_221 = tpu.memref_slice %arg12[%rem3A_203] : memref<3x!tpu.dma_semaphore, #tpu.memory_space<semaphore_mem>> -> memref<1x!tpu.dma_semaphore, #tpu.memory_space<semaphore_mem>>
      %dma_start3A_222 = tpu.memref_squeeze %dma_start3A_221 : memref<1x!tpu.dma_semaphore, #tpu.memory_space<semaphore_mem>> -> memref<!tpu.dma_semaphore, #tpu.memory_space<semaphore_mem>>
      %dma_start3A_223 = arith.constant 0 : i32
      %dma_start3A_224 = tpu.memref_slice %arg9[%rem3A_203, %dma_start3A_223] : memref<3x80xi32, #tpu.memory_space<vmem>> -> memref<1x80xi32, #tpu.memory_space<vmem>>
      %dma_start3A_225 = tpu.memref_squeeze %dma_start3A_224 : memref<1x80xi32, #tpu.memory_space<vmem>> -> memref<80xi32, #tpu.memory_space<vmem>>
      %dma_start3A_226 = tpu.memref_slice %arg3[%dma_start3A_215, %add3A_214] : memref<2x320000xi32, #tpu.memory_space<hbm>> -> memref<1x80xi32, #tpu.memory_space<hbm>>
      %dma_start3A_227 = tpu.memref_squeeze %dma_start3A_226 : memref<1x80xi32, #tpu.memory_space<hbm>> -> memref<80xi32, #tpu.memory_space<hbm>>
      tpu.enqueue_dma source(%dma_start3A_227 : memref<80xi32, #tpu.memory_space<hbm>>) target(%dma_start3A_225 : memref<80xi32, #tpu.memory_space<vmem>>) target_semaphore(%dma_start3A_222 : memref<!tpu.dma_semaphore, #tpu.memory_space<semaphore_mem>>)
      %dma_start3A_228 = arith.constant 1 : i32
      %dma_start3A_229 = arith.constant 0 : i32
      %dma_start3A_230 = tpu.memref_slice %arg10[%rem3A_203, %dma_start3A_229] : memref<3x80xi32, #tpu.memory_space<vmem>> -> memref<1x80xi32, #tpu.memory_space<vmem>>
      %dma_start3A_231 = tpu.memref_squeeze %dma_start3A_230 : memref<1x80xi32, #tpu.memory_space<vmem>> -> memref<80xi32, #tpu.memory_space<vmem>>
      %dma_start3A_232 = tpu.memref_slice %arg3[%dma_start3A_228, %add3A_214] : memref<2x320000xi32, #tpu.memory_space<hbm>> -> memref<1x80xi32, #tpu.memory_space<hbm>>
      %dma_start3A_233 = tpu.memref_squeeze %dma_start3A_232 : memref<1x80xi32, #tpu.memory_space<hbm>> -> memref<80xi32, #tpu.memory_space<hbm>>
      %dma_start3A_234 = tpu.memref_slice %arg12[%rem3A_203] : memref<3x!tpu.dma_semaphore, #tpu.memory_space<semaphore_mem>> -> memref<1x!tpu.dma_semaphore, #tpu.memory_space<semaphore_mem>>
      %dma_start3A_235 = tpu.memref_squeeze %dma_start3A_234 : memref<1x!tpu.dma_semaphore, #tpu.memory_space<semaphore_mem>> -> memref<!tpu.dma_semaphore, #tpu.memory_space<semaphore_mem>>
      %dma_start3A_236 = arith.constant 0 : i32
      %dma_start3A_237 = tpu.memref_slice %arg10[%rem3A_203, %dma_start3A_236] : memref<3x80xi32, #tpu.memory_space<vmem>> -> memref<1x80xi32, #tpu.memory_space<vmem>>
      %dma_start3A_238 = tpu.memref_squeeze %dma_start3A_237 : memref<1x80xi32, #tpu.memory_space<vmem>> -> memref<80xi32, #tpu.memory_space<vmem>>
      %dma_start3A_239 = tpu.memref_slice %arg3[%dma_start3A_228, %add3A_214] : memref<2x320000xi32, #tpu.memory_space<hbm>> -> memref<1x80xi32, #tpu.memory_space<hbm>>
      %dma_start3A_240 = tpu.memref_squeeze %dma_start3A_239 : memref<1x80xi32, #tpu.memory_space<hbm>> -> memref<80xi32, #tpu.memory_space<hbm>>
      tpu.enqueue_dma source(%dma_start3A_240 : memref<80xi32, #tpu.memory_space<hbm>>) target(%dma_start3A_238 : memref<80xi32, #tpu.memory_space<vmem>>) target_semaphore(%dma_start3A_235 : memref<!tpu.dma_semaphore, #tpu.memory_space<semaphore_mem>>)
      %dma_wait3A_241 = arith.constant 0 : i32
      %dma_wait3A_242 = arith.constant 0 : i32
      %dma_wait3A_243 = tpu.memref_slice %arg9[%rem3A_199, %dma_wait3A_242] : memref<3x80xi32, #tpu.memory_space<vmem>> -> memref<1x80xi32, #tpu.memory_space<vmem>>
      %dma_wait3A_244 = tpu.memref_squeeze %dma_wait3A_243 : memref<1x80xi32, #tpu.memory_space<vmem>> -> memref<80xi32, #tpu.memory_space<vmem>>
      %dma_wait3A_245 = arith.constant 0 : i32
      %dma_wait3A_246 = tpu.memref_slice %arg3[%dma_wait3A_241, %dma_wait3A_245] : memref<2x320000xi32, #tpu.memory_space<hbm>> -> memref<1x80xi32, #tpu.memory_space<hbm>>
      %dma_wait3A_247 = tpu.memref_squeeze %dma_wait3A_246 : memref<1x80xi32, #tpu.memory_space<hbm>> -> memref<80xi32, #tpu.memory_space<hbm>>
      %dma_wait3A_248 = tpu.memref_slice %arg12[%rem3A_199] : memref<3x!tpu.dma_semaphore, #tpu.memory_space<semaphore_mem>> -> memref<1x!tpu.dma_semaphore, #tpu.memory_space<semaphore_mem>>
      %dma_wait3A_249 = tpu.memref_squeeze %dma_wait3A_248 : memref<1x!tpu.dma_semaphore, #tpu.memory_space<semaphore_mem>> -> memref<!tpu.dma_semaphore, #tpu.memory_space<semaphore_mem>>
      %dma_wait3A_250 = arith.constant 0 : i32
      %dma_wait3A_251 = tpu.memref_slice %arg9[%rem3A_199, %dma_wait3A_250] : memref<3x80xi32, #tpu.memory_space<vmem>> -> memref<1x80xi32, #tpu.memory_space<vmem>>
      %dma_wait3A_252 = tpu.memref_squeeze %dma_wait3A_251 : memref<1x80xi32, #tpu.memory_space<vmem>> -> memref<80xi32, #tpu.memory_space<vmem>>
      %dma_wait3A_253 = arith.constant 0 : i32
      %dma_wait3A_254 = tpu.memref_slice %arg3[%dma_wait3A_241, %dma_wait3A_253] : memref<2x320000xi32, #tpu.memory_space<hbm>> -> memref<1x80xi32, #tpu.memory_space<hbm>>
      %dma_wait3A_255 = tpu.memref_squeeze %dma_wait3A_254 : memref<1x80xi32, #tpu.memory_space<hbm>> -> memref<80xi32, #tpu.memory_space<hbm>>
      tpu.wait_dma2 semaphore(%dma_wait3A_249 : memref<!tpu.dma_semaphore, #tpu.memory_space<semaphore_mem>>) src(%dma_wait3A_255 : memref<80xi32, #tpu.memory_space<hbm>>) dst(%dma_wait3A_252 : memref<80xi32, #tpu.memory_space<vmem>>)
      %dma_wait3A_256 = arith.constant 1 : i32
      %dma_wait3A_257 = arith.constant 0 : i32
      %dma_wait3A_258 = tpu.memref_slice %arg10[%rem3A_199, %dma_wait3A_257] : memref<3x80xi32, #tpu.memory_space<vmem>> -> memref<1x80xi32, #tpu.memory_space<vmem>>
      %dma_wait3A_259 = tpu.memref_squeeze %dma_wait3A_258 : memref<1x80xi32, #tpu.memory_space<vmem>> -> memref<80xi32, #tpu.memory_space<vmem>>
      %dma_wait3A_260 = arith.constant 0 : i32
      %dma_wait3A_261 = tpu.memref_slice %arg3[%dma_wait3A_256, %dma_wait3A_260] : memref<2x320000xi32, #tpu.memory_space<hbm>> -> memref<1x80xi32, #tpu.memory_space<hbm>>
      %dma_wait3A_262 = tpu.memref_squeeze %dma_wait3A_261 : memref<1x80xi32, #tpu.memory_space<hbm>> -> memref<80xi32, #tpu.memory_space<hbm>>
      %dma_wait3A_263 = tpu.memref_slice %arg12[%rem3A_199] : memref<3x!tpu.dma_semaphore, #tpu.memory_space<semaphore_mem>> -> memref<1x!tpu.dma_semaphore, #tpu.memory_space<semaphore_mem>>
      %dma_wait3A_264 = tpu.memref_squeeze %dma_wait3A_263 : memref<1x!tpu.dma_semaphore, #tpu.memory_space<semaphore_mem>> -> memref<!tpu.dma_semaphore, #tpu.memory_space<semaphore_mem>>
      %dma_wait3A_265 = arith.constant 0 : i32
      %dma_wait3A_266 = tpu.memref_slice %arg10[%rem3A_199, %dma_wait3A_265] : memref<3x80xi32, #tpu.memory_space<vmem>> -> memref<1x80xi32, #tpu.memory_space<vmem>>
      %dma_wait3A_267 = tpu.memref_squeeze %dma_wait3A_266 : memref<1x80xi32, #tpu.memory_space<vmem>> -> memref<80xi32, #tpu.memory_space<vmem>>
      %dma_wait3A_268 = arith.constant 0 : i32
      %dma_wait3A_269 = tpu.memref_slice %arg3[%dma_wait3A_256, %dma_wait3A_268] : memref<2x320000xi32, #tpu.memory_space<hbm>> -> memref<1x80xi32, #tpu.memory_space<hbm>>
      %dma_wait3A_270 = tpu.memref_squeeze %dma_wait3A_269 : memref<1x80xi32, #tpu.memory_space<hbm>> -> memref<80xi32, #tpu.memory_space<hbm>>
      tpu.wait_dma2 semaphore(%dma_wait3A_264 : memref<!tpu.dma_semaphore, #tpu.memory_space<semaphore_mem>>) src(%dma_wait3A_270 : memref<80xi32, #tpu.memory_space<hbm>>) dst(%dma_wait3A_267 : memref<80xi32, #tpu.memory_space<vmem>>)
      %dma_start3A_271 = arith.constant 0 : i32
      %dma_start3A_272 = arith.constant 0 : i32
      %dma_start3A_273 = tpu.memref_slice %arg11[%rem3A_199, %dma_start3A_271, %dma_start3A_272] : memref<3x80x128xf32, #tpu.memory_space<vmem>> -> memref<1x80x128xf32, #tpu.memory_space<vmem>>
      %dma_start3A_274 = tpu.memref_squeeze %dma_start3A_273 : memref<1x80x128xf32, #tpu.memory_space<vmem>> -> memref<80x128xf32, #tpu.memory_space<vmem>>
      %dma_start3A_275 = arith.constant 0 : i32
      %dma_start3A_276 = tpu.memref_slice %arg9[%rem3A_199, %dma_start3A_275] : memref<3x80xi32, #tpu.memory_space<vmem>> -> memref<1x80xi32, #tpu.memory_space<vmem>>
      %dma_start3A_277 = tpu.memref_squeeze %dma_start3A_276 : memref<1x80xi32, #tpu.memory_space<vmem>> -> memref<80xi32, #tpu.memory_space<vmem>>
      %dma_start3A_278 = arith.constant 0 : i32
      %dma_start3A_279 = arith.constant 0 : i32
      %dma_start3A_280 = tpu.memref_slice %arg2[%dma_start3A_278, %dma_start3A_279] : memref<10000x128xf32, #tpu.memory_space<hbm>> -> memref<10000x128xf32, #tpu.memory_space<hbm>>
      %dma_start3A_281 = tpu.memref_slice %arg13[%rem3A_199] : memref<3x!tpu.dma_semaphore, #tpu.memory_space<semaphore_mem>> -> memref<1x!tpu.dma_semaphore, #tpu.memory_space<semaphore_mem>>
      %dma_start3A_282 = tpu.memref_squeeze %dma_start3A_281 : memref<1x!tpu.dma_semaphore, #tpu.memory_space<semaphore_mem>> -> memref<!tpu.dma_semaphore, #tpu.memory_space<semaphore_mem>>
      tpu.enqueue_indirect_dma source(%dma_start3A_280 : memref<10000x128xf32, #tpu.memory_space<hbm>>) target(%dma_start3A_274 : memref<80x128xf32, #tpu.memory_space<vmem>>) offsets(%dma_start3A_277 : memref<80xi32, #tpu.memory_space<vmem>>) semaphore(%dma_start3A_282 : memref<!tpu.dma_semaphore, #tpu.memory_space<semaphore_mem>>)
      %dma_wait3A_283 = arith.constant 0 : i32
      %dma_wait3A_284 = arith.constant 0 : i32
      %dma_wait3A_285 = tpu.memref_slice %arg11[%rem3A_195, %dma_wait3A_283, %dma_wait3A_284] : memref<3x80x128xf32, #tpu.memory_space<vmem>> -> memref<1x80x128xf32, #tpu.memory_space<vmem>>
      %dma_wait3A_286 = tpu.memref_squeeze %dma_wait3A_285 : memref<1x80x128xf32, #tpu.memory_space<vmem>> -> memref<80x128xf32, #tpu.memory_space<vmem>>
      %dma_wait3A_287 = arith.constant 0 : i32
      %dma_wait3A_288 = tpu.memref_slice %arg9[%rem3A_195, %dma_wait3A_287] : memref<3x80xi32, #tpu.memory_space<vmem>> -> memref<1x80xi32, #tpu.memory_space<vmem>>
      %dma_wait3A_289 = tpu.memref_squeeze %dma_wait3A_288 : memref<1x80xi32, #tpu.memory_space<vmem>> -> memref<80xi32, #tpu.memory_space<vmem>>
      %dma_wait3A_290 = arith.constant 0 : i32
      %dma_wait3A_291 = arith.constant 0 : i32
      %dma_wait3A_292 = tpu.memref_slice %arg2[%dma_wait3A_290, %dma_wait3A_291] : memref<10000x128xf32, #tpu.memory_space<hbm>> -> memref<10000x128xf32, #tpu.memory_space<hbm>>
      %dma_wait3A_293 = tpu.memref_slice %arg13[%rem3A_195] : memref<3x!tpu.dma_semaphore, #tpu.memory_space<semaphore_mem>> -> memref<1x!tpu.dma_semaphore, #tpu.memory_space<semaphore_mem>>
      %dma_wait3A_294 = tpu.memref_squeeze %dma_wait3A_293 : memref<1x!tpu.dma_semaphore, #tpu.memory_space<semaphore_mem>> -> memref<!tpu.dma_semaphore, #tpu.memory_space<semaphore_mem>>
      tpu.wait_indirect_dma semaphore(%dma_wait3A_294 : memref<!tpu.dma_semaphore, #tpu.memory_space<semaphore_mem>>) src(%dma_wait3A_292 : memref<10000x128xf32, #tpu.memory_space<hbm>>) dst(%dma_wait3A_286 : memref<80x128xf32, #tpu.memory_space<vmem>>)
      %dma_start3A_295 = arith.constant 0 : i32
      %dma_start3A_296 = arith.constant 0 : i32
      %dma_start3A_297 = tpu.memref_slice %arg11[%rem3A_195, %dma_start3A_295, %dma_start3A_296] : memref<3x80x128xf32, #tpu.memory_space<vmem>> -> memref<1x80x128xf32, #tpu.memory_space<vmem>>
      %dma_start3A_298 = tpu.memref_squeeze %dma_start3A_297 : memref<1x80x128xf32, #tpu.memory_space<vmem>> -> memref<80x128xf32, #tpu.memory_space<vmem>>
      %dma_start3A_299 = arith.constant 0 : i32
      %dma_start3A_300 = tpu.memref_slice %arg10[%rem3A_195, %dma_start3A_299] : memref<3x80xi32, #tpu.memory_space<vmem>> -> memref<1x80xi32, #tpu.memory_space<vmem>>
      %dma_start3A_301 = tpu.memref_squeeze %dma_start3A_300 : memref<1x80xi32, #tpu.memory_space<vmem>> -> memref<80xi32, #tpu.memory_space<vmem>>
      %dma_start3A_302 = arith.constant 0 : i32
      %dma_start3A_303 = arith.constant 0 : i32
      %dma_start3A_304 = tpu.memref_slice %arg8[%dma_start3A_302, %dma_start3A_303] : memref<10000x128xf32, #tpu.memory_space<vmem_shared>> -> memref<10000x128xf32, #tpu.memory_space<vmem_shared>>
      %dma_start3A_305 = tpu.memref_slice %arg14[%rem3A_195] : memref<3x!tpu.dma_semaphore, #tpu.memory_space<semaphore_mem>> -> memref<1x!tpu.dma_semaphore, #tpu.memory_space<semaphore_mem>>
      %dma_start3A_306 = tpu.memref_squeeze %dma_start3A_305 : memref<1x!tpu.dma_semaphore, #tpu.memory_space<semaphore_mem>> -> memref<!tpu.dma_semaphore, #tpu.memory_space<semaphore_mem>>
      tpu.enqueue_indirect_dma source(%dma_start3A_298 : memref<80x128xf32, #tpu.memory_space<vmem>>) target(%dma_start3A_304 : memref<10000x128xf32, #tpu.memory_space<vmem_shared>>) offsets(%dma_start3A_301 : memref<80xi32, #tpu.memory_space<vmem>>) semaphore(%dma_start3A_306 : memref<!tpu.dma_semaphore, #tpu.memory_space<semaphore_mem>>) {add = true}
      %get3A = arith.constant 0 : i32
      %get3A_307 = tpu.memref_slice %arg10[%rem3A_195, %get3A] : memref<3x80xi32, #tpu.memory_space<vmem>> -> memref<1x80xi32, #tpu.memory_space<vmem>>
      %get3A_308 = tpu.memref_squeeze %get3A_307 : memref<1x80xi32, #tpu.memory_space<vmem>> -> memref<80xi32, #tpu.memory_space<vmem>>
      %get3A_309 = arith.constant 0 : index
      %get3A_310 = tpu.vector_load %get3A_308[%get3A_309] {strides = array<i32>} : memref<80xi32, #tpu.memory_space<vmem>>, vector<16xi32>,
      tpu.vector_store_idx %arg15[%get3A_310], %broadcast_in_dim3A_7 {add = true} : memref<10000xf32, #tpu.memory_space<vmem>>[vector<16xi32>], vector<16xf32>,
      %get3A_311 = arith.constant 0 : i32
      %get3A_312 = tpu.memref_slice %arg10[%rem3A_195, %get3A_311] : memref<3x80xi32, #tpu.memory_space<vmem>> -> memref<1x80xi32, #tpu.memory_space<vmem>>
      %get3A_313 = tpu.memref_squeeze %get3A_312 : memref<1x80xi32, #tpu.memory_space<vmem>> -> memref<80xi32, #tpu.memory_space<vmem>>
      %get3A_314 = arith.constant 16 : index
      %get3A_315 = tpu.vector_load %get3A_313[%get3A_314] {strides = array<i32>} : memref<80xi32, #tpu.memory_space<vmem>>, vector<16xi32>,
      tpu.vector_store_idx %arg15[%get3A_315], %broadcast_in_dim3A_7 {add = true} : memref<10000xf32, #tpu.memory_space<vmem>>[vector<16xi32>], vector<16xf32>,
      %get3A_316 = arith.constant 0 : i32
      %get3A_317 = tpu.memref_slice %arg10[%rem3A_195, %get3A_316] : memref<3x80xi32, #tpu.memory_space<vmem>> -> memref<1x80xi32, #tpu.memory_space<vmem>>
      %get3A_318 = tpu.memref_squeeze %get3A_317 : memref<1x80xi32, #tpu.memory_space<vmem>> -> memref<80xi32, #tpu.memory_space<vmem>>
      %get3A_319 = arith.constant 32 : index
      %get3A_320 = tpu.vector_load %get3A_318[%get3A_319] {strides = array<i32>} : memref<80xi32, #tpu.memory_space<vmem>>, vector<16xi32>,
      tpu.vector_store_idx %arg15[%get3A_320], %broadcast_in_dim3A_7 {add = true} : memref<10000xf32, #tpu.memory_space<vmem>>[vector<16xi32>], vector<16xf32>,
      %get3A_321 = arith.constant 0 : i32
      %get3A_322 = tpu.memref_slice %arg10[%rem3A_195, %get3A_321] : memref<3x80xi32, #tpu.memory_space<vmem>> -> memref<1x80xi32, #tpu.memory_space<vmem>>
      %get3A_323 = tpu.memref_squeeze %get3A_322 : memref<1x80xi32, #tpu.memory_space<vmem>> -> memref<80xi32, #tpu.memory_space<vmem>>
      %get3A_324 = arith.constant 48 : index
      %get3A_325 = tpu.vector_load %get3A_323[%get3A_324] {strides = array<i32>} : memref<80xi32, #tpu.memory_space<vmem>>, vector<16xi32>,
      tpu.vector_store_idx %arg15[%get3A_325], %broadcast_in_dim3A_7 {add = true} : memref<10000xf32, #tpu.memory_space<vmem>>[vector<16xi32>], vector<16xf32>,
      %get3A_326 = arith.constant 0 : i32
      %get3A_327 = tpu.memref_slice %arg10[%rem3A_195, %get3A_326] : memref<3x80xi32, #tpu.memory_space<vmem>> -> memref<1x80xi32, #tpu.memory_space<vmem>>
      %get3A_328 = tpu.memref_squeeze %get3A_327 : memref<1x80xi32, #tpu.memory_space<vmem>> -> memref<80xi32, #tpu.memory_space<vmem>>
      %get3A_329 = arith.constant 64 : index
      %get3A_330 = tpu.vector_load %get3A_328[%get3A_329] {strides = array<i32>} : memref<80xi32, #tpu.memory_space<vmem>>, vector<16xi32>,
      tpu.vector_store_idx %arg15[%get3A_330], %broadcast_in_dim3A_7 {add = true} : memref<10000xf32, #tpu.memory_space<vmem>>[vector<16xi32>], vector<16xf32>,
    }
    %scan3A_123 = arith.constant 125 : i32
    %dma_wait3A_124 = arith.constant 1 : i32
    %dma_wait3A_125 = arith.constant 1 : i32
    %dma_wait3A_126 = arith.constant 1 : i32
    %dma_wait3A_127 = arith.constant 0 : i32
    %dma_wait3A_128 = arith.constant 0 : i32
    %dma_wait3A_129 = tpu.memref_slice %arg11[%dma_wait3A_124, %dma_wait3A_127, %dma_wait3A_128] : memref<3x80x128xf32, #tpu.memory_space<vmem>> -> memref<1x80x128xf32, #tpu.memory_space<vmem>>
    %dma_wait3A_130 = tpu.memref_squeeze %dma_wait3A_129 : memref<1x80x128xf32, #tpu.memory_space<vmem>> -> memref<80x128xf32, #tpu.memory_space<vmem>>
    %dma_wait3A_131 = arith.constant 0 : i32
    %dma_wait3A_132 = tpu.memref_slice %arg10[%dma_wait3A_125, %dma_wait3A_131] : memref<3x80xi32, #tpu.memory_space<vmem>> -> memref<1x80xi32, #tpu.memory_space<vmem>>
    %dma_wait3A_133 = tpu.memref_squeeze %dma_wait3A_132 : memref<1x80xi32, #tpu.memory_space<vmem>> -> memref<80xi32, #tpu.memory_space<vmem>>
    %dma_wait3A_134 = arith.constant 0 : i32
    %dma_wait3A_135 = arith.constant 0 : i32
    %dma_wait3A_136 = tpu.memref_slice %arg8[%dma_wait3A_134, %dma_wait3A_135] : memref<10000x128xf32, #tpu.memory_space<vmem_shared>> -> memref<10000x128xf32, #tpu.memory_space<vmem_shared>>
    %dma_wait3A_137 = tpu.memref_slice %arg14[%dma_wait3A_126] : memref<3x!tpu.dma_semaphore, #tpu.memory_space<semaphore_mem>> -> memref<1x!tpu.dma_semaphore, #tpu.memory_space<semaphore_mem>>
    %dma_wait3A_138 = tpu.memref_squeeze %dma_wait3A_137 : memref<1x!tpu.dma_semaphore, #tpu.memory_space<semaphore_mem>> -> memref<!tpu.dma_semaphore, #tpu.memory_space<semaphore_mem>>
    tpu.wait_indirect_dma semaphore(%dma_wait3A_138 : memref<!tpu.dma_semaphore, #tpu.memory_space<semaphore_mem>>) src(%dma_wait3A_130 : memref<80x128xf32, #tpu.memory_space<vmem>>) dst(%dma_wait3A_136 : memref<10000x128xf32, #tpu.memory_space<vmem_shared>>)
    %dma_wait3A_139 = arith.constant 2 : i32
    %dma_wait3A_140 = arith.constant 2 : i32
    %dma_wait3A_141 = arith.constant 2 : i32
    %dma_wait3A_142 = arith.constant 0 : i32
    %dma_wait3A_143 = arith.constant 0 : i32
    %dma_wait3A_144 = tpu.memref_slice %arg11[%dma_wait3A_140, %dma_wait3A_142, %dma_wait3A_143] : memref<3x80x128xf32, #tpu.memory_space<vmem>> -> memref<1x80x128xf32, #tpu.memory_space<vmem>>
    %dma_wait3A_145 = tpu.memref_squeeze %dma_wait3A_144 : memref<1x80x128xf32, #tpu.memory_space<vmem>> -> memref<80x128xf32, #tpu.memory_space<vmem>>
    %dma_wait3A_146 = arith.constant 0 : i32
    %dma_wait3A_147 = tpu.memref_slice %arg9[%dma_wait3A_139, %dma_wait3A_146] : memref<3x80xi32, #tpu.memory_space<vmem>> -> memref<1x80xi32, #tpu.memory_space<vmem>>
    %dma_wait3A_148 = tpu.memref_squeeze %dma_wait3A_147 : memref<1x80xi32, #tpu.memory_space<vmem>> -> memref<80xi32, #tpu.memory_space<vmem>>
    %dma_wait3A_149 = arith.constant 0 : i32
    %dma_wait3A_150 = arith.constant 0 : i32
    %dma_wait3A_151 = tpu.memref_slice %arg2[%dma_wait3A_149, %dma_wait3A_150] : memref<10000x128xf32, #tpu.memory_space<hbm>> -> memref<10000x128xf32, #tpu.memory_space<hbm>>
    %dma_wait3A_152 = tpu.memref_slice %arg13[%dma_wait3A_141] : memref<3x!tpu.dma_semaphore, #tpu.memory_space<semaphore_mem>> -> memref<1x!tpu.dma_semaphore, #tpu.memory_space<semaphore_mem>>
    %dma_wait3A_153 = tpu.memref_squeeze %dma_wait3A_152 : memref<1x!tpu.dma_semaphore, #tpu.memory_space<semaphore_mem>> -> memref<!tpu.dma_semaphore, #tpu.memory_space<semaphore_mem>>
    tpu.wait_indirect_dma semaphore(%dma_wait3A_153 : memref<!tpu.dma_semaphore, #tpu.memory_space<semaphore_mem>>) src(%dma_wait3A_151 : memref<10000x128xf32, #tpu.memory_space<hbm>>) dst(%dma_wait3A_145 : memref<80x128xf32, #tpu.memory_space<vmem>>)
    %dma_wait3A_154 = arith.constant 0 : i32
    %dma_wait3A_155 = arith.constant 0 : i32
    %dma_wait3A_156 = arith.constant 0 : i32
    %dma_wait3A_157 = arith.constant 0 : i32
    %dma_wait3A_158 = tpu.memref_slice %arg9[%dma_wait3A_155, %dma_wait3A_157] : memref<3x80xi32, #tpu.memory_space<vmem>> -> memref<1x80xi32, #tpu.memory_space<vmem>>
    %dma_wait3A_159 = tpu.memref_squeeze %dma_wait3A_158 : memref<1x80xi32, #tpu.memory_space<vmem>> -> memref<80xi32, #tpu.memory_space<vmem>>
    %dma_wait3A_160 = arith.constant 0 : i32
    %dma_wait3A_161 = tpu.memref_slice %arg3[%dma_wait3A_154, %dma_wait3A_160] : memref<2x320000xi32, #tpu.memory_space<hbm>> -> memref<1x80xi32, #tpu.memory_space<hbm>>
    %dma_wait3A_162 = tpu.memref_squeeze %dma_wait3A_161 : memref<1x80xi32, #tpu.memory_space<hbm>> -> memref<80xi32, #tpu.memory_space<hbm>>
    %dma_wait3A_163 = tpu.memref_slice %arg12[%dma_wait3A_156] : memref<3x!tpu.dma_semaphore, #tpu.memory_space<semaphore_mem>> -> memref<1x!tpu.dma_semaphore, #tpu.memory_space<semaphore_mem>>
    %dma_wait3A_164 = tpu.memref_squeeze %dma_wait3A_163 : memref<1x!tpu.dma_semaphore, #tpu.memory_space<semaphore_mem>> -> memref<!tpu.dma_semaphore, #tpu.memory_space<semaphore_mem>>
    %dma_wait3A_165 = arith.constant 0 : i32
    %dma_wait3A_166 = tpu.memref_slice %arg9[%dma_wait3A_155, %dma_wait3A_165] : memref<3x80xi32, #tpu.memory_space<vmem>> -> memref<1x80xi32, #tpu.memory_space<vmem>>
    %dma_wait3A_167 = tpu.memref_squeeze %dma_wait3A_166 : memref<1x80xi32, #tpu.memory_space<vmem>> -> memref<80xi32, #tpu.memory_space<vmem>>
    %dma_wait3A_168 = arith.constant 0 : i32
    %dma_wait3A_169 = tpu.memref_slice %arg3[%dma_wait3A_154, %dma_wait3A_168] : memref<2x320000xi32, #tpu.memory_space<hbm>> -> memref<1x80xi32, #tpu.memory_space<hbm>>
    %dma_wait3A_170 = tpu.memref_squeeze %dma_wait3A_169 : memref<1x80xi32, #tpu.memory_space<hbm>> -> memref<80xi32, #tpu.memory_space<hbm>>
    tpu.wait_dma2 semaphore(%dma_wait3A_164 : memref<!tpu.dma_semaphore, #tpu.memory_space<semaphore_mem>>) src(%dma_wait3A_170 : memref<80xi32, #tpu.memory_space<hbm>>) dst(%dma_wait3A_167 : memref<80xi32, #tpu.memory_space<vmem>>)
    %dma_wait3A_171 = arith.constant 1 : i32
    %dma_wait3A_172 = arith.constant 0 : i32
    %dma_wait3A_173 = arith.constant 0 : i32
    %dma_wait3A_174 = arith.constant 0 : i32
    %dma_wait3A_175 = tpu.memref_slice %arg10[%dma_wait3A_172, %dma_wait3A_174] : memref<3x80xi32, #tpu.memory_space<vmem>> -> memref<1x80xi32, #tpu.memory_space<vmem>>
    %dma_wait3A_176 = tpu.memref_squeeze %dma_wait3A_175 : memref<1x80xi32, #tpu.memory_space<vmem>> -> memref<80xi32, #tpu.memory_space<vmem>>
    %dma_wait3A_177 = arith.constant 0 : i32
    %dma_wait3A_178 = tpu.memref_slice %arg3[%dma_wait3A_171, %dma_wait3A_177] : memref<2x320000xi32, #tpu.memory_space<hbm>> -> memref<1x80xi32, #tpu.memory_space<hbm>>
    %dma_wait3A_179 = tpu.memref_squeeze %dma_wait3A_178 : memref<1x80xi32, #tpu.memory_space<hbm>> -> memref<80xi32, #tpu.memory_space<hbm>>
    %dma_wait3A_180 = tpu.memref_slice %arg12[%dma_wait3A_173] : memref<3x!tpu.dma_semaphore, #tpu.memory_space<semaphore_mem>> -> memref<1x!tpu.dma_semaphore, #tpu.memory_space<semaphore_mem>>
    %dma_wait3A_181 = tpu.memref_squeeze %dma_wait3A_180 : memref<1x!tpu.dma_semaphore, #tpu.memory_space<semaphore_mem>> -> memref<!tpu.dma_semaphore, #tpu.memory_space<semaphore_mem>>
    %dma_wait3A_182 = arith.constant 0 : i32
    %dma_wait3A_183 = tpu.memref_slice %arg10[%dma_wait3A_172, %dma_wait3A_182] : memref<3x80xi32, #tpu.memory_space<vmem>> -> memref<1x80xi32, #tpu.memory_space<vmem>>
    %dma_wait3A_184 = tpu.memref_squeeze %dma_wait3A_183 : memref<1x80xi32, #tpu.memory_space<vmem>> -> memref<80xi32, #tpu.memory_space<vmem>>
    %dma_wait3A_185 = arith.constant 0 : i32
    %dma_wait3A_186 = tpu.memref_slice %arg3[%dma_wait3A_171, %dma_wait3A_185] : memref<2x320000xi32, #tpu.memory_space<hbm>> -> memref<1x80xi32, #tpu.memory_space<hbm>>
    %dma_wait3A_187 = tpu.memref_squeeze %dma_wait3A_186 : memref<1x80xi32, #tpu.memory_space<hbm>> -> memref<80xi32, #tpu.memory_space<hbm>>
    tpu.wait_dma2 semaphore(%dma_wait3A_181 : memref<!tpu.dma_semaphore, #tpu.memory_space<semaphore_mem>>) src(%dma_wait3A_187 : memref<80xi32, #tpu.memory_space<hbm>>) dst(%dma_wait3A_184 : memref<80xi32, #tpu.memory_space<vmem>>)
    %barrier3A_188 = arith.constant 0 : index
    tpu.barrier barrier_id(%barrier3A_188)
    "tpu.region"() ({
      %run_scoped3A = tpu.sem_alloc : memref<!tpu.dma_semaphore, #tpu.memory_space<semaphore_mem>>
      %dma_start3A_194 = arith.constant 0 : i32
      %dma_start3A_195 = tpu.memref_slice %arg6[%arg0, %mul3A_0, %dma_start3A_194] : memref<2x10000x128xf32, #tpu.memory_space<hbm>> -> memref<1x624x128xf32, #tpu.memory_space<hbm>>
      %dma_start3A_196 = tpu.memref_squeeze %dma_start3A_195 : memref<1x624x128xf32, #tpu.memory_space<hbm>> -> memref<624x128xf32, #tpu.memory_space<hbm>>
      %dma_start3A_197 = arith.constant 0 : i32
      %dma_start3A_198 = tpu.memref_slice %arg8[%mul3A_0, %dma_start3A_197] : memref<10000x128xf32, #tpu.memory_space<vmem_shared>> -> memref<624x128xf32, #tpu.memory_space<vmem_shared>>
      tpu.enqueue_dma source(%dma_start3A_198 : memref<624x128xf32, #tpu.memory_space<vmem_shared>>) target(%dma_start3A_196 : memref<624x128xf32, #tpu.memory_space<hbm>>) target_semaphore(%run_scoped3A : memref<!tpu.dma_semaphore, #tpu.memory_space<semaphore_mem>>)
      %dma_wait3A_199 = arith.constant 0 : i32
      %dma_wait3A_200 = tpu.memref_slice %arg6[%arg0, %mul3A_0, %dma_wait3A_199] : memref<2x10000x128xf32, #tpu.memory_space<hbm>> -> memref<1x624x128xf32, #tpu.memory_space<hbm>>
      %dma_wait3A_201 = tpu.memref_squeeze %dma_wait3A_200 : memref<1x624x128xf32, #tpu.memory_space<hbm>> -> memref<624x128xf32, #tpu.memory_space<hbm>>
      %dma_wait3A_202 = arith.constant 0 : i32
      %dma_wait3A_203 = tpu.memref_slice %arg8[%mul3A_0, %dma_wait3A_202] : memref<10000x128xf32, #tpu.memory_space<vmem_shared>> -> memref<624x128xf32, #tpu.memory_space<vmem_shared>>
      tpu.wait_dma2 semaphore(%run_scoped3A : memref<!tpu.dma_semaphore, #tpu.memory_space<semaphore_mem>>) src(%dma_wait3A_203 : memref<624x128xf32, #tpu.memory_space<vmem_shared>>) dst(%dma_wait3A_201 : memref<624x128xf32, #tpu.memory_space<hbm>>)
      tpu.yield
    }) : () -> ()
    %eq3A_189 = arith.constant 15 : i32
    %eq3A_190 = arith.cmpi eq, %arg1, %eq3A_189 : i32
    %convert_element_type3A_191 = arith.extui %eq3A_190 : i1 to i32
    %cond3A_192 = arith.constant 0 : i32
    %cond3A_193 = arith.cmpi ne, %convert_element_type3A_191, %cond3A_192 : i32
    scf.if %cond3A_193 {
      "tpu.region"() ({
        %run_scoped3A = tpu.sem_alloc : memref<!tpu.dma_semaphore, #tpu.memory_space<semaphore_mem>>
        %dma_start3A_194 = arith.constant 9984 : i32
        %dma_start3A_195 = arith.constant 0 : i32
        %dma_start3A_196 = tpu.memref_slice %arg6[%arg0, %dma_start3A_194, %dma_start3A_195] : memref<2x10000x128xf32, #tpu.memory_space<hbm>> -> memref<1x16x128xf32, #tpu.memory_space<hbm>>
        %dma_start3A_197 = tpu.memref_squeeze %dma_start3A_196 : memref<1x16x128xf32, #tpu.memory_space<hbm>> -> memref<16x128xf32, #tpu.memory_space<hbm>>
        %dma_start3A_198 = arith.constant 9984 : i32
        %dma_start3A_199 = arith.constant 0 : i32
        %dma_start3A_200 = tpu.memref_slice %arg8[%dma_start3A_198, %dma_start3A_199] : memref<10000x128xf32, #tpu.memory_space<vmem_shared>> -> memref<16x128xf32, #tpu.memory_space<vmem_shared>>
        tpu.enqueue_dma source(%dma_start3A_200 : memref<16x128xf32, #tpu.memory_space<vmem_shared>>) target(%dma_start3A_197 : memref<16x128xf32, #tpu.memory_space<hbm>>) target_semaphore(%run_scoped3A : memref<!tpu.dma_semaphore, #tpu.memory_space<semaphore_mem>>)
        %dma_wait3A_201 = arith.constant 9984 : i32
        %dma_wait3A_202 = arith.constant 0 : i32
        %dma_wait3A_203 = tpu.memref_slice %arg6[%arg0, %dma_wait3A_201, %dma_wait3A_202] : memref<2x10000x128xf32, #tpu.memory_space<hbm>> -> memref<1x16x128xf32, #tpu.memory_space<hbm>>
        %dma_wait3A_204 = tpu.memref_squeeze %dma_wait3A_203 : memref<1x16x128xf32, #tpu.memory_space<hbm>> -> memref<16x128xf32, #tpu.memory_space<hbm>>
        %dma_wait3A_205 = arith.constant 9984 : i32
        %dma_wait3A_206 = arith.constant 0 : i32
        %dma_wait3A_207 = tpu.memref_slice %arg8[%dma_wait3A_205, %dma_wait3A_206] : memref<10000x128xf32, #tpu.memory_space<vmem_shared>> -> memref<16x128xf32, #tpu.memory_space<vmem_shared>>
        tpu.wait_dma2 semaphore(%run_scoped3A : memref<!tpu.dma_semaphore, #tpu.memory_space<semaphore_mem>>) src(%dma_wait3A_207 : memref<16x128xf32, #tpu.memory_space<vmem_shared>>) dst(%dma_wait3A_204 : memref<16x128xf32, #tpu.memory_space<hbm>>)
        tpu.yield
      }) : () -> ()
    } else {
    }
    "tpu.region"() ({
      %run_scoped3A = tpu.sem_alloc : memref<!tpu.dma_semaphore, #tpu.memory_space<semaphore_mem>>
      %dma_start3A_194 = arith.constant 0 : i32
      %dma_start3A_195 = tpu.memref_slice %arg7[%arg0, %arg1, %dma_start3A_194] : memref<2x16x10000xf32, #tpu.memory_space<hbm>> -> memref<1x1x10000xf32, #tpu.memory_space<hbm>>
      %dma_start3A_196 = tpu.memref_squeeze %dma_start3A_195 : memref<1x1x10000xf32, #tpu.memory_space<hbm>> -> memref<10000xf32, #tpu.memory_space<hbm>>
      %dma_start3A_197 = arith.constant 0 : i32
      %dma_start3A_198 = tpu.memref_slice %arg7[%arg0, %arg1, %dma_start3A_197] : memref<2x16x10000xf32, #tpu.memory_space<hbm>> -> memref<1x1x10000xf32, #tpu.memory_space<hbm>>
      %dma_start3A_199 = tpu.memref_squeeze %dma_start3A_198 : memref<1x1x10000xf32, #tpu.memory_space<hbm>> -> memref<10000xf32, #tpu.memory_space<hbm>>
      tpu.enqueue_dma source(%arg15 : memref<10000xf32, #tpu.memory_space<vmem>>) target(%dma_start3A_199 : memref<10000xf32, #tpu.memory_space<hbm>>) target_semaphore(%run_scoped3A : memref<!tpu.dma_semaphore, #tpu.memory_space<semaphore_mem>>)
      %dma_wait3A_200 = arith.constant 0 : i32
      %dma_wait3A_201 = tpu.memref_slice %arg7[%arg0, %arg1, %dma_wait3A_200] : memref<2x16x10000xf32, #tpu.memory_space<hbm>> -> memref<1x1x10000xf32, #tpu.memory_space<hbm>>
      %dma_wait3A_202 = tpu.memref_squeeze %dma_wait3A_201 : memref<1x1x10000xf32, #tpu.memory_space<hbm>> -> memref<10000xf32, #tpu.memory_space<hbm>>
      %dma_wait3A_203 = arith.constant 0 : i32
      %dma_wait3A_204 = tpu.memref_slice %arg7[%arg0, %arg1, %dma_wait3A_203] : memref<2x16x10000xf32, #tpu.memory_space<hbm>> -> memref<1x1x10000xf32, #tpu.memory_space<hbm>>
      %dma_wait3A_205 = tpu.memref_squeeze %dma_wait3A_204 : memref<1x1x10000xf32, #tpu.memory_space<hbm>> -> memref<10000xf32, #tpu.memory_space<hbm>>
      tpu.wait_dma2 semaphore(%run_scoped3A : memref<!tpu.dma_semaphore, #tpu.memory_space<semaphore_mem>>) src(%arg15 : memref<10000xf32, #tpu.memory_space<vmem>>) dst(%dma_wait3A_205 : memref<10000xf32, #tpu.memory_space<hbm>>)
      tpu.yield
    }) : () -> ()
    return
  }
}

#map = affine_map<(d0, d1) -> (0, 0)>
#map1 = affine_map<(d0, d1) -> (0, 0, 0)>
module attributes {stable_mosaic.version = 14 : i64} {
  func.func @k(%arg0: i32, %arg1: i32, %arg2: memref<10000x128xf32, #tpu.memory_space<hbm>>, %arg3: memref<2x320000xi32, #tpu.memory_space<hbm>>, %arg4: memref<624x128xf32, #tpu.memory_space<hbm>>, %arg5: memref<2x10000x128xf32, #tpu.memory_space<hbm>>, %arg6: memref<10000x128xf32, #tpu.memory_space<vmem_shared>>, %arg7: memref<4x80xi32, #tpu.memory_space<vmem>>, %arg8: memref<4x80xi32, #tpu.memory_space<vmem>>, %arg9: memref<4x80x128xf32, #tpu.memory_space<vmem>>, %arg10: memref<4x!tpu.dma_semaphore, #tpu.memory_space<semaphore_mem>>, %arg11: memref<4x!tpu.dma_semaphore, #tpu.memory_space<semaphore_mem>>, %arg12: memref<4x!tpu.dma_semaphore, #tpu.memory_space<semaphore_mem>>) attributes {dimension_semantics = [#tpu.dimension_semantics<core_parallel>, #tpu.dimension_semantics<subcore_parallel>], iteration_bounds = array<i64: 2, 16>, scalar_prefetch = 0 : i64, scratch_operands = 7 : i64, tpu.core_type = #tpu.core_type<sc_vector_subcore>, window_params = [{transform_indices = #map}, {transform_indices = #map}, {transform_indices = #map}, {transform_indices = #map1}]} {
    %mul3A = arith.constant 624 : i32
    %mul3A_0 = arith.muli %arg1, %mul3A : i32
    "tpu.region"() ({
      %run_scoped3A = tpu.sem_alloc : memref<!tpu.dma_semaphore, #tpu.memory_space<semaphore_mem>>
      %dma_start3A_209 = arith.constant 0 : i32
      %dma_start3A_210 = tpu.memref_slice %arg6[%mul3A_0, %dma_start3A_209] : memref<10000x128xf32, #tpu.memory_space<vmem_shared>> -> memref<624x128xf32, #tpu.memory_space<vmem_shared>>
      %dma_start3A_211 = arith.constant 0 : i32
      %dma_start3A_212 = arith.constant 0 : i32
      %dma_start3A_213 = tpu.memref_slice %arg4[%dma_start3A_211, %dma_start3A_212] : memref<624x128xf32, #tpu.memory_space<hbm>> -> memref<624x128xf32, #tpu.memory_space<hbm>>
      tpu.enqueue_dma source(%dma_start3A_213 : memref<624x128xf32, #tpu.memory_space<hbm>>) target(%dma_start3A_210 : memref<624x128xf32, #tpu.memory_space<vmem_shared>>) target_semaphore(%run_scoped3A : memref<!tpu.dma_semaphore, #tpu.memory_space<semaphore_mem>>)
      %dma_wait3A_214 = arith.constant 0 : i32
      %dma_wait3A_215 = tpu.memref_slice %arg6[%mul3A_0, %dma_wait3A_214] : memref<10000x128xf32, #tpu.memory_space<vmem_shared>> -> memref<624x128xf32, #tpu.memory_space<vmem_shared>>
      %dma_wait3A_216 = arith.constant 0 : i32
      %dma_wait3A_217 = arith.constant 0 : i32
      %dma_wait3A_218 = tpu.memref_slice %arg4[%dma_wait3A_216, %dma_wait3A_217] : memref<624x128xf32, #tpu.memory_space<hbm>> -> memref<624x128xf32, #tpu.memory_space<hbm>>
      tpu.wait_dma2 semaphore(%run_scoped3A : memref<!tpu.dma_semaphore, #tpu.memory_space<semaphore_mem>>) src(%dma_wait3A_218 : memref<624x128xf32, #tpu.memory_space<hbm>>) dst(%dma_wait3A_215 : memref<624x128xf32, #tpu.memory_space<vmem_shared>>)
      tpu.yield
    }) : () -> ()
    %eq3A = arith.constant 15 : i32
    %eq3A_1 = arith.cmpi eq, %arg1, %eq3A : i32
    %convert_element_type3A = arith.extui %eq3A_1 : i1 to i32
    %cond3A = arith.constant 0 : i32
    %cond3A_2 = arith.cmpi ne, %convert_element_type3A, %cond3A : i32
    scf.if %cond3A_2 {
      "tpu.region"() ({
        %run_scoped3A = tpu.sem_alloc : memref<!tpu.dma_semaphore, #tpu.memory_space<semaphore_mem>>
        %dma_start3A_209 = arith.constant 9984 : i32
        %dma_start3A_210 = arith.constant 0 : i32
        %dma_start3A_211 = tpu.memref_slice %arg6[%dma_start3A_209, %dma_start3A_210] : memref<10000x128xf32, #tpu.memory_space<vmem_shared>> -> memref<16x128xf32, #tpu.memory_space<vmem_shared>>
        %dma_start3A_212 = arith.constant 0 : i32
        %dma_start3A_213 = arith.constant 0 : i32
        %dma_start3A_214 = tpu.memref_slice %arg4[%dma_start3A_212, %dma_start3A_213] : memref<624x128xf32, #tpu.memory_space<hbm>> -> memref<16x128xf32, #tpu.memory_space<hbm>>
        tpu.enqueue_dma source(%dma_start3A_214 : memref<16x128xf32, #tpu.memory_space<hbm>>) target(%dma_start3A_211 : memref<16x128xf32, #tpu.memory_space<vmem_shared>>) target_semaphore(%run_scoped3A : memref<!tpu.dma_semaphore, #tpu.memory_space<semaphore_mem>>)
        %dma_wait3A_215 = arith.constant 9984 : i32
        %dma_wait3A_216 = arith.constant 0 : i32
        %dma_wait3A_217 = tpu.memref_slice %arg6[%dma_wait3A_215, %dma_wait3A_216] : memref<10000x128xf32, #tpu.memory_space<vmem_shared>> -> memref<16x128xf32, #tpu.memory_space<vmem_shared>>
        %dma_wait3A_218 = arith.constant 0 : i32
        %dma_wait3A_219 = arith.constant 0 : i32
        %dma_wait3A_220 = tpu.memref_slice %arg4[%dma_wait3A_218, %dma_wait3A_219] : memref<624x128xf32, #tpu.memory_space<hbm>> -> memref<16x128xf32, #tpu.memory_space<hbm>>
        tpu.wait_dma2 semaphore(%run_scoped3A : memref<!tpu.dma_semaphore, #tpu.memory_space<semaphore_mem>>) src(%dma_wait3A_220 : memref<16x128xf32, #tpu.memory_space<hbm>>) dst(%dma_wait3A_217 : memref<16x128xf32, #tpu.memory_space<vmem_shared>>)
        tpu.yield
      }) : () -> ()
    } else {
    }
    %barrier3A = arith.constant 0 : index
    tpu.barrier barrier_id(%barrier3A)
    %mul3A_3 = arith.constant 16 : i32
    %mul3A_4 = arith.muli %arg0, %mul3A_3 : i32
    %add3A = arith.addi %mul3A_4, %arg1 : i32
    %mul3A_5 = arith.constant 10000 : i32
    %mul3A_6 = arith.muli %add3A, %mul3A_5 : i32
    %broadcast_in_dim3A = arith.constant 1.000000e+00 : f32
    %broadcast_in_dim3A_7 = vector.broadcast %broadcast_in_dim3A : f32 to vector<16xf32>
    %add3A_8 = arith.constant 0 : i32
    %add3A_9 = arith.addi %mul3A_6, %add3A_8 : i32
    %dma_start3A = arith.constant 0 : i32
    %dma_start3A_10 = arith.constant 0 : i32
    %dma_start3A_11 = arith.constant 0 : i32
    %dma_start3A_12 = arith.constant 0 : i32
    %dma_start3A_13 = tpu.memref_slice %arg7[%dma_start3A_10, %dma_start3A_12] : memref<4x80xi32, #tpu.memory_space<vmem>> -> memref<1x80xi32, #tpu.memory_space<vmem>>
    %dma_start3A_14 = tpu.memref_squeeze %dma_start3A_13 : memref<1x80xi32, #tpu.memory_space<vmem>> -> memref<80xi32, #tpu.memory_space<vmem>>
    %dma_start3A_15 = tpu.memref_slice %arg3[%dma_start3A, %add3A_9] : memref<2x320000xi32, #tpu.memory_space<hbm>> -> memref<1x80xi32, #tpu.memory_space<hbm>>
    %dma_start3A_16 = tpu.memref_squeeze %dma_start3A_15 : memref<1x80xi32, #tpu.memory_space<hbm>> -> memref<80xi32, #tpu.memory_space<hbm>>
    %dma_start3A_17 = tpu.memref_slice %arg10[%dma_start3A_11] : memref<4x!tpu.dma_semaphore, #tpu.memory_space<semaphore_mem>> -> memref<1x!tpu.dma_semaphore, #tpu.memory_space<semaphore_mem>>
    %dma_start3A_18 = tpu.memref_squeeze %dma_start3A_17 : memref<1x!tpu.dma_semaphore, #tpu.memory_space<semaphore_mem>> -> memref<!tpu.dma_semaphore, #tpu.memory_space<semaphore_mem>>
    %dma_start3A_19 = arith.constant 0 : i32
    %dma_start3A_20 = tpu.memref_slice %arg7[%dma_start3A_10, %dma_start3A_19] : memref<4x80xi32, #tpu.memory_space<vmem>> -> memref<1x80xi32, #tpu.memory_space<vmem>>
    %dma_start3A_21 = tpu.memref_squeeze %dma_start3A_20 : memref<1x80xi32, #tpu.memory_space<vmem>> -> memref<80xi32, #tpu.memory_space<vmem>>
    %dma_start3A_22 = tpu.memref_slice %arg3[%dma_start3A, %add3A_9] : memref<2x320000xi32, #tpu.memory_space<hbm>> -> memref<1x80xi32, #tpu.memory_space<hbm>>
    %dma_start3A_23 = tpu.memref_squeeze %dma_start3A_22 : memref<1x80xi32, #tpu.memory_space<hbm>> -> memref<80xi32, #tpu.memory_space<hbm>>
    tpu.enqueue_dma source(%dma_start3A_23 : memref<80xi32, #tpu.memory_space<hbm>>) target(%dma_start3A_21 : memref<80xi32, #tpu.memory_space<vmem>>) target_semaphore(%dma_start3A_18 : memref<!tpu.dma_semaphore, #tpu.memory_space<semaphore_mem>>)
    %dma_start3A_24 = arith.constant 1 : i32
    %dma_start3A_25 = arith.constant 0 : i32
    %dma_start3A_26 = arith.constant 0 : i32
    %dma_start3A_27 = arith.constant 0 : i32
    %dma_start3A_28 = tpu.memref_slice %arg8[%dma_start3A_25, %dma_start3A_27] : memref<4x80xi32, #tpu.memory_space<vmem>> -> memref<1x80xi32, #tpu.memory_space<vmem>>
    %dma_start3A_29 = tpu.memref_squeeze %dma_start3A_28 : memref<1x80xi32, #tpu.memory_space<vmem>> -> memref<80xi32, #tpu.memory_space<vmem>>
    %dma_start3A_30 = tpu.memref_slice %arg3[%dma_start3A_24, %add3A_9] : memref<2x320000xi32, #tpu.memory_space<hbm>> -> memref<1x80xi32, #tpu.memory_space<hbm>>
    %dma_start3A_31 = tpu.memref_squeeze %dma_start3A_30 : memref<1x80xi32, #tpu.memory_space<hbm>> -> memref<80xi32, #tpu.memory_space<hbm>>
    %dma_start3A_32 = tpu.memref_slice %arg10[%dma_start3A_26] : memref<4x!tpu.dma_semaphore, #tpu.memory_space<semaphore_mem>> -> memref<1x!tpu.dma_semaphore, #tpu.memory_space<semaphore_mem>>
    %dma_start3A_33 = tpu.memref_squeeze %dma_start3A_32 : memref<1x!tpu.dma_semaphore, #tpu.memory_space<semaphore_mem>> -> memref<!tpu.dma_semaphore, #tpu.memory_space<semaphore_mem>>
    %dma_start3A_34 = arith.constant 0 : i32
    %dma_start3A_35 = tpu.memref_slice %arg8[%dma_start3A_25, %dma_start3A_34] : memref<4x80xi32, #tpu.memory_space<vmem>> -> memref<1x80xi32, #tpu.memory_space<vmem>>
    %dma_start3A_36 = tpu.memref_squeeze %dma_start3A_35 : memref<1x80xi32, #tpu.memory_space<vmem>> -> memref<80xi32, #tpu.memory_space<vmem>>
    %dma_start3A_37 = tpu.memref_slice %arg3[%dma_start3A_24, %add3A_9] : memref<2x320000xi32, #tpu.memory_space<hbm>> -> memref<1x80xi32, #tpu.memory_space<hbm>>
    %dma_start3A_38 = tpu.memref_squeeze %dma_start3A_37 : memref<1x80xi32, #tpu.memory_space<hbm>> -> memref<80xi32, #tpu.memory_space<hbm>>
    tpu.enqueue_dma source(%dma_start3A_38 : memref<80xi32, #tpu.memory_space<hbm>>) target(%dma_start3A_36 : memref<80xi32, #tpu.memory_space<vmem>>) target_semaphore(%dma_start3A_33 : memref<!tpu.dma_semaphore, #tpu.memory_space<semaphore_mem>>)
    %add3A_39 = arith.constant 80 : i32
    %add3A_40 = arith.addi %mul3A_6, %add3A_39 : i32
    %dma_start3A_41 = arith.constant 0 : i32
    %dma_start3A_42 = arith.constant 1 : i32
    %dma_start3A_43 = arith.constant 1 : i32
    %dma_start3A_44 = arith.constant 0 : i32
    %dma_start3A_45 = tpu.memref_slice %arg7[%dma_start3A_42, %dma_start3A_44] : memref<4x80xi32, #tpu.memory_space<vmem>> -> memref<1x80xi32, #tpu.memory_space<vmem>>
    %dma_start3A_46 = tpu.memref_squeeze %dma_start3A_45 : memref<1x80xi32, #tpu.memory_space<vmem>> -> memref<80xi32, #tpu.memory_space<vmem>>
    %dma_start3A_47 = tpu.memref_slice %arg3[%dma_start3A_41, %add3A_40] : memref<2x320000xi32, #tpu.memory_space<hbm>> -> memref<1x80xi32, #tpu.memory_space<hbm>>
    %dma_start3A_48 = tpu.memref_squeeze %dma_start3A_47 : memref<1x80xi32, #tpu.memory_space<hbm>> -> memref<80xi32, #tpu.memory_space<hbm>>
    %dma_start3A_49 = tpu.memref_slice %arg10[%dma_start3A_43] : memref<4x!tpu.dma_semaphore, #tpu.memory_space<semaphore_mem>> -> memref<1x!tpu.dma_semaphore, #tpu.memory_space<semaphore_mem>>
    %dma_start3A_50 = tpu.memref_squeeze %dma_start3A_49 : memref<1x!tpu.dma_semaphore, #tpu.memory_space<semaphore_mem>> -> memref<!tpu.dma_semaphore, #tpu.memory_space<semaphore_mem>>
    %dma_start3A_51 = arith.constant 0 : i32
    %dma_start3A_52 = tpu.memref_slice %arg7[%dma_start3A_42, %dma_start3A_51] : memref<4x80xi32, #tpu.memory_space<vmem>> -> memref<1x80xi32, #tpu.memory_space<vmem>>
    %dma_start3A_53 = tpu.memref_squeeze %dma_start3A_52 : memref<1x80xi32, #tpu.memory_space<vmem>> -> memref<80xi32, #tpu.memory_space<vmem>>
    %dma_start3A_54 = tpu.memref_slice %arg3[%dma_start3A_41, %add3A_40] : memref<2x320000xi32, #tpu.memory_space<hbm>> -> memref<1x80xi32, #tpu.memory_space<hbm>>
    %dma_start3A_55 = tpu.memref_squeeze %dma_start3A_54 : memref<1x80xi32, #tpu.memory_space<hbm>> -> memref<80xi32, #tpu.memory_space<hbm>>
    tpu.enqueue_dma source(%dma_start3A_55 : memref<80xi32, #tpu.memory_space<hbm>>) target(%dma_start3A_53 : memref<80xi32, #tpu.memory_space<vmem>>) target_semaphore(%dma_start3A_50 : memref<!tpu.dma_semaphore, #tpu.memory_space<semaphore_mem>>)
    %dma_start3A_56 = arith.constant 1 : i32
    %dma_start3A_57 = arith.constant 1 : i32
    %dma_start3A_58 = arith.constant 1 : i32
    %dma_start3A_59 = arith.constant 0 : i32
    %dma_start3A_60 = tpu.memref_slice %arg8[%dma_start3A_57, %dma_start3A_59] : memref<4x80xi32, #tpu.memory_space<vmem>> -> memref<1x80xi32, #tpu.memory_space<vmem>>
    %dma_start3A_61 = tpu.memref_squeeze %dma_start3A_60 : memref<1x80xi32, #tpu.memory_space<vmem>> -> memref<80xi32, #tpu.memory_space<vmem>>
    %dma_start3A_62 = tpu.memref_slice %arg3[%dma_start3A_56, %add3A_40] : memref<2x320000xi32, #tpu.memory_space<hbm>> -> memref<1x80xi32, #tpu.memory_space<hbm>>
    %dma_start3A_63 = tpu.memref_squeeze %dma_start3A_62 : memref<1x80xi32, #tpu.memory_space<hbm>> -> memref<80xi32, #tpu.memory_space<hbm>>
    %dma_start3A_64 = tpu.memref_slice %arg10[%dma_start3A_58] : memref<4x!tpu.dma_semaphore, #tpu.memory_space<semaphore_mem>> -> memref<1x!tpu.dma_semaphore, #tpu.memory_space<semaphore_mem>>
    %dma_start3A_65 = tpu.memref_squeeze %dma_start3A_64 : memref<1x!tpu.dma_semaphore, #tpu.memory_space<semaphore_mem>> -> memref<!tpu.dma_semaphore, #tpu.memory_space<semaphore_mem>>
    %dma_start3A_66 = arith.constant 0 : i32
    %dma_start3A_67 = tpu.memref_slice %arg8[%dma_start3A_57, %dma_start3A_66] : memref<4x80xi32, #tpu.memory_space<vmem>> -> memref<1x80xi32, #tpu.memory_space<vmem>>
    %dma_start3A_68 = tpu.memref_squeeze %dma_start3A_67 : memref<1x80xi32, #tpu.memory_space<vmem>> -> memref<80xi32, #tpu.memory_space<vmem>>
    %dma_start3A_69 = tpu.memref_slice %arg3[%dma_start3A_56, %add3A_40] : memref<2x320000xi32, #tpu.memory_space<hbm>> -> memref<1x80xi32, #tpu.memory_space<hbm>>
    %dma_start3A_70 = tpu.memref_squeeze %dma_start3A_69 : memref<1x80xi32, #tpu.memory_space<hbm>> -> memref<80xi32, #tpu.memory_space<hbm>>
    tpu.enqueue_dma source(%dma_start3A_70 : memref<80xi32, #tpu.memory_space<hbm>>) target(%dma_start3A_68 : memref<80xi32, #tpu.memory_space<vmem>>) target_semaphore(%dma_start3A_65 : memref<!tpu.dma_semaphore, #tpu.memory_space<semaphore_mem>>)
    %dma_wait3A = arith.constant 0 : i32
    %dma_wait3A_71 = arith.constant 0 : i32
    %dma_wait3A_72 = arith.constant 0 : i32
    %dma_wait3A_73 = arith.constant 0 : i32
    %dma_wait3A_74 = tpu.memref_slice %arg7[%dma_wait3A_71, %dma_wait3A_73] : memref<4x80xi32, #tpu.memory_space<vmem>> -> memref<1x80xi32, #tpu.memory_space<vmem>>
    %dma_wait3A_75 = tpu.memref_squeeze %dma_wait3A_74 : memref<1x80xi32, #tpu.memory_space<vmem>> -> memref<80xi32, #tpu.memory_space<vmem>>
    %dma_wait3A_76 = arith.constant 0 : i32
    %dma_wait3A_77 = tpu.memref_slice %arg3[%dma_wait3A, %dma_wait3A_76] : memref<2x320000xi32, #tpu.memory_space<hbm>> -> memref<1x80xi32, #tpu.memory_space<hbm>>
    %dma_wait3A_78 = tpu.memref_squeeze %dma_wait3A_77 : memref<1x80xi32, #tpu.memory_space<hbm>> -> memref<80xi32, #tpu.memory_space<hbm>>
    %dma_wait3A_79 = tpu.memref_slice %arg10[%dma_wait3A_72] : memref<4x!tpu.dma_semaphore, #tpu.memory_space<semaphore_mem>> -> memref<1x!tpu.dma_semaphore, #tpu.memory_space<semaphore_mem>>
    %dma_wait3A_80 = tpu.memref_squeeze %dma_wait3A_79 : memref<1x!tpu.dma_semaphore, #tpu.memory_space<semaphore_mem>> -> memref<!tpu.dma_semaphore, #tpu.memory_space<semaphore_mem>>
    %dma_wait3A_81 = arith.constant 0 : i32
    %dma_wait3A_82 = tpu.memref_slice %arg7[%dma_wait3A_71, %dma_wait3A_81] : memref<4x80xi32, #tpu.memory_space<vmem>> -> memref<1x80xi32, #tpu.memory_space<vmem>>
    %dma_wait3A_83 = tpu.memref_squeeze %dma_wait3A_82 : memref<1x80xi32, #tpu.memory_space<vmem>> -> memref<80xi32, #tpu.memory_space<vmem>>
    %dma_wait3A_84 = arith.constant 0 : i32
    %dma_wait3A_85 = tpu.memref_slice %arg3[%dma_wait3A, %dma_wait3A_84] : memref<2x320000xi32, #tpu.memory_space<hbm>> -> memref<1x80xi32, #tpu.memory_space<hbm>>
    %dma_wait3A_86 = tpu.memref_squeeze %dma_wait3A_85 : memref<1x80xi32, #tpu.memory_space<hbm>> -> memref<80xi32, #tpu.memory_space<hbm>>
    tpu.wait_dma2 semaphore(%dma_wait3A_80 : memref<!tpu.dma_semaphore, #tpu.memory_space<semaphore_mem>>) src(%dma_wait3A_86 : memref<80xi32, #tpu.memory_space<hbm>>) dst(%dma_wait3A_83 : memref<80xi32, #tpu.memory_space<vmem>>)
    %dma_wait3A_87 = arith.constant 1 : i32
    %dma_wait3A_88 = arith.constant 0 : i32
    %dma_wait3A_89 = arith.constant 0 : i32
    %dma_wait3A_90 = arith.constant 0 : i32
    %dma_wait3A_91 = tpu.memref_slice %arg8[%dma_wait3A_88, %dma_wait3A_90] : memref<4x80xi32, #tpu.memory_space<vmem>> -> memref<1x80xi32, #tpu.memory_space<vmem>>
    %dma_wait3A_92 = tpu.memref_squeeze %dma_wait3A_91 : memref<1x80xi32, #tpu.memory_space<vmem>> -> memref<80xi32, #tpu.memory_space<vmem>>
    %dma_wait3A_93 = arith.constant 0 : i32
    %dma_wait3A_94 = tpu.memref_slice %arg3[%dma_wait3A_87, %dma_wait3A_93] : memref<2x320000xi32, #tpu.memory_space<hbm>> -> memref<1x80xi32, #tpu.memory_space<hbm>>
    %dma_wait3A_95 = tpu.memref_squeeze %dma_wait3A_94 : memref<1x80xi32, #tpu.memory_space<hbm>> -> memref<80xi32, #tpu.memory_space<hbm>>
    %dma_wait3A_96 = tpu.memref_slice %arg10[%dma_wait3A_89] : memref<4x!tpu.dma_semaphore, #tpu.memory_space<semaphore_mem>> -> memref<1x!tpu.dma_semaphore, #tpu.memory_space<semaphore_mem>>
    %dma_wait3A_97 = tpu.memref_squeeze %dma_wait3A_96 : memref<1x!tpu.dma_semaphore, #tpu.memory_space<semaphore_mem>> -> memref<!tpu.dma_semaphore, #tpu.memory_space<semaphore_mem>>
    %dma_wait3A_98 = arith.constant 0 : i32
    %dma_wait3A_99 = tpu.memref_slice %arg8[%dma_wait3A_88, %dma_wait3A_98] : memref<4x80xi32, #tpu.memory_space<vmem>> -> memref<1x80xi32, #tpu.memory_space<vmem>>
    %dma_wait3A_100 = tpu.memref_squeeze %dma_wait3A_99 : memref<1x80xi32, #tpu.memory_space<vmem>> -> memref<80xi32, #tpu.memory_space<vmem>>
    %dma_wait3A_101 = arith.constant 0 : i32
    %dma_wait3A_102 = tpu.memref_slice %arg3[%dma_wait3A_87, %dma_wait3A_101] : memref<2x320000xi32, #tpu.memory_space<hbm>> -> memref<1x80xi32, #tpu.memory_space<hbm>>
    %dma_wait3A_103 = tpu.memref_squeeze %dma_wait3A_102 : memref<1x80xi32, #tpu.memory_space<hbm>> -> memref<80xi32, #tpu.memory_space<hbm>>
    tpu.wait_dma2 semaphore(%dma_wait3A_97 : memref<!tpu.dma_semaphore, #tpu.memory_space<semaphore_mem>>) src(%dma_wait3A_103 : memref<80xi32, #tpu.memory_space<hbm>>) dst(%dma_wait3A_100 : memref<80xi32, #tpu.memory_space<vmem>>)
    %dma_start3A_104 = arith.constant 0 : i32
    %dma_start3A_105 = arith.constant 0 : i32
    %dma_start3A_106 = arith.constant 0 : i32
    %dma_start3A_107 = arith.constant 0 : i32
    %dma_start3A_108 = arith.constant 0 : i32
    %dma_start3A_109 = tpu.memref_slice %arg9[%dma_start3A_105, %dma_start3A_107, %dma_start3A_108] : memref<4x80x128xf32, #tpu.memory_space<vmem>> -> memref<1x80x128xf32, #tpu.memory_space<vmem>>
    %dma_start3A_110 = tpu.memref_squeeze %dma_start3A_109 : memref<1x80x128xf32, #tpu.memory_space<vmem>> -> memref<80x128xf32, #tpu.memory_space<vmem>>
    %dma_start3A_111 = arith.constant 0 : i32
    %dma_start3A_112 = tpu.memref_slice %arg7[%dma_start3A_104, %dma_start3A_111] : memref<4x80xi32, #tpu.memory_space<vmem>> -> memref<1x80xi32, #tpu.memory_space<vmem>>
    %dma_start3A_113 = tpu.memref_squeeze %dma_start3A_112 : memref<1x80xi32, #tpu.memory_space<vmem>> -> memref<80xi32, #tpu.memory_space<vmem>>
    %dma_start3A_114 = arith.constant 0 : i32
    %dma_start3A_115 = arith.constant 0 : i32
    %dma_start3A_116 = tpu.memref_slice %arg2[%dma_start3A_114, %dma_start3A_115] : memref<10000x128xf32, #tpu.memory_space<hbm>> -> memref<10000x128xf32, #tpu.memory_space<hbm>>
    %dma_start3A_117 = tpu.memref_slice %arg11[%dma_start3A_106] : memref<4x!tpu.dma_semaphore, #tpu.memory_space<semaphore_mem>> -> memref<1x!tpu.dma_semaphore, #tpu.memory_space<semaphore_mem>>
    %dma_start3A_118 = tpu.memref_squeeze %dma_start3A_117 : memref<1x!tpu.dma_semaphore, #tpu.memory_space<semaphore_mem>> -> memref<!tpu.dma_semaphore, #tpu.memory_space<semaphore_mem>>
    tpu.enqueue_indirect_dma source(%dma_start3A_116 : memref<10000x128xf32, #tpu.memory_space<hbm>>) target(%dma_start3A_110 : memref<80x128xf32, #tpu.memory_space<vmem>>) offsets(%dma_start3A_113 : memref<80xi32, #tpu.memory_space<vmem>>) semaphore(%dma_start3A_118 : memref<!tpu.dma_semaphore, #tpu.memory_space<semaphore_mem>>)
    %scan3A = arith.constant 0 : i32
    %scan3A_119 = arith.constant 0 : i32
    %scan3A_120 = arith.constant 125 : i32
    %scan3A_121 = arith.addi %scan3A_119, %scan3A_120 : i32
    %scan3A_122 = arith.constant 1 : i32
    scf.for %scan3A_209 = %scan3A_119 to %scan3A_121 step %scan3A_122  : i32 {
      %rem3A = arith.constant 4 : i32
      %rem3A_210 = arith.remsi %scan3A_209, %rem3A : i32
      %add3A_211 = arith.constant 1 : i32
      %add3A_212 = arith.addi %scan3A_209, %add3A_211 : i32
      %rem3A_213 = arith.constant 4 : i32
      %rem3A_214 = arith.remsi %add3A_212, %rem3A_213 : i32
      %add3A_215 = arith.constant 2 : i32
      %add3A_216 = arith.addi %scan3A_209, %add3A_215 : i32
      %rem3A_217 = arith.constant 4 : i32
      %rem3A_218 = arith.remsi %add3A_216, %rem3A_217 : i32
      %ge3A = arith.constant 2 : i32
      %ge3A_219 = arith.cmpi sge, %scan3A_209, %ge3A : i32
      %convert_element_type3A_220 = arith.extui %ge3A_219 : i1 to i32
      %cond3A_221 = arith.constant 0 : i32
      %cond3A_222 = arith.cmpi ne, %convert_element_type3A_220, %cond3A_221 : i32
      scf.if %cond3A_222 {
        %dma_wait3A_322 = arith.constant 0 : i32
        %dma_wait3A_323 = arith.constant 0 : i32
        %dma_wait3A_324 = tpu.memref_slice %arg9[%rem3A_218, %dma_wait3A_322, %dma_wait3A_323] : memref<4x80x128xf32, #tpu.memory_space<vmem>> -> memref<1x80x128xf32, #tpu.memory_space<vmem>>
        %dma_wait3A_325 = tpu.memref_squeeze %dma_wait3A_324 : memref<1x80x128xf32, #tpu.memory_space<vmem>> -> memref<80x128xf32, #tpu.memory_space<vmem>>
        %dma_wait3A_326 = arith.constant 0 : i32
        %dma_wait3A_327 = tpu.memref_slice %arg8[%rem3A_218, %dma_wait3A_326] : memref<4x80xi32, #tpu.memory_space<vmem>> -> memref<1x80xi32, #tpu.memory_space<vmem>>
        %dma_wait3A_328 = tpu.memref_squeeze %dma_wait3A_327 : memref<1x80xi32, #tpu.memory_space<vmem>> -> memref<80xi32, #tpu.memory_space<vmem>>
        %dma_wait3A_329 = arith.constant 0 : i32
        %dma_wait3A_330 = arith.constant 0 : i32
        %dma_wait3A_331 = tpu.memref_slice %arg6[%dma_wait3A_329, %dma_wait3A_330] : memref<10000x128xf32, #tpu.memory_space<vmem_shared>> -> memref<10000x128xf32, #tpu.memory_space<vmem_shared>>
        %dma_wait3A_332 = tpu.memref_slice %arg12[%rem3A_218] : memref<4x!tpu.dma_semaphore, #tpu.memory_space<semaphore_mem>> -> memref<1x!tpu.dma_semaphore, #tpu.memory_space<semaphore_mem>>
        %dma_wait3A_333 = tpu.memref_squeeze %dma_wait3A_332 : memref<1x!tpu.dma_semaphore, #tpu.memory_space<semaphore_mem>> -> memref<!tpu.dma_semaphore, #tpu.memory_space<semaphore_mem>>
        tpu.wait_indirect_dma semaphore(%dma_wait3A_333 : memref<!tpu.dma_semaphore, #tpu.memory_space<semaphore_mem>>) src(%dma_wait3A_325 : memref<80x128xf32, #tpu.memory_space<vmem>>) dst(%dma_wait3A_331 : memref<10000x128xf32, #tpu.memory_space<vmem_shared>>)
      } else {
      }
      %add3A_223 = arith.constant 2 : i32
      %add3A_224 = arith.addi %scan3A_209, %add3A_223 : i32
      %rem3A_225 = arith.constant 125 : i32
      %rem3A_226 = arith.remsi %add3A_224, %rem3A_225 : i32
      %mul3A_227 = arith.constant 80 : i32
      %mul3A_228 = arith.muli %rem3A_226, %mul3A_227 : i32
      %add3A_229 = arith.addi %mul3A_6, %mul3A_228 : i32
      %dma_start3A_230 = arith.constant 0 : i32
      %dma_start3A_231 = arith.constant 0 : i32
      %dma_start3A_232 = tpu.memref_slice %arg7[%rem3A_218, %dma_start3A_231] : memref<4x80xi32, #tpu.memory_space<vmem>> -> memref<1x80xi32, #tpu.memory_space<vmem>>
      %dma_start3A_233 = tpu.memref_squeeze %dma_start3A_232 : memref<1x80xi32, #tpu.memory_space<vmem>> -> memref<80xi32, #tpu.memory_space<vmem>>
      %dma_start3A_234 = tpu.memref_slice %arg3[%dma_start3A_230, %add3A_229] : memref<2x320000xi32, #tpu.memory_space<hbm>> -> memref<1x80xi32, #tpu.memory_space<hbm>>
      %dma_start3A_235 = tpu.memref_squeeze %dma_start3A_234 : memref<1x80xi32, #tpu.memory_space<hbm>> -> memref<80xi32, #tpu.memory_space<hbm>>
      %dma_start3A_236 = tpu.memref_slice %arg10[%rem3A_218] : memref<4x!tpu.dma_semaphore, #tpu.memory_space<semaphore_mem>> -> memref<1x!tpu.dma_semaphore, #tpu.memory_space<semaphore_mem>>
      %dma_start3A_237 = tpu.memref_squeeze %dma_start3A_236 : memref<1x!tpu.dma_semaphore, #tpu.memory_space<semaphore_mem>> -> memref<!tpu.dma_semaphore, #tpu.memory_space<semaphore_mem>>
      %dma_start3A_238 = arith.constant 0 : i32
      %dma_start3A_239 = tpu.memref_slice %arg7[%rem3A_218, %dma_start3A_238] : memref<4x80xi32, #tpu.memory_space<vmem>> -> memref<1x80xi32, #tpu.memory_space<vmem>>
      %dma_start3A_240 = tpu.memref_squeeze %dma_start3A_239 : memref<1x80xi32, #tpu.memory_space<vmem>> -> memref<80xi32, #tpu.memory_space<vmem>>
      %dma_start3A_241 = tpu.memref_slice %arg3[%dma_start3A_230, %add3A_229] : memref<2x320000xi32, #tpu.memory_space<hbm>> -> memref<1x80xi32, #tpu.memory_space<hbm>>
      %dma_start3A_242 = tpu.memref_squeeze %dma_start3A_241 : memref<1x80xi32, #tpu.memory_space<hbm>> -> memref<80xi32, #tpu.memory_space<hbm>>
      tpu.enqueue_dma source(%dma_start3A_242 : memref<80xi32, #tpu.memory_space<hbm>>) target(%dma_start3A_240 : memref<80xi32, #tpu.memory_space<vmem>>) target_semaphore(%dma_start3A_237 : memref<!tpu.dma_semaphore, #tpu.memory_space<semaphore_mem>>)
      %dma_start3A_243 = arith.constant 1 : i32
      %dma_start3A_244 = arith.constant 0 : i32
      %dma_start3A_245 = tpu.memref_slice %arg8[%rem3A_218, %dma_start3A_244] : memref<4x80xi32, #tpu.memory_space<vmem>> -> memref<1x80xi32, #tpu.memory_space<vmem>>
      %dma_start3A_246 = tpu.memref_squeeze %dma_start3A_245 : memref<1x80xi32, #tpu.memory_space<vmem>> -> memref<80xi32, #tpu.memory_space<vmem>>
      %dma_start3A_247 = tpu.memref_slice %arg3[%dma_start3A_243, %add3A_229] : memref<2x320000xi32, #tpu.memory_space<hbm>> -> memref<1x80xi32, #tpu.memory_space<hbm>>
      %dma_start3A_248 = tpu.memref_squeeze %dma_start3A_247 : memref<1x80xi32, #tpu.memory_space<hbm>> -> memref<80xi32, #tpu.memory_space<hbm>>
      %dma_start3A_249 = tpu.memref_slice %arg10[%rem3A_218] : memref<4x!tpu.dma_semaphore, #tpu.memory_space<semaphore_mem>> -> memref<1x!tpu.dma_semaphore, #tpu.memory_space<semaphore_mem>>
      %dma_start3A_250 = tpu.memref_squeeze %dma_start3A_249 : memref<1x!tpu.dma_semaphore, #tpu.memory_space<semaphore_mem>> -> memref<!tpu.dma_semaphore, #tpu.memory_space<semaphore_mem>>
      %dma_start3A_251 = arith.constant 0 : i32
      %dma_start3A_252 = tpu.memref_slice %arg8[%rem3A_218, %dma_start3A_251] : memref<4x80xi32, #tpu.memory_space<vmem>> -> memref<1x80xi32, #tpu.memory_space<vmem>>
      %dma_start3A_253 = tpu.memref_squeeze %dma_start3A_252 : memref<1x80xi32, #tpu.memory_space<vmem>> -> memref<80xi32, #tpu.memory_space<vmem>>
      %dma_start3A_254 = tpu.memref_slice %arg3[%dma_start3A_243, %add3A_229] : memref<2x320000xi32, #tpu.memory_space<hbm>> -> memref<1x80xi32, #tpu.memory_space<hbm>>
      %dma_start3A_255 = tpu.memref_squeeze %dma_start3A_254 : memref<1x80xi32, #tpu.memory_space<hbm>> -> memref<80xi32, #tpu.memory_space<hbm>>
      tpu.enqueue_dma source(%dma_start3A_255 : memref<80xi32, #tpu.memory_space<hbm>>) target(%dma_start3A_253 : memref<80xi32, #tpu.memory_space<vmem>>) target_semaphore(%dma_start3A_250 : memref<!tpu.dma_semaphore, #tpu.memory_space<semaphore_mem>>)
      %dma_wait3A_256 = arith.constant 0 : i32
      %dma_wait3A_257 = arith.constant 0 : i32
      %dma_wait3A_258 = tpu.memref_slice %arg7[%rem3A_214, %dma_wait3A_257] : memref<4x80xi32, #tpu.memory_space<vmem>> -> memref<1x80xi32, #tpu.memory_space<vmem>>
      %dma_wait3A_259 = tpu.memref_squeeze %dma_wait3A_258 : memref<1x80xi32, #tpu.memory_space<vmem>> -> memref<80xi32, #tpu.memory_space<vmem>>
      %dma_wait3A_260 = arith.constant 0 : i32
      %dma_wait3A_261 = tpu.memref_slice %arg3[%dma_wait3A_256, %dma_wait3A_260] : memref<2x320000xi32, #tpu.memory_space<hbm>> -> memref<1x80xi32, #tpu.memory_space<hbm>>
      %dma_wait3A_262 = tpu.memref_squeeze %dma_wait3A_261 : memref<1x80xi32, #tpu.memory_space<hbm>> -> memref<80xi32, #tpu.memory_space<hbm>>
      %dma_wait3A_263 = tpu.memref_slice %arg10[%rem3A_214] : memref<4x!tpu.dma_semaphore, #tpu.memory_space<semaphore_mem>> -> memref<1x!tpu.dma_semaphore, #tpu.memory_space<semaphore_mem>>
      %dma_wait3A_264 = tpu.memref_squeeze %dma_wait3A_263 : memref<1x!tpu.dma_semaphore, #tpu.memory_space<semaphore_mem>> -> memref<!tpu.dma_semaphore, #tpu.memory_space<semaphore_mem>>
      %dma_wait3A_265 = arith.constant 0 : i32
      %dma_wait3A_266 = tpu.memref_slice %arg7[%rem3A_214, %dma_wait3A_265] : memref<4x80xi32, #tpu.memory_space<vmem>> -> memref<1x80xi32, #tpu.memory_space<vmem>>
      %dma_wait3A_267 = tpu.memref_squeeze %dma_wait3A_266 : memref<1x80xi32, #tpu.memory_space<vmem>> -> memref<80xi32, #tpu.memory_space<vmem>>
      %dma_wait3A_268 = arith.constant 0 : i32
      %dma_wait3A_269 = tpu.memref_slice %arg3[%dma_wait3A_256, %dma_wait3A_268] : memref<2x320000xi32, #tpu.memory_space<hbm>> -> memref<1x80xi32, #tpu.memory_space<hbm>>
      %dma_wait3A_270 = tpu.memref_squeeze %dma_wait3A_269 : memref<1x80xi32, #tpu.memory_space<hbm>> -> memref<80xi32, #tpu.memory_space<hbm>>
      tpu.wait_dma2 semaphore(%dma_wait3A_264 : memref<!tpu.dma_semaphore, #tpu.memory_space<semaphore_mem>>) src(%dma_wait3A_270 : memref<80xi32, #tpu.memory_space<hbm>>) dst(%dma_wait3A_267 : memref<80xi32, #tpu.memory_space<vmem>>)
      %dma_wait3A_271 = arith.constant 1 : i32
      %dma_wait3A_272 = arith.constant 0 : i32
      %dma_wait3A_273 = tpu.memref_slice %arg8[%rem3A_214, %dma_wait3A_272] : memref<4x80xi32, #tpu.memory_space<vmem>> -> memref<1x80xi32, #tpu.memory_space<vmem>>
      %dma_wait3A_274 = tpu.memref_squeeze %dma_wait3A_273 : memref<1x80xi32, #tpu.memory_space<vmem>> -> memref<80xi32, #tpu.memory_space<vmem>>
      %dma_wait3A_275 = arith.constant 0 : i32
      %dma_wait3A_276 = tpu.memref_slice %arg3[%dma_wait3A_271, %dma_wait3A_275] : memref<2x320000xi32, #tpu.memory_space<hbm>> -> memref<1x80xi32, #tpu.memory_space<hbm>>
      %dma_wait3A_277 = tpu.memref_squeeze %dma_wait3A_276 : memref<1x80xi32, #tpu.memory_space<hbm>> -> memref<80xi32, #tpu.memory_space<hbm>>
      %dma_wait3A_278 = tpu.memref_slice %arg10[%rem3A_214] : memref<4x!tpu.dma_semaphore, #tpu.memory_space<semaphore_mem>> -> memref<1x!tpu.dma_semaphore, #tpu.memory_space<semaphore_mem>>
      %dma_wait3A_279 = tpu.memref_squeeze %dma_wait3A_278 : memref<1x!tpu.dma_semaphore, #tpu.memory_space<semaphore_mem>> -> memref<!tpu.dma_semaphore, #tpu.memory_space<semaphore_mem>>
      %dma_wait3A_280 = arith.constant 0 : i32
      %dma_wait3A_281 = tpu.memref_slice %arg8[%rem3A_214, %dma_wait3A_280] : memref<4x80xi32, #tpu.memory_space<vmem>> -> memref<1x80xi32, #tpu.memory_space<vmem>>
      %dma_wait3A_282 = tpu.memref_squeeze %dma_wait3A_281 : memref<1x80xi32, #tpu.memory_space<vmem>> -> memref<80xi32, #tpu.memory_space<vmem>>
      %dma_wait3A_283 = arith.constant 0 : i32
      %dma_wait3A_284 = tpu.memref_slice %arg3[%dma_wait3A_271, %dma_wait3A_283] : memref<2x320000xi32, #tpu.memory_space<hbm>> -> memref<1x80xi32, #tpu.memory_space<hbm>>
      %dma_wait3A_285 = tpu.memref_squeeze %dma_wait3A_284 : memref<1x80xi32, #tpu.memory_space<hbm>> -> memref<80xi32, #tpu.memory_space<hbm>>
      tpu.wait_dma2 semaphore(%dma_wait3A_279 : memref<!tpu.dma_semaphore, #tpu.memory_space<semaphore_mem>>) src(%dma_wait3A_285 : memref<80xi32, #tpu.memory_space<hbm>>) dst(%dma_wait3A_282 : memref<80xi32, #tpu.memory_space<vmem>>)
      %dma_start3A_286 = arith.constant 0 : i32
      %dma_start3A_287 = arith.constant 0 : i32
      %dma_start3A_288 = tpu.memref_slice %arg9[%rem3A_214, %dma_start3A_286, %dma_start3A_287] : memref<4x80x128xf32, #tpu.memory_space<vmem>> -> memref<1x80x128xf32, #tpu.memory_space<vmem>>
      %dma_start3A_289 = tpu.memref_squeeze %dma_start3A_288 : memref<1x80x128xf32, #tpu.memory_space<vmem>> -> memref<80x128xf32, #tpu.memory_space<vmem>>
      %dma_start3A_290 = arith.constant 0 : i32
      %dma_start3A_291 = tpu.memref_slice %arg7[%rem3A_214, %dma_start3A_290] : memref<4x80xi32, #tpu.memory_space<vmem>> -> memref<1x80xi32, #tpu.memory_space<vmem>>
      %dma_start3A_292 = tpu.memref_squeeze %dma_start3A_291 : memref<1x80xi32, #tpu.memory_space<vmem>> -> memref<80xi32, #tpu.memory_space<vmem>>
      %dma_start3A_293 = arith.constant 0 : i32
      %dma_start3A_294 = arith.constant 0 : i32
      %dma_start3A_295 = tpu.memref_slice %arg2[%dma_start3A_293, %dma_start3A_294] : memref<10000x128xf32, #tpu.memory_space<hbm>> -> memref<10000x128xf32, #tpu.memory_space<hbm>>
      %dma_start3A_296 = tpu.memref_slice %arg11[%rem3A_214] : memref<4x!tpu.dma_semaphore, #tpu.memory_space<semaphore_mem>> -> memref<1x!tpu.dma_semaphore, #tpu.memory_space<semaphore_mem>>
      %dma_start3A_297 = tpu.memref_squeeze %dma_start3A_296 : memref<1x!tpu.dma_semaphore, #tpu.memory_space<semaphore_mem>> -> memref<!tpu.dma_semaphore, #tpu.memory_space<semaphore_mem>>
      tpu.enqueue_indirect_dma source(%dma_start3A_295 : memref<10000x128xf32, #tpu.memory_space<hbm>>) target(%dma_start3A_289 : memref<80x128xf32, #tpu.memory_space<vmem>>) offsets(%dma_start3A_292 : memref<80xi32, #tpu.memory_space<vmem>>) semaphore(%dma_start3A_297 : memref<!tpu.dma_semaphore, #tpu.memory_space<semaphore_mem>>)
      %dma_wait3A_298 = arith.constant 0 : i32
      %dma_wait3A_299 = arith.constant 0 : i32
      %dma_wait3A_300 = tpu.memref_slice %arg9[%rem3A_210, %dma_wait3A_298, %dma_wait3A_299] : memref<4x80x128xf32, #tpu.memory_space<vmem>> -> memref<1x80x128xf32, #tpu.memory_space<vmem>>
      %dma_wait3A_301 = tpu.memref_squeeze %dma_wait3A_300 : memref<1x80x128xf32, #tpu.memory_space<vmem>> -> memref<80x128xf32, #tpu.memory_space<vmem>>
      %dma_wait3A_302 = arith.constant 0 : i32
      %dma_wait3A_303 = tpu.memref_slice %arg7[%rem3A_210, %dma_wait3A_302] : memref<4x80xi32, #tpu.memory_space<vmem>> -> memref<1x80xi32, #tpu.memory_space<vmem>>
      %dma_wait3A_304 = tpu.memref_squeeze %dma_wait3A_303 : memref<1x80xi32, #tpu.memory_space<vmem>> -> memref<80xi32, #tpu.memory_space<vmem>>
      %dma_wait3A_305 = arith.constant 0 : i32
      %dma_wait3A_306 = arith.constant 0 : i32
      %dma_wait3A_307 = tpu.memref_slice %arg2[%dma_wait3A_305, %dma_wait3A_306] : memref<10000x128xf32, #tpu.memory_space<hbm>> -> memref<10000x128xf32, #tpu.memory_space<hbm>>
      %dma_wait3A_308 = tpu.memref_slice %arg11[%rem3A_210] : memref<4x!tpu.dma_semaphore, #tpu.memory_space<semaphore_mem>> -> memref<1x!tpu.dma_semaphore, #tpu.memory_space<semaphore_mem>>
      %dma_wait3A_309 = tpu.memref_squeeze %dma_wait3A_308 : memref<1x!tpu.dma_semaphore, #tpu.memory_space<semaphore_mem>> -> memref<!tpu.dma_semaphore, #tpu.memory_space<semaphore_mem>>
      tpu.wait_indirect_dma semaphore(%dma_wait3A_309 : memref<!tpu.dma_semaphore, #tpu.memory_space<semaphore_mem>>) src(%dma_wait3A_307 : memref<10000x128xf32, #tpu.memory_space<hbm>>) dst(%dma_wait3A_301 : memref<80x128xf32, #tpu.memory_space<vmem>>)
      %dma_start3A_310 = arith.constant 0 : i32
      %dma_start3A_311 = arith.constant 0 : i32
      %dma_start3A_312 = tpu.memref_slice %arg9[%rem3A_210, %dma_start3A_310, %dma_start3A_311] : memref<4x80x128xf32, #tpu.memory_space<vmem>> -> memref<1x80x128xf32, #tpu.memory_space<vmem>>
      %dma_start3A_313 = tpu.memref_squeeze %dma_start3A_312 : memref<1x80x128xf32, #tpu.memory_space<vmem>> -> memref<80x128xf32, #tpu.memory_space<vmem>>
      %dma_start3A_314 = arith.constant 0 : i32
      %dma_start3A_315 = tpu.memref_slice %arg8[%rem3A_210, %dma_start3A_314] : memref<4x80xi32, #tpu.memory_space<vmem>> -> memref<1x80xi32, #tpu.memory_space<vmem>>
      %dma_start3A_316 = tpu.memref_squeeze %dma_start3A_315 : memref<1x80xi32, #tpu.memory_space<vmem>> -> memref<80xi32, #tpu.memory_space<vmem>>
      %dma_start3A_317 = arith.constant 0 : i32
      %dma_start3A_318 = arith.constant 0 : i32
      %dma_start3A_319 = tpu.memref_slice %arg6[%dma_start3A_317, %dma_start3A_318] : memref<10000x128xf32, #tpu.memory_space<vmem_shared>> -> memref<10000x128xf32, #tpu.memory_space<vmem_shared>>
      %dma_start3A_320 = tpu.memref_slice %arg12[%rem3A_210] : memref<4x!tpu.dma_semaphore, #tpu.memory_space<semaphore_mem>> -> memref<1x!tpu.dma_semaphore, #tpu.memory_space<semaphore_mem>>
      %dma_start3A_321 = tpu.memref_squeeze %dma_start3A_320 : memref<1x!tpu.dma_semaphore, #tpu.memory_space<semaphore_mem>> -> memref<!tpu.dma_semaphore, #tpu.memory_space<semaphore_mem>>
      tpu.enqueue_indirect_dma source(%dma_start3A_313 : memref<80x128xf32, #tpu.memory_space<vmem>>) target(%dma_start3A_319 : memref<10000x128xf32, #tpu.memory_space<vmem_shared>>) offsets(%dma_start3A_316 : memref<80xi32, #tpu.memory_space<vmem>>) semaphore(%dma_start3A_321 : memref<!tpu.dma_semaphore, #tpu.memory_space<semaphore_mem>>) {add = true}
    }
    %scan3A_123 = arith.constant 125 : i32
    %dma_wait3A_124 = arith.constant 3 : i32
    %dma_wait3A_125 = arith.constant 3 : i32
    %dma_wait3A_126 = arith.constant 3 : i32
    %dma_wait3A_127 = arith.constant 0 : i32
    %dma_wait3A_128 = arith.constant 0 : i32
    %dma_wait3A_129 = tpu.memref_slice %arg9[%dma_wait3A_124, %dma_wait3A_127, %dma_wait3A_128] : memref<4x80x128xf32, #tpu.memory_space<vmem>> -> memref<1x80x128xf32, #tpu.memory_space<vmem>>
    %dma_wait3A_130 = tpu.memref_squeeze %dma_wait3A_129 : memref<1x80x128xf32, #tpu.memory_space<vmem>> -> memref<80x128xf32, #tpu.memory_space<vmem>>
    %dma_wait3A_131 = arith.constant 0 : i32
    %dma_wait3A_132 = tpu.memref_slice %arg8[%dma_wait3A_125, %dma_wait3A_131] : memref<4x80xi32, #tpu.memory_space<vmem>> -> memref<1x80xi32, #tpu.memory_space<vmem>>
    %dma_wait3A_133 = tpu.memref_squeeze %dma_wait3A_132 : memref<1x80xi32, #tpu.memory_space<vmem>> -> memref<80xi32, #tpu.memory_space<vmem>>
    %dma_wait3A_134 = arith.constant 0 : i32
    %dma_wait3A_135 = arith.constant 0 : i32
    %dma_wait3A_136 = tpu.memref_slice %arg6[%dma_wait3A_134, %dma_wait3A_135] : memref<10000x128xf32, #tpu.memory_space<vmem_shared>> -> memref<10000x128xf32, #tpu.memory_space<vmem_shared>>
    %dma_wait3A_137 = tpu.memref_slice %arg12[%dma_wait3A_126] : memref<4x!tpu.dma_semaphore, #tpu.memory_space<semaphore_mem>> -> memref<1x!tpu.dma_semaphore, #tpu.memory_space<semaphore_mem>>
    %dma_wait3A_138 = tpu.memref_squeeze %dma_wait3A_137 : memref<1x!tpu.dma_semaphore, #tpu.memory_space<semaphore_mem>> -> memref<!tpu.dma_semaphore, #tpu.memory_space<semaphore_mem>>
    tpu.wait_indirect_dma semaphore(%dma_wait3A_138 : memref<!tpu.dma_semaphore, #tpu.memory_space<semaphore_mem>>) src(%dma_wait3A_130 : memref<80x128xf32, #tpu.memory_space<vmem>>) dst(%dma_wait3A_136 : memref<10000x128xf32, #tpu.memory_space<vmem_shared>>)
    %dma_wait3A_139 = arith.constant 0 : i32
    %dma_wait3A_140 = arith.constant 0 : i32
    %dma_wait3A_141 = arith.constant 0 : i32
    %dma_wait3A_142 = arith.constant 0 : i32
    %dma_wait3A_143 = arith.constant 0 : i32
    %dma_wait3A_144 = tpu.memref_slice %arg9[%dma_wait3A_139, %dma_wait3A_142, %dma_wait3A_143] : memref<4x80x128xf32, #tpu.memory_space<vmem>> -> memref<1x80x128xf32, #tpu.memory_space<vmem>>
    %dma_wait3A_145 = tpu.memref_squeeze %dma_wait3A_144 : memref<1x80x128xf32, #tpu.memory_space<vmem>> -> memref<80x128xf32, #tpu.memory_space<vmem>>
    %dma_wait3A_146 = arith.constant 0 : i32
    %dma_wait3A_147 = tpu.memref_slice %arg8[%dma_wait3A_140, %dma_wait3A_146] : memref<4x80xi32, #tpu.memory_space<vmem>> -> memref<1x80xi32, #tpu.memory_space<vmem>>
    %dma_wait3A_148 = tpu.memref_squeeze %dma_wait3A_147 : memref<1x80xi32, #tpu.memory_space<vmem>> -> memref<80xi32, #tpu.memory_space<vmem>>
    %dma_wait3A_149 = arith.constant 0 : i32
    %dma_wait3A_150 = arith.constant 0 : i32
    %dma_wait3A_151 = tpu.memref_slice %arg6[%dma_wait3A_149, %dma_wait3A_150] : memref<10000x128xf32, #tpu.memory_space<vmem_shared>> -> memref<10000x128xf32, #tpu.memory_space<vmem_shared>>
    %dma_wait3A_152 = tpu.memref_slice %arg12[%dma_wait3A_141] : memref<4x!tpu.dma_semaphore, #tpu.memory_space<semaphore_mem>> -> memref<1x!tpu.dma_semaphore, #tpu.memory_space<semaphore_mem>>
    %dma_wait3A_153 = tpu.memref_squeeze %dma_wait3A_152 : memref<1x!tpu.dma_semaphore, #tpu.memory_space<semaphore_mem>> -> memref<!tpu.dma_semaphore, #tpu.memory_space<semaphore_mem>>
    tpu.wait_indirect_dma semaphore(%dma_wait3A_153 : memref<!tpu.dma_semaphore, #tpu.memory_space<semaphore_mem>>) src(%dma_wait3A_145 : memref<80x128xf32, #tpu.memory_space<vmem>>) dst(%dma_wait3A_151 : memref<10000x128xf32, #tpu.memory_space<vmem_shared>>)
    %dma_wait3A_154 = arith.constant 1 : i32
    %dma_wait3A_155 = arith.constant 1 : i32
    %dma_wait3A_156 = arith.constant 1 : i32
    %dma_wait3A_157 = arith.constant 0 : i32
    %dma_wait3A_158 = arith.constant 0 : i32
    %dma_wait3A_159 = tpu.memref_slice %arg9[%dma_wait3A_155, %dma_wait3A_157, %dma_wait3A_158] : memref<4x80x128xf32, #tpu.memory_space<vmem>> -> memref<1x80x128xf32, #tpu.memory_space<vmem>>
    %dma_wait3A_160 = tpu.memref_squeeze %dma_wait3A_159 : memref<1x80x128xf32, #tpu.memory_space<vmem>> -> memref<80x128xf32, #tpu.memory_space<vmem>>
    %dma_wait3A_161 = arith.constant 0 : i32
    %dma_wait3A_162 = tpu.memref_slice %arg7[%dma_wait3A_154, %dma_wait3A_161] : memref<4x80xi32, #tpu.memory_space<vmem>> -> memref<1x80xi32, #tpu.memory_space<vmem>>
    %dma_wait3A_163 = tpu.memref_squeeze %dma_wait3A_162 : memref<1x80xi32, #tpu.memory_space<vmem>> -> memref<80xi32, #tpu.memory_space<vmem>>
    %dma_wait3A_164 = arith.constant 0 : i32
    %dma_wait3A_165 = arith.constant 0 : i32
    %dma_wait3A_166 = tpu.memref_slice %arg2[%dma_wait3A_164, %dma_wait3A_165] : memref<10000x128xf32, #tpu.memory_space<hbm>> -> memref<10000x128xf32, #tpu.memory_space<hbm>>
    %dma_wait3A_167 = tpu.memref_slice %arg11[%dma_wait3A_156] : memref<4x!tpu.dma_semaphore, #tpu.memory_space<semaphore_mem>> -> memref<1x!tpu.dma_semaphore, #tpu.memory_space<semaphore_mem>>
    %dma_wait3A_168 = tpu.memref_squeeze %dma_wait3A_167 : memref<1x!tpu.dma_semaphore, #tpu.memory_space<semaphore_mem>> -> memref<!tpu.dma_semaphore, #tpu.memory_space<semaphore_mem>>
    tpu.wait_indirect_dma semaphore(%dma_wait3A_168 : memref<!tpu.dma_semaphore, #tpu.memory_space<semaphore_mem>>) src(%dma_wait3A_166 : memref<10000x128xf32, #tpu.memory_space<hbm>>) dst(%dma_wait3A_160 : memref<80x128xf32, #tpu.memory_space<vmem>>)
    %dma_wait3A_169 = arith.constant 0 : i32
    %dma_wait3A_170 = arith.constant 2 : i32
    %dma_wait3A_171 = arith.constant 2 : i32
    %dma_wait3A_172 = arith.constant 0 : i32
    %dma_wait3A_173 = tpu.memref_slice %arg7[%dma_wait3A_170, %dma_wait3A_172] : memref<4x80xi32, #tpu.memory_space<vmem>> -> memref<1x80xi32, #tpu.memory_space<vmem>>
    %dma_wait3A_174 = tpu.memref_squeeze %dma_wait3A_173 : memref<1x80xi32, #tpu.memory_space<vmem>> -> memref<80xi32, #tpu.memory_space<vmem>>
    %dma_wait3A_175 = arith.constant 0 : i32
    %dma_wait3A_176 = tpu.memref_slice %arg3[%dma_wait3A_169, %dma_wait3A_175] : memref<2x320000xi32, #tpu.memory_space<hbm>> -> memref<1x80xi32, #tpu.memory_space<hbm>>
    %dma_wait3A_177 = tpu.memref_squeeze %dma_wait3A_176 : memref<1x80xi32, #tpu.memory_space<hbm>> -> memref<80xi32, #tpu.memory_space<hbm>>
    %dma_wait3A_178 = tpu.memref_slice %arg10[%dma_wait3A_171] : memref<4x!tpu.dma_semaphore, #tpu.memory_space<semaphore_mem>> -> memref<1x!tpu.dma_semaphore, #tpu.memory_space<semaphore_mem>>
    %dma_wait3A_179 = tpu.memref_squeeze %dma_wait3A_178 : memref<1x!tpu.dma_semaphore, #tpu.memory_space<semaphore_mem>> -> memref<!tpu.dma_semaphore, #tpu.memory_space<semaphore_mem>>
    %dma_wait3A_180 = arith.constant 0 : i32
    %dma_wait3A_181 = tpu.memref_slice %arg7[%dma_wait3A_170, %dma_wait3A_180] : memref<4x80xi32, #tpu.memory_space<vmem>> -> memref<1x80xi32, #tpu.memory_space<vmem>>
    %dma_wait3A_182 = tpu.memref_squeeze %dma_wait3A_181 : memref<1x80xi32, #tpu.memory_space<vmem>> -> memref<80xi32, #tpu.memory_space<vmem>>
    %dma_wait3A_183 = arith.constant 0 : i32
    %dma_wait3A_184 = tpu.memref_slice %arg3[%dma_wait3A_169, %dma_wait3A_183] : memref<2x320000xi32, #tpu.memory_space<hbm>> -> memref<1x80xi32, #tpu.memory_space<hbm>>
    %dma_wait3A_185 = tpu.memref_squeeze %dma_wait3A_184 : memref<1x80xi32, #tpu.memory_space<hbm>> -> memref<80xi32, #tpu.memory_space<hbm>>
    tpu.wait_dma2 semaphore(%dma_wait3A_179 : memref<!tpu.dma_semaphore, #tpu.memory_space<semaphore_mem>>) src(%dma_wait3A_185 : memref<80xi32, #tpu.memory_space<hbm>>) dst(%dma_wait3A_182 : memref<80xi32, #tpu.memory_space<vmem>>)
    %dma_wait3A_186 = arith.constant 1 : i32
    %dma_wait3A_187 = arith.constant 2 : i32
    %dma_wait3A_188 = arith.constant 2 : i32
    %dma_wait3A_189 = arith.constant 0 : i32
    %dma_wait3A_190 = tpu.memref_slice %arg8[%dma_wait3A_187, %dma_wait3A_189] : memref<4x80xi32, #tpu.memory_space<vmem>> -> memref<1x80xi32, #tpu.memory_space<vmem>>
    %dma_wait3A_191 = tpu.memref_squeeze %dma_wait3A_190 : memref<1x80xi32, #tpu.memory_space<vmem>> -> memref<80xi32, #tpu.memory_space<vmem>>
    %dma_wait3A_192 = arith.constant 0 : i32
    %dma_wait3A_193 = tpu.memref_slice %arg3[%dma_wait3A_186, %dma_wait3A_192] : memref<2x320000xi32, #tpu.memory_space<hbm>> -> memref<1x80xi32, #tpu.memory_space<hbm>>
    %dma_wait3A_194 = tpu.memref_squeeze %dma_wait3A_193 : memref<1x80xi32, #tpu.memory_space<hbm>> -> memref<80xi32, #tpu.memory_space<hbm>>
    %dma_wait3A_195 = tpu.memref_slice %arg10[%dma_wait3A_188] : memref<4x!tpu.dma_semaphore, #tpu.memory_space<semaphore_mem>> -> memref<1x!tpu.dma_semaphore, #tpu.memory_space<semaphore_mem>>
    %dma_wait3A_196 = tpu.memref_squeeze %dma_wait3A_195 : memref<1x!tpu.dma_semaphore, #tpu.memory_space<semaphore_mem>> -> memref<!tpu.dma_semaphore, #tpu.memory_space<semaphore_mem>>
    %dma_wait3A_197 = arith.constant 0 : i32
    %dma_wait3A_198 = tpu.memref_slice %arg8[%dma_wait3A_187, %dma_wait3A_197] : memref<4x80xi32, #tpu.memory_space<vmem>> -> memref<1x80xi32, #tpu.memory_space<vmem>>
    %dma_wait3A_199 = tpu.memref_squeeze %dma_wait3A_198 : memref<1x80xi32, #tpu.memory_space<vmem>> -> memref<80xi32, #tpu.memory_space<vmem>>
    %dma_wait3A_200 = arith.constant 0 : i32
    %dma_wait3A_201 = tpu.memref_slice %arg3[%dma_wait3A_186, %dma_wait3A_200] : memref<2x320000xi32, #tpu.memory_space<hbm>> -> memref<1x80xi32, #tpu.memory_space<hbm>>
    %dma_wait3A_202 = tpu.memref_squeeze %dma_wait3A_201 : memref<1x80xi32, #tpu.memory_space<hbm>> -> memref<80xi32, #tpu.memory_space<hbm>>
    tpu.wait_dma2 semaphore(%dma_wait3A_196 : memref<!tpu.dma_semaphore, #tpu.memory_space<semaphore_mem>>) src(%dma_wait3A_202 : memref<80xi32, #tpu.memory_space<hbm>>) dst(%dma_wait3A_199 : memref<80xi32, #tpu.memory_space<vmem>>)
    %barrier3A_203 = arith.constant 0 : index
    tpu.barrier barrier_id(%barrier3A_203)
    "tpu.region"() ({
      %run_scoped3A = tpu.sem_alloc : memref<!tpu.dma_semaphore, #tpu.memory_space<semaphore_mem>>
      %dma_start3A_209 = arith.constant 0 : i32
      %dma_start3A_210 = tpu.memref_slice %arg5[%arg0, %mul3A_0, %dma_start3A_209] : memref<2x10000x128xf32, #tpu.memory_space<hbm>> -> memref<1x624x128xf32, #tpu.memory_space<hbm>>
      %dma_start3A_211 = tpu.memref_squeeze %dma_start3A_210 : memref<1x624x128xf32, #tpu.memory_space<hbm>> -> memref<624x128xf32, #tpu.memory_space<hbm>>
      %dma_start3A_212 = arith.constant 0 : i32
      %dma_start3A_213 = tpu.memref_slice %arg6[%mul3A_0, %dma_start3A_212] : memref<10000x128xf32, #tpu.memory_space<vmem_shared>> -> memref<624x128xf32, #tpu.memory_space<vmem_shared>>
      tpu.enqueue_dma source(%dma_start3A_213 : memref<624x128xf32, #tpu.memory_space<vmem_shared>>) target(%dma_start3A_211 : memref<624x128xf32, #tpu.memory_space<hbm>>) target_semaphore(%run_scoped3A : memref<!tpu.dma_semaphore, #tpu.memory_space<semaphore_mem>>)
      %dma_wait3A_214 = arith.constant 0 : i32
      %dma_wait3A_215 = tpu.memref_slice %arg5[%arg0, %mul3A_0, %dma_wait3A_214] : memref<2x10000x128xf32, #tpu.memory_space<hbm>> -> memref<1x624x128xf32, #tpu.memory_space<hbm>>
      %dma_wait3A_216 = tpu.memref_squeeze %dma_wait3A_215 : memref<1x624x128xf32, #tpu.memory_space<hbm>> -> memref<624x128xf32, #tpu.memory_space<hbm>>
      %dma_wait3A_217 = arith.constant 0 : i32
      %dma_wait3A_218 = tpu.memref_slice %arg6[%mul3A_0, %dma_wait3A_217] : memref<10000x128xf32, #tpu.memory_space<vmem_shared>> -> memref<624x128xf32, #tpu.memory_space<vmem_shared>>
      tpu.wait_dma2 semaphore(%run_scoped3A : memref<!tpu.dma_semaphore, #tpu.memory_space<semaphore_mem>>) src(%dma_wait3A_218 : memref<624x128xf32, #tpu.memory_space<vmem_shared>>) dst(%dma_wait3A_216 : memref<624x128xf32, #tpu.memory_space<hbm>>)
      tpu.yield
    }) : () -> ()
    %eq3A_204 = arith.constant 15 : i32
    %eq3A_205 = arith.cmpi eq, %arg1, %eq3A_204 : i32
    %convert_element_type3A_206 = arith.extui %eq3A_205 : i1 to i32
    %cond3A_207 = arith.constant 0 : i32
    %cond3A_208 = arith.cmpi ne, %convert_element_type3A_206, %cond3A_207 : i32
    scf.if %cond3A_208 {
      "tpu.region"() ({
        %run_scoped3A = tpu.sem_alloc : memref<!tpu.dma_semaphore, #tpu.memory_space<semaphore_mem>>
        %dma_start3A_209 = arith.constant 9984 : i32
        %dma_start3A_210 = arith.constant 0 : i32
        %dma_start3A_211 = tpu.memref_slice %arg5[%arg0, %dma_start3A_209, %dma_start3A_210] : memref<2x10000x128xf32, #tpu.memory_space<hbm>> -> memref<1x16x128xf32, #tpu.memory_space<hbm>>
        %dma_start3A_212 = tpu.memref_squeeze %dma_start3A_211 : memref<1x16x128xf32, #tpu.memory_space<hbm>> -> memref<16x128xf32, #tpu.memory_space<hbm>>
        %dma_start3A_213 = arith.constant 9984 : i32
        %dma_start3A_214 = arith.constant 0 : i32
        %dma_start3A_215 = tpu.memref_slice %arg6[%dma_start3A_213, %dma_start3A_214] : memref<10000x128xf32, #tpu.memory_space<vmem_shared>> -> memref<16x128xf32, #tpu.memory_space<vmem_shared>>
        tpu.enqueue_dma source(%dma_start3A_215 : memref<16x128xf32, #tpu.memory_space<vmem_shared>>) target(%dma_start3A_212 : memref<16x128xf32, #tpu.memory_space<hbm>>) target_semaphore(%run_scoped3A : memref<!tpu.dma_semaphore, #tpu.memory_space<semaphore_mem>>)
        %dma_wait3A_216 = arith.constant 9984 : i32
        %dma_wait3A_217 = arith.constant 0 : i32
        %dma_wait3A_218 = tpu.memref_slice %arg5[%arg0, %dma_wait3A_216, %dma_wait3A_217] : memref<2x10000x128xf32, #tpu.memory_space<hbm>> -> memref<1x16x128xf32, #tpu.memory_space<hbm>>
        %dma_wait3A_219 = tpu.memref_squeeze %dma_wait3A_218 : memref<1x16x128xf32, #tpu.memory_space<hbm>> -> memref<16x128xf32, #tpu.memory_space<hbm>>
        %dma_wait3A_220 = arith.constant 9984 : i32
        %dma_wait3A_221 = arith.constant 0 : i32
        %dma_wait3A_222 = tpu.memref_slice %arg6[%dma_wait3A_220, %dma_wait3A_221] : memref<10000x128xf32, #tpu.memory_space<vmem_shared>> -> memref<16x128xf32, #tpu.memory_space<vmem_shared>>
        tpu.wait_dma2 semaphore(%run_scoped3A : memref<!tpu.dma_semaphore, #tpu.memory_space<semaphore_mem>>) src(%dma_wait3A_222 : memref<16x128xf32, #tpu.memory_space<vmem_shared>>) dst(%dma_wait3A_219 : memref<16x128xf32, #tpu.memory_space<hbm>>)
        tpu.yield
      }) : () -> ()
    } else {
    }
    return
  }
}

#map = affine_map<(d0, d1) -> (0, 0)>
#map1 = affine_map<(d0, d1) -> (0, 0, 0)>
module attributes {stable_mosaic.version = 14 : i64} {
  func.func @k(%arg0: i32, %arg1: i32, %arg2: memref<10000x128xf32, #tpu.memory_space<hbm>>, %arg3: memref<2x320000xi32, #tpu.memory_space<hbm>>, %arg4: memref<624x128xf32, #tpu.memory_space<hbm>>, %arg5: memref<2x10000x128xf32, #tpu.memory_space<hbm>>, %arg6: memref<10000x128xf32, #tpu.memory_space<vmem_shared>>, %arg7: memref<4x80xi32, #tpu.memory_space<vmem>>, %arg8: memref<4x80xi32, #tpu.memory_space<vmem>>, %arg9: memref<4x80x128xf32, #tpu.memory_space<vmem>>, %arg10: memref<4x!tpu.dma_semaphore, #tpu.memory_space<semaphore_mem>>, %arg11: memref<4x!tpu.dma_semaphore, #tpu.memory_space<semaphore_mem>>, %arg12: memref<4x!tpu.dma_semaphore, #tpu.memory_space<semaphore_mem>>) attributes {dimension_semantics = [#tpu.dimension_semantics<core_parallel>, #tpu.dimension_semantics<subcore_parallel>], iteration_bounds = array<i64: 2, 16>, scalar_prefetch = 0 : i64, scratch_operands = 7 : i64, tpu.core_type = #tpu.core_type<sc_vector_subcore>, window_params = [{transform_indices = #map}, {transform_indices = #map}, {transform_indices = #map}, {transform_indices = #map1}]} {
    %mul3A = arith.constant 624 : i32
    %mul3A_0 = arith.muli %arg1, %mul3A : i32
    "tpu.region"() ({
      %run_scoped3A = tpu.sem_alloc : memref<!tpu.dma_semaphore, #tpu.memory_space<semaphore_mem>>
      %dma_start3A_209 = arith.constant 0 : i32
      %dma_start3A_210 = tpu.memref_slice %arg6[%mul3A_0, %dma_start3A_209] : memref<10000x128xf32, #tpu.memory_space<vmem_shared>> -> memref<624x128xf32, #tpu.memory_space<vmem_shared>>
      %dma_start3A_211 = arith.constant 0 : i32
      %dma_start3A_212 = arith.constant 0 : i32
      %dma_start3A_213 = tpu.memref_slice %arg4[%dma_start3A_211, %dma_start3A_212] : memref<624x128xf32, #tpu.memory_space<hbm>> -> memref<624x128xf32, #tpu.memory_space<hbm>>
      tpu.enqueue_dma source(%dma_start3A_213 : memref<624x128xf32, #tpu.memory_space<hbm>>) target(%dma_start3A_210 : memref<624x128xf32, #tpu.memory_space<vmem_shared>>) target_semaphore(%run_scoped3A : memref<!tpu.dma_semaphore, #tpu.memory_space<semaphore_mem>>)
      %dma_wait3A_214 = arith.constant 0 : i32
      %dma_wait3A_215 = tpu.memref_slice %arg6[%mul3A_0, %dma_wait3A_214] : memref<10000x128xf32, #tpu.memory_space<vmem_shared>> -> memref<624x128xf32, #tpu.memory_space<vmem_shared>>
      %dma_wait3A_216 = arith.constant 0 : i32
      %dma_wait3A_217 = arith.constant 0 : i32
      %dma_wait3A_218 = tpu.memref_slice %arg4[%dma_wait3A_216, %dma_wait3A_217] : memref<624x128xf32, #tpu.memory_space<hbm>> -> memref<624x128xf32, #tpu.memory_space<hbm>>
      tpu.wait_dma2 semaphore(%run_scoped3A : memref<!tpu.dma_semaphore, #tpu.memory_space<semaphore_mem>>) src(%dma_wait3A_218 : memref<624x128xf32, #tpu.memory_space<hbm>>) dst(%dma_wait3A_215 : memref<624x128xf32, #tpu.memory_space<vmem_shared>>)
      tpu.yield
    }) : () -> ()
    %eq3A = arith.constant 15 : i32
    %eq3A_1 = arith.cmpi eq, %arg1, %eq3A : i32
    %convert_element_type3A = arith.extui %eq3A_1 : i1 to i32
    %cond3A = arith.constant 0 : i32
    %cond3A_2 = arith.cmpi ne, %convert_element_type3A, %cond3A : i32
    scf.if %cond3A_2 {
      "tpu.region"() ({
        %run_scoped3A = tpu.sem_alloc : memref<!tpu.dma_semaphore, #tpu.memory_space<semaphore_mem>>
        %dma_start3A_209 = arith.constant 9984 : i32
        %dma_start3A_210 = arith.constant 0 : i32
        %dma_start3A_211 = tpu.memref_slice %arg6[%dma_start3A_209, %dma_start3A_210] : memref<10000x128xf32, #tpu.memory_space<vmem_shared>> -> memref<16x128xf32, #tpu.memory_space<vmem_shared>>
        %dma_start3A_212 = arith.constant 0 : i32
        %dma_start3A_213 = arith.constant 0 : i32
        %dma_start3A_214 = tpu.memref_slice %arg4[%dma_start3A_212, %dma_start3A_213] : memref<624x128xf32, #tpu.memory_space<hbm>> -> memref<16x128xf32, #tpu.memory_space<hbm>>
        tpu.enqueue_dma source(%dma_start3A_214 : memref<16x128xf32, #tpu.memory_space<hbm>>) target(%dma_start3A_211 : memref<16x128xf32, #tpu.memory_space<vmem_shared>>) target_semaphore(%run_scoped3A : memref<!tpu.dma_semaphore, #tpu.memory_space<semaphore_mem>>)
        %dma_wait3A_215 = arith.constant 9984 : i32
        %dma_wait3A_216 = arith.constant 0 : i32
        %dma_wait3A_217 = tpu.memref_slice %arg6[%dma_wait3A_215, %dma_wait3A_216] : memref<10000x128xf32, #tpu.memory_space<vmem_shared>> -> memref<16x128xf32, #tpu.memory_space<vmem_shared>>
        %dma_wait3A_218 = arith.constant 0 : i32
        %dma_wait3A_219 = arith.constant 0 : i32
        %dma_wait3A_220 = tpu.memref_slice %arg4[%dma_wait3A_218, %dma_wait3A_219] : memref<624x128xf32, #tpu.memory_space<hbm>> -> memref<16x128xf32, #tpu.memory_space<hbm>>
        tpu.wait_dma2 semaphore(%run_scoped3A : memref<!tpu.dma_semaphore, #tpu.memory_space<semaphore_mem>>) src(%dma_wait3A_220 : memref<16x128xf32, #tpu.memory_space<hbm>>) dst(%dma_wait3A_217 : memref<16x128xf32, #tpu.memory_space<vmem_shared>>)
        tpu.yield
      }) : () -> ()
    } else {
    }
    %barrier3A = arith.constant 0 : index
    tpu.barrier barrier_id(%barrier3A)
    %mul3A_3 = arith.constant 16 : i32
    %mul3A_4 = arith.muli %arg0, %mul3A_3 : i32
    %add3A = arith.addi %mul3A_4, %arg1 : i32
    %mul3A_5 = arith.constant 10000 : i32
    %mul3A_6 = arith.muli %add3A, %mul3A_5 : i32
    %broadcast_in_dim3A = arith.constant 1.000000e+00 : f32
    %broadcast_in_dim3A_7 = vector.broadcast %broadcast_in_dim3A : f32 to vector<16xf32>
    %add3A_8 = arith.constant 0 : i32
    %add3A_9 = arith.addi %mul3A_6, %add3A_8 : i32
    %dma_start3A = arith.constant 0 : i32
    %dma_start3A_10 = arith.constant 0 : i32
    %dma_start3A_11 = arith.constant 0 : i32
    %dma_start3A_12 = arith.constant 0 : i32
    %dma_start3A_13 = tpu.memref_slice %arg7[%dma_start3A_10, %dma_start3A_12] : memref<4x80xi32, #tpu.memory_space<vmem>> -> memref<1x80xi32, #tpu.memory_space<vmem>>
    %dma_start3A_14 = tpu.memref_squeeze %dma_start3A_13 : memref<1x80xi32, #tpu.memory_space<vmem>> -> memref<80xi32, #tpu.memory_space<vmem>>
    %dma_start3A_15 = tpu.memref_slice %arg3[%dma_start3A, %add3A_9] : memref<2x320000xi32, #tpu.memory_space<hbm>> -> memref<1x80xi32, #tpu.memory_space<hbm>>
    %dma_start3A_16 = tpu.memref_squeeze %dma_start3A_15 : memref<1x80xi32, #tpu.memory_space<hbm>> -> memref<80xi32, #tpu.memory_space<hbm>>
    %dma_start3A_17 = tpu.memref_slice %arg10[%dma_start3A_11] : memref<4x!tpu.dma_semaphore, #tpu.memory_space<semaphore_mem>> -> memref<1x!tpu.dma_semaphore, #tpu.memory_space<semaphore_mem>>
    %dma_start3A_18 = tpu.memref_squeeze %dma_start3A_17 : memref<1x!tpu.dma_semaphore, #tpu.memory_space<semaphore_mem>> -> memref<!tpu.dma_semaphore, #tpu.memory_space<semaphore_mem>>
    %dma_start3A_19 = arith.constant 0 : i32
    %dma_start3A_20 = tpu.memref_slice %arg7[%dma_start3A_10, %dma_start3A_19] : memref<4x80xi32, #tpu.memory_space<vmem>> -> memref<1x80xi32, #tpu.memory_space<vmem>>
    %dma_start3A_21 = tpu.memref_squeeze %dma_start3A_20 : memref<1x80xi32, #tpu.memory_space<vmem>> -> memref<80xi32, #tpu.memory_space<vmem>>
    %dma_start3A_22 = tpu.memref_slice %arg3[%dma_start3A, %add3A_9] : memref<2x320000xi32, #tpu.memory_space<hbm>> -> memref<1x80xi32, #tpu.memory_space<hbm>>
    %dma_start3A_23 = tpu.memref_squeeze %dma_start3A_22 : memref<1x80xi32, #tpu.memory_space<hbm>> -> memref<80xi32, #tpu.memory_space<hbm>>
    tpu.enqueue_dma source(%dma_start3A_23 : memref<80xi32, #tpu.memory_space<hbm>>) target(%dma_start3A_21 : memref<80xi32, #tpu.memory_space<vmem>>) target_semaphore(%dma_start3A_18 : memref<!tpu.dma_semaphore, #tpu.memory_space<semaphore_mem>>)
    %dma_start3A_24 = arith.constant 1 : i32
    %dma_start3A_25 = arith.constant 0 : i32
    %dma_start3A_26 = arith.constant 0 : i32
    %dma_start3A_27 = arith.constant 0 : i32
    %dma_start3A_28 = tpu.memref_slice %arg8[%dma_start3A_25, %dma_start3A_27] : memref<4x80xi32, #tpu.memory_space<vmem>> -> memref<1x80xi32, #tpu.memory_space<vmem>>
    %dma_start3A_29 = tpu.memref_squeeze %dma_start3A_28 : memref<1x80xi32, #tpu.memory_space<vmem>> -> memref<80xi32, #tpu.memory_space<vmem>>
    %dma_start3A_30 = tpu.memref_slice %arg3[%dma_start3A_24, %add3A_9] : memref<2x320000xi32, #tpu.memory_space<hbm>> -> memref<1x80xi32, #tpu.memory_space<hbm>>
    %dma_start3A_31 = tpu.memref_squeeze %dma_start3A_30 : memref<1x80xi32, #tpu.memory_space<hbm>> -> memref<80xi32, #tpu.memory_space<hbm>>
    %dma_start3A_32 = tpu.memref_slice %arg10[%dma_start3A_26] : memref<4x!tpu.dma_semaphore, #tpu.memory_space<semaphore_mem>> -> memref<1x!tpu.dma_semaphore, #tpu.memory_space<semaphore_mem>>
    %dma_start3A_33 = tpu.memref_squeeze %dma_start3A_32 : memref<1x!tpu.dma_semaphore, #tpu.memory_space<semaphore_mem>> -> memref<!tpu.dma_semaphore, #tpu.memory_space<semaphore_mem>>
    %dma_start3A_34 = arith.constant 0 : i32
    %dma_start3A_35 = tpu.memref_slice %arg8[%dma_start3A_25, %dma_start3A_34] : memref<4x80xi32, #tpu.memory_space<vmem>> -> memref<1x80xi32, #tpu.memory_space<vmem>>
    %dma_start3A_36 = tpu.memref_squeeze %dma_start3A_35 : memref<1x80xi32, #tpu.memory_space<vmem>> -> memref<80xi32, #tpu.memory_space<vmem>>
    %dma_start3A_37 = tpu.memref_slice %arg3[%dma_start3A_24, %add3A_9] : memref<2x320000xi32, #tpu.memory_space<hbm>> -> memref<1x80xi32, #tpu.memory_space<hbm>>
    %dma_start3A_38 = tpu.memref_squeeze %dma_start3A_37 : memref<1x80xi32, #tpu.memory_space<hbm>> -> memref<80xi32, #tpu.memory_space<hbm>>
    tpu.enqueue_dma source(%dma_start3A_38 : memref<80xi32, #tpu.memory_space<hbm>>) target(%dma_start3A_36 : memref<80xi32, #tpu.memory_space<vmem>>) target_semaphore(%dma_start3A_33 : memref<!tpu.dma_semaphore, #tpu.memory_space<semaphore_mem>>)
    %add3A_39 = arith.constant 80 : i32
    %add3A_40 = arith.addi %mul3A_6, %add3A_39 : i32
    %dma_start3A_41 = arith.constant 0 : i32
    %dma_start3A_42 = arith.constant 1 : i32
    %dma_start3A_43 = arith.constant 1 : i32
    %dma_start3A_44 = arith.constant 0 : i32
    %dma_start3A_45 = tpu.memref_slice %arg7[%dma_start3A_42, %dma_start3A_44] : memref<4x80xi32, #tpu.memory_space<vmem>> -> memref<1x80xi32, #tpu.memory_space<vmem>>
    %dma_start3A_46 = tpu.memref_squeeze %dma_start3A_45 : memref<1x80xi32, #tpu.memory_space<vmem>> -> memref<80xi32, #tpu.memory_space<vmem>>
    %dma_start3A_47 = tpu.memref_slice %arg3[%dma_start3A_41, %add3A_40] : memref<2x320000xi32, #tpu.memory_space<hbm>> -> memref<1x80xi32, #tpu.memory_space<hbm>>
    %dma_start3A_48 = tpu.memref_squeeze %dma_start3A_47 : memref<1x80xi32, #tpu.memory_space<hbm>> -> memref<80xi32, #tpu.memory_space<hbm>>
    %dma_start3A_49 = tpu.memref_slice %arg10[%dma_start3A_43] : memref<4x!tpu.dma_semaphore, #tpu.memory_space<semaphore_mem>> -> memref<1x!tpu.dma_semaphore, #tpu.memory_space<semaphore_mem>>
    %dma_start3A_50 = tpu.memref_squeeze %dma_start3A_49 : memref<1x!tpu.dma_semaphore, #tpu.memory_space<semaphore_mem>> -> memref<!tpu.dma_semaphore, #tpu.memory_space<semaphore_mem>>
    %dma_start3A_51 = arith.constant 0 : i32
    %dma_start3A_52 = tpu.memref_slice %arg7[%dma_start3A_42, %dma_start3A_51] : memref<4x80xi32, #tpu.memory_space<vmem>> -> memref<1x80xi32, #tpu.memory_space<vmem>>
    %dma_start3A_53 = tpu.memref_squeeze %dma_start3A_52 : memref<1x80xi32, #tpu.memory_space<vmem>> -> memref<80xi32, #tpu.memory_space<vmem>>
    %dma_start3A_54 = tpu.memref_slice %arg3[%dma_start3A_41, %add3A_40] : memref<2x320000xi32, #tpu.memory_space<hbm>> -> memref<1x80xi32, #tpu.memory_space<hbm>>
    %dma_start3A_55 = tpu.memref_squeeze %dma_start3A_54 : memref<1x80xi32, #tpu.memory_space<hbm>> -> memref<80xi32, #tpu.memory_space<hbm>>
    tpu.enqueue_dma source(%dma_start3A_55 : memref<80xi32, #tpu.memory_space<hbm>>) target(%dma_start3A_53 : memref<80xi32, #tpu.memory_space<vmem>>) target_semaphore(%dma_start3A_50 : memref<!tpu.dma_semaphore, #tpu.memory_space<semaphore_mem>>)
    %dma_start3A_56 = arith.constant 1 : i32
    %dma_start3A_57 = arith.constant 1 : i32
    %dma_start3A_58 = arith.constant 1 : i32
    %dma_start3A_59 = arith.constant 0 : i32
    %dma_start3A_60 = tpu.memref_slice %arg8[%dma_start3A_57, %dma_start3A_59] : memref<4x80xi32, #tpu.memory_space<vmem>> -> memref<1x80xi32, #tpu.memory_space<vmem>>
    %dma_start3A_61 = tpu.memref_squeeze %dma_start3A_60 : memref<1x80xi32, #tpu.memory_space<vmem>> -> memref<80xi32, #tpu.memory_space<vmem>>
    %dma_start3A_62 = tpu.memref_slice %arg3[%dma_start3A_56, %add3A_40] : memref<2x320000xi32, #tpu.memory_space<hbm>> -> memref<1x80xi32, #tpu.memory_space<hbm>>
    %dma_start3A_63 = tpu.memref_squeeze %dma_start3A_62 : memref<1x80xi32, #tpu.memory_space<hbm>> -> memref<80xi32, #tpu.memory_space<hbm>>
    %dma_start3A_64 = tpu.memref_slice %arg10[%dma_start3A_58] : memref<4x!tpu.dma_semaphore, #tpu.memory_space<semaphore_mem>> -> memref<1x!tpu.dma_semaphore, #tpu.memory_space<semaphore_mem>>
    %dma_start3A_65 = tpu.memref_squeeze %dma_start3A_64 : memref<1x!tpu.dma_semaphore, #tpu.memory_space<semaphore_mem>> -> memref<!tpu.dma_semaphore, #tpu.memory_space<semaphore_mem>>
    %dma_start3A_66 = arith.constant 0 : i32
    %dma_start3A_67 = tpu.memref_slice %arg8[%dma_start3A_57, %dma_start3A_66] : memref<4x80xi32, #tpu.memory_space<vmem>> -> memref<1x80xi32, #tpu.memory_space<vmem>>
    %dma_start3A_68 = tpu.memref_squeeze %dma_start3A_67 : memref<1x80xi32, #tpu.memory_space<vmem>> -> memref<80xi32, #tpu.memory_space<vmem>>
    %dma_start3A_69 = tpu.memref_slice %arg3[%dma_start3A_56, %add3A_40] : memref<2x320000xi32, #tpu.memory_space<hbm>> -> memref<1x80xi32, #tpu.memory_space<hbm>>
    %dma_start3A_70 = tpu.memref_squeeze %dma_start3A_69 : memref<1x80xi32, #tpu.memory_space<hbm>> -> memref<80xi32, #tpu.memory_space<hbm>>
    tpu.enqueue_dma source(%dma_start3A_70 : memref<80xi32, #tpu.memory_space<hbm>>) target(%dma_start3A_68 : memref<80xi32, #tpu.memory_space<vmem>>) target_semaphore(%dma_start3A_65 : memref<!tpu.dma_semaphore, #tpu.memory_space<semaphore_mem>>)
    %dma_wait3A = arith.constant 0 : i32
    %dma_wait3A_71 = arith.constant 0 : i32
    %dma_wait3A_72 = arith.constant 0 : i32
    %dma_wait3A_73 = arith.constant 0 : i32
    %dma_wait3A_74 = tpu.memref_slice %arg7[%dma_wait3A_71, %dma_wait3A_73] : memref<4x80xi32, #tpu.memory_space<vmem>> -> memref<1x80xi32, #tpu.memory_space<vmem>>
    %dma_wait3A_75 = tpu.memref_squeeze %dma_wait3A_74 : memref<1x80xi32, #tpu.memory_space<vmem>> -> memref<80xi32, #tpu.memory_space<vmem>>
    %dma_wait3A_76 = arith.constant 0 : i32
    %dma_wait3A_77 = tpu.memref_slice %arg3[%dma_wait3A, %dma_wait3A_76] : memref<2x320000xi32, #tpu.memory_space<hbm>> -> memref<1x80xi32, #tpu.memory_space<hbm>>
    %dma_wait3A_78 = tpu.memref_squeeze %dma_wait3A_77 : memref<1x80xi32, #tpu.memory_space<hbm>> -> memref<80xi32, #tpu.memory_space<hbm>>
    %dma_wait3A_79 = tpu.memref_slice %arg10[%dma_wait3A_72] : memref<4x!tpu.dma_semaphore, #tpu.memory_space<semaphore_mem>> -> memref<1x!tpu.dma_semaphore, #tpu.memory_space<semaphore_mem>>
    %dma_wait3A_80 = tpu.memref_squeeze %dma_wait3A_79 : memref<1x!tpu.dma_semaphore, #tpu.memory_space<semaphore_mem>> -> memref<!tpu.dma_semaphore, #tpu.memory_space<semaphore_mem>>
    %dma_wait3A_81 = arith.constant 0 : i32
    %dma_wait3A_82 = tpu.memref_slice %arg7[%dma_wait3A_71, %dma_wait3A_81] : memref<4x80xi32, #tpu.memory_space<vmem>> -> memref<1x80xi32, #tpu.memory_space<vmem>>
    %dma_wait3A_83 = tpu.memref_squeeze %dma_wait3A_82 : memref<1x80xi32, #tpu.memory_space<vmem>> -> memref<80xi32, #tpu.memory_space<vmem>>
    %dma_wait3A_84 = arith.constant 0 : i32
    %dma_wait3A_85 = tpu.memref_slice %arg3[%dma_wait3A, %dma_wait3A_84] : memref<2x320000xi32, #tpu.memory_space<hbm>> -> memref<1x80xi32, #tpu.memory_space<hbm>>
    %dma_wait3A_86 = tpu.memref_squeeze %dma_wait3A_85 : memref<1x80xi32, #tpu.memory_space<hbm>> -> memref<80xi32, #tpu.memory_space<hbm>>
    tpu.wait_dma2 semaphore(%dma_wait3A_80 : memref<!tpu.dma_semaphore, #tpu.memory_space<semaphore_mem>>) src(%dma_wait3A_86 : memref<80xi32, #tpu.memory_space<hbm>>) dst(%dma_wait3A_83 : memref<80xi32, #tpu.memory_space<vmem>>)
    %dma_wait3A_87 = arith.constant 1 : i32
    %dma_wait3A_88 = arith.constant 0 : i32
    %dma_wait3A_89 = arith.constant 0 : i32
    %dma_wait3A_90 = arith.constant 0 : i32
    %dma_wait3A_91 = tpu.memref_slice %arg8[%dma_wait3A_88, %dma_wait3A_90] : memref<4x80xi32, #tpu.memory_space<vmem>> -> memref<1x80xi32, #tpu.memory_space<vmem>>
    %dma_wait3A_92 = tpu.memref_squeeze %dma_wait3A_91 : memref<1x80xi32, #tpu.memory_space<vmem>> -> memref<80xi32, #tpu.memory_space<vmem>>
    %dma_wait3A_93 = arith.constant 0 : i32
    %dma_wait3A_94 = tpu.memref_slice %arg3[%dma_wait3A_87, %dma_wait3A_93] : memref<2x320000xi32, #tpu.memory_space<hbm>> -> memref<1x80xi32, #tpu.memory_space<hbm>>
    %dma_wait3A_95 = tpu.memref_squeeze %dma_wait3A_94 : memref<1x80xi32, #tpu.memory_space<hbm>> -> memref<80xi32, #tpu.memory_space<hbm>>
    %dma_wait3A_96 = tpu.memref_slice %arg10[%dma_wait3A_89] : memref<4x!tpu.dma_semaphore, #tpu.memory_space<semaphore_mem>> -> memref<1x!tpu.dma_semaphore, #tpu.memory_space<semaphore_mem>>
    %dma_wait3A_97 = tpu.memref_squeeze %dma_wait3A_96 : memref<1x!tpu.dma_semaphore, #tpu.memory_space<semaphore_mem>> -> memref<!tpu.dma_semaphore, #tpu.memory_space<semaphore_mem>>
    %dma_wait3A_98 = arith.constant 0 : i32
    %dma_wait3A_99 = tpu.memref_slice %arg8[%dma_wait3A_88, %dma_wait3A_98] : memref<4x80xi32, #tpu.memory_space<vmem>> -> memref<1x80xi32, #tpu.memory_space<vmem>>
    %dma_wait3A_100 = tpu.memref_squeeze %dma_wait3A_99 : memref<1x80xi32, #tpu.memory_space<vmem>> -> memref<80xi32, #tpu.memory_space<vmem>>
    %dma_wait3A_101 = arith.constant 0 : i32
    %dma_wait3A_102 = tpu.memref_slice %arg3[%dma_wait3A_87, %dma_wait3A_101] : memref<2x320000xi32, #tpu.memory_space<hbm>> -> memref<1x80xi32, #tpu.memory_space<hbm>>
    %dma_wait3A_103 = tpu.memref_squeeze %dma_wait3A_102 : memref<1x80xi32, #tpu.memory_space<hbm>> -> memref<80xi32, #tpu.memory_space<hbm>>
    tpu.wait_dma2 semaphore(%dma_wait3A_97 : memref<!tpu.dma_semaphore, #tpu.memory_space<semaphore_mem>>) src(%dma_wait3A_103 : memref<80xi32, #tpu.memory_space<hbm>>) dst(%dma_wait3A_100 : memref<80xi32, #tpu.memory_space<vmem>>)
    %dma_start3A_104 = arith.constant 0 : i32
    %dma_start3A_105 = arith.constant 0 : i32
    %dma_start3A_106 = arith.constant 0 : i32
    %dma_start3A_107 = arith.constant 0 : i32
    %dma_start3A_108 = arith.constant 0 : i32
    %dma_start3A_109 = tpu.memref_slice %arg9[%dma_start3A_105, %dma_start3A_107, %dma_start3A_108] : memref<4x80x128xf32, #tpu.memory_space<vmem>> -> memref<1x80x128xf32, #tpu.memory_space<vmem>>
    %dma_start3A_110 = tpu.memref_squeeze %dma_start3A_109 : memref<1x80x128xf32, #tpu.memory_space<vmem>> -> memref<80x128xf32, #tpu.memory_space<vmem>>
    %dma_start3A_111 = arith.constant 0 : i32
    %dma_start3A_112 = tpu.memref_slice %arg7[%dma_start3A_104, %dma_start3A_111] : memref<4x80xi32, #tpu.memory_space<vmem>> -> memref<1x80xi32, #tpu.memory_space<vmem>>
    %dma_start3A_113 = tpu.memref_squeeze %dma_start3A_112 : memref<1x80xi32, #tpu.memory_space<vmem>> -> memref<80xi32, #tpu.memory_space<vmem>>
    %dma_start3A_114 = arith.constant 0 : i32
    %dma_start3A_115 = arith.constant 0 : i32
    %dma_start3A_116 = tpu.memref_slice %arg2[%dma_start3A_114, %dma_start3A_115] : memref<10000x128xf32, #tpu.memory_space<hbm>> -> memref<10000x128xf32, #tpu.memory_space<hbm>>
    %dma_start3A_117 = tpu.memref_slice %arg11[%dma_start3A_106] : memref<4x!tpu.dma_semaphore, #tpu.memory_space<semaphore_mem>> -> memref<1x!tpu.dma_semaphore, #tpu.memory_space<semaphore_mem>>
    %dma_start3A_118 = tpu.memref_squeeze %dma_start3A_117 : memref<1x!tpu.dma_semaphore, #tpu.memory_space<semaphore_mem>> -> memref<!tpu.dma_semaphore, #tpu.memory_space<semaphore_mem>>
    tpu.enqueue_indirect_dma source(%dma_start3A_116 : memref<10000x128xf32, #tpu.memory_space<hbm>>) target(%dma_start3A_110 : memref<80x128xf32, #tpu.memory_space<vmem>>) offsets(%dma_start3A_113 : memref<80xi32, #tpu.memory_space<vmem>>) semaphore(%dma_start3A_118 : memref<!tpu.dma_semaphore, #tpu.memory_space<semaphore_mem>>)
    %scan3A = arith.constant 0 : i32
    %scan3A_119 = arith.constant 0 : i32
    %scan3A_120 = arith.constant 125 : i32
    %scan3A_121 = arith.addi %scan3A_119, %scan3A_120 : i32
    %scan3A_122 = arith.constant 1 : i32
    scf.for %scan3A_209 = %scan3A_119 to %scan3A_121 step %scan3A_122  : i32 {
      %rem3A = arith.constant 4 : i32
      %rem3A_210 = arith.remsi %scan3A_209, %rem3A : i32
      %add3A_211 = arith.constant 1 : i32
      %add3A_212 = arith.addi %scan3A_209, %add3A_211 : i32
      %rem3A_213 = arith.constant 4 : i32
      %rem3A_214 = arith.remsi %add3A_212, %rem3A_213 : i32
      %add3A_215 = arith.constant 2 : i32
      %add3A_216 = arith.addi %scan3A_209, %add3A_215 : i32
      %rem3A_217 = arith.constant 4 : i32
      %rem3A_218 = arith.remsi %add3A_216, %rem3A_217 : i32
      %ge3A = arith.constant 2 : i32
      %ge3A_219 = arith.cmpi sge, %scan3A_209, %ge3A : i32
      %convert_element_type3A_220 = arith.extui %ge3A_219 : i1 to i32
      %cond3A_221 = arith.constant 0 : i32
      %cond3A_222 = arith.cmpi ne, %convert_element_type3A_220, %cond3A_221 : i32
      scf.if %cond3A_222 {
        %dma_wait3A_322 = arith.constant 0 : i32
        %dma_wait3A_323 = arith.constant 0 : i32
        %dma_wait3A_324 = tpu.memref_slice %arg9[%rem3A_218, %dma_wait3A_322, %dma_wait3A_323] : memref<4x80x128xf32, #tpu.memory_space<vmem>> -> memref<1x80x128xf32, #tpu.memory_space<vmem>>
        %dma_wait3A_325 = tpu.memref_squeeze %dma_wait3A_324 : memref<1x80x128xf32, #tpu.memory_space<vmem>> -> memref<80x128xf32, #tpu.memory_space<vmem>>
        %dma_wait3A_326 = arith.constant 0 : i32
        %dma_wait3A_327 = tpu.memref_slice %arg8[%rem3A_218, %dma_wait3A_326] : memref<4x80xi32, #tpu.memory_space<vmem>> -> memref<1x80xi32, #tpu.memory_space<vmem>>
        %dma_wait3A_328 = tpu.memref_squeeze %dma_wait3A_327 : memref<1x80xi32, #tpu.memory_space<vmem>> -> memref<80xi32, #tpu.memory_space<vmem>>
        %dma_wait3A_329 = arith.constant 0 : i32
        %dma_wait3A_330 = arith.constant 0 : i32
        %dma_wait3A_331 = tpu.memref_slice %arg6[%dma_wait3A_329, %dma_wait3A_330] : memref<10000x128xf32, #tpu.memory_space<vmem_shared>> -> memref<10000x128xf32, #tpu.memory_space<vmem_shared>>
        %dma_wait3A_332 = tpu.memref_slice %arg12[%rem3A_218] : memref<4x!tpu.dma_semaphore, #tpu.memory_space<semaphore_mem>> -> memref<1x!tpu.dma_semaphore, #tpu.memory_space<semaphore_mem>>
        %dma_wait3A_333 = tpu.memref_squeeze %dma_wait3A_332 : memref<1x!tpu.dma_semaphore, #tpu.memory_space<semaphore_mem>> -> memref<!tpu.dma_semaphore, #tpu.memory_space<semaphore_mem>>
        tpu.wait_indirect_dma semaphore(%dma_wait3A_333 : memref<!tpu.dma_semaphore, #tpu.memory_space<semaphore_mem>>) src(%dma_wait3A_325 : memref<80x128xf32, #tpu.memory_space<vmem>>) dst(%dma_wait3A_331 : memref<10000x128xf32, #tpu.memory_space<vmem_shared>>)
      } else {
      }
      %add3A_223 = arith.constant 2 : i32
      %add3A_224 = arith.addi %scan3A_209, %add3A_223 : i32
      %rem3A_225 = arith.constant 125 : i32
      %rem3A_226 = arith.remsi %add3A_224, %rem3A_225 : i32
      %mul3A_227 = arith.constant 80 : i32
      %mul3A_228 = arith.muli %rem3A_226, %mul3A_227 : i32
      %add3A_229 = arith.addi %mul3A_6, %mul3A_228 : i32
      %dma_start3A_230 = arith.constant 0 : i32
      %dma_start3A_231 = arith.constant 0 : i32
      %dma_start3A_232 = tpu.memref_slice %arg7[%rem3A_218, %dma_start3A_231] : memref<4x80xi32, #tpu.memory_space<vmem>> -> memref<1x80xi32, #tpu.memory_space<vmem>>
      %dma_start3A_233 = tpu.memref_squeeze %dma_start3A_232 : memref<1x80xi32, #tpu.memory_space<vmem>> -> memref<80xi32, #tpu.memory_space<vmem>>
      %dma_start3A_234 = tpu.memref_slice %arg3[%dma_start3A_230, %add3A_229] : memref<2x320000xi32, #tpu.memory_space<hbm>> -> memref<1x80xi32, #tpu.memory_space<hbm>>
      %dma_start3A_235 = tpu.memref_squeeze %dma_start3A_234 : memref<1x80xi32, #tpu.memory_space<hbm>> -> memref<80xi32, #tpu.memory_space<hbm>>
      %dma_start3A_236 = tpu.memref_slice %arg10[%rem3A_218] : memref<4x!tpu.dma_semaphore, #tpu.memory_space<semaphore_mem>> -> memref<1x!tpu.dma_semaphore, #tpu.memory_space<semaphore_mem>>
      %dma_start3A_237 = tpu.memref_squeeze %dma_start3A_236 : memref<1x!tpu.dma_semaphore, #tpu.memory_space<semaphore_mem>> -> memref<!tpu.dma_semaphore, #tpu.memory_space<semaphore_mem>>
      %dma_start3A_238 = arith.constant 0 : i32
      %dma_start3A_239 = tpu.memref_slice %arg7[%rem3A_218, %dma_start3A_238] : memref<4x80xi32, #tpu.memory_space<vmem>> -> memref<1x80xi32, #tpu.memory_space<vmem>>
      %dma_start3A_240 = tpu.memref_squeeze %dma_start3A_239 : memref<1x80xi32, #tpu.memory_space<vmem>> -> memref<80xi32, #tpu.memory_space<vmem>>
      %dma_start3A_241 = tpu.memref_slice %arg3[%dma_start3A_230, %add3A_229] : memref<2x320000xi32, #tpu.memory_space<hbm>> -> memref<1x80xi32, #tpu.memory_space<hbm>>
      %dma_start3A_242 = tpu.memref_squeeze %dma_start3A_241 : memref<1x80xi32, #tpu.memory_space<hbm>> -> memref<80xi32, #tpu.memory_space<hbm>>
      tpu.enqueue_dma source(%dma_start3A_242 : memref<80xi32, #tpu.memory_space<hbm>>) target(%dma_start3A_240 : memref<80xi32, #tpu.memory_space<vmem>>) target_semaphore(%dma_start3A_237 : memref<!tpu.dma_semaphore, #tpu.memory_space<semaphore_mem>>)
      %dma_start3A_243 = arith.constant 1 : i32
      %dma_start3A_244 = arith.constant 0 : i32
      %dma_start3A_245 = tpu.memref_slice %arg8[%rem3A_218, %dma_start3A_244] : memref<4x80xi32, #tpu.memory_space<vmem>> -> memref<1x80xi32, #tpu.memory_space<vmem>>
      %dma_start3A_246 = tpu.memref_squeeze %dma_start3A_245 : memref<1x80xi32, #tpu.memory_space<vmem>> -> memref<80xi32, #tpu.memory_space<vmem>>
      %dma_start3A_247 = tpu.memref_slice %arg3[%dma_start3A_243, %add3A_229] : memref<2x320000xi32, #tpu.memory_space<hbm>> -> memref<1x80xi32, #tpu.memory_space<hbm>>
      %dma_start3A_248 = tpu.memref_squeeze %dma_start3A_247 : memref<1x80xi32, #tpu.memory_space<hbm>> -> memref<80xi32, #tpu.memory_space<hbm>>
      %dma_start3A_249 = tpu.memref_slice %arg10[%rem3A_218] : memref<4x!tpu.dma_semaphore, #tpu.memory_space<semaphore_mem>> -> memref<1x!tpu.dma_semaphore, #tpu.memory_space<semaphore_mem>>
      %dma_start3A_250 = tpu.memref_squeeze %dma_start3A_249 : memref<1x!tpu.dma_semaphore, #tpu.memory_space<semaphore_mem>> -> memref<!tpu.dma_semaphore, #tpu.memory_space<semaphore_mem>>
      %dma_start3A_251 = arith.constant 0 : i32
      %dma_start3A_252 = tpu.memref_slice %arg8[%rem3A_218, %dma_start3A_251] : memref<4x80xi32, #tpu.memory_space<vmem>> -> memref<1x80xi32, #tpu.memory_space<vmem>>
      %dma_start3A_253 = tpu.memref_squeeze %dma_start3A_252 : memref<1x80xi32, #tpu.memory_space<vmem>> -> memref<80xi32, #tpu.memory_space<vmem>>
      %dma_start3A_254 = tpu.memref_slice %arg3[%dma_start3A_243, %add3A_229] : memref<2x320000xi32, #tpu.memory_space<hbm>> -> memref<1x80xi32, #tpu.memory_space<hbm>>
      %dma_start3A_255 = tpu.memref_squeeze %dma_start3A_254 : memref<1x80xi32, #tpu.memory_space<hbm>> -> memref<80xi32, #tpu.memory_space<hbm>>
      tpu.enqueue_dma source(%dma_start3A_255 : memref<80xi32, #tpu.memory_space<hbm>>) target(%dma_start3A_253 : memref<80xi32, #tpu.memory_space<vmem>>) target_semaphore(%dma_start3A_250 : memref<!tpu.dma_semaphore, #tpu.memory_space<semaphore_mem>>)
      %dma_wait3A_256 = arith.constant 0 : i32
      %dma_wait3A_257 = arith.constant 0 : i32
      %dma_wait3A_258 = tpu.memref_slice %arg7[%rem3A_214, %dma_wait3A_257] : memref<4x80xi32, #tpu.memory_space<vmem>> -> memref<1x80xi32, #tpu.memory_space<vmem>>
      %dma_wait3A_259 = tpu.memref_squeeze %dma_wait3A_258 : memref<1x80xi32, #tpu.memory_space<vmem>> -> memref<80xi32, #tpu.memory_space<vmem>>
      %dma_wait3A_260 = arith.constant 0 : i32
      %dma_wait3A_261 = tpu.memref_slice %arg3[%dma_wait3A_256, %dma_wait3A_260] : memref<2x320000xi32, #tpu.memory_space<hbm>> -> memref<1x80xi32, #tpu.memory_space<hbm>>
      %dma_wait3A_262 = tpu.memref_squeeze %dma_wait3A_261 : memref<1x80xi32, #tpu.memory_space<hbm>> -> memref<80xi32, #tpu.memory_space<hbm>>
      %dma_wait3A_263 = tpu.memref_slice %arg10[%rem3A_214] : memref<4x!tpu.dma_semaphore, #tpu.memory_space<semaphore_mem>> -> memref<1x!tpu.dma_semaphore, #tpu.memory_space<semaphore_mem>>
      %dma_wait3A_264 = tpu.memref_squeeze %dma_wait3A_263 : memref<1x!tpu.dma_semaphore, #tpu.memory_space<semaphore_mem>> -> memref<!tpu.dma_semaphore, #tpu.memory_space<semaphore_mem>>
      %dma_wait3A_265 = arith.constant 0 : i32
      %dma_wait3A_266 = tpu.memref_slice %arg7[%rem3A_214, %dma_wait3A_265] : memref<4x80xi32, #tpu.memory_space<vmem>> -> memref<1x80xi32, #tpu.memory_space<vmem>>
      %dma_wait3A_267 = tpu.memref_squeeze %dma_wait3A_266 : memref<1x80xi32, #tpu.memory_space<vmem>> -> memref<80xi32, #tpu.memory_space<vmem>>
      %dma_wait3A_268 = arith.constant 0 : i32
      %dma_wait3A_269 = tpu.memref_slice %arg3[%dma_wait3A_256, %dma_wait3A_268] : memref<2x320000xi32, #tpu.memory_space<hbm>> -> memref<1x80xi32, #tpu.memory_space<hbm>>
      %dma_wait3A_270 = tpu.memref_squeeze %dma_wait3A_269 : memref<1x80xi32, #tpu.memory_space<hbm>> -> memref<80xi32, #tpu.memory_space<hbm>>
      tpu.wait_dma2 semaphore(%dma_wait3A_264 : memref<!tpu.dma_semaphore, #tpu.memory_space<semaphore_mem>>) src(%dma_wait3A_270 : memref<80xi32, #tpu.memory_space<hbm>>) dst(%dma_wait3A_267 : memref<80xi32, #tpu.memory_space<vmem>>)
      %dma_wait3A_271 = arith.constant 1 : i32
      %dma_wait3A_272 = arith.constant 0 : i32
      %dma_wait3A_273 = tpu.memref_slice %arg8[%rem3A_214, %dma_wait3A_272] : memref<4x80xi32, #tpu.memory_space<vmem>> -> memref<1x80xi32, #tpu.memory_space<vmem>>
      %dma_wait3A_274 = tpu.memref_squeeze %dma_wait3A_273 : memref<1x80xi32, #tpu.memory_space<vmem>> -> memref<80xi32, #tpu.memory_space<vmem>>
      %dma_wait3A_275 = arith.constant 0 : i32
      %dma_wait3A_276 = tpu.memref_slice %arg3[%dma_wait3A_271, %dma_wait3A_275] : memref<2x320000xi32, #tpu.memory_space<hbm>> -> memref<1x80xi32, #tpu.memory_space<hbm>>
      %dma_wait3A_277 = tpu.memref_squeeze %dma_wait3A_276 : memref<1x80xi32, #tpu.memory_space<hbm>> -> memref<80xi32, #tpu.memory_space<hbm>>
      %dma_wait3A_278 = tpu.memref_slice %arg10[%rem3A_214] : memref<4x!tpu.dma_semaphore, #tpu.memory_space<semaphore_mem>> -> memref<1x!tpu.dma_semaphore, #tpu.memory_space<semaphore_mem>>
      %dma_wait3A_279 = tpu.memref_squeeze %dma_wait3A_278 : memref<1x!tpu.dma_semaphore, #tpu.memory_space<semaphore_mem>> -> memref<!tpu.dma_semaphore, #tpu.memory_space<semaphore_mem>>
      %dma_wait3A_280 = arith.constant 0 : i32
      %dma_wait3A_281 = tpu.memref_slice %arg8[%rem3A_214, %dma_wait3A_280] : memref<4x80xi32, #tpu.memory_space<vmem>> -> memref<1x80xi32, #tpu.memory_space<vmem>>
      %dma_wait3A_282 = tpu.memref_squeeze %dma_wait3A_281 : memref<1x80xi32, #tpu.memory_space<vmem>> -> memref<80xi32, #tpu.memory_space<vmem>>
      %dma_wait3A_283 = arith.constant 0 : i32
      %dma_wait3A_284 = tpu.memref_slice %arg3[%dma_wait3A_271, %dma_wait3A_283] : memref<2x320000xi32, #tpu.memory_space<hbm>> -> memref<1x80xi32, #tpu.memory_space<hbm>>
      %dma_wait3A_285 = tpu.memref_squeeze %dma_wait3A_284 : memref<1x80xi32, #tpu.memory_space<hbm>> -> memref<80xi32, #tpu.memory_space<hbm>>
      tpu.wait_dma2 semaphore(%dma_wait3A_279 : memref<!tpu.dma_semaphore, #tpu.memory_space<semaphore_mem>>) src(%dma_wait3A_285 : memref<80xi32, #tpu.memory_space<hbm>>) dst(%dma_wait3A_282 : memref<80xi32, #tpu.memory_space<vmem>>)
      %dma_start3A_286 = arith.constant 0 : i32
      %dma_start3A_287 = arith.constant 0 : i32
      %dma_start3A_288 = tpu.memref_slice %arg9[%rem3A_214, %dma_start3A_286, %dma_start3A_287] : memref<4x80x128xf32, #tpu.memory_space<vmem>> -> memref<1x80x128xf32, #tpu.memory_space<vmem>>
      %dma_start3A_289 = tpu.memref_squeeze %dma_start3A_288 : memref<1x80x128xf32, #tpu.memory_space<vmem>> -> memref<80x128xf32, #tpu.memory_space<vmem>>
      %dma_start3A_290 = arith.constant 0 : i32
      %dma_start3A_291 = tpu.memref_slice %arg7[%rem3A_214, %dma_start3A_290] : memref<4x80xi32, #tpu.memory_space<vmem>> -> memref<1x80xi32, #tpu.memory_space<vmem>>
      %dma_start3A_292 = tpu.memref_squeeze %dma_start3A_291 : memref<1x80xi32, #tpu.memory_space<vmem>> -> memref<80xi32, #tpu.memory_space<vmem>>
      %dma_start3A_293 = arith.constant 0 : i32
      %dma_start3A_294 = arith.constant 0 : i32
      %dma_start3A_295 = tpu.memref_slice %arg2[%dma_start3A_293, %dma_start3A_294] : memref<10000x128xf32, #tpu.memory_space<hbm>> -> memref<10000x128xf32, #tpu.memory_space<hbm>>
      %dma_start3A_296 = tpu.memref_slice %arg11[%rem3A_214] : memref<4x!tpu.dma_semaphore, #tpu.memory_space<semaphore_mem>> -> memref<1x!tpu.dma_semaphore, #tpu.memory_space<semaphore_mem>>
      %dma_start3A_297 = tpu.memref_squeeze %dma_start3A_296 : memref<1x!tpu.dma_semaphore, #tpu.memory_space<semaphore_mem>> -> memref<!tpu.dma_semaphore, #tpu.memory_space<semaphore_mem>>
      tpu.enqueue_indirect_dma source(%dma_start3A_295 : memref<10000x128xf32, #tpu.memory_space<hbm>>) target(%dma_start3A_289 : memref<80x128xf32, #tpu.memory_space<vmem>>) offsets(%dma_start3A_292 : memref<80xi32, #tpu.memory_space<vmem>>) semaphore(%dma_start3A_297 : memref<!tpu.dma_semaphore, #tpu.memory_space<semaphore_mem>>)
      %dma_wait3A_298 = arith.constant 0 : i32
      %dma_wait3A_299 = arith.constant 0 : i32
      %dma_wait3A_300 = tpu.memref_slice %arg9[%rem3A_210, %dma_wait3A_298, %dma_wait3A_299] : memref<4x80x128xf32, #tpu.memory_space<vmem>> -> memref<1x80x128xf32, #tpu.memory_space<vmem>>
      %dma_wait3A_301 = tpu.memref_squeeze %dma_wait3A_300 : memref<1x80x128xf32, #tpu.memory_space<vmem>> -> memref<80x128xf32, #tpu.memory_space<vmem>>
      %dma_wait3A_302 = arith.constant 0 : i32
      %dma_wait3A_303 = tpu.memref_slice %arg7[%rem3A_210, %dma_wait3A_302] : memref<4x80xi32, #tpu.memory_space<vmem>> -> memref<1x80xi32, #tpu.memory_space<vmem>>
      %dma_wait3A_304 = tpu.memref_squeeze %dma_wait3A_303 : memref<1x80xi32, #tpu.memory_space<vmem>> -> memref<80xi32, #tpu.memory_space<vmem>>
      %dma_wait3A_305 = arith.constant 0 : i32
      %dma_wait3A_306 = arith.constant 0 : i32
      %dma_wait3A_307 = tpu.memref_slice %arg2[%dma_wait3A_305, %dma_wait3A_306] : memref<10000x128xf32, #tpu.memory_space<hbm>> -> memref<10000x128xf32, #tpu.memory_space<hbm>>
      %dma_wait3A_308 = tpu.memref_slice %arg11[%rem3A_210] : memref<4x!tpu.dma_semaphore, #tpu.memory_space<semaphore_mem>> -> memref<1x!tpu.dma_semaphore, #tpu.memory_space<semaphore_mem>>
      %dma_wait3A_309 = tpu.memref_squeeze %dma_wait3A_308 : memref<1x!tpu.dma_semaphore, #tpu.memory_space<semaphore_mem>> -> memref<!tpu.dma_semaphore, #tpu.memory_space<semaphore_mem>>
      tpu.wait_indirect_dma semaphore(%dma_wait3A_309 : memref<!tpu.dma_semaphore, #tpu.memory_space<semaphore_mem>>) src(%dma_wait3A_307 : memref<10000x128xf32, #tpu.memory_space<hbm>>) dst(%dma_wait3A_301 : memref<80x128xf32, #tpu.memory_space<vmem>>)
      %dma_start3A_310 = arith.constant 0 : i32
      %dma_start3A_311 = arith.constant 0 : i32
      %dma_start3A_312 = tpu.memref_slice %arg9[%rem3A_210, %dma_start3A_310, %dma_start3A_311] : memref<4x80x128xf32, #tpu.memory_space<vmem>> -> memref<1x80x128xf32, #tpu.memory_space<vmem>>
      %dma_start3A_313 = tpu.memref_squeeze %dma_start3A_312 : memref<1x80x128xf32, #tpu.memory_space<vmem>> -> memref<80x128xf32, #tpu.memory_space<vmem>>
      %dma_start3A_314 = arith.constant 0 : i32
      %dma_start3A_315 = tpu.memref_slice %arg8[%rem3A_210, %dma_start3A_314] : memref<4x80xi32, #tpu.memory_space<vmem>> -> memref<1x80xi32, #tpu.memory_space<vmem>>
      %dma_start3A_316 = tpu.memref_squeeze %dma_start3A_315 : memref<1x80xi32, #tpu.memory_space<vmem>> -> memref<80xi32, #tpu.memory_space<vmem>>
      %dma_start3A_317 = arith.constant 0 : i32
      %dma_start3A_318 = arith.constant 0 : i32
      %dma_start3A_319 = tpu.memref_slice %arg6[%dma_start3A_317, %dma_start3A_318] : memref<10000x128xf32, #tpu.memory_space<vmem_shared>> -> memref<10000x128xf32, #tpu.memory_space<vmem_shared>>
      %dma_start3A_320 = tpu.memref_slice %arg12[%rem3A_210] : memref<4x!tpu.dma_semaphore, #tpu.memory_space<semaphore_mem>> -> memref<1x!tpu.dma_semaphore, #tpu.memory_space<semaphore_mem>>
      %dma_start3A_321 = tpu.memref_squeeze %dma_start3A_320 : memref<1x!tpu.dma_semaphore, #tpu.memory_space<semaphore_mem>> -> memref<!tpu.dma_semaphore, #tpu.memory_space<semaphore_mem>>
      tpu.enqueue_indirect_dma source(%dma_start3A_313 : memref<80x128xf32, #tpu.memory_space<vmem>>) target(%dma_start3A_319 : memref<10000x128xf32, #tpu.memory_space<vmem_shared>>) offsets(%dma_start3A_316 : memref<80xi32, #tpu.memory_space<vmem>>) semaphore(%dma_start3A_321 : memref<!tpu.dma_semaphore, #tpu.memory_space<semaphore_mem>>) {add = true}
    }
    %scan3A_123 = arith.constant 125 : i32
    %dma_wait3A_124 = arith.constant 3 : i32
    %dma_wait3A_125 = arith.constant 3 : i32
    %dma_wait3A_126 = arith.constant 3 : i32
    %dma_wait3A_127 = arith.constant 0 : i32
    %dma_wait3A_128 = arith.constant 0 : i32
    %dma_wait3A_129 = tpu.memref_slice %arg9[%dma_wait3A_124, %dma_wait3A_127, %dma_wait3A_128] : memref<4x80x128xf32, #tpu.memory_space<vmem>> -> memref<1x80x128xf32, #tpu.memory_space<vmem>>
    %dma_wait3A_130 = tpu.memref_squeeze %dma_wait3A_129 : memref<1x80x128xf32, #tpu.memory_space<vmem>> -> memref<80x128xf32, #tpu.memory_space<vmem>>
    %dma_wait3A_131 = arith.constant 0 : i32
    %dma_wait3A_132 = tpu.memref_slice %arg8[%dma_wait3A_125, %dma_wait3A_131] : memref<4x80xi32, #tpu.memory_space<vmem>> -> memref<1x80xi32, #tpu.memory_space<vmem>>
    %dma_wait3A_133 = tpu.memref_squeeze %dma_wait3A_132 : memref<1x80xi32, #tpu.memory_space<vmem>> -> memref<80xi32, #tpu.memory_space<vmem>>
    %dma_wait3A_134 = arith.constant 0 : i32
    %dma_wait3A_135 = arith.constant 0 : i32
    %dma_wait3A_136 = tpu.memref_slice %arg6[%dma_wait3A_134, %dma_wait3A_135] : memref<10000x128xf32, #tpu.memory_space<vmem_shared>> -> memref<10000x128xf32, #tpu.memory_space<vmem_shared>>
    %dma_wait3A_137 = tpu.memref_slice %arg12[%dma_wait3A_126] : memref<4x!tpu.dma_semaphore, #tpu.memory_space<semaphore_mem>> -> memref<1x!tpu.dma_semaphore, #tpu.memory_space<semaphore_mem>>
    %dma_wait3A_138 = tpu.memref_squeeze %dma_wait3A_137 : memref<1x!tpu.dma_semaphore, #tpu.memory_space<semaphore_mem>> -> memref<!tpu.dma_semaphore, #tpu.memory_space<semaphore_mem>>
    tpu.wait_indirect_dma semaphore(%dma_wait3A_138 : memref<!tpu.dma_semaphore, #tpu.memory_space<semaphore_mem>>) src(%dma_wait3A_130 : memref<80x128xf32, #tpu.memory_space<vmem>>) dst(%dma_wait3A_136 : memref<10000x128xf32, #tpu.memory_space<vmem_shared>>)
    %dma_wait3A_139 = arith.constant 0 : i32
    %dma_wait3A_140 = arith.constant 0 : i32
    %dma_wait3A_141 = arith.constant 0 : i32
    %dma_wait3A_142 = arith.constant 0 : i32
    %dma_wait3A_143 = arith.constant 0 : i32
    %dma_wait3A_144 = tpu.memref_slice %arg9[%dma_wait3A_139, %dma_wait3A_142, %dma_wait3A_143] : memref<4x80x128xf32, #tpu.memory_space<vmem>> -> memref<1x80x128xf32, #tpu.memory_space<vmem>>
    %dma_wait3A_145 = tpu.memref_squeeze %dma_wait3A_144 : memref<1x80x128xf32, #tpu.memory_space<vmem>> -> memref<80x128xf32, #tpu.memory_space<vmem>>
    %dma_wait3A_146 = arith.constant 0 : i32
    %dma_wait3A_147 = tpu.memref_slice %arg8[%dma_wait3A_140, %dma_wait3A_146] : memref<4x80xi32, #tpu.memory_space<vmem>> -> memref<1x80xi32, #tpu.memory_space<vmem>>
    %dma_wait3A_148 = tpu.memref_squeeze %dma_wait3A_147 : memref<1x80xi32, #tpu.memory_space<vmem>> -> memref<80xi32, #tpu.memory_space<vmem>>
    %dma_wait3A_149 = arith.constant 0 : i32
    %dma_wait3A_150 = arith.constant 0 : i32
    %dma_wait3A_151 = tpu.memref_slice %arg6[%dma_wait3A_149, %dma_wait3A_150] : memref<10000x128xf32, #tpu.memory_space<vmem_shared>> -> memref<10000x128xf32, #tpu.memory_space<vmem_shared>>
    %dma_wait3A_152 = tpu.memref_slice %arg12[%dma_wait3A_141] : memref<4x!tpu.dma_semaphore, #tpu.memory_space<semaphore_mem>> -> memref<1x!tpu.dma_semaphore, #tpu.memory_space<semaphore_mem>>
    %dma_wait3A_153 = tpu.memref_squeeze %dma_wait3A_152 : memref<1x!tpu.dma_semaphore, #tpu.memory_space<semaphore_mem>> -> memref<!tpu.dma_semaphore, #tpu.memory_space<semaphore_mem>>
    tpu.wait_indirect_dma semaphore(%dma_wait3A_153 : memref<!tpu.dma_semaphore, #tpu.memory_space<semaphore_mem>>) src(%dma_wait3A_145 : memref<80x128xf32, #tpu.memory_space<vmem>>) dst(%dma_wait3A_151 : memref<10000x128xf32, #tpu.memory_space<vmem_shared>>)
    %dma_wait3A_154 = arith.constant 1 : i32
    %dma_wait3A_155 = arith.constant 1 : i32
    %dma_wait3A_156 = arith.constant 1 : i32
    %dma_wait3A_157 = arith.constant 0 : i32
    %dma_wait3A_158 = arith.constant 0 : i32
    %dma_wait3A_159 = tpu.memref_slice %arg9[%dma_wait3A_155, %dma_wait3A_157, %dma_wait3A_158] : memref<4x80x128xf32, #tpu.memory_space<vmem>> -> memref<1x80x128xf32, #tpu.memory_space<vmem>>
    %dma_wait3A_160 = tpu.memref_squeeze %dma_wait3A_159 : memref<1x80x128xf32, #tpu.memory_space<vmem>> -> memref<80x128xf32, #tpu.memory_space<vmem>>
    %dma_wait3A_161 = arith.constant 0 : i32
    %dma_wait3A_162 = tpu.memref_slice %arg7[%dma_wait3A_154, %dma_wait3A_161] : memref<4x80xi32, #tpu.memory_space<vmem>> -> memref<1x80xi32, #tpu.memory_space<vmem>>
    %dma_wait3A_163 = tpu.memref_squeeze %dma_wait3A_162 : memref<1x80xi32, #tpu.memory_space<vmem>> -> memref<80xi32, #tpu.memory_space<vmem>>
    %dma_wait3A_164 = arith.constant 0 : i32
    %dma_wait3A_165 = arith.constant 0 : i32
    %dma_wait3A_166 = tpu.memref_slice %arg2[%dma_wait3A_164, %dma_wait3A_165] : memref<10000x128xf32, #tpu.memory_space<hbm>> -> memref<10000x128xf32, #tpu.memory_space<hbm>>
    %dma_wait3A_167 = tpu.memref_slice %arg11[%dma_wait3A_156] : memref<4x!tpu.dma_semaphore, #tpu.memory_space<semaphore_mem>> -> memref<1x!tpu.dma_semaphore, #tpu.memory_space<semaphore_mem>>
    %dma_wait3A_168 = tpu.memref_squeeze %dma_wait3A_167 : memref<1x!tpu.dma_semaphore, #tpu.memory_space<semaphore_mem>> -> memref<!tpu.dma_semaphore, #tpu.memory_space<semaphore_mem>>
    tpu.wait_indirect_dma semaphore(%dma_wait3A_168 : memref<!tpu.dma_semaphore, #tpu.memory_space<semaphore_mem>>) src(%dma_wait3A_166 : memref<10000x128xf32, #tpu.memory_space<hbm>>) dst(%dma_wait3A_160 : memref<80x128xf32, #tpu.memory_space<vmem>>)
    %dma_wait3A_169 = arith.constant 0 : i32
    %dma_wait3A_170 = arith.constant 2 : i32
    %dma_wait3A_171 = arith.constant 2 : i32
    %dma_wait3A_172 = arith.constant 0 : i32
    %dma_wait3A_173 = tpu.memref_slice %arg7[%dma_wait3A_170, %dma_wait3A_172] : memref<4x80xi32, #tpu.memory_space<vmem>> -> memref<1x80xi32, #tpu.memory_space<vmem>>
    %dma_wait3A_174 = tpu.memref_squeeze %dma_wait3A_173 : memref<1x80xi32, #tpu.memory_space<vmem>> -> memref<80xi32, #tpu.memory_space<vmem>>
    %dma_wait3A_175 = arith.constant 0 : i32
    %dma_wait3A_176 = tpu.memref_slice %arg3[%dma_wait3A_169, %dma_wait3A_175] : memref<2x320000xi32, #tpu.memory_space<hbm>> -> memref<1x80xi32, #tpu.memory_space<hbm>>
    %dma_wait3A_177 = tpu.memref_squeeze %dma_wait3A_176 : memref<1x80xi32, #tpu.memory_space<hbm>> -> memref<80xi32, #tpu.memory_space<hbm>>
    %dma_wait3A_178 = tpu.memref_slice %arg10[%dma_wait3A_171] : memref<4x!tpu.dma_semaphore, #tpu.memory_space<semaphore_mem>> -> memref<1x!tpu.dma_semaphore, #tpu.memory_space<semaphore_mem>>
    %dma_wait3A_179 = tpu.memref_squeeze %dma_wait3A_178 : memref<1x!tpu.dma_semaphore, #tpu.memory_space<semaphore_mem>> -> memref<!tpu.dma_semaphore, #tpu.memory_space<semaphore_mem>>
    %dma_wait3A_180 = arith.constant 0 : i32
    %dma_wait3A_181 = tpu.memref_slice %arg7[%dma_wait3A_170, %dma_wait3A_180] : memref<4x80xi32, #tpu.memory_space<vmem>> -> memref<1x80xi32, #tpu.memory_space<vmem>>
    %dma_wait3A_182 = tpu.memref_squeeze %dma_wait3A_181 : memref<1x80xi32, #tpu.memory_space<vmem>> -> memref<80xi32, #tpu.memory_space<vmem>>
    %dma_wait3A_183 = arith.constant 0 : i32
    %dma_wait3A_184 = tpu.memref_slice %arg3[%dma_wait3A_169, %dma_wait3A_183] : memref<2x320000xi32, #tpu.memory_space<hbm>> -> memref<1x80xi32, #tpu.memory_space<hbm>>
    %dma_wait3A_185 = tpu.memref_squeeze %dma_wait3A_184 : memref<1x80xi32, #tpu.memory_space<hbm>> -> memref<80xi32, #tpu.memory_space<hbm>>
    tpu.wait_dma2 semaphore(%dma_wait3A_179 : memref<!tpu.dma_semaphore, #tpu.memory_space<semaphore_mem>>) src(%dma_wait3A_185 : memref<80xi32, #tpu.memory_space<hbm>>) dst(%dma_wait3A_182 : memref<80xi32, #tpu.memory_space<vmem>>)
    %dma_wait3A_186 = arith.constant 1 : i32
    %dma_wait3A_187 = arith.constant 2 : i32
    %dma_wait3A_188 = arith.constant 2 : i32
    %dma_wait3A_189 = arith.constant 0 : i32
    %dma_wait3A_190 = tpu.memref_slice %arg8[%dma_wait3A_187, %dma_wait3A_189] : memref<4x80xi32, #tpu.memory_space<vmem>> -> memref<1x80xi32, #tpu.memory_space<vmem>>
    %dma_wait3A_191 = tpu.memref_squeeze %dma_wait3A_190 : memref<1x80xi32, #tpu.memory_space<vmem>> -> memref<80xi32, #tpu.memory_space<vmem>>
    %dma_wait3A_192 = arith.constant 0 : i32
    %dma_wait3A_193 = tpu.memref_slice %arg3[%dma_wait3A_186, %dma_wait3A_192] : memref<2x320000xi32, #tpu.memory_space<hbm>> -> memref<1x80xi32, #tpu.memory_space<hbm>>
    %dma_wait3A_194 = tpu.memref_squeeze %dma_wait3A_193 : memref<1x80xi32, #tpu.memory_space<hbm>> -> memref<80xi32, #tpu.memory_space<hbm>>
    %dma_wait3A_195 = tpu.memref_slice %arg10[%dma_wait3A_188] : memref<4x!tpu.dma_semaphore, #tpu.memory_space<semaphore_mem>> -> memref<1x!tpu.dma_semaphore, #tpu.memory_space<semaphore_mem>>
    %dma_wait3A_196 = tpu.memref_squeeze %dma_wait3A_195 : memref<1x!tpu.dma_semaphore, #tpu.memory_space<semaphore_mem>> -> memref<!tpu.dma_semaphore, #tpu.memory_space<semaphore_mem>>
    %dma_wait3A_197 = arith.constant 0 : i32
    %dma_wait3A_198 = tpu.memref_slice %arg8[%dma_wait3A_187, %dma_wait3A_197] : memref<4x80xi32, #tpu.memory_space<vmem>> -> memref<1x80xi32, #tpu.memory_space<vmem>>
    %dma_wait3A_199 = tpu.memref_squeeze %dma_wait3A_198 : memref<1x80xi32, #tpu.memory_space<vmem>> -> memref<80xi32, #tpu.memory_space<vmem>>
    %dma_wait3A_200 = arith.constant 0 : i32
    %dma_wait3A_201 = tpu.memref_slice %arg3[%dma_wait3A_186, %dma_wait3A_200] : memref<2x320000xi32, #tpu.memory_space<hbm>> -> memref<1x80xi32, #tpu.memory_space<hbm>>
    %dma_wait3A_202 = tpu.memref_squeeze %dma_wait3A_201 : memref<1x80xi32, #tpu.memory_space<hbm>> -> memref<80xi32, #tpu.memory_space<hbm>>
    tpu.wait_dma2 semaphore(%dma_wait3A_196 : memref<!tpu.dma_semaphore, #tpu.memory_space<semaphore_mem>>) src(%dma_wait3A_202 : memref<80xi32, #tpu.memory_space<hbm>>) dst(%dma_wait3A_199 : memref<80xi32, #tpu.memory_space<vmem>>)
    %barrier3A_203 = arith.constant 0 : index
    tpu.barrier barrier_id(%barrier3A_203)
    "tpu.region"() ({
      %run_scoped3A = tpu.sem_alloc : memref<!tpu.dma_semaphore, #tpu.memory_space<semaphore_mem>>
      %dma_start3A_209 = arith.constant 0 : i32
      %dma_start3A_210 = tpu.memref_slice %arg5[%arg0, %mul3A_0, %dma_start3A_209] : memref<2x10000x128xf32, #tpu.memory_space<hbm>> -> memref<1x624x128xf32, #tpu.memory_space<hbm>>
      %dma_start3A_211 = tpu.memref_squeeze %dma_start3A_210 : memref<1x624x128xf32, #tpu.memory_space<hbm>> -> memref<624x128xf32, #tpu.memory_space<hbm>>
      %dma_start3A_212 = arith.constant 0 : i32
      %dma_start3A_213 = tpu.memref_slice %arg6[%mul3A_0, %dma_start3A_212] : memref<10000x128xf32, #tpu.memory_space<vmem_shared>> -> memref<624x128xf32, #tpu.memory_space<vmem_shared>>
      tpu.enqueue_dma source(%dma_start3A_213 : memref<624x128xf32, #tpu.memory_space<vmem_shared>>) target(%dma_start3A_211 : memref<624x128xf32, #tpu.memory_space<hbm>>) target_semaphore(%run_scoped3A : memref<!tpu.dma_semaphore, #tpu.memory_space<semaphore_mem>>)
      %dma_wait3A_214 = arith.constant 0 : i32
      %dma_wait3A_215 = tpu.memref_slice %arg5[%arg0, %mul3A_0, %dma_wait3A_214] : memref<2x10000x128xf32, #tpu.memory_space<hbm>> -> memref<1x624x128xf32, #tpu.memory_space<hbm>>
      %dma_wait3A_216 = tpu.memref_squeeze %dma_wait3A_215 : memref<1x624x128xf32, #tpu.memory_space<hbm>> -> memref<624x128xf32, #tpu.memory_space<hbm>>
      %dma_wait3A_217 = arith.constant 0 : i32
      %dma_wait3A_218 = tpu.memref_slice %arg6[%mul3A_0, %dma_wait3A_217] : memref<10000x128xf32, #tpu.memory_space<vmem_shared>> -> memref<624x128xf32, #tpu.memory_space<vmem_shared>>
      tpu.wait_dma2 semaphore(%run_scoped3A : memref<!tpu.dma_semaphore, #tpu.memory_space<semaphore_mem>>) src(%dma_wait3A_218 : memref<624x128xf32, #tpu.memory_space<vmem_shared>>) dst(%dma_wait3A_216 : memref<624x128xf32, #tpu.memory_space<hbm>>)
      tpu.yield
    }) : () -> ()
    %eq3A_204 = arith.constant 15 : i32
    %eq3A_205 = arith.cmpi eq, %arg1, %eq3A_204 : i32
    %convert_element_type3A_206 = arith.extui %eq3A_205 : i1 to i32
    %cond3A_207 = arith.constant 0 : i32
    %cond3A_208 = arith.cmpi ne, %convert_element_type3A_206, %cond3A_207 : i32
    scf.if %cond3A_208 {
      "tpu.region"() ({
        %run_scoped3A = tpu.sem_alloc : memref<!tpu.dma_semaphore, #tpu.memory_space<semaphore_mem>>
        %dma_start3A_209 = arith.constant 9984 : i32
        %dma_start3A_210 = arith.constant 0 : i32
        %dma_start3A_211 = tpu.memref_slice %arg5[%arg0, %dma_start3A_209, %dma_start3A_210] : memref<2x10000x128xf32, #tpu.memory_space<hbm>> -> memref<1x16x128xf32, #tpu.memory_space<hbm>>
        %dma_start3A_212 = tpu.memref_squeeze %dma_start3A_211 : memref<1x16x128xf32, #tpu.memory_space<hbm>> -> memref<16x128xf32, #tpu.memory_space<hbm>>
        %dma_start3A_213 = arith.constant 9984 : i32
        %dma_start3A_214 = arith.constant 0 : i32
        %dma_start3A_215 = tpu.memref_slice %arg6[%dma_start3A_213, %dma_start3A_214] : memref<10000x128xf32, #tpu.memory_space<vmem_shared>> -> memref<16x128xf32, #tpu.memory_space<vmem_shared>>
        tpu.enqueue_dma source(%dma_start3A_215 : memref<16x128xf32, #tpu.memory_space<vmem_shared>>) target(%dma_start3A_212 : memref<16x128xf32, #tpu.memory_space<hbm>>) target_semaphore(%run_scoped3A : memref<!tpu.dma_semaphore, #tpu.memory_space<semaphore_mem>>)
        %dma_wait3A_216 = arith.constant 9984 : i32
        %dma_wait3A_217 = arith.constant 0 : i32
        %dma_wait3A_218 = tpu.memref_slice %arg5[%arg0, %dma_wait3A_216, %dma_wait3A_217] : memref<2x10000x128xf32, #tpu.memory_space<hbm>> -> memref<1x16x128xf32, #tpu.memory_space<hbm>>
        %dma_wait3A_219 = tpu.memref_squeeze %dma_wait3A_218 : memref<1x16x128xf32, #tpu.memory_space<hbm>> -> memref<16x128xf32, #tpu.memory_space<hbm>>
        %dma_wait3A_220 = arith.constant 9984 : i32
        %dma_wait3A_221 = arith.constant 0 : i32
        %dma_wait3A_222 = tpu.memref_slice %arg6[%dma_wait3A_220, %dma_wait3A_221] : memref<10000x128xf32, #tpu.memory_space<vmem_shared>> -> memref<16x128xf32, #tpu.memory_space<vmem_shared>>
        tpu.wait_dma2 semaphore(%run_scoped3A : memref<!tpu.dma_semaphore, #tpu.memory_space<semaphore_mem>>) src(%dma_wait3A_222 : memref<16x128xf32, #tpu.memory_space<vmem_shared>>) dst(%dma_wait3A_219 : memref<16x128xf32, #tpu.memory_space<hbm>>)
        tpu.yield
      }) : () -> ()
    } else {
    }
    return
  }
}

#map = affine_map<(d0, d1) -> (0, 0)>
#map1 = affine_map<(d0, d1) -> (0, 0, 0)>
module attributes {stable_mosaic.version = 14 : i64} {
  func.func @k(%arg0: i32, %arg1: i32, %arg2: memref<10000x16xf32, #tpu.memory_space<hbm>>, %arg3: memref<2x320000xi32, #tpu.memory_space<hbm>>, %arg4: memref<624x16xf32, #tpu.memory_space<hbm>>, %arg5: memref<2x10000x16xf32, #tpu.memory_space<hbm>>, %arg6: memref<10000x16xf32, #tpu.memory_space<vmem_shared>>, %arg7: memref<4x80xi32, #tpu.memory_space<vmem>>, %arg8: memref<4x80xi32, #tpu.memory_space<vmem>>, %arg9: memref<4x80x16xf32, #tpu.memory_space<vmem>>, %arg10: memref<4x!tpu.dma_semaphore, #tpu.memory_space<semaphore_mem>>, %arg11: memref<4x!tpu.dma_semaphore, #tpu.memory_space<semaphore_mem>>, %arg12: memref<4x!tpu.dma_semaphore, #tpu.memory_space<semaphore_mem>>) attributes {dimension_semantics = [#tpu.dimension_semantics<core_parallel>, #tpu.dimension_semantics<subcore_parallel>], iteration_bounds = array<i64: 2, 16>, scalar_prefetch = 0 : i64, scratch_operands = 7 : i64, tpu.core_type = #tpu.core_type<sc_vector_subcore>, window_params = [{transform_indices = #map}, {transform_indices = #map}, {transform_indices = #map}, {transform_indices = #map1}]} {
    %mul3A = arith.constant 624 : i32
    %mul3A_0 = arith.muli %arg1, %mul3A : i32
    "tpu.region"() ({
      %run_scoped3A = tpu.sem_alloc : memref<!tpu.dma_semaphore, #tpu.memory_space<semaphore_mem>>
      %dma_start3A_209 = arith.constant 0 : i32
      %dma_start3A_210 = tpu.memref_slice %arg6[%mul3A_0, %dma_start3A_209] : memref<10000x16xf32, #tpu.memory_space<vmem_shared>> -> memref<624x16xf32, #tpu.memory_space<vmem_shared>>
      %dma_start3A_211 = arith.constant 0 : i32
      %dma_start3A_212 = arith.constant 0 : i32
      %dma_start3A_213 = tpu.memref_slice %arg4[%dma_start3A_211, %dma_start3A_212] : memref<624x16xf32, #tpu.memory_space<hbm>> -> memref<624x16xf32, #tpu.memory_space<hbm>>
      tpu.enqueue_dma source(%dma_start3A_213 : memref<624x16xf32, #tpu.memory_space<hbm>>) target(%dma_start3A_210 : memref<624x16xf32, #tpu.memory_space<vmem_shared>>) target_semaphore(%run_scoped3A : memref<!tpu.dma_semaphore, #tpu.memory_space<semaphore_mem>>)
      %dma_wait3A_214 = arith.constant 0 : i32
      %dma_wait3A_215 = tpu.memref_slice %arg6[%mul3A_0, %dma_wait3A_214] : memref<10000x16xf32, #tpu.memory_space<vmem_shared>> -> memref<624x16xf32, #tpu.memory_space<vmem_shared>>
      %dma_wait3A_216 = arith.constant 0 : i32
      %dma_wait3A_217 = arith.constant 0 : i32
      %dma_wait3A_218 = tpu.memref_slice %arg4[%dma_wait3A_216, %dma_wait3A_217] : memref<624x16xf32, #tpu.memory_space<hbm>> -> memref<624x16xf32, #tpu.memory_space<hbm>>
      tpu.wait_dma2 semaphore(%run_scoped3A : memref<!tpu.dma_semaphore, #tpu.memory_space<semaphore_mem>>) src(%dma_wait3A_218 : memref<624x16xf32, #tpu.memory_space<hbm>>) dst(%dma_wait3A_215 : memref<624x16xf32, #tpu.memory_space<vmem_shared>>)
      tpu.yield
    }) : () -> ()
    %eq3A = arith.constant 15 : i32
    %eq3A_1 = arith.cmpi eq, %arg1, %eq3A : i32
    %convert_element_type3A = arith.extui %eq3A_1 : i1 to i32
    %cond3A = arith.constant 0 : i32
    %cond3A_2 = arith.cmpi ne, %convert_element_type3A, %cond3A : i32
    scf.if %cond3A_2 {
      "tpu.region"() ({
        %run_scoped3A = tpu.sem_alloc : memref<!tpu.dma_semaphore, #tpu.memory_space<semaphore_mem>>
        %dma_start3A_209 = arith.constant 9984 : i32
        %dma_start3A_210 = arith.constant 0 : i32
        %dma_start3A_211 = tpu.memref_slice %arg6[%dma_start3A_209, %dma_start3A_210] : memref<10000x16xf32, #tpu.memory_space<vmem_shared>> -> memref<16x16xf32, #tpu.memory_space<vmem_shared>>
        %dma_start3A_212 = arith.constant 0 : i32
        %dma_start3A_213 = arith.constant 0 : i32
        %dma_start3A_214 = tpu.memref_slice %arg4[%dma_start3A_212, %dma_start3A_213] : memref<624x16xf32, #tpu.memory_space<hbm>> -> memref<16x16xf32, #tpu.memory_space<hbm>>
        tpu.enqueue_dma source(%dma_start3A_214 : memref<16x16xf32, #tpu.memory_space<hbm>>) target(%dma_start3A_211 : memref<16x16xf32, #tpu.memory_space<vmem_shared>>) target_semaphore(%run_scoped3A : memref<!tpu.dma_semaphore, #tpu.memory_space<semaphore_mem>>)
        %dma_wait3A_215 = arith.constant 9984 : i32
        %dma_wait3A_216 = arith.constant 0 : i32
        %dma_wait3A_217 = tpu.memref_slice %arg6[%dma_wait3A_215, %dma_wait3A_216] : memref<10000x16xf32, #tpu.memory_space<vmem_shared>> -> memref<16x16xf32, #tpu.memory_space<vmem_shared>>
        %dma_wait3A_218 = arith.constant 0 : i32
        %dma_wait3A_219 = arith.constant 0 : i32
        %dma_wait3A_220 = tpu.memref_slice %arg4[%dma_wait3A_218, %dma_wait3A_219] : memref<624x16xf32, #tpu.memory_space<hbm>> -> memref<16x16xf32, #tpu.memory_space<hbm>>
        tpu.wait_dma2 semaphore(%run_scoped3A : memref<!tpu.dma_semaphore, #tpu.memory_space<semaphore_mem>>) src(%dma_wait3A_220 : memref<16x16xf32, #tpu.memory_space<hbm>>) dst(%dma_wait3A_217 : memref<16x16xf32, #tpu.memory_space<vmem_shared>>)
        tpu.yield
      }) : () -> ()
    } else {
    }
    %barrier3A = arith.constant 0 : index
    tpu.barrier barrier_id(%barrier3A)
    %mul3A_3 = arith.constant 16 : i32
    %mul3A_4 = arith.muli %arg0, %mul3A_3 : i32
    %add3A = arith.addi %mul3A_4, %arg1 : i32
    %mul3A_5 = arith.constant 10000 : i32
    %mul3A_6 = arith.muli %add3A, %mul3A_5 : i32
    %broadcast_in_dim3A = arith.constant 1.000000e+00 : f32
    %broadcast_in_dim3A_7 = vector.broadcast %broadcast_in_dim3A : f32 to vector<16xf32>
    %add3A_8 = arith.constant 0 : i32
    %add3A_9 = arith.addi %mul3A_6, %add3A_8 : i32
    %dma_start3A = arith.constant 0 : i32
    %dma_start3A_10 = arith.constant 0 : i32
    %dma_start3A_11 = arith.constant 0 : i32
    %dma_start3A_12 = arith.constant 0 : i32
    %dma_start3A_13 = tpu.memref_slice %arg7[%dma_start3A_10, %dma_start3A_12] : memref<4x80xi32, #tpu.memory_space<vmem>> -> memref<1x80xi32, #tpu.memory_space<vmem>>
    %dma_start3A_14 = tpu.memref_squeeze %dma_start3A_13 : memref<1x80xi32, #tpu.memory_space<vmem>> -> memref<80xi32, #tpu.memory_space<vmem>>
    %dma_start3A_15 = tpu.memref_slice %arg3[%dma_start3A, %add3A_9] : memref<2x320000xi32, #tpu.memory_space<hbm>> -> memref<1x80xi32, #tpu.memory_space<hbm>>
    %dma_start3A_16 = tpu.memref_squeeze %dma_start3A_15 : memref<1x80xi32, #tpu.memory_space<hbm>> -> memref<80xi32, #tpu.memory_space<hbm>>
    %dma_start3A_17 = tpu.memref_slice %arg10[%dma_start3A_11] : memref<4x!tpu.dma_semaphore, #tpu.memory_space<semaphore_mem>> -> memref<1x!tpu.dma_semaphore, #tpu.memory_space<semaphore_mem>>
    %dma_start3A_18 = tpu.memref_squeeze %dma_start3A_17 : memref<1x!tpu.dma_semaphore, #tpu.memory_space<semaphore_mem>> -> memref<!tpu.dma_semaphore, #tpu.memory_space<semaphore_mem>>
    %dma_start3A_19 = arith.constant 0 : i32
    %dma_start3A_20 = tpu.memref_slice %arg7[%dma_start3A_10, %dma_start3A_19] : memref<4x80xi32, #tpu.memory_space<vmem>> -> memref<1x80xi32, #tpu.memory_space<vmem>>
    %dma_start3A_21 = tpu.memref_squeeze %dma_start3A_20 : memref<1x80xi32, #tpu.memory_space<vmem>> -> memref<80xi32, #tpu.memory_space<vmem>>
    %dma_start3A_22 = tpu.memref_slice %arg3[%dma_start3A, %add3A_9] : memref<2x320000xi32, #tpu.memory_space<hbm>> -> memref<1x80xi32, #tpu.memory_space<hbm>>
    %dma_start3A_23 = tpu.memref_squeeze %dma_start3A_22 : memref<1x80xi32, #tpu.memory_space<hbm>> -> memref<80xi32, #tpu.memory_space<hbm>>
    tpu.enqueue_dma source(%dma_start3A_23 : memref<80xi32, #tpu.memory_space<hbm>>) target(%dma_start3A_21 : memref<80xi32, #tpu.memory_space<vmem>>) target_semaphore(%dma_start3A_18 : memref<!tpu.dma_semaphore, #tpu.memory_space<semaphore_mem>>)
    %dma_start3A_24 = arith.constant 1 : i32
    %dma_start3A_25 = arith.constant 0 : i32
    %dma_start3A_26 = arith.constant 0 : i32
    %dma_start3A_27 = arith.constant 0 : i32
    %dma_start3A_28 = tpu.memref_slice %arg8[%dma_start3A_25, %dma_start3A_27] : memref<4x80xi32, #tpu.memory_space<vmem>> -> memref<1x80xi32, #tpu.memory_space<vmem>>
    %dma_start3A_29 = tpu.memref_squeeze %dma_start3A_28 : memref<1x80xi32, #tpu.memory_space<vmem>> -> memref<80xi32, #tpu.memory_space<vmem>>
    %dma_start3A_30 = tpu.memref_slice %arg3[%dma_start3A_24, %add3A_9] : memref<2x320000xi32, #tpu.memory_space<hbm>> -> memref<1x80xi32, #tpu.memory_space<hbm>>
    %dma_start3A_31 = tpu.memref_squeeze %dma_start3A_30 : memref<1x80xi32, #tpu.memory_space<hbm>> -> memref<80xi32, #tpu.memory_space<hbm>>
    %dma_start3A_32 = tpu.memref_slice %arg10[%dma_start3A_26] : memref<4x!tpu.dma_semaphore, #tpu.memory_space<semaphore_mem>> -> memref<1x!tpu.dma_semaphore, #tpu.memory_space<semaphore_mem>>
    %dma_start3A_33 = tpu.memref_squeeze %dma_start3A_32 : memref<1x!tpu.dma_semaphore, #tpu.memory_space<semaphore_mem>> -> memref<!tpu.dma_semaphore, #tpu.memory_space<semaphore_mem>>
    %dma_start3A_34 = arith.constant 0 : i32
    %dma_start3A_35 = tpu.memref_slice %arg8[%dma_start3A_25, %dma_start3A_34] : memref<4x80xi32, #tpu.memory_space<vmem>> -> memref<1x80xi32, #tpu.memory_space<vmem>>
    %dma_start3A_36 = tpu.memref_squeeze %dma_start3A_35 : memref<1x80xi32, #tpu.memory_space<vmem>> -> memref<80xi32, #tpu.memory_space<vmem>>
    %dma_start3A_37 = tpu.memref_slice %arg3[%dma_start3A_24, %add3A_9] : memref<2x320000xi32, #tpu.memory_space<hbm>> -> memref<1x80xi32, #tpu.memory_space<hbm>>
    %dma_start3A_38 = tpu.memref_squeeze %dma_start3A_37 : memref<1x80xi32, #tpu.memory_space<hbm>> -> memref<80xi32, #tpu.memory_space<hbm>>
    tpu.enqueue_dma source(%dma_start3A_38 : memref<80xi32, #tpu.memory_space<hbm>>) target(%dma_start3A_36 : memref<80xi32, #tpu.memory_space<vmem>>) target_semaphore(%dma_start3A_33 : memref<!tpu.dma_semaphore, #tpu.memory_space<semaphore_mem>>)
    %add3A_39 = arith.constant 80 : i32
    %add3A_40 = arith.addi %mul3A_6, %add3A_39 : i32
    %dma_start3A_41 = arith.constant 0 : i32
    %dma_start3A_42 = arith.constant 1 : i32
    %dma_start3A_43 = arith.constant 1 : i32
    %dma_start3A_44 = arith.constant 0 : i32
    %dma_start3A_45 = tpu.memref_slice %arg7[%dma_start3A_42, %dma_start3A_44] : memref<4x80xi32, #tpu.memory_space<vmem>> -> memref<1x80xi32, #tpu.memory_space<vmem>>
    %dma_start3A_46 = tpu.memref_squeeze %dma_start3A_45 : memref<1x80xi32, #tpu.memory_space<vmem>> -> memref<80xi32, #tpu.memory_space<vmem>>
    %dma_start3A_47 = tpu.memref_slice %arg3[%dma_start3A_41, %add3A_40] : memref<2x320000xi32, #tpu.memory_space<hbm>> -> memref<1x80xi32, #tpu.memory_space<hbm>>
    %dma_start3A_48 = tpu.memref_squeeze %dma_start3A_47 : memref<1x80xi32, #tpu.memory_space<hbm>> -> memref<80xi32, #tpu.memory_space<hbm>>
    %dma_start3A_49 = tpu.memref_slice %arg10[%dma_start3A_43] : memref<4x!tpu.dma_semaphore, #tpu.memory_space<semaphore_mem>> -> memref<1x!tpu.dma_semaphore, #tpu.memory_space<semaphore_mem>>
    %dma_start3A_50 = tpu.memref_squeeze %dma_start3A_49 : memref<1x!tpu.dma_semaphore, #tpu.memory_space<semaphore_mem>> -> memref<!tpu.dma_semaphore, #tpu.memory_space<semaphore_mem>>
    %dma_start3A_51 = arith.constant 0 : i32
    %dma_start3A_52 = tpu.memref_slice %arg7[%dma_start3A_42, %dma_start3A_51] : memref<4x80xi32, #tpu.memory_space<vmem>> -> memref<1x80xi32, #tpu.memory_space<vmem>>
    %dma_start3A_53 = tpu.memref_squeeze %dma_start3A_52 : memref<1x80xi32, #tpu.memory_space<vmem>> -> memref<80xi32, #tpu.memory_space<vmem>>
    %dma_start3A_54 = tpu.memref_slice %arg3[%dma_start3A_41, %add3A_40] : memref<2x320000xi32, #tpu.memory_space<hbm>> -> memref<1x80xi32, #tpu.memory_space<hbm>>
    %dma_start3A_55 = tpu.memref_squeeze %dma_start3A_54 : memref<1x80xi32, #tpu.memory_space<hbm>> -> memref<80xi32, #tpu.memory_space<hbm>>
    tpu.enqueue_dma source(%dma_start3A_55 : memref<80xi32, #tpu.memory_space<hbm>>) target(%dma_start3A_53 : memref<80xi32, #tpu.memory_space<vmem>>) target_semaphore(%dma_start3A_50 : memref<!tpu.dma_semaphore, #tpu.memory_space<semaphore_mem>>)
    %dma_start3A_56 = arith.constant 1 : i32
    %dma_start3A_57 = arith.constant 1 : i32
    %dma_start3A_58 = arith.constant 1 : i32
    %dma_start3A_59 = arith.constant 0 : i32
    %dma_start3A_60 = tpu.memref_slice %arg8[%dma_start3A_57, %dma_start3A_59] : memref<4x80xi32, #tpu.memory_space<vmem>> -> memref<1x80xi32, #tpu.memory_space<vmem>>
    %dma_start3A_61 = tpu.memref_squeeze %dma_start3A_60 : memref<1x80xi32, #tpu.memory_space<vmem>> -> memref<80xi32, #tpu.memory_space<vmem>>
    %dma_start3A_62 = tpu.memref_slice %arg3[%dma_start3A_56, %add3A_40] : memref<2x320000xi32, #tpu.memory_space<hbm>> -> memref<1x80xi32, #tpu.memory_space<hbm>>
    %dma_start3A_63 = tpu.memref_squeeze %dma_start3A_62 : memref<1x80xi32, #tpu.memory_space<hbm>> -> memref<80xi32, #tpu.memory_space<hbm>>
    %dma_start3A_64 = tpu.memref_slice %arg10[%dma_start3A_58] : memref<4x!tpu.dma_semaphore, #tpu.memory_space<semaphore_mem>> -> memref<1x!tpu.dma_semaphore, #tpu.memory_space<semaphore_mem>>
    %dma_start3A_65 = tpu.memref_squeeze %dma_start3A_64 : memref<1x!tpu.dma_semaphore, #tpu.memory_space<semaphore_mem>> -> memref<!tpu.dma_semaphore, #tpu.memory_space<semaphore_mem>>
    %dma_start3A_66 = arith.constant 0 : i32
    %dma_start3A_67 = tpu.memref_slice %arg8[%dma_start3A_57, %dma_start3A_66] : memref<4x80xi32, #tpu.memory_space<vmem>> -> memref<1x80xi32, #tpu.memory_space<vmem>>
    %dma_start3A_68 = tpu.memref_squeeze %dma_start3A_67 : memref<1x80xi32, #tpu.memory_space<vmem>> -> memref<80xi32, #tpu.memory_space<vmem>>
    %dma_start3A_69 = tpu.memref_slice %arg3[%dma_start3A_56, %add3A_40] : memref<2x320000xi32, #tpu.memory_space<hbm>> -> memref<1x80xi32, #tpu.memory_space<hbm>>
    %dma_start3A_70 = tpu.memref_squeeze %dma_start3A_69 : memref<1x80xi32, #tpu.memory_space<hbm>> -> memref<80xi32, #tpu.memory_space<hbm>>
    tpu.enqueue_dma source(%dma_start3A_70 : memref<80xi32, #tpu.memory_space<hbm>>) target(%dma_start3A_68 : memref<80xi32, #tpu.memory_space<vmem>>) target_semaphore(%dma_start3A_65 : memref<!tpu.dma_semaphore, #tpu.memory_space<semaphore_mem>>)
    %dma_wait3A = arith.constant 0 : i32
    %dma_wait3A_71 = arith.constant 0 : i32
    %dma_wait3A_72 = arith.constant 0 : i32
    %dma_wait3A_73 = arith.constant 0 : i32
    %dma_wait3A_74 = tpu.memref_slice %arg7[%dma_wait3A_71, %dma_wait3A_73] : memref<4x80xi32, #tpu.memory_space<vmem>> -> memref<1x80xi32, #tpu.memory_space<vmem>>
    %dma_wait3A_75 = tpu.memref_squeeze %dma_wait3A_74 : memref<1x80xi32, #tpu.memory_space<vmem>> -> memref<80xi32, #tpu.memory_space<vmem>>
    %dma_wait3A_76 = arith.constant 0 : i32
    %dma_wait3A_77 = tpu.memref_slice %arg3[%dma_wait3A, %dma_wait3A_76] : memref<2x320000xi32, #tpu.memory_space<hbm>> -> memref<1x80xi32, #tpu.memory_space<hbm>>
    %dma_wait3A_78 = tpu.memref_squeeze %dma_wait3A_77 : memref<1x80xi32, #tpu.memory_space<hbm>> -> memref<80xi32, #tpu.memory_space<hbm>>
    %dma_wait3A_79 = tpu.memref_slice %arg10[%dma_wait3A_72] : memref<4x!tpu.dma_semaphore, #tpu.memory_space<semaphore_mem>> -> memref<1x!tpu.dma_semaphore, #tpu.memory_space<semaphore_mem>>
    %dma_wait3A_80 = tpu.memref_squeeze %dma_wait3A_79 : memref<1x!tpu.dma_semaphore, #tpu.memory_space<semaphore_mem>> -> memref<!tpu.dma_semaphore, #tpu.memory_space<semaphore_mem>>
    %dma_wait3A_81 = arith.constant 0 : i32
    %dma_wait3A_82 = tpu.memref_slice %arg7[%dma_wait3A_71, %dma_wait3A_81] : memref<4x80xi32, #tpu.memory_space<vmem>> -> memref<1x80xi32, #tpu.memory_space<vmem>>
    %dma_wait3A_83 = tpu.memref_squeeze %dma_wait3A_82 : memref<1x80xi32, #tpu.memory_space<vmem>> -> memref<80xi32, #tpu.memory_space<vmem>>
    %dma_wait3A_84 = arith.constant 0 : i32
    %dma_wait3A_85 = tpu.memref_slice %arg3[%dma_wait3A, %dma_wait3A_84] : memref<2x320000xi32, #tpu.memory_space<hbm>> -> memref<1x80xi32, #tpu.memory_space<hbm>>
    %dma_wait3A_86 = tpu.memref_squeeze %dma_wait3A_85 : memref<1x80xi32, #tpu.memory_space<hbm>> -> memref<80xi32, #tpu.memory_space<hbm>>
    tpu.wait_dma2 semaphore(%dma_wait3A_80 : memref<!tpu.dma_semaphore, #tpu.memory_space<semaphore_mem>>) src(%dma_wait3A_86 : memref<80xi32, #tpu.memory_space<hbm>>) dst(%dma_wait3A_83 : memref<80xi32, #tpu.memory_space<vmem>>)
    %dma_wait3A_87 = arith.constant 1 : i32
    %dma_wait3A_88 = arith.constant 0 : i32
    %dma_wait3A_89 = arith.constant 0 : i32
    %dma_wait3A_90 = arith.constant 0 : i32
    %dma_wait3A_91 = tpu.memref_slice %arg8[%dma_wait3A_88, %dma_wait3A_90] : memref<4x80xi32, #tpu.memory_space<vmem>> -> memref<1x80xi32, #tpu.memory_space<vmem>>
    %dma_wait3A_92 = tpu.memref_squeeze %dma_wait3A_91 : memref<1x80xi32, #tpu.memory_space<vmem>> -> memref<80xi32, #tpu.memory_space<vmem>>
    %dma_wait3A_93 = arith.constant 0 : i32
    %dma_wait3A_94 = tpu.memref_slice %arg3[%dma_wait3A_87, %dma_wait3A_93] : memref<2x320000xi32, #tpu.memory_space<hbm>> -> memref<1x80xi32, #tpu.memory_space<hbm>>
    %dma_wait3A_95 = tpu.memref_squeeze %dma_wait3A_94 : memref<1x80xi32, #tpu.memory_space<hbm>> -> memref<80xi32, #tpu.memory_space<hbm>>
    %dma_wait3A_96 = tpu.memref_slice %arg10[%dma_wait3A_89] : memref<4x!tpu.dma_semaphore, #tpu.memory_space<semaphore_mem>> -> memref<1x!tpu.dma_semaphore, #tpu.memory_space<semaphore_mem>>
    %dma_wait3A_97 = tpu.memref_squeeze %dma_wait3A_96 : memref<1x!tpu.dma_semaphore, #tpu.memory_space<semaphore_mem>> -> memref<!tpu.dma_semaphore, #tpu.memory_space<semaphore_mem>>
    %dma_wait3A_98 = arith.constant 0 : i32
    %dma_wait3A_99 = tpu.memref_slice %arg8[%dma_wait3A_88, %dma_wait3A_98] : memref<4x80xi32, #tpu.memory_space<vmem>> -> memref<1x80xi32, #tpu.memory_space<vmem>>
    %dma_wait3A_100 = tpu.memref_squeeze %dma_wait3A_99 : memref<1x80xi32, #tpu.memory_space<vmem>> -> memref<80xi32, #tpu.memory_space<vmem>>
    %dma_wait3A_101 = arith.constant 0 : i32
    %dma_wait3A_102 = tpu.memref_slice %arg3[%dma_wait3A_87, %dma_wait3A_101] : memref<2x320000xi32, #tpu.memory_space<hbm>> -> memref<1x80xi32, #tpu.memory_space<hbm>>
    %dma_wait3A_103 = tpu.memref_squeeze %dma_wait3A_102 : memref<1x80xi32, #tpu.memory_space<hbm>> -> memref<80xi32, #tpu.memory_space<hbm>>
    tpu.wait_dma2 semaphore(%dma_wait3A_97 : memref<!tpu.dma_semaphore, #tpu.memory_space<semaphore_mem>>) src(%dma_wait3A_103 : memref<80xi32, #tpu.memory_space<hbm>>) dst(%dma_wait3A_100 : memref<80xi32, #tpu.memory_space<vmem>>)
    %dma_start3A_104 = arith.constant 0 : i32
    %dma_start3A_105 = arith.constant 0 : i32
    %dma_start3A_106 = arith.constant 0 : i32
    %dma_start3A_107 = arith.constant 0 : i32
    %dma_start3A_108 = arith.constant 0 : i32
    %dma_start3A_109 = tpu.memref_slice %arg9[%dma_start3A_105, %dma_start3A_107, %dma_start3A_108] : memref<4x80x16xf32, #tpu.memory_space<vmem>> -> memref<1x80x16xf32, #tpu.memory_space<vmem>>
    %dma_start3A_110 = tpu.memref_squeeze %dma_start3A_109 : memref<1x80x16xf32, #tpu.memory_space<vmem>> -> memref<80x16xf32, #tpu.memory_space<vmem>>
    %dma_start3A_111 = arith.constant 0 : i32
    %dma_start3A_112 = tpu.memref_slice %arg7[%dma_start3A_104, %dma_start3A_111] : memref<4x80xi32, #tpu.memory_space<vmem>> -> memref<1x80xi32, #tpu.memory_space<vmem>>
    %dma_start3A_113 = tpu.memref_squeeze %dma_start3A_112 : memref<1x80xi32, #tpu.memory_space<vmem>> -> memref<80xi32, #tpu.memory_space<vmem>>
    %dma_start3A_114 = arith.constant 0 : i32
    %dma_start3A_115 = arith.constant 0 : i32
    %dma_start3A_116 = tpu.memref_slice %arg2[%dma_start3A_114, %dma_start3A_115] : memref<10000x16xf32, #tpu.memory_space<hbm>> -> memref<10000x16xf32, #tpu.memory_space<hbm>>
    %dma_start3A_117 = tpu.memref_slice %arg11[%dma_start3A_106] : memref<4x!tpu.dma_semaphore, #tpu.memory_space<semaphore_mem>> -> memref<1x!tpu.dma_semaphore, #tpu.memory_space<semaphore_mem>>
    %dma_start3A_118 = tpu.memref_squeeze %dma_start3A_117 : memref<1x!tpu.dma_semaphore, #tpu.memory_space<semaphore_mem>> -> memref<!tpu.dma_semaphore, #tpu.memory_space<semaphore_mem>>
    tpu.enqueue_indirect_dma source(%dma_start3A_116 : memref<10000x16xf32, #tpu.memory_space<hbm>>) target(%dma_start3A_110 : memref<80x16xf32, #tpu.memory_space<vmem>>) offsets(%dma_start3A_113 : memref<80xi32, #tpu.memory_space<vmem>>) semaphore(%dma_start3A_118 : memref<!tpu.dma_semaphore, #tpu.memory_space<semaphore_mem>>)
    %scan3A = arith.constant 0 : i32
    %scan3A_119 = arith.constant 0 : i32
    %scan3A_120 = arith.constant 125 : i32
    %scan3A_121 = arith.addi %scan3A_119, %scan3A_120 : i32
    %scan3A_122 = arith.constant 1 : i32
    scf.for %scan3A_209 = %scan3A_119 to %scan3A_121 step %scan3A_122  : i32 {
      %rem3A = arith.constant 4 : i32
      %rem3A_210 = arith.remsi %scan3A_209, %rem3A : i32
      %add3A_211 = arith.constant 1 : i32
      %add3A_212 = arith.addi %scan3A_209, %add3A_211 : i32
      %rem3A_213 = arith.constant 4 : i32
      %rem3A_214 = arith.remsi %add3A_212, %rem3A_213 : i32
      %add3A_215 = arith.constant 2 : i32
      %add3A_216 = arith.addi %scan3A_209, %add3A_215 : i32
      %rem3A_217 = arith.constant 4 : i32
      %rem3A_218 = arith.remsi %add3A_216, %rem3A_217 : i32
      %ge3A = arith.constant 2 : i32
      %ge3A_219 = arith.cmpi sge, %scan3A_209, %ge3A : i32
      %convert_element_type3A_220 = arith.extui %ge3A_219 : i1 to i32
      %cond3A_221 = arith.constant 0 : i32
      %cond3A_222 = arith.cmpi ne, %convert_element_type3A_220, %cond3A_221 : i32
      scf.if %cond3A_222 {
        %dma_wait3A_322 = arith.constant 0 : i32
        %dma_wait3A_323 = arith.constant 0 : i32
        %dma_wait3A_324 = tpu.memref_slice %arg9[%rem3A_218, %dma_wait3A_322, %dma_wait3A_323] : memref<4x80x16xf32, #tpu.memory_space<vmem>> -> memref<1x80x16xf32, #tpu.memory_space<vmem>>
        %dma_wait3A_325 = tpu.memref_squeeze %dma_wait3A_324 : memref<1x80x16xf32, #tpu.memory_space<vmem>> -> memref<80x16xf32, #tpu.memory_space<vmem>>
        %dma_wait3A_326 = arith.constant 0 : i32
        %dma_wait3A_327 = tpu.memref_slice %arg8[%rem3A_218, %dma_wait3A_326] : memref<4x80xi32, #tpu.memory_space<vmem>> -> memref<1x80xi32, #tpu.memory_space<vmem>>
        %dma_wait3A_328 = tpu.memref_squeeze %dma_wait3A_327 : memref<1x80xi32, #tpu.memory_space<vmem>> -> memref<80xi32, #tpu.memory_space<vmem>>
        %dma_wait3A_329 = arith.constant 0 : i32
        %dma_wait3A_330 = arith.constant 0 : i32
        %dma_wait3A_331 = tpu.memref_slice %arg6[%dma_wait3A_329, %dma_wait3A_330] : memref<10000x16xf32, #tpu.memory_space<vmem_shared>> -> memref<10000x16xf32, #tpu.memory_space<vmem_shared>>
        %dma_wait3A_332 = tpu.memref_slice %arg12[%rem3A_218] : memref<4x!tpu.dma_semaphore, #tpu.memory_space<semaphore_mem>> -> memref<1x!tpu.dma_semaphore, #tpu.memory_space<semaphore_mem>>
        %dma_wait3A_333 = tpu.memref_squeeze %dma_wait3A_332 : memref<1x!tpu.dma_semaphore, #tpu.memory_space<semaphore_mem>> -> memref<!tpu.dma_semaphore, #tpu.memory_space<semaphore_mem>>
        tpu.wait_indirect_dma semaphore(%dma_wait3A_333 : memref<!tpu.dma_semaphore, #tpu.memory_space<semaphore_mem>>) src(%dma_wait3A_325 : memref<80x16xf32, #tpu.memory_space<vmem>>) dst(%dma_wait3A_331 : memref<10000x16xf32, #tpu.memory_space<vmem_shared>>)
      } else {
      }
      %add3A_223 = arith.constant 2 : i32
      %add3A_224 = arith.addi %scan3A_209, %add3A_223 : i32
      %rem3A_225 = arith.constant 125 : i32
      %rem3A_226 = arith.remsi %add3A_224, %rem3A_225 : i32
      %mul3A_227 = arith.constant 80 : i32
      %mul3A_228 = arith.muli %rem3A_226, %mul3A_227 : i32
      %add3A_229 = arith.addi %mul3A_6, %mul3A_228 : i32
      %dma_start3A_230 = arith.constant 0 : i32
      %dma_start3A_231 = arith.constant 0 : i32
      %dma_start3A_232 = tpu.memref_slice %arg7[%rem3A_218, %dma_start3A_231] : memref<4x80xi32, #tpu.memory_space<vmem>> -> memref<1x80xi32, #tpu.memory_space<vmem>>
      %dma_start3A_233 = tpu.memref_squeeze %dma_start3A_232 : memref<1x80xi32, #tpu.memory_space<vmem>> -> memref<80xi32, #tpu.memory_space<vmem>>
      %dma_start3A_234 = tpu.memref_slice %arg3[%dma_start3A_230, %add3A_229] : memref<2x320000xi32, #tpu.memory_space<hbm>> -> memref<1x80xi32, #tpu.memory_space<hbm>>
      %dma_start3A_235 = tpu.memref_squeeze %dma_start3A_234 : memref<1x80xi32, #tpu.memory_space<hbm>> -> memref<80xi32, #tpu.memory_space<hbm>>
      %dma_start3A_236 = tpu.memref_slice %arg10[%rem3A_218] : memref<4x!tpu.dma_semaphore, #tpu.memory_space<semaphore_mem>> -> memref<1x!tpu.dma_semaphore, #tpu.memory_space<semaphore_mem>>
      %dma_start3A_237 = tpu.memref_squeeze %dma_start3A_236 : memref<1x!tpu.dma_semaphore, #tpu.memory_space<semaphore_mem>> -> memref<!tpu.dma_semaphore, #tpu.memory_space<semaphore_mem>>
      %dma_start3A_238 = arith.constant 0 : i32
      %dma_start3A_239 = tpu.memref_slice %arg7[%rem3A_218, %dma_start3A_238] : memref<4x80xi32, #tpu.memory_space<vmem>> -> memref<1x80xi32, #tpu.memory_space<vmem>>
      %dma_start3A_240 = tpu.memref_squeeze %dma_start3A_239 : memref<1x80xi32, #tpu.memory_space<vmem>> -> memref<80xi32, #tpu.memory_space<vmem>>
      %dma_start3A_241 = tpu.memref_slice %arg3[%dma_start3A_230, %add3A_229] : memref<2x320000xi32, #tpu.memory_space<hbm>> -> memref<1x80xi32, #tpu.memory_space<hbm>>
      %dma_start3A_242 = tpu.memref_squeeze %dma_start3A_241 : memref<1x80xi32, #tpu.memory_space<hbm>> -> memref<80xi32, #tpu.memory_space<hbm>>
      tpu.enqueue_dma source(%dma_start3A_242 : memref<80xi32, #tpu.memory_space<hbm>>) target(%dma_start3A_240 : memref<80xi32, #tpu.memory_space<vmem>>) target_semaphore(%dma_start3A_237 : memref<!tpu.dma_semaphore, #tpu.memory_space<semaphore_mem>>)
      %dma_start3A_243 = arith.constant 1 : i32
      %dma_start3A_244 = arith.constant 0 : i32
      %dma_start3A_245 = tpu.memref_slice %arg8[%rem3A_218, %dma_start3A_244] : memref<4x80xi32, #tpu.memory_space<vmem>> -> memref<1x80xi32, #tpu.memory_space<vmem>>
      %dma_start3A_246 = tpu.memref_squeeze %dma_start3A_245 : memref<1x80xi32, #tpu.memory_space<vmem>> -> memref<80xi32, #tpu.memory_space<vmem>>
      %dma_start3A_247 = tpu.memref_slice %arg3[%dma_start3A_243, %add3A_229] : memref<2x320000xi32, #tpu.memory_space<hbm>> -> memref<1x80xi32, #tpu.memory_space<hbm>>
      %dma_start3A_248 = tpu.memref_squeeze %dma_start3A_247 : memref<1x80xi32, #tpu.memory_space<hbm>> -> memref<80xi32, #tpu.memory_space<hbm>>
      %dma_start3A_249 = tpu.memref_slice %arg10[%rem3A_218] : memref<4x!tpu.dma_semaphore, #tpu.memory_space<semaphore_mem>> -> memref<1x!tpu.dma_semaphore, #tpu.memory_space<semaphore_mem>>
      %dma_start3A_250 = tpu.memref_squeeze %dma_start3A_249 : memref<1x!tpu.dma_semaphore, #tpu.memory_space<semaphore_mem>> -> memref<!tpu.dma_semaphore, #tpu.memory_space<semaphore_mem>>
      %dma_start3A_251 = arith.constant 0 : i32
      %dma_start3A_252 = tpu.memref_slice %arg8[%rem3A_218, %dma_start3A_251] : memref<4x80xi32, #tpu.memory_space<vmem>> -> memref<1x80xi32, #tpu.memory_space<vmem>>
      %dma_start3A_253 = tpu.memref_squeeze %dma_start3A_252 : memref<1x80xi32, #tpu.memory_space<vmem>> -> memref<80xi32, #tpu.memory_space<vmem>>
      %dma_start3A_254 = tpu.memref_slice %arg3[%dma_start3A_243, %add3A_229] : memref<2x320000xi32, #tpu.memory_space<hbm>> -> memref<1x80xi32, #tpu.memory_space<hbm>>
      %dma_start3A_255 = tpu.memref_squeeze %dma_start3A_254 : memref<1x80xi32, #tpu.memory_space<hbm>> -> memref<80xi32, #tpu.memory_space<hbm>>
      tpu.enqueue_dma source(%dma_start3A_255 : memref<80xi32, #tpu.memory_space<hbm>>) target(%dma_start3A_253 : memref<80xi32, #tpu.memory_space<vmem>>) target_semaphore(%dma_start3A_250 : memref<!tpu.dma_semaphore, #tpu.memory_space<semaphore_mem>>)
      %dma_wait3A_256 = arith.constant 0 : i32
      %dma_wait3A_257 = arith.constant 0 : i32
      %dma_wait3A_258 = tpu.memref_slice %arg7[%rem3A_214, %dma_wait3A_257] : memref<4x80xi32, #tpu.memory_space<vmem>> -> memref<1x80xi32, #tpu.memory_space<vmem>>
      %dma_wait3A_259 = tpu.memref_squeeze %dma_wait3A_258 : memref<1x80xi32, #tpu.memory_space<vmem>> -> memref<80xi32, #tpu.memory_space<vmem>>
      %dma_wait3A_260 = arith.constant 0 : i32
      %dma_wait3A_261 = tpu.memref_slice %arg3[%dma_wait3A_256, %dma_wait3A_260] : memref<2x320000xi32, #tpu.memory_space<hbm>> -> memref<1x80xi32, #tpu.memory_space<hbm>>
      %dma_wait3A_262 = tpu.memref_squeeze %dma_wait3A_261 : memref<1x80xi32, #tpu.memory_space<hbm>> -> memref<80xi32, #tpu.memory_space<hbm>>
      %dma_wait3A_263 = tpu.memref_slice %arg10[%rem3A_214] : memref<4x!tpu.dma_semaphore, #tpu.memory_space<semaphore_mem>> -> memref<1x!tpu.dma_semaphore, #tpu.memory_space<semaphore_mem>>
      %dma_wait3A_264 = tpu.memref_squeeze %dma_wait3A_263 : memref<1x!tpu.dma_semaphore, #tpu.memory_space<semaphore_mem>> -> memref<!tpu.dma_semaphore, #tpu.memory_space<semaphore_mem>>
      %dma_wait3A_265 = arith.constant 0 : i32
      %dma_wait3A_266 = tpu.memref_slice %arg7[%rem3A_214, %dma_wait3A_265] : memref<4x80xi32, #tpu.memory_space<vmem>> -> memref<1x80xi32, #tpu.memory_space<vmem>>
      %dma_wait3A_267 = tpu.memref_squeeze %dma_wait3A_266 : memref<1x80xi32, #tpu.memory_space<vmem>> -> memref<80xi32, #tpu.memory_space<vmem>>
      %dma_wait3A_268 = arith.constant 0 : i32
      %dma_wait3A_269 = tpu.memref_slice %arg3[%dma_wait3A_256, %dma_wait3A_268] : memref<2x320000xi32, #tpu.memory_space<hbm>> -> memref<1x80xi32, #tpu.memory_space<hbm>>
      %dma_wait3A_270 = tpu.memref_squeeze %dma_wait3A_269 : memref<1x80xi32, #tpu.memory_space<hbm>> -> memref<80xi32, #tpu.memory_space<hbm>>
      tpu.wait_dma2 semaphore(%dma_wait3A_264 : memref<!tpu.dma_semaphore, #tpu.memory_space<semaphore_mem>>) src(%dma_wait3A_270 : memref<80xi32, #tpu.memory_space<hbm>>) dst(%dma_wait3A_267 : memref<80xi32, #tpu.memory_space<vmem>>)
      %dma_wait3A_271 = arith.constant 1 : i32
      %dma_wait3A_272 = arith.constant 0 : i32
      %dma_wait3A_273 = tpu.memref_slice %arg8[%rem3A_214, %dma_wait3A_272] : memref<4x80xi32, #tpu.memory_space<vmem>> -> memref<1x80xi32, #tpu.memory_space<vmem>>
      %dma_wait3A_274 = tpu.memref_squeeze %dma_wait3A_273 : memref<1x80xi32, #tpu.memory_space<vmem>> -> memref<80xi32, #tpu.memory_space<vmem>>
      %dma_wait3A_275 = arith.constant 0 : i32
      %dma_wait3A_276 = tpu.memref_slice %arg3[%dma_wait3A_271, %dma_wait3A_275] : memref<2x320000xi32, #tpu.memory_space<hbm>> -> memref<1x80xi32, #tpu.memory_space<hbm>>
      %dma_wait3A_277 = tpu.memref_squeeze %dma_wait3A_276 : memref<1x80xi32, #tpu.memory_space<hbm>> -> memref<80xi32, #tpu.memory_space<hbm>>
      %dma_wait3A_278 = tpu.memref_slice %arg10[%rem3A_214] : memref<4x!tpu.dma_semaphore, #tpu.memory_space<semaphore_mem>> -> memref<1x!tpu.dma_semaphore, #tpu.memory_space<semaphore_mem>>
      %dma_wait3A_279 = tpu.memref_squeeze %dma_wait3A_278 : memref<1x!tpu.dma_semaphore, #tpu.memory_space<semaphore_mem>> -> memref<!tpu.dma_semaphore, #tpu.memory_space<semaphore_mem>>
      %dma_wait3A_280 = arith.constant 0 : i32
      %dma_wait3A_281 = tpu.memref_slice %arg8[%rem3A_214, %dma_wait3A_280] : memref<4x80xi32, #tpu.memory_space<vmem>> -> memref<1x80xi32, #tpu.memory_space<vmem>>
      %dma_wait3A_282 = tpu.memref_squeeze %dma_wait3A_281 : memref<1x80xi32, #tpu.memory_space<vmem>> -> memref<80xi32, #tpu.memory_space<vmem>>
      %dma_wait3A_283 = arith.constant 0 : i32
      %dma_wait3A_284 = tpu.memref_slice %arg3[%dma_wait3A_271, %dma_wait3A_283] : memref<2x320000xi32, #tpu.memory_space<hbm>> -> memref<1x80xi32, #tpu.memory_space<hbm>>
      %dma_wait3A_285 = tpu.memref_squeeze %dma_wait3A_284 : memref<1x80xi32, #tpu.memory_space<hbm>> -> memref<80xi32, #tpu.memory_space<hbm>>
      tpu.wait_dma2 semaphore(%dma_wait3A_279 : memref<!tpu.dma_semaphore, #tpu.memory_space<semaphore_mem>>) src(%dma_wait3A_285 : memref<80xi32, #tpu.memory_space<hbm>>) dst(%dma_wait3A_282 : memref<80xi32, #tpu.memory_space<vmem>>)
      %dma_start3A_286 = arith.constant 0 : i32
      %dma_start3A_287 = arith.constant 0 : i32
      %dma_start3A_288 = tpu.memref_slice %arg9[%rem3A_214, %dma_start3A_286, %dma_start3A_287] : memref<4x80x16xf32, #tpu.memory_space<vmem>> -> memref<1x80x16xf32, #tpu.memory_space<vmem>>
      %dma_start3A_289 = tpu.memref_squeeze %dma_start3A_288 : memref<1x80x16xf32, #tpu.memory_space<vmem>> -> memref<80x16xf32, #tpu.memory_space<vmem>>
      %dma_start3A_290 = arith.constant 0 : i32
      %dma_start3A_291 = tpu.memref_slice %arg7[%rem3A_214, %dma_start3A_290] : memref<4x80xi32, #tpu.memory_space<vmem>> -> memref<1x80xi32, #tpu.memory_space<vmem>>
      %dma_start3A_292 = tpu.memref_squeeze %dma_start3A_291 : memref<1x80xi32, #tpu.memory_space<vmem>> -> memref<80xi32, #tpu.memory_space<vmem>>
      %dma_start3A_293 = arith.constant 0 : i32
      %dma_start3A_294 = arith.constant 0 : i32
      %dma_start3A_295 = tpu.memref_slice %arg2[%dma_start3A_293, %dma_start3A_294] : memref<10000x16xf32, #tpu.memory_space<hbm>> -> memref<10000x16xf32, #tpu.memory_space<hbm>>
      %dma_start3A_296 = tpu.memref_slice %arg11[%rem3A_214] : memref<4x!tpu.dma_semaphore, #tpu.memory_space<semaphore_mem>> -> memref<1x!tpu.dma_semaphore, #tpu.memory_space<semaphore_mem>>
      %dma_start3A_297 = tpu.memref_squeeze %dma_start3A_296 : memref<1x!tpu.dma_semaphore, #tpu.memory_space<semaphore_mem>> -> memref<!tpu.dma_semaphore, #tpu.memory_space<semaphore_mem>>
      tpu.enqueue_indirect_dma source(%dma_start3A_295 : memref<10000x16xf32, #tpu.memory_space<hbm>>) target(%dma_start3A_289 : memref<80x16xf32, #tpu.memory_space<vmem>>) offsets(%dma_start3A_292 : memref<80xi32, #tpu.memory_space<vmem>>) semaphore(%dma_start3A_297 : memref<!tpu.dma_semaphore, #tpu.memory_space<semaphore_mem>>)
      %dma_wait3A_298 = arith.constant 0 : i32
      %dma_wait3A_299 = arith.constant 0 : i32
      %dma_wait3A_300 = tpu.memref_slice %arg9[%rem3A_210, %dma_wait3A_298, %dma_wait3A_299] : memref<4x80x16xf32, #tpu.memory_space<vmem>> -> memref<1x80x16xf32, #tpu.memory_space<vmem>>
      %dma_wait3A_301 = tpu.memref_squeeze %dma_wait3A_300 : memref<1x80x16xf32, #tpu.memory_space<vmem>> -> memref<80x16xf32, #tpu.memory_space<vmem>>
      %dma_wait3A_302 = arith.constant 0 : i32
      %dma_wait3A_303 = tpu.memref_slice %arg7[%rem3A_210, %dma_wait3A_302] : memref<4x80xi32, #tpu.memory_space<vmem>> -> memref<1x80xi32, #tpu.memory_space<vmem>>
      %dma_wait3A_304 = tpu.memref_squeeze %dma_wait3A_303 : memref<1x80xi32, #tpu.memory_space<vmem>> -> memref<80xi32, #tpu.memory_space<vmem>>
      %dma_wait3A_305 = arith.constant 0 : i32
      %dma_wait3A_306 = arith.constant 0 : i32
      %dma_wait3A_307 = tpu.memref_slice %arg2[%dma_wait3A_305, %dma_wait3A_306] : memref<10000x16xf32, #tpu.memory_space<hbm>> -> memref<10000x16xf32, #tpu.memory_space<hbm>>
      %dma_wait3A_308 = tpu.memref_slice %arg11[%rem3A_210] : memref<4x!tpu.dma_semaphore, #tpu.memory_space<semaphore_mem>> -> memref<1x!tpu.dma_semaphore, #tpu.memory_space<semaphore_mem>>
      %dma_wait3A_309 = tpu.memref_squeeze %dma_wait3A_308 : memref<1x!tpu.dma_semaphore, #tpu.memory_space<semaphore_mem>> -> memref<!tpu.dma_semaphore, #tpu.memory_space<semaphore_mem>>
      tpu.wait_indirect_dma semaphore(%dma_wait3A_309 : memref<!tpu.dma_semaphore, #tpu.memory_space<semaphore_mem>>) src(%dma_wait3A_307 : memref<10000x16xf32, #tpu.memory_space<hbm>>) dst(%dma_wait3A_301 : memref<80x16xf32, #tpu.memory_space<vmem>>)
      %dma_start3A_310 = arith.constant 0 : i32
      %dma_start3A_311 = arith.constant 0 : i32
      %dma_start3A_312 = tpu.memref_slice %arg9[%rem3A_210, %dma_start3A_310, %dma_start3A_311] : memref<4x80x16xf32, #tpu.memory_space<vmem>> -> memref<1x80x16xf32, #tpu.memory_space<vmem>>
      %dma_start3A_313 = tpu.memref_squeeze %dma_start3A_312 : memref<1x80x16xf32, #tpu.memory_space<vmem>> -> memref<80x16xf32, #tpu.memory_space<vmem>>
      %dma_start3A_314 = arith.constant 0 : i32
      %dma_start3A_315 = tpu.memref_slice %arg8[%rem3A_210, %dma_start3A_314] : memref<4x80xi32, #tpu.memory_space<vmem>> -> memref<1x80xi32, #tpu.memory_space<vmem>>
      %dma_start3A_316 = tpu.memref_squeeze %dma_start3A_315 : memref<1x80xi32, #tpu.memory_space<vmem>> -> memref<80xi32, #tpu.memory_space<vmem>>
      %dma_start3A_317 = arith.constant 0 : i32
      %dma_start3A_318 = arith.constant 0 : i32
      %dma_start3A_319 = tpu.memref_slice %arg6[%dma_start3A_317, %dma_start3A_318] : memref<10000x16xf32, #tpu.memory_space<vmem_shared>> -> memref<10000x16xf32, #tpu.memory_space<vmem_shared>>
      %dma_start3A_320 = tpu.memref_slice %arg12[%rem3A_210] : memref<4x!tpu.dma_semaphore, #tpu.memory_space<semaphore_mem>> -> memref<1x!tpu.dma_semaphore, #tpu.memory_space<semaphore_mem>>
      %dma_start3A_321 = tpu.memref_squeeze %dma_start3A_320 : memref<1x!tpu.dma_semaphore, #tpu.memory_space<semaphore_mem>> -> memref<!tpu.dma_semaphore, #tpu.memory_space<semaphore_mem>>
      tpu.enqueue_indirect_dma source(%dma_start3A_313 : memref<80x16xf32, #tpu.memory_space<vmem>>) target(%dma_start3A_319 : memref<10000x16xf32, #tpu.memory_space<vmem_shared>>) offsets(%dma_start3A_316 : memref<80xi32, #tpu.memory_space<vmem>>) semaphore(%dma_start3A_321 : memref<!tpu.dma_semaphore, #tpu.memory_space<semaphore_mem>>) {add = true}
    }
    %scan3A_123 = arith.constant 125 : i32
    %dma_wait3A_124 = arith.constant 3 : i32
    %dma_wait3A_125 = arith.constant 3 : i32
    %dma_wait3A_126 = arith.constant 3 : i32
    %dma_wait3A_127 = arith.constant 0 : i32
    %dma_wait3A_128 = arith.constant 0 : i32
    %dma_wait3A_129 = tpu.memref_slice %arg9[%dma_wait3A_124, %dma_wait3A_127, %dma_wait3A_128] : memref<4x80x16xf32, #tpu.memory_space<vmem>> -> memref<1x80x16xf32, #tpu.memory_space<vmem>>
    %dma_wait3A_130 = tpu.memref_squeeze %dma_wait3A_129 : memref<1x80x16xf32, #tpu.memory_space<vmem>> -> memref<80x16xf32, #tpu.memory_space<vmem>>
    %dma_wait3A_131 = arith.constant 0 : i32
    %dma_wait3A_132 = tpu.memref_slice %arg8[%dma_wait3A_125, %dma_wait3A_131] : memref<4x80xi32, #tpu.memory_space<vmem>> -> memref<1x80xi32, #tpu.memory_space<vmem>>
    %dma_wait3A_133 = tpu.memref_squeeze %dma_wait3A_132 : memref<1x80xi32, #tpu.memory_space<vmem>> -> memref<80xi32, #tpu.memory_space<vmem>>
    %dma_wait3A_134 = arith.constant 0 : i32
    %dma_wait3A_135 = arith.constant 0 : i32
    %dma_wait3A_136 = tpu.memref_slice %arg6[%dma_wait3A_134, %dma_wait3A_135] : memref<10000x16xf32, #tpu.memory_space<vmem_shared>> -> memref<10000x16xf32, #tpu.memory_space<vmem_shared>>
    %dma_wait3A_137 = tpu.memref_slice %arg12[%dma_wait3A_126] : memref<4x!tpu.dma_semaphore, #tpu.memory_space<semaphore_mem>> -> memref<1x!tpu.dma_semaphore, #tpu.memory_space<semaphore_mem>>
    %dma_wait3A_138 = tpu.memref_squeeze %dma_wait3A_137 : memref<1x!tpu.dma_semaphore, #tpu.memory_space<semaphore_mem>> -> memref<!tpu.dma_semaphore, #tpu.memory_space<semaphore_mem>>
    tpu.wait_indirect_dma semaphore(%dma_wait3A_138 : memref<!tpu.dma_semaphore, #tpu.memory_space<semaphore_mem>>) src(%dma_wait3A_130 : memref<80x16xf32, #tpu.memory_space<vmem>>) dst(%dma_wait3A_136 : memref<10000x16xf32, #tpu.memory_space<vmem_shared>>)
    %dma_wait3A_139 = arith.constant 0 : i32
    %dma_wait3A_140 = arith.constant 0 : i32
    %dma_wait3A_141 = arith.constant 0 : i32
    %dma_wait3A_142 = arith.constant 0 : i32
    %dma_wait3A_143 = arith.constant 0 : i32
    %dma_wait3A_144 = tpu.memref_slice %arg9[%dma_wait3A_139, %dma_wait3A_142, %dma_wait3A_143] : memref<4x80x16xf32, #tpu.memory_space<vmem>> -> memref<1x80x16xf32, #tpu.memory_space<vmem>>
    %dma_wait3A_145 = tpu.memref_squeeze %dma_wait3A_144 : memref<1x80x16xf32, #tpu.memory_space<vmem>> -> memref<80x16xf32, #tpu.memory_space<vmem>>
    %dma_wait3A_146 = arith.constant 0 : i32
    %dma_wait3A_147 = tpu.memref_slice %arg8[%dma_wait3A_140, %dma_wait3A_146] : memref<4x80xi32, #tpu.memory_space<vmem>> -> memref<1x80xi32, #tpu.memory_space<vmem>>
    %dma_wait3A_148 = tpu.memref_squeeze %dma_wait3A_147 : memref<1x80xi32, #tpu.memory_space<vmem>> -> memref<80xi32, #tpu.memory_space<vmem>>
    %dma_wait3A_149 = arith.constant 0 : i32
    %dma_wait3A_150 = arith.constant 0 : i32
    %dma_wait3A_151 = tpu.memref_slice %arg6[%dma_wait3A_149, %dma_wait3A_150] : memref<10000x16xf32, #tpu.memory_space<vmem_shared>> -> memref<10000x16xf32, #tpu.memory_space<vmem_shared>>
    %dma_wait3A_152 = tpu.memref_slice %arg12[%dma_wait3A_141] : memref<4x!tpu.dma_semaphore, #tpu.memory_space<semaphore_mem>> -> memref<1x!tpu.dma_semaphore, #tpu.memory_space<semaphore_mem>>
    %dma_wait3A_153 = tpu.memref_squeeze %dma_wait3A_152 : memref<1x!tpu.dma_semaphore, #tpu.memory_space<semaphore_mem>> -> memref<!tpu.dma_semaphore, #tpu.memory_space<semaphore_mem>>
    tpu.wait_indirect_dma semaphore(%dma_wait3A_153 : memref<!tpu.dma_semaphore, #tpu.memory_space<semaphore_mem>>) src(%dma_wait3A_145 : memref<80x16xf32, #tpu.memory_space<vmem>>) dst(%dma_wait3A_151 : memref<10000x16xf32, #tpu.memory_space<vmem_shared>>)
    %dma_wait3A_154 = arith.constant 1 : i32
    %dma_wait3A_155 = arith.constant 1 : i32
    %dma_wait3A_156 = arith.constant 1 : i32
    %dma_wait3A_157 = arith.constant 0 : i32
    %dma_wait3A_158 = arith.constant 0 : i32
    %dma_wait3A_159 = tpu.memref_slice %arg9[%dma_wait3A_155, %dma_wait3A_157, %dma_wait3A_158] : memref<4x80x16xf32, #tpu.memory_space<vmem>> -> memref<1x80x16xf32, #tpu.memory_space<vmem>>
    %dma_wait3A_160 = tpu.memref_squeeze %dma_wait3A_159 : memref<1x80x16xf32, #tpu.memory_space<vmem>> -> memref<80x16xf32, #tpu.memory_space<vmem>>
    %dma_wait3A_161 = arith.constant 0 : i32
    %dma_wait3A_162 = tpu.memref_slice %arg7[%dma_wait3A_154, %dma_wait3A_161] : memref<4x80xi32, #tpu.memory_space<vmem>> -> memref<1x80xi32, #tpu.memory_space<vmem>>
    %dma_wait3A_163 = tpu.memref_squeeze %dma_wait3A_162 : memref<1x80xi32, #tpu.memory_space<vmem>> -> memref<80xi32, #tpu.memory_space<vmem>>
    %dma_wait3A_164 = arith.constant 0 : i32
    %dma_wait3A_165 = arith.constant 0 : i32
    %dma_wait3A_166 = tpu.memref_slice %arg2[%dma_wait3A_164, %dma_wait3A_165] : memref<10000x16xf32, #tpu.memory_space<hbm>> -> memref<10000x16xf32, #tpu.memory_space<hbm>>
    %dma_wait3A_167 = tpu.memref_slice %arg11[%dma_wait3A_156] : memref<4x!tpu.dma_semaphore, #tpu.memory_space<semaphore_mem>> -> memref<1x!tpu.dma_semaphore, #tpu.memory_space<semaphore_mem>>
    %dma_wait3A_168 = tpu.memref_squeeze %dma_wait3A_167 : memref<1x!tpu.dma_semaphore, #tpu.memory_space<semaphore_mem>> -> memref<!tpu.dma_semaphore, #tpu.memory_space<semaphore_mem>>
    tpu.wait_indirect_dma semaphore(%dma_wait3A_168 : memref<!tpu.dma_semaphore, #tpu.memory_space<semaphore_mem>>) src(%dma_wait3A_166 : memref<10000x16xf32, #tpu.memory_space<hbm>>) dst(%dma_wait3A_160 : memref<80x16xf32, #tpu.memory_space<vmem>>)
    %dma_wait3A_169 = arith.constant 0 : i32
    %dma_wait3A_170 = arith.constant 2 : i32
    %dma_wait3A_171 = arith.constant 2 : i32
    %dma_wait3A_172 = arith.constant 0 : i32
    %dma_wait3A_173 = tpu.memref_slice %arg7[%dma_wait3A_170, %dma_wait3A_172] : memref<4x80xi32, #tpu.memory_space<vmem>> -> memref<1x80xi32, #tpu.memory_space<vmem>>
    %dma_wait3A_174 = tpu.memref_squeeze %dma_wait3A_173 : memref<1x80xi32, #tpu.memory_space<vmem>> -> memref<80xi32, #tpu.memory_space<vmem>>
    %dma_wait3A_175 = arith.constant 0 : i32
    %dma_wait3A_176 = tpu.memref_slice %arg3[%dma_wait3A_169, %dma_wait3A_175] : memref<2x320000xi32, #tpu.memory_space<hbm>> -> memref<1x80xi32, #tpu.memory_space<hbm>>
    %dma_wait3A_177 = tpu.memref_squeeze %dma_wait3A_176 : memref<1x80xi32, #tpu.memory_space<hbm>> -> memref<80xi32, #tpu.memory_space<hbm>>
    %dma_wait3A_178 = tpu.memref_slice %arg10[%dma_wait3A_171] : memref<4x!tpu.dma_semaphore, #tpu.memory_space<semaphore_mem>> -> memref<1x!tpu.dma_semaphore, #tpu.memory_space<semaphore_mem>>
    %dma_wait3A_179 = tpu.memref_squeeze %dma_wait3A_178 : memref<1x!tpu.dma_semaphore, #tpu.memory_space<semaphore_mem>> -> memref<!tpu.dma_semaphore, #tpu.memory_space<semaphore_mem>>
    %dma_wait3A_180 = arith.constant 0 : i32
    %dma_wait3A_181 = tpu.memref_slice %arg7[%dma_wait3A_170, %dma_wait3A_180] : memref<4x80xi32, #tpu.memory_space<vmem>> -> memref<1x80xi32, #tpu.memory_space<vmem>>
    %dma_wait3A_182 = tpu.memref_squeeze %dma_wait3A_181 : memref<1x80xi32, #tpu.memory_space<vmem>> -> memref<80xi32, #tpu.memory_space<vmem>>
    %dma_wait3A_183 = arith.constant 0 : i32
    %dma_wait3A_184 = tpu.memref_slice %arg3[%dma_wait3A_169, %dma_wait3A_183] : memref<2x320000xi32, #tpu.memory_space<hbm>> -> memref<1x80xi32, #tpu.memory_space<hbm>>
    %dma_wait3A_185 = tpu.memref_squeeze %dma_wait3A_184 : memref<1x80xi32, #tpu.memory_space<hbm>> -> memref<80xi32, #tpu.memory_space<hbm>>
    tpu.wait_dma2 semaphore(%dma_wait3A_179 : memref<!tpu.dma_semaphore, #tpu.memory_space<semaphore_mem>>) src(%dma_wait3A_185 : memref<80xi32, #tpu.memory_space<hbm>>) dst(%dma_wait3A_182 : memref<80xi32, #tpu.memory_space<vmem>>)
    %dma_wait3A_186 = arith.constant 1 : i32
    %dma_wait3A_187 = arith.constant 2 : i32
    %dma_wait3A_188 = arith.constant 2 : i32
    %dma_wait3A_189 = arith.constant 0 : i32
    %dma_wait3A_190 = tpu.memref_slice %arg8[%dma_wait3A_187, %dma_wait3A_189] : memref<4x80xi32, #tpu.memory_space<vmem>> -> memref<1x80xi32, #tpu.memory_space<vmem>>
    %dma_wait3A_191 = tpu.memref_squeeze %dma_wait3A_190 : memref<1x80xi32, #tpu.memory_space<vmem>> -> memref<80xi32, #tpu.memory_space<vmem>>
    %dma_wait3A_192 = arith.constant 0 : i32
    %dma_wait3A_193 = tpu.memref_slice %arg3[%dma_wait3A_186, %dma_wait3A_192] : memref<2x320000xi32, #tpu.memory_space<hbm>> -> memref<1x80xi32, #tpu.memory_space<hbm>>
    %dma_wait3A_194 = tpu.memref_squeeze %dma_wait3A_193 : memref<1x80xi32, #tpu.memory_space<hbm>> -> memref<80xi32, #tpu.memory_space<hbm>>
    %dma_wait3A_195 = tpu.memref_slice %arg10[%dma_wait3A_188] : memref<4x!tpu.dma_semaphore, #tpu.memory_space<semaphore_mem>> -> memref<1x!tpu.dma_semaphore, #tpu.memory_space<semaphore_mem>>
    %dma_wait3A_196 = tpu.memref_squeeze %dma_wait3A_195 : memref<1x!tpu.dma_semaphore, #tpu.memory_space<semaphore_mem>> -> memref<!tpu.dma_semaphore, #tpu.memory_space<semaphore_mem>>
    %dma_wait3A_197 = arith.constant 0 : i32
    %dma_wait3A_198 = tpu.memref_slice %arg8[%dma_wait3A_187, %dma_wait3A_197] : memref<4x80xi32, #tpu.memory_space<vmem>> -> memref<1x80xi32, #tpu.memory_space<vmem>>
    %dma_wait3A_199 = tpu.memref_squeeze %dma_wait3A_198 : memref<1x80xi32, #tpu.memory_space<vmem>> -> memref<80xi32, #tpu.memory_space<vmem>>
    %dma_wait3A_200 = arith.constant 0 : i32
    %dma_wait3A_201 = tpu.memref_slice %arg3[%dma_wait3A_186, %dma_wait3A_200] : memref<2x320000xi32, #tpu.memory_space<hbm>> -> memref<1x80xi32, #tpu.memory_space<hbm>>
    %dma_wait3A_202 = tpu.memref_squeeze %dma_wait3A_201 : memref<1x80xi32, #tpu.memory_space<hbm>> -> memref<80xi32, #tpu.memory_space<hbm>>
    tpu.wait_dma2 semaphore(%dma_wait3A_196 : memref<!tpu.dma_semaphore, #tpu.memory_space<semaphore_mem>>) src(%dma_wait3A_202 : memref<80xi32, #tpu.memory_space<hbm>>) dst(%dma_wait3A_199 : memref<80xi32, #tpu.memory_space<vmem>>)
    %barrier3A_203 = arith.constant 0 : index
    tpu.barrier barrier_id(%barrier3A_203)
    "tpu.region"() ({
      %run_scoped3A = tpu.sem_alloc : memref<!tpu.dma_semaphore, #tpu.memory_space<semaphore_mem>>
      %dma_start3A_209 = arith.constant 0 : i32
      %dma_start3A_210 = tpu.memref_slice %arg5[%arg0, %mul3A_0, %dma_start3A_209] : memref<2x10000x16xf32, #tpu.memory_space<hbm>> -> memref<1x624x16xf32, #tpu.memory_space<hbm>>
      %dma_start3A_211 = tpu.memref_squeeze %dma_start3A_210 : memref<1x624x16xf32, #tpu.memory_space<hbm>> -> memref<624x16xf32, #tpu.memory_space<hbm>>
      %dma_start3A_212 = arith.constant 0 : i32
      %dma_start3A_213 = tpu.memref_slice %arg6[%mul3A_0, %dma_start3A_212] : memref<10000x16xf32, #tpu.memory_space<vmem_shared>> -> memref<624x16xf32, #tpu.memory_space<vmem_shared>>
      tpu.enqueue_dma source(%dma_start3A_213 : memref<624x16xf32, #tpu.memory_space<vmem_shared>>) target(%dma_start3A_211 : memref<624x16xf32, #tpu.memory_space<hbm>>) target_semaphore(%run_scoped3A : memref<!tpu.dma_semaphore, #tpu.memory_space<semaphore_mem>>)
      %dma_wait3A_214 = arith.constant 0 : i32
      %dma_wait3A_215 = tpu.memref_slice %arg5[%arg0, %mul3A_0, %dma_wait3A_214] : memref<2x10000x16xf32, #tpu.memory_space<hbm>> -> memref<1x624x16xf32, #tpu.memory_space<hbm>>
      %dma_wait3A_216 = tpu.memref_squeeze %dma_wait3A_215 : memref<1x624x16xf32, #tpu.memory_space<hbm>> -> memref<624x16xf32, #tpu.memory_space<hbm>>
      %dma_wait3A_217 = arith.constant 0 : i32
      %dma_wait3A_218 = tpu.memref_slice %arg6[%mul3A_0, %dma_wait3A_217] : memref<10000x16xf32, #tpu.memory_space<vmem_shared>> -> memref<624x16xf32, #tpu.memory_space<vmem_shared>>
      tpu.wait_dma2 semaphore(%run_scoped3A : memref<!tpu.dma_semaphore, #tpu.memory_space<semaphore_mem>>) src(%dma_wait3A_218 : memref<624x16xf32, #tpu.memory_space<vmem_shared>>) dst(%dma_wait3A_216 : memref<624x16xf32, #tpu.memory_space<hbm>>)
      tpu.yield
    }) : () -> ()
    %eq3A_204 = arith.constant 15 : i32
    %eq3A_205 = arith.cmpi eq, %arg1, %eq3A_204 : i32
    %convert_element_type3A_206 = arith.extui %eq3A_205 : i1 to i32
    %cond3A_207 = arith.constant 0 : i32
    %cond3A_208 = arith.cmpi ne, %convert_element_type3A_206, %cond3A_207 : i32
    scf.if %cond3A_208 {
      "tpu.region"() ({
        %run_scoped3A = tpu.sem_alloc : memref<!tpu.dma_semaphore, #tpu.memory_space<semaphore_mem>>
        %dma_start3A_209 = arith.constant 9984 : i32
        %dma_start3A_210 = arith.constant 0 : i32
        %dma_start3A_211 = tpu.memref_slice %arg5[%arg0, %dma_start3A_209, %dma_start3A_210] : memref<2x10000x16xf32, #tpu.memory_space<hbm>> -> memref<1x16x16xf32, #tpu.memory_space<hbm>>
        %dma_start3A_212 = tpu.memref_squeeze %dma_start3A_211 : memref<1x16x16xf32, #tpu.memory_space<hbm>> -> memref<16x16xf32, #tpu.memory_space<hbm>>
        %dma_start3A_213 = arith.constant 9984 : i32
        %dma_start3A_214 = arith.constant 0 : i32
        %dma_start3A_215 = tpu.memref_slice %arg6[%dma_start3A_213, %dma_start3A_214] : memref<10000x16xf32, #tpu.memory_space<vmem_shared>> -> memref<16x16xf32, #tpu.memory_space<vmem_shared>>
        tpu.enqueue_dma source(%dma_start3A_215 : memref<16x16xf32, #tpu.memory_space<vmem_shared>>) target(%dma_start3A_212 : memref<16x16xf32, #tpu.memory_space<hbm>>) target_semaphore(%run_scoped3A : memref<!tpu.dma_semaphore, #tpu.memory_space<semaphore_mem>>)
        %dma_wait3A_216 = arith.constant 9984 : i32
        %dma_wait3A_217 = arith.constant 0 : i32
        %dma_wait3A_218 = tpu.memref_slice %arg5[%arg0, %dma_wait3A_216, %dma_wait3A_217] : memref<2x10000x16xf32, #tpu.memory_space<hbm>> -> memref<1x16x16xf32, #tpu.memory_space<hbm>>
        %dma_wait3A_219 = tpu.memref_squeeze %dma_wait3A_218 : memref<1x16x16xf32, #tpu.memory_space<hbm>> -> memref<16x16xf32, #tpu.memory_space<hbm>>
        %dma_wait3A_220 = arith.constant 9984 : i32
        %dma_wait3A_221 = arith.constant 0 : i32
        %dma_wait3A_222 = tpu.memref_slice %arg6[%dma_wait3A_220, %dma_wait3A_221] : memref<10000x16xf32, #tpu.memory_space<vmem_shared>> -> memref<16x16xf32, #tpu.memory_space<vmem_shared>>
        tpu.wait_dma2 semaphore(%run_scoped3A : memref<!tpu.dma_semaphore, #tpu.memory_space<semaphore_mem>>) src(%dma_wait3A_222 : memref<16x16xf32, #tpu.memory_space<vmem_shared>>) dst(%dma_wait3A_219 : memref<16x16xf32, #tpu.memory_space<hbm>>)
        tpu.yield
      }) : () -> ()
    } else {
    }
    return
  }
}

module attributes {stable_mosaic.version = 14 : i64} {
  func.func @tc1(%arg0: i32, %arg1: memref<2x1000x128xf32, #tpu.memory_space<vmem>>, %arg2: memref<1000x32xf32, #tpu.memory_space<vmem>>, %arg3: memref<1000x128xf32, #tpu.memory_space<vmem>>, %arg4: memref<128x256xf32, #tpu.memory_space<vmem>>, %arg5: memref<128x256xf32, #tpu.memory_space<vmem>>, %arg6: memref<1x256xf32, #tpu.memory_space<vmem>>, %arg7: memref<1x256xf32, #tpu.memory_space<vmem>>, %arg8: memref<1x256xf32, #tpu.memory_space<vmem>>, %arg9: memref<1000x128xf32, #tpu.memory_space<vmem>>, %arg10: memref<1000x128xf32, #tpu.memory_space<vmem>>, %arg11: memref<1000x16xf32, #tpu.memory_space<vmem>>) attributes {dimension_semantics = [#tpu.dimension_semantics<arbitrary>], iteration_bounds = array<i64: 10>, scalar_prefetch = 0 : i64, scratch_operands = 0 : i64, tpu.core_type = #tpu.core_type<tc>, window_params = [{transform_indices = @transform_0, window_bounds = array<i64: 2, 1000, 128>}, {transform_indices = @transform_1, window_bounds = array<i64: 1000, 32>}, {transform_indices = @transform_2, window_bounds = array<i64: 1000, 128>}, {pipeline_mode = #tpu.pipeline_mode<synchronous>, transform_indices = @transform_3, window_bounds = array<i64: 128, 256>}, {pipeline_mode = #tpu.pipeline_mode<synchronous>, transform_indices = @transform_4, window_bounds = array<i64: 128, 256>}, {pipeline_mode = #tpu.pipeline_mode<synchronous>, transform_indices = @transform_5, window_bounds = array<i64: 1, 256>}, {pipeline_mode = #tpu.pipeline_mode<synchronous>, transform_indices = @transform_6, window_bounds = array<i64: 1, 256>}, {pipeline_mode = #tpu.pipeline_mode<synchronous>, transform_indices = @transform_7, window_bounds = array<i64: 1, 256>}, {transform_indices = @transform_8, window_bounds = array<i64: 1000, 128>}, {transform_indices = @transform_9, window_bounds = array<i64: 1000, 128>}, {transform_indices = @transform_10, window_bounds = array<i64: 1000, 16>}]} {
    %get3A = arith.constant 0 : index
    %get3A_0 = arith.constant 0 : index
    %get3A_1 = vector.load %arg2[%get3A, %get3A_0] : memref<1000x32xf32, #tpu.memory_space<vmem>>, vector<1000x32xf32>
    %reduce_sum3A = arith.constant dense<0.000000e+00> : vector<1000xf32>
    %reduce_sum3A_2 = vector.multi_reduction <add>, %get3A_1, %reduce_sum3A [1] : vector<1000x32xf32> to vector<1000xf32>
    %max3A = arith.constant 1.000000e+00 : f32
    %max3A_3 = vector.broadcast %max3A : f32 to vector<1000xf32>
    %max3A_4 = arith.maximumf %reduce_sum3A_2, %max3A_3 : vector<1000xf32>
    %div3A = arith.constant 1.000000e+00 : f32
    %div3A_5 = vector.broadcast %div3A : f32 to vector<1000xf32>
    %div3A_6 = arith.divf %div3A_5, %max3A_4 : vector<1000xf32>
    %broadcast_in_dim3A = vector.shape_cast %div3A_6 : vector<1000xf32> to vector<1000x1xf32>
    %get3A_7 = arith.constant 0 : index
    %get3A_8 = arith.constant 0 : index
    %get3A_9 = arith.constant 0 : index
    %get3A_10 = vector.load %arg1[%get3A_7, %get3A_8, %get3A_9] : memref<2x1000x128xf32, #tpu.memory_space<vmem>>, vector<1x1000x128xf32>
    %get3A_11 = vector.shape_cast %get3A_10 : vector<1x1000x128xf32> to vector<1000x128xf32>
    %get3A_12 = arith.constant 1 : index
    %get3A_13 = arith.constant 0 : index
    %get3A_14 = arith.constant 0 : index
    %get3A_15 = vector.load %arg1[%get3A_12, %get3A_13, %get3A_14] : memref<2x1000x128xf32, #tpu.memory_space<vmem>>, vector<1x1000x128xf32>
    %get3A_16 = vector.shape_cast %get3A_15 : vector<1x1000x128xf32> to vector<1000x128xf32>
    %add3A = arith.addf %get3A_11, %get3A_16 : vector<1000x128xf32>
    %mul3A = vector.broadcast %broadcast_in_dim3A : vector<1000x1xf32> to vector<1000x128xf32>
    %mul3A_17 = arith.mulf %add3A, %mul3A : vector<1000x128xf32>
    %get3A_18 = arith.constant 0 : index
    %get3A_19 = arith.constant 0 : index
    %get3A_20 = vector.load %arg4[%get3A_18, %get3A_19] : memref<128x256xf32, #tpu.memory_space<vmem>>, vector<128x256xf32>
    %dot_general3A = arith.constant dense<0.000000e+00> : vector<1000x256xf32>
    %dot_general3A_21 = tpu.matmul %mul3A_17, %get3A_20, %dot_general3A {dimension_numbers = #tpu.dot_dimension_numbers<[1], [0], [0], [1], [0, 0, 1, 1], [], []>, transpose_lhs_hint = false} : vector<1000x128xf32>, vector<128x256xf32>, vector<1000x256xf32> -> vector<1000x256xf32>
    %get3A_22 = arith.constant 0 : index
    %get3A_23 = arith.constant 0 : index
    %get3A_24 = vector.load %arg3[%get3A_22, %get3A_23] : memref<1000x128xf32, #tpu.memory_space<vmem>>, vector<1000x128xf32>
    %get3A_25 = arith.constant 0 : index
    %get3A_26 = arith.constant 0 : index
    %get3A_27 = vector.load %arg5[%get3A_25, %get3A_26] : memref<128x256xf32, #tpu.memory_space<vmem>>, vector<128x256xf32>
    %dot_general3A_28 = arith.constant dense<0.000000e+00> : vector<1000x256xf32>
    %dot_general3A_29 = tpu.matmul %get3A_24, %get3A_27, %dot_general3A_28 {dimension_numbers = #tpu.dot_dimension_numbers<[1], [0], [0], [1], [0, 0, 1, 1], [], []>, transpose_lhs_hint = false} : vector<1000x128xf32>, vector<128x256xf32>, vector<1000x256xf32> -> vector<1000x256xf32>
    %add3A_30 = arith.addf %dot_general3A_21, %dot_general3A_29 : vector<1000x256xf32>
    %get3A_31 = arith.constant 0 : index
    %get3A_32 = arith.constant 0 : index
    %get3A_33 = vector.load %arg6[%get3A_31, %get3A_32] : memref<1x256xf32, #tpu.memory_space<vmem>>, vector<1x256xf32>
    %add3A_34 = vector.broadcast %get3A_33 : vector<1x256xf32> to vector<1000x256xf32>
    %add3A_35 = arith.addf %add3A_30, %add3A_34 : vector<1000x256xf32>
    %get3A_36 = arith.constant 0 : index
    %get3A_37 = arith.constant 0 : index
    %get3A_38 = vector.load %arg7[%get3A_36, %get3A_37] : memref<1x256xf32, #tpu.memory_space<vmem>>, vector<1x256xf32>
    %get3A_39 = arith.constant 0 : index
    %get3A_40 = arith.constant 0 : index
    %get3A_41 = vector.load %arg8[%get3A_39, %get3A_40] : memref<1x256xf32, #tpu.memory_space<vmem>>, vector<1x256xf32>
    %reduce_sum3A_42 = arith.constant dense<0.000000e+00> : vector<1000xf32>
    %reduce_sum3A_43 = vector.multi_reduction <add>, %add3A_35, %reduce_sum3A_42 [1] : vector<1000x256xf32> to vector<1000xf32>
    %broadcast_in_dim3A_44 = vector.shape_cast %reduce_sum3A_43 : vector<1000xf32> to vector<1000x1xf32>
    %div3A_45 = arith.constant 2.560000e+02 : f32
    %div3A_46 = vector.broadcast %div3A_45 : f32 to vector<1000x1xf32>
    %div3A_47 = arith.divf %broadcast_in_dim3A_44, %div3A_46 : vector<1000x1xf32>
    %sub3A = vector.broadcast %div3A_47 : vector<1000x1xf32> to vector<1000x256xf32>
    %sub3A_48 = arith.subf %add3A_35, %sub3A : vector<1000x256xf32>
    %integer_pow3A = arith.mulf %sub3A_48, %sub3A_48 : vector<1000x256xf32>
    %reduce_sum3A_49 = arith.constant dense<0.000000e+00> : vector<1000xf32>
    %reduce_sum3A_50 = vector.multi_reduction <add>, %integer_pow3A, %reduce_sum3A_49 [1] : vector<1000x256xf32> to vector<1000xf32>
    %broadcast_in_dim3A_51 = vector.shape_cast %reduce_sum3A_50 : vector<1000xf32> to vector<1000x1xf32>
    %div3A_52 = arith.constant 2.560000e+02 : f32
    %div3A_53 = vector.broadcast %div3A_52 : f32 to vector<1000x1xf32>
    %div3A_54 = arith.divf %broadcast_in_dim3A_51, %div3A_53 : vector<1000x1xf32>
    %sub3A_55 = vector.broadcast %div3A_47 : vector<1000x1xf32> to vector<1000x256xf32>
    %sub3A_56 = arith.subf %add3A_35, %sub3A_55 : vector<1000x256xf32>
    %add3A_57 = arith.constant 9.99999974E-6 : f32
    %add3A_58 = vector.broadcast %add3A_57 : f32 to vector<1000x1xf32>
    %add3A_59 = arith.addf %div3A_54, %add3A_58 : vector<1000x1xf32>
    %rsqrt3A = math.rsqrt %add3A_59 : vector<1000x1xf32>
    %mul3A_60 = vector.broadcast %rsqrt3A : vector<1000x1xf32> to vector<1000x256xf32>
    %mul3A_61 = arith.mulf %sub3A_56, %mul3A_60 : vector<1000x256xf32>
    %mul3A_62 = vector.broadcast %get3A_38 : vector<1x256xf32> to vector<1000x256xf32>
    %mul3A_63 = arith.mulf %mul3A_61, %mul3A_62 : vector<1000x256xf32>
    %add3A_64 = vector.broadcast %get3A_41 : vector<1x256xf32> to vector<1000x256xf32>
    %add3A_65 = arith.addf %mul3A_63, %add3A_64 : vector<1000x256xf32>
    %max3A_66 = arith.constant 0.000000e+00 : f32
    %max3A_67 = vector.broadcast %max3A_66 : f32 to vector<1000x256xf32>
    %max3A_68 = arith.maximumf %add3A_65, %max3A_67 : vector<1000x256xf32>
    %slice3A = vector.extract_strided_slice %max3A_68 {offsets = [0, 0], sizes = [1000, 128], strides = [1, 1]} : vector<1000x256xf32> to vector<1000x128xf32>
    %swap3A = arith.constant 0 : index
    %swap3A_69 = arith.constant 0 : index
    %swap3A_70 = vector.load %arg9[%swap3A, %swap3A_69] : memref<1000x128xf32, #tpu.memory_space<vmem>>, vector<1000x128xf32>
    tpu.vector_store %arg9[%swap3A, %swap3A_69], %slice3A {strides = array<i32>} : memref<1000x128xf32, #tpu.memory_space<vmem>>, vector<1000x128xf32>,
    %slice3A_71 = vector.extract_strided_slice %max3A_68 {offsets = [0, 128], sizes = [1000, 128], strides = [1, 1]} : vector<1000x256xf32> to vector<1000x128xf32>
    %swap3A_72 = arith.constant 0 : index
    %swap3A_73 = arith.constant 0 : index
    %swap3A_74 = vector.load %arg10[%swap3A_72, %swap3A_73] : memref<1000x128xf32, #tpu.memory_space<vmem>>, vector<1000x128xf32>
    tpu.vector_store %arg10[%swap3A_72, %swap3A_73], %slice3A_71 {strides = array<i32>} : memref<1000x128xf32, #tpu.memory_space<vmem>>, vector<1000x128xf32>,
    %broadcast_in_dim3A_75 = vector.shape_cast %broadcast_in_dim3A : vector<1000x1xf32> to vector<1000x1xf32>
    %broadcast_in_dim3A_76 = vector.broadcast %broadcast_in_dim3A_75 : vector<1000x1xf32> to vector<1000x16xf32>
    %swap3A_77 = arith.constant 0 : index
    %swap3A_78 = arith.constant 0 : index
    %swap3A_79 = vector.load %arg11[%swap3A_77, %swap3A_78] : memref<1000x16xf32, #tpu.memory_space<vmem>>, vector<1000x16xf32>
    tpu.vector_store %arg11[%swap3A_77, %swap3A_78], %broadcast_in_dim3A_76 {strides = array<i32>} : memref<1000x16xf32, #tpu.memory_space<vmem>>, vector<1000x16xf32>,
    return
  }
  func.func @transform_0(%arg0: i32) -> (i32, i32, i32) {
    %c0_i32 = arith.constant 0 : i32
    %c0_i32_0 = arith.constant 0 : i32
    %c0_i32_1 = arith.constant 0 : i32
    return %c0_i32, %arg0, %c0_i32_0 : i32, i32, i32
  }
  func.func @transform_1(%arg0: i32) -> (i32, i32) {
    %c0_i32 = arith.constant 0 : i32
    %c0_i32_0 = arith.constant 0 : i32
    return %arg0, %c0_i32 : i32, i32
  }
  func.func @transform_2(%arg0: i32) -> (i32, i32) {
    %c0_i32 = arith.constant 0 : i32
    %c0_i32_0 = arith.constant 0 : i32
    return %arg0, %c0_i32 : i32, i32
  }
  func.func @transform_3(%arg0: i32) -> (i32, i32) {
    %c0_i32 = arith.constant 0 : i32
    %c0_i32_0 = arith.constant 0 : i32
    %c0_i32_1 = arith.constant 0 : i32
    return %c0_i32, %c0_i32_0 : i32, i32
  }
  func.func @transform_4(%arg0: i32) -> (i32, i32) {
    %c0_i32 = arith.constant 0 : i32
    %c0_i32_0 = arith.constant 0 : i32
    %c0_i32_1 = arith.constant 0 : i32
    return %c0_i32, %c0_i32_0 : i32, i32
  }
  func.func @transform_5(%arg0: i32) -> (i32, i32) {
    %c0_i32 = arith.constant 0 : i32
    %c0_i32_0 = arith.constant 0 : i32
    %c0_i32_1 = arith.constant 0 : i32
    return %c0_i32, %c0_i32_0 : i32, i32
  }
  func.func @transform_6(%arg0: i32) -> (i32, i32) {
    %c0_i32 = arith.constant 0 : i32
    %c0_i32_0 = arith.constant 0 : i32
    %c0_i32_1 = arith.constant 0 : i32
    return %c0_i32, %c0_i32_0 : i32, i32
  }
  func.func @transform_7(%arg0: i32) -> (i32, i32) {
    %c0_i32 = arith.constant 0 : i32
    %c0_i32_0 = arith.constant 0 : i32
    %c0_i32_1 = arith.constant 0 : i32
    return %c0_i32, %c0_i32_0 : i32, i32
  }
  func.func @transform_8(%arg0: i32) -> (i32, i32) {
    %c0_i32 = arith.constant 0 : i32
    %c0_i32_0 = arith.constant 0 : i32
    return %arg0, %c0_i32 : i32, i32
  }
  func.func @transform_9(%arg0: i32) -> (i32, i32) {
    %c0_i32 = arith.constant 0 : i32
    %c0_i32_0 = arith.constant 0 : i32
    return %arg0, %c0_i32 : i32, i32
  }
  func.func @transform_10(%arg0: i32) -> (i32, i32) {
    %c0_i32 = arith.constant 0 : i32
    %c0_i32_0 = arith.constant 0 : i32
    return %arg0, %c0_i32 : i32, i32
  }
}

module attributes {stable_mosaic.version = 14 : i64} {
  func.func @tc2(%arg0: i32, %arg1: memref<2x1000x128xf32, #tpu.memory_space<vmem>>, %arg2: memref<2x1000x128xf32, #tpu.memory_space<vmem>>, %arg3: memref<1000x16xf32, #tpu.memory_space<vmem>>, %arg4: memref<1000x128xf32, #tpu.memory_space<vmem>>, %arg5: memref<1000x128xf32, #tpu.memory_space<vmem>>, %arg6: memref<256x256xf32, #tpu.memory_space<vmem>>, %arg7: memref<256x256xf32, #tpu.memory_space<vmem>>, %arg8: memref<1x256xf32, #tpu.memory_space<vmem>>, %arg9: memref<1x256xf32, #tpu.memory_space<vmem>>, %arg10: memref<1x256xf32, #tpu.memory_space<vmem>>, %arg11: memref<256x128xf32, #tpu.memory_space<vmem>>, %arg12: memref<1000x256xf32, #tpu.memory_space<vmem>>, %arg13: memref<1000x128xf32, #tpu.memory_space<vmem>>) attributes {dimension_semantics = [#tpu.dimension_semantics<arbitrary>], iteration_bounds = array<i64: 10>, scalar_prefetch = 0 : i64, scratch_operands = 0 : i64, tpu.core_type = #tpu.core_type<tc>, window_params = [{transform_indices = @transform_0, window_bounds = array<i64: 2, 1000, 128>}, {transform_indices = @transform_1, window_bounds = array<i64: 2, 1000, 128>}, {transform_indices = @transform_2, window_bounds = array<i64: 1000, 16>}, {transform_indices = @transform_3, window_bounds = array<i64: 1000, 128>}, {transform_indices = @transform_4, window_bounds = array<i64: 1000, 128>}, {pipeline_mode = #tpu.pipeline_mode<synchronous>, transform_indices = @transform_5, window_bounds = array<i64: 256, 256>}, {pipeline_mode = #tpu.pipeline_mode<synchronous>, transform_indices = @transform_6, window_bounds = array<i64: 256, 256>}, {pipeline_mode = #tpu.pipeline_mode<synchronous>, transform_indices = @transform_7, window_bounds = array<i64: 1, 256>}, {pipeline_mode = #tpu.pipeline_mode<synchronous>, transform_indices = @transform_8, window_bounds = array<i64: 1, 256>}, {pipeline_mode = #tpu.pipeline_mode<synchronous>, transform_indices = @transform_9, window_bounds = array<i64: 1, 256>}, {pipeline_mode = #tpu.pipeline_mode<synchronous>, transform_indices = @transform_10, window_bounds = array<i64: 256, 128>}, {transform_indices = @transform_11, window_bounds = array<i64: 1000, 256>}, {transform_indices = @transform_12, window_bounds = array<i64: 1000, 128>}]} {
    %get3A = arith.constant 0 : index
    %get3A_0 = arith.constant 0 : index
    %get3A_1 = vector.load %arg3[%get3A, %get3A_0] : memref<1000x16xf32, #tpu.memory_space<vmem>>, vector<1000x1xf32>
    %get3A_2 = arith.constant 0 : index
    %get3A_3 = arith.constant 0 : index
    %get3A_4 = arith.constant 0 : index
    %get3A_5 = vector.load %arg1[%get3A_2, %get3A_3, %get3A_4] : memref<2x1000x128xf32, #tpu.memory_space<vmem>>, vector<1x1000x128xf32>
    %get3A_6 = vector.shape_cast %get3A_5 : vector<1x1000x128xf32> to vector<1000x128xf32>
    %get3A_7 = arith.constant 1 : index
    %get3A_8 = arith.constant 0 : index
    %get3A_9 = arith.constant 0 : index
    %get3A_10 = vector.load %arg1[%get3A_7, %get3A_8, %get3A_9] : memref<2x1000x128xf32, #tpu.memory_space<vmem>>, vector<1x1000x128xf32>
    %get3A_11 = vector.shape_cast %get3A_10 : vector<1x1000x128xf32> to vector<1000x128xf32>
    %add3A = arith.addf %get3A_6, %get3A_11 : vector<1000x128xf32>
    %mul3A = vector.broadcast %get3A_1 : vector<1000x1xf32> to vector<1000x128xf32>
    %mul3A_12 = arith.mulf %add3A, %mul3A : vector<1000x128xf32>
    %get3A_13 = arith.constant 0 : index
    %get3A_14 = arith.constant 0 : index
    %get3A_15 = arith.constant 0 : index
    %get3A_16 = vector.load %arg2[%get3A_13, %get3A_14, %get3A_15] : memref<2x1000x128xf32, #tpu.memory_space<vmem>>, vector<1x1000x128xf32>
    %get3A_17 = vector.shape_cast %get3A_16 : vector<1x1000x128xf32> to vector<1000x128xf32>
    %get3A_18 = arith.constant 1 : index
    %get3A_19 = arith.constant 0 : index
    %get3A_20 = arith.constant 0 : index
    %get3A_21 = vector.load %arg2[%get3A_18, %get3A_19, %get3A_20] : memref<2x1000x128xf32, #tpu.memory_space<vmem>>, vector<1x1000x128xf32>
    %get3A_22 = vector.shape_cast %get3A_21 : vector<1x1000x128xf32> to vector<1000x128xf32>
    %add3A_23 = arith.addf %get3A_17, %get3A_22 : vector<1000x128xf32>
    %mul3A_24 = vector.broadcast %get3A_1 : vector<1000x1xf32> to vector<1000x128xf32>
    %mul3A_25 = arith.mulf %add3A_23, %mul3A_24 : vector<1000x128xf32>
    %get3A_26 = arith.constant 0 : index
    %get3A_27 = arith.constant 0 : index
    %get3A_28 = vector.load %arg6[%get3A_26, %get3A_27] : memref<256x256xf32, #tpu.memory_space<vmem>>, vector<256x256xf32>
    %get3A_29 = arith.constant 0 : index
    %get3A_30 = arith.constant 0 : index
    %get3A_31 = vector.load %arg7[%get3A_29, %get3A_30] : memref<256x256xf32, #tpu.memory_space<vmem>>, vector<256x256xf32>
    %slice3A = vector.extract_strided_slice %get3A_28 {offsets = [0, 0], sizes = [128, 256], strides = [1, 1]} : vector<256x256xf32> to vector<128x256xf32>
    %dot_general3A = arith.constant dense<0.000000e+00> : vector<1000x256xf32>
    %dot_general3A_32 = tpu.matmul %mul3A_12, %slice3A, %dot_general3A {dimension_numbers = #tpu.dot_dimension_numbers<[1], [0], [0], [1], [0, 0, 1, 1], [], []>, transpose_lhs_hint = false} : vector<1000x128xf32>, vector<128x256xf32>, vector<1000x256xf32> -> vector<1000x256xf32>
    %slice3A_33 = vector.extract_strided_slice %get3A_28 {offsets = [128, 0], sizes = [128, 256], strides = [1, 1]} : vector<256x256xf32> to vector<128x256xf32>
    %dot_general3A_34 = arith.constant dense<0.000000e+00> : vector<1000x256xf32>
    %dot_general3A_35 = tpu.matmul %mul3A_25, %slice3A_33, %dot_general3A_34 {dimension_numbers = #tpu.dot_dimension_numbers<[1], [0], [0], [1], [0, 0, 1, 1], [], []>, transpose_lhs_hint = false} : vector<1000x128xf32>, vector<128x256xf32>, vector<1000x256xf32> -> vector<1000x256xf32>
    %add3A_36 = arith.addf %dot_general3A_32, %dot_general3A_35 : vector<1000x256xf32>
    %get3A_37 = arith.constant 0 : index
    %get3A_38 = arith.constant 0 : index
    %get3A_39 = vector.load %arg4[%get3A_37, %get3A_38] : memref<1000x128xf32, #tpu.memory_space<vmem>>, vector<1000x128xf32>
    %slice3A_40 = vector.extract_strided_slice %get3A_31 {offsets = [0, 0], sizes = [128, 256], strides = [1, 1]} : vector<256x256xf32> to vector<128x256xf32>
    %dot_general3A_41 = arith.constant dense<0.000000e+00> : vector<1000x256xf32>
    %dot_general3A_42 = tpu.matmul %get3A_39, %slice3A_40, %dot_general3A_41 {dimension_numbers = #tpu.dot_dimension_numbers<[1], [0], [0], [1], [0, 0, 1, 1], [], []>, transpose_lhs_hint = false} : vector<1000x128xf32>, vector<128x256xf32>, vector<1000x256xf32> -> vector<1000x256xf32>
    %add3A_43 = arith.addf %add3A_36, %dot_general3A_42 : vector<1000x256xf32>
    %get3A_44 = arith.constant 0 : index
    %get3A_45 = arith.constant 0 : index
    %get3A_46 = vector.load %arg5[%get3A_44, %get3A_45] : memref<1000x128xf32, #tpu.memory_space<vmem>>, vector<1000x128xf32>
    %slice3A_47 = vector.extract_strided_slice %get3A_31 {offsets = [128, 0], sizes = [128, 256], strides = [1, 1]} : vector<256x256xf32> to vector<128x256xf32>
    %dot_general3A_48 = arith.constant dense<0.000000e+00> : vector<1000x256xf32>
    %dot_general3A_49 = tpu.matmul %get3A_46, %slice3A_47, %dot_general3A_48 {dimension_numbers = #tpu.dot_dimension_numbers<[1], [0], [0], [1], [0, 0, 1, 1], [], []>, transpose_lhs_hint = false} : vector<1000x128xf32>, vector<128x256xf32>, vector<1000x256xf32> -> vector<1000x256xf32>
    %add3A_50 = arith.addf %add3A_43, %dot_general3A_49 : vector<1000x256xf32>
    %get3A_51 = arith.constant 0 : index
    %get3A_52 = arith.constant 0 : index
    %get3A_53 = vector.load %arg8[%get3A_51, %get3A_52] : memref<1x256xf32, #tpu.memory_space<vmem>>, vector<1x256xf32>
    %add3A_54 = vector.broadcast %get3A_53 : vector<1x256xf32> to vector<1000x256xf32>
    %add3A_55 = arith.addf %add3A_50, %add3A_54 : vector<1000x256xf32>
    %get3A_56 = arith.constant 0 : index
    %get3A_57 = arith.constant 0 : index
    %get3A_58 = vector.load %arg9[%get3A_56, %get3A_57] : memref<1x256xf32, #tpu.memory_space<vmem>>, vector<1x256xf32>
    %get3A_59 = arith.constant 0 : index
    %get3A_60 = arith.constant 0 : index
    %get3A_61 = vector.load %arg10[%get3A_59, %get3A_60] : memref<1x256xf32, #tpu.memory_space<vmem>>, vector<1x256xf32>
    %reduce_sum3A = arith.constant dense<0.000000e+00> : vector<1000xf32>
    %reduce_sum3A_62 = vector.multi_reduction <add>, %add3A_55, %reduce_sum3A [1] : vector<1000x256xf32> to vector<1000xf32>
    %broadcast_in_dim3A = vector.shape_cast %reduce_sum3A_62 : vector<1000xf32> to vector<1000x1xf32>
    %div3A = arith.constant 2.560000e+02 : f32
    %div3A_63 = vector.broadcast %div3A : f32 to vector<1000x1xf32>
    %div3A_64 = arith.divf %broadcast_in_dim3A, %div3A_63 : vector<1000x1xf32>
    %sub3A = vector.broadcast %div3A_64 : vector<1000x1xf32> to vector<1000x256xf32>
    %sub3A_65 = arith.subf %add3A_55, %sub3A : vector<1000x256xf32>
    %integer_pow3A = arith.mulf %sub3A_65, %sub3A_65 : vector<1000x256xf32>
    %reduce_sum3A_66 = arith.constant dense<0.000000e+00> : vector<1000xf32>
    %reduce_sum3A_67 = vector.multi_reduction <add>, %integer_pow3A, %reduce_sum3A_66 [1] : vector<1000x256xf32> to vector<1000xf32>
    %broadcast_in_dim3A_68 = vector.shape_cast %reduce_sum3A_67 : vector<1000xf32> to vector<1000x1xf32>
    %div3A_69 = arith.constant 2.560000e+02 : f32
    %div3A_70 = vector.broadcast %div3A_69 : f32 to vector<1000x1xf32>
    %div3A_71 = arith.divf %broadcast_in_dim3A_68, %div3A_70 : vector<1000x1xf32>
    %sub3A_72 = vector.broadcast %div3A_64 : vector<1000x1xf32> to vector<1000x256xf32>
    %sub3A_73 = arith.subf %add3A_55, %sub3A_72 : vector<1000x256xf32>
    %add3A_74 = arith.constant 9.99999974E-6 : f32
    %add3A_75 = vector.broadcast %add3A_74 : f32 to vector<1000x1xf32>
    %add3A_76 = arith.addf %div3A_71, %add3A_75 : vector<1000x1xf32>
    %rsqrt3A = math.rsqrt %add3A_76 : vector<1000x1xf32>
    %mul3A_77 = vector.broadcast %rsqrt3A : vector<1000x1xf32> to vector<1000x256xf32>
    %mul3A_78 = arith.mulf %sub3A_73, %mul3A_77 : vector<1000x256xf32>
    %mul3A_79 = vector.broadcast %get3A_58 : vector<1x256xf32> to vector<1000x256xf32>
    %mul3A_80 = arith.mulf %mul3A_78, %mul3A_79 : vector<1000x256xf32>
    %add3A_81 = vector.broadcast %get3A_61 : vector<1x256xf32> to vector<1000x256xf32>
    %add3A_82 = arith.addf %mul3A_80, %add3A_81 : vector<1000x256xf32>
    %max3A = arith.constant 0.000000e+00 : f32
    %max3A_83 = vector.broadcast %max3A : f32 to vector<1000x256xf32>
    %max3A_84 = arith.maximumf %add3A_82, %max3A_83 : vector<1000x256xf32>
    %swap3A = arith.constant 0 : index
    %swap3A_85 = arith.constant 0 : index
    %swap3A_86 = vector.load %arg12[%swap3A, %swap3A_85] : memref<1000x256xf32, #tpu.memory_space<vmem>>, vector<1000x256xf32>
    tpu.vector_store %arg12[%swap3A, %swap3A_85], %max3A_84 {strides = array<i32>} : memref<1000x256xf32, #tpu.memory_space<vmem>>, vector<1000x256xf32>,
    %get3A_87 = arith.constant 0 : index
    %get3A_88 = arith.constant 0 : index
    %get3A_89 = vector.load %arg11[%get3A_87, %get3A_88] : memref<256x128xf32, #tpu.memory_space<vmem>>, vector<256x128xf32>
    %dot_general3A_90 = arith.constant dense<0.000000e+00> : vector<1000x128xf32>
    %dot_general3A_91 = tpu.matmul %max3A_84, %get3A_89, %dot_general3A_90 {dimension_numbers = #tpu.dot_dimension_numbers<[1], [0], [0], [1], [0, 0, 1, 1], [], []>, transpose_lhs_hint = false} : vector<1000x256xf32>, vector<256x128xf32>, vector<1000x128xf32> -> vector<1000x128xf32>
    %swap3A_92 = arith.constant 0 : index
    %swap3A_93 = arith.constant 0 : index
    %swap3A_94 = vector.load %arg13[%swap3A_92, %swap3A_93] : memref<1000x128xf32, #tpu.memory_space<vmem>>, vector<1000x128xf32>
    tpu.vector_store %arg13[%swap3A_92, %swap3A_93], %dot_general3A_91 {strides = array<i32>} : memref<1000x128xf32, #tpu.memory_space<vmem>>, vector<1000x128xf32>,
    return
  }
  func.func @transform_0(%arg0: i32) -> (i32, i32, i32) {
    %c0_i32 = arith.constant 0 : i32
    %c0_i32_0 = arith.constant 0 : i32
    %c0_i32_1 = arith.constant 0 : i32
    return %c0_i32, %arg0, %c0_i32_0 : i32, i32, i32
  }
  func.func @transform_1(%arg0: i32) -> (i32, i32, i32) {
    %c0_i32 = arith.constant 0 : i32
    %c0_i32_0 = arith.constant 0 : i32
    %c0_i32_1 = arith.constant 0 : i32
    return %c0_i32, %arg0, %c0_i32_0 : i32, i32, i32
  }
  func.func @transform_2(%arg0: i32) -> (i32, i32) {
    %c0_i32 = arith.constant 0 : i32
    %c0_i32_0 = arith.constant 0 : i32
    return %arg0, %c0_i32 : i32, i32
  }
  func.func @transform_3(%arg0: i32) -> (i32, i32) {
    %c0_i32 = arith.constant 0 : i32
    %c0_i32_0 = arith.constant 0 : i32
    return %arg0, %c0_i32 : i32, i32
  }
  func.func @transform_4(%arg0: i32) -> (i32, i32) {
    %c0_i32 = arith.constant 0 : i32
    %c0_i32_0 = arith.constant 0 : i32
    return %arg0, %c0_i32 : i32, i32
  }
  func.func @transform_5(%arg0: i32) -> (i32, i32) {
    %c0_i32 = arith.constant 0 : i32
    %c0_i32_0 = arith.constant 0 : i32
    %c0_i32_1 = arith.constant 0 : i32
    return %c0_i32, %c0_i32_0 : i32, i32
  }
  func.func @transform_6(%arg0: i32) -> (i32, i32) {
    %c0_i32 = arith.constant 0 : i32
    %c0_i32_0 = arith.constant 0 : i32
    %c0_i32_1 = arith.constant 0 : i32
    return %c0_i32, %c0_i32_0 : i32, i32
  }
  func.func @transform_7(%arg0: i32) -> (i32, i32) {
    %c0_i32 = arith.constant 0 : i32
    %c0_i32_0 = arith.constant 0 : i32
    %c0_i32_1 = arith.constant 0 : i32
    return %c0_i32, %c0_i32_0 : i32, i32
  }
  func.func @transform_8(%arg0: i32) -> (i32, i32) {
    %c0_i32 = arith.constant 0 : i32
    %c0_i32_0 = arith.constant 0 : i32
    %c0_i32_1 = arith.constant 0 : i32
    return %c0_i32, %c0_i32_0 : i32, i32
  }
  func.func @transform_9(%arg0: i32) -> (i32, i32) {
    %c0_i32 = arith.constant 0 : i32
    %c0_i32_0 = arith.constant 0 : i32
    %c0_i32_1 = arith.constant 0 : i32
    return %c0_i32, %c0_i32_0 : i32, i32
  }
  func.func @transform_10(%arg0: i32) -> (i32, i32) {
    %c0_i32 = arith.constant 0 : i32
    %c0_i32_0 = arith.constant 0 : i32
    %c0_i32_1 = arith.constant 0 : i32
    return %c0_i32, %c0_i32_0 : i32, i32
  }
  func.func @transform_11(%arg0: i32) -> (i32, i32) {
    %c0_i32 = arith.constant 0 : i32
    %c0_i32_0 = arith.constant 0 : i32
    return %arg0, %c0_i32 : i32, i32
  }
  func.func @transform_12(%arg0: i32) -> (i32, i32) {
    %c0_i32 = arith.constant 0 : i32
    %c0_i32_0 = arith.constant 0 : i32
    return %arg0, %c0_i32 : i32, i32
  }
}

module attributes {stable_mosaic.version = 14 : i64} {
  func.func @tc3(%arg0: i32, %arg1: memref<2x1000x128xf32, #tpu.memory_space<vmem>>, %arg2: memref<1000x16xf32, #tpu.memory_space<vmem>>, %arg3: memref<1000x256xf32, #tpu.memory_space<vmem>>, %arg4: memref<256x128xf32, #tpu.memory_space<vmem>>, %arg5: memref<1x128xf32, #tpu.memory_space<vmem>>, %arg6: memref<1x128xf32, #tpu.memory_space<vmem>>, %arg7: memref<1x128xf32, #tpu.memory_space<vmem>>, %arg8: memref<128x16xf32, #tpu.memory_space<vmem>>, %arg9: memref<1000x128xf32, #tpu.memory_space<vmem>>, %arg10: memref<1000x16xf32, #tpu.memory_space<vmem>>) attributes {dimension_semantics = [#tpu.dimension_semantics<arbitrary>], iteration_bounds = array<i64: 10>, scalar_prefetch = 0 : i64, scratch_operands = 0 : i64, tpu.core_type = #tpu.core_type<tc>, window_params = [{transform_indices = @transform_0, window_bounds = array<i64: 2, 1000, 128>}, {transform_indices = @transform_1, window_bounds = array<i64: 1000, 16>}, {transform_indices = @transform_2, window_bounds = array<i64: 1000, 256>}, {pipeline_mode = #tpu.pipeline_mode<synchronous>, transform_indices = @transform_3, window_bounds = array<i64: 256, 128>}, {pipeline_mode = #tpu.pipeline_mode<synchronous>, transform_indices = @transform_4, window_bounds = array<i64: 1, 128>}, {pipeline_mode = #tpu.pipeline_mode<synchronous>, transform_indices = @transform_5, window_bounds = array<i64: 1, 128>}, {pipeline_mode = #tpu.pipeline_mode<synchronous>, transform_indices = @transform_6, window_bounds = array<i64: 1, 128>}, {pipeline_mode = #tpu.pipeline_mode<synchronous>, transform_indices = @transform_7, window_bounds = array<i64: 128, 16>}, {transform_indices = @transform_8, window_bounds = array<i64: 1000, 128>}, {transform_indices = @transform_9, window_bounds = array<i64: 1000, 16>}]} {
    %get3A = arith.constant 0 : index
    %get3A_0 = arith.constant 0 : index
    %get3A_1 = arith.constant 0 : index
    %get3A_2 = vector.load %arg1[%get3A, %get3A_0, %get3A_1] : memref<2x1000x128xf32, #tpu.memory_space<vmem>>, vector<1x1000x128xf32>
    %get3A_3 = vector.shape_cast %get3A_2 : vector<1x1000x128xf32> to vector<1000x128xf32>
    %get3A_4 = arith.constant 1 : index
    %get3A_5 = arith.constant 0 : index
    %get3A_6 = arith.constant 0 : index
    %get3A_7 = vector.load %arg1[%get3A_4, %get3A_5, %get3A_6] : memref<2x1000x128xf32, #tpu.memory_space<vmem>>, vector<1x1000x128xf32>
    %get3A_8 = vector.shape_cast %get3A_7 : vector<1x1000x128xf32> to vector<1000x128xf32>
    %add3A = arith.addf %get3A_3, %get3A_8 : vector<1000x128xf32>
    %get3A_9 = arith.constant 0 : index
    %get3A_10 = arith.constant 0 : index
    %get3A_11 = vector.load %arg2[%get3A_9, %get3A_10] : memref<1000x16xf32, #tpu.memory_space<vmem>>, vector<1000x1xf32>
    %mul3A = vector.broadcast %get3A_11 : vector<1000x1xf32> to vector<1000x128xf32>
    %mul3A_12 = arith.mulf %add3A, %mul3A : vector<1000x128xf32>
    %get3A_13 = arith.constant 0 : index
    %get3A_14 = arith.constant 0 : index
    %get3A_15 = vector.load %arg3[%get3A_13, %get3A_14] : memref<1000x256xf32, #tpu.memory_space<vmem>>, vector<1000x256xf32>
    %get3A_16 = arith.constant 0 : index
    %get3A_17 = arith.constant 0 : index
    %get3A_18 = vector.load %arg4[%get3A_16, %get3A_17] : memref<256x128xf32, #tpu.memory_space<vmem>>, vector<256x128xf32>
    %dot_general3A = arith.constant dense<0.000000e+00> : vector<1000x128xf32>
    %dot_general3A_19 = tpu.matmul %get3A_15, %get3A_18, %dot_general3A {dimension_numbers = #tpu.dot_dimension_numbers<[1], [0], [0], [1], [0, 0, 1, 1], [], []>, transpose_lhs_hint = false} : vector<1000x256xf32>, vector<256x128xf32>, vector<1000x128xf32> -> vector<1000x128xf32>
    %add3A_20 = arith.addf %mul3A_12, %dot_general3A_19 : vector<1000x128xf32>
    %get3A_21 = arith.constant 0 : index
    %get3A_22 = arith.constant 0 : index
    %get3A_23 = vector.load %arg5[%get3A_21, %get3A_22] : memref<1x128xf32, #tpu.memory_space<vmem>>, vector<1x128xf32>
    %add3A_24 = vector.broadcast %get3A_23 : vector<1x128xf32> to vector<1000x128xf32>
    %add3A_25 = arith.addf %add3A_20, %add3A_24 : vector<1000x128xf32>
    %get3A_26 = arith.constant 0 : index
    %get3A_27 = arith.constant 0 : index
    %get3A_28 = vector.load %arg6[%get3A_26, %get3A_27] : memref<1x128xf32, #tpu.memory_space<vmem>>, vector<1x128xf32>
    %get3A_29 = arith.constant 0 : index
    %get3A_30 = arith.constant 0 : index
    %get3A_31 = vector.load %arg7[%get3A_29, %get3A_30] : memref<1x128xf32, #tpu.memory_space<vmem>>, vector<1x128xf32>
    %reduce_sum3A = arith.constant dense<0.000000e+00> : vector<1000xf32>
    %reduce_sum3A_32 = vector.multi_reduction <add>, %add3A_25, %reduce_sum3A [1] : vector<1000x128xf32> to vector<1000xf32>
    %broadcast_in_dim3A = vector.shape_cast %reduce_sum3A_32 : vector<1000xf32> to vector<1000x1xf32>
    %div3A = arith.constant 1.280000e+02 : f32
    %div3A_33 = vector.broadcast %div3A : f32 to vector<1000x1xf32>
    %div3A_34 = arith.divf %broadcast_in_dim3A, %div3A_33 : vector<1000x1xf32>
    %sub3A = vector.broadcast %div3A_34 : vector<1000x1xf32> to vector<1000x128xf32>
    %sub3A_35 = arith.subf %add3A_25, %sub3A : vector<1000x128xf32>
    %integer_pow3A = arith.mulf %sub3A_35, %sub3A_35 : vector<1000x128xf32>
    %reduce_sum3A_36 = arith.constant dense<0.000000e+00> : vector<1000xf32>
    %reduce_sum3A_37 = vector.multi_reduction <add>, %integer_pow3A, %reduce_sum3A_36 [1] : vector<1000x128xf32> to vector<1000xf32>
    %broadcast_in_dim3A_38 = vector.shape_cast %reduce_sum3A_37 : vector<1000xf32> to vector<1000x1xf32>
    %div3A_39 = arith.constant 1.280000e+02 : f32
    %div3A_40 = vector.broadcast %div3A_39 : f32 to vector<1000x1xf32>
    %div3A_41 = arith.divf %broadcast_in_dim3A_38, %div3A_40 : vector<1000x1xf32>
    %sub3A_42 = vector.broadcast %div3A_34 : vector<1000x1xf32> to vector<1000x128xf32>
    %sub3A_43 = arith.subf %add3A_25, %sub3A_42 : vector<1000x128xf32>
    %add3A_44 = arith.constant 9.99999974E-6 : f32
    %add3A_45 = vector.broadcast %add3A_44 : f32 to vector<1000x1xf32>
    %add3A_46 = arith.addf %div3A_41, %add3A_45 : vector<1000x1xf32>
    %rsqrt3A = math.rsqrt %add3A_46 : vector<1000x1xf32>
    %mul3A_47 = vector.broadcast %rsqrt3A : vector<1000x1xf32> to vector<1000x128xf32>
    %mul3A_48 = arith.mulf %sub3A_43, %mul3A_47 : vector<1000x128xf32>
    %mul3A_49 = vector.broadcast %get3A_28 : vector<1x128xf32> to vector<1000x128xf32>
    %mul3A_50 = arith.mulf %mul3A_48, %mul3A_49 : vector<1000x128xf32>
    %add3A_51 = vector.broadcast %get3A_31 : vector<1x128xf32> to vector<1000x128xf32>
    %add3A_52 = arith.addf %mul3A_50, %add3A_51 : vector<1000x128xf32>
    %max3A = arith.constant 0.000000e+00 : f32
    %max3A_53 = vector.broadcast %max3A : f32 to vector<1000x128xf32>
    %max3A_54 = arith.maximumf %add3A_52, %max3A_53 : vector<1000x128xf32>
    %swap3A = arith.constant 0 : index
    %swap3A_55 = arith.constant 0 : index
    %swap3A_56 = vector.load %arg9[%swap3A, %swap3A_55] : memref<1000x128xf32, #tpu.memory_space<vmem>>, vector<1000x128xf32>
    tpu.vector_store %arg9[%swap3A, %swap3A_55], %max3A_54 {strides = array<i32>} : memref<1000x128xf32, #tpu.memory_space<vmem>>, vector<1000x128xf32>,
    %get3A_57 = arith.constant 0 : index
    %get3A_58 = arith.constant 0 : index
    %get3A_59 = vector.load %arg8[%get3A_57, %get3A_58] : memref<128x16xf32, #tpu.memory_space<vmem>>, vector<128x16xf32>
    %dot_general3A_60 = arith.constant dense<0.000000e+00> : vector<1000x16xf32>
    %dot_general3A_61 = tpu.matmul %max3A_54, %get3A_59, %dot_general3A_60 {dimension_numbers = #tpu.dot_dimension_numbers<[1], [0], [0], [1], [0, 0, 1, 1], [], []>, transpose_lhs_hint = false} : vector<1000x128xf32>, vector<128x16xf32>, vector<1000x16xf32> -> vector<1000x16xf32>
    %swap3A_62 = arith.constant 0 : index
    %swap3A_63 = arith.constant 0 : index
    %swap3A_64 = vector.load %arg10[%swap3A_62, %swap3A_63] : memref<1000x16xf32, #tpu.memory_space<vmem>>, vector<1000x16xf32>
    tpu.vector_store %arg10[%swap3A_62, %swap3A_63], %dot_general3A_61 {strides = array<i32>} : memref<1000x16xf32, #tpu.memory_space<vmem>>, vector<1000x16xf32>,
    return
  }
  func.func @transform_0(%arg0: i32) -> (i32, i32, i32) {
    %c0_i32 = arith.constant 0 : i32
    %c0_i32_0 = arith.constant 0 : i32
    %c0_i32_1 = arith.constant 0 : i32
    return %c0_i32, %arg0, %c0_i32_0 : i32, i32, i32
  }
  func.func @transform_1(%arg0: i32) -> (i32, i32) {
    %c0_i32 = arith.constant 0 : i32
    %c0_i32_0 = arith.constant 0 : i32
    return %arg0, %c0_i32 : i32, i32
  }
  func.func @transform_2(%arg0: i32) -> (i32, i32) {
    %c0_i32 = arith.constant 0 : i32
    %c0_i32_0 = arith.constant 0 : i32
    return %arg0, %c0_i32 : i32, i32
  }
  func.func @transform_3(%arg0: i32) -> (i32, i32) {
    %c0_i32 = arith.constant 0 : i32
    %c0_i32_0 = arith.constant 0 : i32
    %c0_i32_1 = arith.constant 0 : i32
    return %c0_i32, %c0_i32_0 : i32, i32
  }
  func.func @transform_4(%arg0: i32) -> (i32, i32) {
    %c0_i32 = arith.constant 0 : i32
    %c0_i32_0 = arith.constant 0 : i32
    %c0_i32_1 = arith.constant 0 : i32
    return %c0_i32, %c0_i32_0 : i32, i32
  }
  func.func @transform_5(%arg0: i32) -> (i32, i32) {
    %c0_i32 = arith.constant 0 : i32
    %c0_i32_0 = arith.constant 0 : i32
    %c0_i32_1 = arith.constant 0 : i32
    return %c0_i32, %c0_i32_0 : i32, i32
  }
  func.func @transform_6(%arg0: i32) -> (i32, i32) {
    %c0_i32 = arith.constant 0 : i32
    %c0_i32_0 = arith.constant 0 : i32
    %c0_i32_1 = arith.constant 0 : i32
    return %c0_i32, %c0_i32_0 : i32, i32
  }
  func.func @transform_7(%arg0: i32) -> (i32, i32) {
    %c0_i32 = arith.constant 0 : i32
    %c0_i32_0 = arith.constant 0 : i32
    %c0_i32_1 = arith.constant 0 : i32
    return %c0_i32, %c0_i32_0 : i32, i32
  }
  func.func @transform_8(%arg0: i32) -> (i32, i32) {
    %c0_i32 = arith.constant 0 : i32
    %c0_i32_0 = arith.constant 0 : i32
    return %arg0, %c0_i32 : i32, i32
  }
  func.func @transform_9(%arg0: i32) -> (i32, i32) {
    %c0_i32 = arith.constant 0 : i32
    %c0_i32_0 = arith.constant 0 : i32
    return %arg0, %c0_i32 : i32, i32
  }
}

module attributes {stable_mosaic.version = 14 : i64} {
  func.func @tc4(%arg0: i32, %arg1: memref<2x1000x16xf32, #tpu.memory_space<vmem>>, %arg2: memref<1000x16xf32, #tpu.memory_space<vmem>>, %arg3: memref<1000x128xf32, #tpu.memory_space<vmem>>, %arg4: memref<128x16xf32, #tpu.memory_space<vmem>>, %arg5: memref<1x16xf32, #tpu.memory_space<vmem>>, %arg6: memref<1000x16xf32, #tpu.memory_space<vmem>>) attributes {dimension_semantics = [#tpu.dimension_semantics<arbitrary>], iteration_bounds = array<i64: 10>, scalar_prefetch = 0 : i64, scratch_operands = 0 : i64, tpu.core_type = #tpu.core_type<tc>, window_params = [{transform_indices = @transform_0, window_bounds = array<i64: 2, 1000, 16>}, {transform_indices = @transform_1, window_bounds = array<i64: 1000, 16>}, {transform_indices = @transform_2, window_bounds = array<i64: 1000, 128>}, {pipeline_mode = #tpu.pipeline_mode<synchronous>, transform_indices = @transform_3, window_bounds = array<i64: 128, 16>}, {pipeline_mode = #tpu.pipeline_mode<synchronous>, transform_indices = @transform_4, window_bounds = array<i64: 1, 16>}, {transform_indices = @transform_5, window_bounds = array<i64: 1000, 16>}]} {
    %get3A = arith.constant 0 : index
    %get3A_0 = arith.constant 0 : index
    %get3A_1 = arith.constant 0 : index
    %get3A_2 = vector.load %arg1[%get3A, %get3A_0, %get3A_1] : memref<2x1000x16xf32, #tpu.memory_space<vmem>>, vector<1x1000x16xf32>
    %get3A_3 = vector.shape_cast %get3A_2 : vector<1x1000x16xf32> to vector<1000x16xf32>
    %get3A_4 = arith.constant 1 : index
    %get3A_5 = arith.constant 0 : index
    %get3A_6 = arith.constant 0 : index
    %get3A_7 = vector.load %arg1[%get3A_4, %get3A_5, %get3A_6] : memref<2x1000x16xf32, #tpu.memory_space<vmem>>, vector<1x1000x16xf32>
    %get3A_8 = vector.shape_cast %get3A_7 : vector<1x1000x16xf32> to vector<1000x16xf32>
    %add3A = arith.addf %get3A_3, %get3A_8 : vector<1000x16xf32>
    %get3A_9 = arith.constant 0 : index
    %get3A_10 = arith.constant 0 : index
    %get3A_11 = vector.load %arg2[%get3A_9, %get3A_10] : memref<1000x16xf32, #tpu.memory_space<vmem>>, vector<1000x1xf32>
    %mul3A = vector.broadcast %get3A_11 : vector<1000x1xf32> to vector<1000x16xf32>
    %mul3A_12 = arith.mulf %add3A, %mul3A : vector<1000x16xf32>
    %get3A_13 = arith.constant 0 : index
    %get3A_14 = arith.constant 0 : index
    %get3A_15 = vector.load %arg3[%get3A_13, %get3A_14] : memref<1000x128xf32, #tpu.memory_space<vmem>>, vector<1000x128xf32>
    %get3A_16 = arith.constant 0 : index
    %get3A_17 = arith.constant 0 : index
    %get3A_18 = vector.load %arg4[%get3A_16, %get3A_17] : memref<128x16xf32, #tpu.memory_space<vmem>>, vector<128x16xf32>
    %dot_general3A = arith.constant dense<0.000000e+00> : vector<1000x16xf32>
    %dot_general3A_19 = tpu.matmul %get3A_15, %get3A_18, %dot_general3A {dimension_numbers = #tpu.dot_dimension_numbers<[1], [0], [0], [1], [0, 0, 1, 1], [], []>, transpose_lhs_hint = false} : vector<1000x128xf32>, vector<128x16xf32>, vector<1000x16xf32> -> vector<1000x16xf32>
    %add3A_20 = arith.addf %mul3A_12, %dot_general3A_19 : vector<1000x16xf32>
    %get3A_21 = arith.constant 0 : index
    %get3A_22 = arith.constant 0 : index
    %get3A_23 = vector.load %arg5[%get3A_21, %get3A_22] : memref<1x16xf32, #tpu.memory_space<vmem>>, vector<1x16xf32>
    %add3A_24 = vector.broadcast %get3A_23 : vector<1x16xf32> to vector<1000x16xf32>
    %add3A_25 = arith.addf %add3A_20, %add3A_24 : vector<1000x16xf32>
    %swap3A = arith.constant 0 : index
    %swap3A_26 = arith.constant 0 : index
    %swap3A_27 = vector.load %arg6[%swap3A, %swap3A_26] : memref<1000x16xf32, #tpu.memory_space<vmem>>, vector<1000x16xf32>
    tpu.vector_store %arg6[%swap3A, %swap3A_26], %add3A_25 {strides = array<i32>} : memref<1000x16xf32, #tpu.memory_space<vmem>>, vector<1000x16xf32>,
    return
  }
  func.func @transform_0(%arg0: i32) -> (i32, i32, i32) {
    %c0_i32 = arith.constant 0 : i32
    %c0_i32_0 = arith.constant 0 : i32
    %c0_i32_1 = arith.constant 0 : i32
    return %c0_i32, %arg0, %c0_i32_0 : i32, i32, i32
  }
  func.func @transform_1(%arg0: i32) -> (i32, i32) {
    %c0_i32 = arith.constant 0 : i32
    %c0_i32_0 = arith.constant 0 : i32
    return %arg0, %c0_i32 : i32, i32
  }
  func.func @transform_2(%arg0: i32) -> (i32, i32) {
    %c0_i32 = arith.constant 0 : i32
    %c0_i32_0 = arith.constant 0 : i32
    return %arg0, %c0_i32 : i32, i32
  }
  func.func @transform_3(%arg0: i32) -> (i32, i32) {
    %c0_i32 = arith.constant 0 : i32
    %c0_i32_0 = arith.constant 0 : i32
    %c0_i32_1 = arith.constant 0 : i32
    return %c0_i32, %c0_i32_0 : i32, i32
  }
  func.func @transform_4(%arg0: i32) -> (i32, i32) {
    %c0_i32 = arith.constant 0 : i32
    %c0_i32_0 = arith.constant 0 : i32
    %c0_i32_1 = arith.constant 0 : i32
    return %c0_i32, %c0_i32_0 : i32, i32
  }
  func.func @transform_5(%arg0: i32) -> (i32, i32) {
    %c0_i32 = arith.constant 0 : i32
    %c0_i32_0 = arith.constant 0 : i32
    return %arg0, %c0_i32 : i32, i32
  }
}

</mosaic_0001>

<sc_bundles>
// kernel: kernel.11.cloned.1.call-start
scs
__scs_entry_jumppad:
0x0: {  	(pc) =	sbr.rel $0x88, $3  }
0x1: {  	(tag) =	ssettag $0x0;
	lr =	simm.s32 $0x1  }
0x2: {  	[smem:$0x3F8D] =	sst lr;
	_ =	strace $0xD0000000  }
0x3: {  	_ = 	snop  }
0x4: {  	_ = 	snop  }
0x5: {  	_ = 	snop  }
0x6: {  	_ = 	snop  }
0x7: {  	_ = 	snop  }
__scs_overlays_trampoline_lowered:
0x8: {  	[smem:$0x3F9C] =	sst s0  }
0x9: {  	[smem:$0x3F9D] =	sst s1  }
0xa: {  	[smem:$0x3F9E] =	sst s2  }
0xb: {  	[smem:$0x3F9F] =	sst s3  }
0xc: {  	[smem:$0x3FA0] =	sst s4  }
0xd: {  	[smem:$0x3FA1] =	sst s5  }
0xe: {  	[smem:$0x3FA2] =	sst s6  }
0xf: {  	[smem:$0x3FA3] =	sst s7  }
0x10: {  	[smem:$0x3FA4] =	sst s8  }
0x11: {  	[smem:$0x3FA5] =	sst s9;
	s0 =	simm.s32 @!p0 $0x0  }
0x12: {  	s1 =	sld [smem:$0x3F8B];
	s0 =	simm.s32 @p0 $0x1  }
0x13: {  	[smem:$0x3FA6] =	sst s0;
	s0 =	simm.s32 @!p1 $0x0  }
0x14: {  	s2 =	sld [smem:$0x3F8A];
	s0 =	simm.s32 @p1 $0x1  }
0x15: {  	[smem:$0x3FA7] =	sst s0;
	s0 =	simm.s32 @!p2 $0x0  }
0x16: {  	s3 =	sld [smem:$0x3FDB];
	s0 =	simm.s32 @p2 $0x1  }
0x17: {  	s4 =	simm.s32 $0x1BF5;
	[smem:$0x3FA9] =	sst s0  }
0x18: {  	s0 =	sld [smem:$0x3F8C];
	_ =	swait.ge [sflag:s4], $0x0  }
0x19: {  	s7 =	sld [smem:$0x3F8D]  }
0x1a: {  	s8 =	sadd.s32 $0xFFFFE003, lr  }
0x1b: {  	s9 =	sadd.s32 $0xFFFFFEF7, lr;
	s5 =	simm.s32 $0xFFFFFFFF;
	p2 =	slt.u32 s8, $0xFFFFF086  }
0x1c: {  	p1 =	slt.u32 s9, $0xF7A;
	s5 =	simm.s32 @!p2 $0x0  }
0x1d: {  	s5 =	simm.s32 @p1 $0x1;
	p0 =	seq.s32 s7, s2  }
0x1e: {  	s7 =	smul.u32 @!p0 $0xF7A, s2;
	p2 =	seq.s32 @!p0 s5, $0x0  }
0x1f: {  	s9 =	smul.u32 $0xF7A, s1;
	s8 =	simm.s32 @!p0 $0x1BF5;
	p2 =	por !p2, p0  }
0x20: {  	[sflag:s8] =	ssyncset.s32 @!p0 $0xFFFFF086;
	s6 =	sadd.s32 @!p0 s3, s7;
	s7 =	simm.s32 @!p0 $0x108  }
0x21: {  	s3 =	sadd.s32 s3, s9;
	s6 =	sadd.s32 @!p0 $0x88, s6;
	s7 =	simm.s32 @p2 $0x1082  }
0x22: {  	[simem:s7], [sflag:s8] =	dma.local @!p0 [hbm:s6], $0xF7A  }
0x23: {  	s9 =	sor.u32 $0xD0000000, s2;
	s6 =	simm.s32 $0x108;
	_ =	swait.ge @!p0 [sflag:s8], $0x0  }
0x24: {  	s3 =	sadd.s32 $0x88, s3;
	s6 =	simm.s32 @!p1 $0x1082;
	[sflag:s4] =	ssyncset.s32 $0xFFFFF086  }
0x25: {  	[simem:s6], [sflag:s4] =	dma.local [hbm:s3], $0xF7A  }
0x26: {  	[smem:$0x3F8D] =	sst s1;
	(tag) =	ssettag s2;
	_ =	strace s9  }
0x27: {  	s1 =	sld [smem:$0x3F9D]  }
0x28: {  	s2 =	sld [smem:$0x3F9E]  }
0x29: {  	s4 =	sld [smem:$0x3FA0]  }
0x2a: {  	p0 =	seq.s32 s5, $0x0;
	s5 =	sld [smem:$0x3FA1]  }
0x2b: {  	s6 =	sld [smem:$0x3FA2]  }
0x2c: {  	s7 =	sld [smem:$0x3FA3]  }
0x2d: {  	s3 =	simm.s32 $0x108;
	s8 =	sld [smem:$0x3FA4]  }
0x2e: {  	s3 =	simm.s32 @!p0 $0x1082;
	s9 =	sld [smem:$0x3FA5]  }
0x2f: {  	lr =	sadd.s32 s0, s3;
	s0 =	sld [smem:$0x3F9C]  }
0x30: {  	s3 =	sld [smem:$0x3F9F]  }
0x31: {  	[smem:$0x3FA8] =	sst s10  }
0x32: {  	s10 =	sld [smem:$0x3FA6];
	_ =	sdelay $0x3  }
0x33: {  	p0 =	seq.s32 s10, $0x1;
	s10 =	sld [smem:$0x3FA8];
	_ =	sdelay $0x3  }
0x34: {  	[smem:$0x3FA8] =	sst s10  }
0x35: {  	s10 =	sld [smem:$0x3FA7];
	_ =	sdelay $0x3  }
0x36: {  	p1 =	seq.s32 s10, $0x1;
	s10 =	sld [smem:$0x3FA8];
	_ =	sdelay $0x3  }
0x37: {  	[smem:$0x3FA8] =	sst s10  }
0x38: {  	s10 =	sld [smem:$0x3FA9]  }
0x39: {  	_ = 	snop;
	(pc) =	sbr.ind lr, $3  }
0x3a: {  	_ = 	snop  }
0x3b: {  	_ = 	snop  }
0x3c: {  	p2 =	seq.s32 s10, $0x1;
	s10 =	sld [smem:$0x3FA8]  }
0x3d: {  	_ =	shalt  }
0x3e: {  	_ =	shalt  }
0x3f: {  	_ =	shalt  }
0x40: {  	_ =	shalt  }
0x41: {  	_ =	shalt  }
0x42: {  	_ =	shalt  }
0x43: {  	_ =	shalt  }
0x44: {  	_ =	shalt  }
0x45: {  	_ =	shalt  }
0x46: {  	_ =	shalt  }
0x47: {  	_ =	shalt  }
0x48: {  	_ =	shalt  }
0x49: {  	_ =	shalt  }
0x4a: {  	_ =	shalt  }
0x4b: {  	_ =	shalt  }
0x4c: {  	_ =	shalt  }
0x4d: {  	_ =	shalt  }
0x4e: {  	_ =	shalt  }
0x4f: {  	_ =	shalt  }
0x50: {  	_ =	shalt  }
0x51: {  	_ =	shalt  }
0x52: {  	_ =	shalt  }
0x53: {  	_ =	shalt  }
0x54: {  	_ =	shalt  }
0x55: {  	_ =	shalt  }
0x56: {  	_ =	shalt  }
0x57: {  	_ =	shalt  }
0x58: {  	_ =	shalt  }
0x59: {  	_ =	shalt  }
0x5a: {  	_ =	shalt  }
0x5b: {  	_ =	shalt  }
0x5c: {  	_ =	shalt  }
0x5d: {  	_ =	shalt  }
0x5e: {  	_ =	shalt  }
0x5f: {  	_ =	shalt  }
0x60: {  	_ =	shalt  }
0x61: {  	_ =	shalt  }
0x62: {  	_ =	shalt  }
0x63: {  	_ =	shalt  }
0x64: {  	_ =	shalt  }
0x65: {  	_ =	shalt  }
0x66: {  	_ =	shalt  }
0x67: {  	_ =	shalt  }
0x68: {  	_ =	shalt  }
0x69: {  	_ =	shalt  }
0x6a: {  	_ =	shalt  }
0x6b: {  	_ =	shalt  }
0x6c: {  	_ =	shalt  }
0x6d: {  	_ =	shalt  }
0x6e: {  	_ =	shalt  }
0x6f: {  	_ =	shalt  }
0x70: {  	_ =	shalt  }
0x71: {  	_ =	shalt  }
0x72: {  	_ =	shalt  }
0x73: {  	_ =	shalt  }
0x74: {  	_ =	shalt  }
0x75: {  	_ =	shalt  }
0x76: {  	_ =	shalt  }
0x77: {  	_ =	shalt  }
0x78: {  	_ =	shalt  }
0x79: {  	_ =	shalt  }
0x7a: {  	_ =	shalt  }
0x7b: {  	_ =	shalt  }
0x7c: {  	_ =	shalt  }
0x7d: {  	_ =	shalt  }
0x7e: {  	_ =	shalt  }
0x7f: {  	_ =	shalt  }
0x80: {  	_ =	shalt  }
0x81: {  	_ =	shalt  }
0x82: {  	_ =	shalt  }
0x83: {  	_ =	shalt  }
0x84: {  	_ =	shalt  }
0x85: {  	_ =	shalt  }
0x86: {  	_ =	shalt  }
0x87: {  	_ =	shalt  }
.Lfunc_end0:
.L_simem_size_0:
called_computation_lowered:
.L_overlay_start_0:
0x88: {  	s2 =	sld [smem:$0x3FD9]  }
0x89: {  	s3 =	sld [smem:$0x3FFE];
	_ =	sdelay $0x1  }
0x8a: {  	s1 =	srdreg.scid  }
0x8b: {  	s0 =	sand.u32 $0x1, s1  }
0x8c: {  	s17 =	sshll.u32 s0, $0xA;
	s2 =	sadd.s32 s3, s2  }
0x8d: {  	s2 =	sadd.s32 s2, s17  }
0x8e: {  	[smem:$0x3FB4] =	sst s2  }
0x8f: {  	_ = 	snop  }
0x90: {  	s2 =	sld [smem:$0x3FC9]  }
0x91: {  	s18 =	sld [smem:$0x3FD0];
	(tm) =	ssettm $0x1  }
0x92: {  	s4 =	sld [smem:$0x3FFB];
	_ =	sdelay $0x3  }
0x93: {  	_ =	strace s4  }
0x94: {  	s4 =	sld [smem:$0x3FFC];
	_ =	sdelay $0x3  }
0x95: {  	_ =	strace s4  }
0x96: {  	s4 =	sld [smem:$0x3FFD];
	_ =	sdelay $0x3  }
0x97: {  	_ =	strace s4  }
0x98: {  	_ =	strace $0x8FFFFFFF  }
0x99: {  	s19 =	sld [smem:$0x3FDB];
	_ =	sdelay $0x1  }
0x9a: {  	s5 =	simm.s32 $_scs_section_size  }
0x9b: {  	s6 =	simm.s32 $_size__tile_overlayer_lowered;
	s7 =	simm.s32 $_tile_overlayer_lowered  }
0x9c: {  	s22 =	simm.s32 $0x1BFF;
	s21 =	sshll.u32 s7, $0x1;
	s4 =	sadd.s32 s5, s19  }
0x9d: {  	s8 =	simm.s32 $0x0;
	s20 =	sshll.u32 s6, $0x1;
	s6 =	sadd.s32 s21, s4  }
0x9e: {  	[timem:s8], [sflag:s22] =	dma.local [hbm:s6], s20  }
0x9f: {  	_ =	swait.ge [sflag:s22], s20  }
0xa0: {  	s5 =	ssub.s32 $0x0, s20;
	[sflag:s22] =	ssyncset.done $0x0  }
0xa1: {  	[sflag:s22] =	ssyncadd.s32 s5;
	_ =	sdelay $0x1  }
0xa2: {  	s23 =	simm.s32 $0x1B8B  }
0xa3: {  	_ =	swait.ge [sflag:s23], $0x1  }
0xa4: {  	[sflag:s23] =	ssyncset.done $0x0  }
0xa5: {  	s25 =	simm.s32 $0x1B8E;
	s24 =	sld [smem:$0x3FFE];
	[sflag:s23] =	ssyncadd.s32 $0xFFFFFFFF  }
0xa6: {  	s26 =	simm.s32 $execute0_lowered;
	[smem:$0x3FD2] =	sst s25  }
0xa7: {  	s6 =	sshll.u32 s26, $0x1;
	_ =	strace $0x80000046;
	[dreg:$0x1] =	wrdreg $0xFFFFFFFF  }
0xa8: {  	s28 =	simm.s32 $_size_execute0_lowered;
	s4 =	sadd.s32 s4, s6;
	[dreg:$0x0] =	wrdreg $0x0  }
0xa9: {  	s6 =	sshll.u32 s28, $0x1;
	[dreg:$0x2] =	wrdreg s4  }
0xaa: {  	[dreg:$0x3] =	wrdreg s6  }
0xab: {  	[dreg:$0x4] =	wrdreg $0xC0  }
0xac: {  	_ =	task [dreg:s8], $0x5FFFF  }
0xad: {  	[dreg:$0x1] =	wrdreg $0xFFFFFFFF  }
0xae: {  	[dreg:$0x0] =	wrdreg $0x60  }
0xaf: {  	[dreg:$0x2] =	wrdreg s2  }
0xb0: {  	[dreg:$0x3] =	wrdreg s24  }
0xb1: {  	[dreg:$0x4] =	wrdreg s18  }
0xb2: {  	[dreg:$0x5] =	wrdreg $0x0  }
0xb3: {  	[dreg:$0x6] =	wrdreg $0x9  }
0xb4: {  	_ =	task.clear_ibuf [dreg:s8], $0x7FFFF;
	_ =	strace $0x90000046  }
0xb5: {  	s29 =	simm.s32 $0x9;
	_ =	strace $0x80000048  }
0xb6: {  	_ =	swait.ge [sflag:s29], $0x1  }
0xb7: {  	[sflag:s29] =	ssyncadd.s32 $0xFFFFFFFF  }
0xb8: {  	_ =	strace $0x90000048  }
0xb9: {  	_ =	sfence  }
0xba: {  	s30 =	sld [smem:$0x0];
	_ =	sdelay $0x2  }
0xbb: {  	s31 =	sshll.u32 s1, $0xD;
	s1 =	sshrl.u32 s1, $0x2  }
0xbc: {  	s3 =	sand.u32 $0x4000, s31;
	s1 =	sadd.s32 s1, s30  }
0xbd: {  	s0 =	sor.u32 s3, s0;
	s1 =	sshll.u32 s1, $0x11  }
0xbe: {  	s0 =	sor.u32 s1, s0  }
0xbf: {  	s0 =	sadd.s32 $0x8F2B, s0  }
0xc0: {  	[sflag:s0] =	ssyncadd.remote.s32 $0x1  }
0xc1: {  	_ =	sfence.sel $0xFFFF  }
0xc2: {  	[dreg:$0x0] =	wrdreg $0xFFFFFFFF;
	(pc) =	sbr.abs _section_cstart, $3  }
0xc3: {  	[dreg:$0x1] =	wrdreg $0xFFFFFFFF  }
0xc4: {  	_ =	task.clear_ibuf [dreg:s8], $0x2FFFF;
	_ =	strace $0x9FFFFFFF  }
0xc5: {  	(tm) =	ssettm $0x7FFFFFFF  }
tec
execute0_lowered:
.L_overlay_start_1:
0x0: {  	(tag) =	ssettag $0x1  }
0x1: {  	s1 =	rddreg [dreg:$0x0]  }
0x2: {  	s0 =	rddreg [dreg:$0x1]  }
0x3: {  	s3 =	rddreg [dreg:$0x3];
	s5 =	simm.s32 $0x0  }
0x4: {  	s4 =	srdreg.scid;
	s2 =	stileid.u32;
	s29 =	simm.s32 $0x2  }
0x5: {  	s28 =	simm.s32 $0x50;
	s30 =	simm.s32 $0x8;
	s31 =	simm.s32 $0x6  }
0x6: {  	[smem:$0x7FF] =	sst s5;
	s4 =	sand.u32 $0x1, s4;
	s9 =	smul.u32 $0x2710, s2  }
0x7: {  	s6 =	sadd.s32 $0x5200, s0;
	s7 =	sadd.s32 $0x18C00, s0;
	s13 =	smul.u32 $0x13800, s2  }
0x8: {  	s14 =	sadd.s32 $0x23000, s0;
	s22 =	sshll.u32 s2, $0x6;
	p0 =	sne.s32 s2, $0xF  }
0x9: {  	s8 =	smul.u32 $0x27100, s4;
	_ =	strace $0x80000047;
	[dreg:$0x6] =	wrdreg s7  }
0xa: {  	s10 =	sshll.u32 s4, $0x4;
	s11 =	ssub.s32 $0x2, s4;
	s4 =	smul.u32 $0x138800, s4  }
0xb: {  	[dreg:$0x5] =	wrdreg s29;
	s18 =	sor.u32 s2, s10;
	s20 =	sshrl.u32 s11, $0x1  }
0xc: {  	s10 =	sor.u32 $0x1C0A, s22;
	s22 =	simm.s32 $0x13880;
	s8 =	sadd.s32 s9, s8  }
0xd: {  	s17 =	ssub.s32 s11, s20;
	s20 =	sadd.s32 $0x138000, s3;
	s15 =	sadd.s32 s13, s4  }
0xe: {  	s4 =	sshrl.u32 s4, $0x3;
	s19 =	sshrl.u32 s8, $0x3;
	s8 =	smul.u32 $0x2710, s18  }
0xf: {  	s18 =	sadd.s32 s13, s3;
	s15 =	sshrl.u32 s15, $0x3;
	s4 =	sadd.s32 s14, s4  }
0x10: {  	s17 =	smax.u32 s17, $0x1;
	s20 =	sshrl.u32 @!p0 s20, $0x3;
	s0 =	sadd.s32 s19, s0  }
0x11: {  	s26 =	sadd.s32 s14, s15;
	s4 =	sadd.s32 $0x27000, s4;
	s21 =	sshrl.u32 s8, $0x3  }
0x12: {  	s18 =	sshrl.u32 s18, $0x3;
	[dreg:$0xa] =	wrdreg s26;
	s9 =	sadd.s32 s6, s21  }
0x13: {  	s19 =	simm.s32 $0xA;
	[dreg:$0xb] =	wrdreg s4;
	s23 =	sadd.s32 $0x9C40, s9  }
0x14: {  	s16 =	sadd.s32 $0x19200, s0;
	s24 =	sadd.s32 $0xA, s9;
	[dreg:$0x7] =	wrdreg s23  }
0x15: {  	s26 =	simm.s32 $0x1;
	s25 =	sadd.s32 $0x9C4A, s9;
	[dreg:$0x8] =	wrdreg s24  }
0x16: {  	v0 =	vimm.f32 $1.000000000e+00;
	s0 =	simm.s32 $0x0;
	s21 =	simm.s32 $0x1B260;
	[dreg:$0x9] =	wrdreg s25  }
.LBB2_1:
0x17: {  	s2 =	rddreg [dreg:$0x2]  }
0x18: {  	[spmem:s18], [sflag:s10] =	dma.local [hbm:s2], $0x2700  }
0x19: {  	_ =	swait.ge [sflag:s19], $0x2700  }
0x1a: {  	[sflag:s19] =	ssyncset.done $0x0  }
0x1b: {  	s4 =	simm.s32 @!p0 $0xA;
	[sflag:s19] =	ssyncadd.s32 $0xFFFFD900  }
0x1c: {  	[spmem:s20], [sflag:s10] =	dma.local @!p0 [hbm:s2], $0x100  }
0x1d: {  	_ =	swait.ge @!p0 [sflag:s4], $0x100  }
0x1e: {  	[sflag:s4] =	ssyncset.done @!p0 $0x0  }
0x1f: {  	s15 =	rddreg [dreg:$0x6];
	[sflag:s4] =	ssyncadd.s32 @!p0 $0xFFFFFF00  }
0x20: {  	[tilespmem:s21], [sflag:$0xA] =	stream.linear.gather [hbm4b:s15+s5], $0x2710, $0x38;
	[tilespmem:$0x1D970] =	vst v63  }
0x21: {  	_ =	swait.ge [sflag:s19], $0x2710  }
0x22: {  	[sflag:s19] =	ssyncset.done $0x0  }
0x23: {  	[sflag:s19] =	ssyncadd.s32 $0xFFFFD8F0  }
0x24: {  	[bflag:$0x0] =	sbarrier.arrive $0xFFFF  }
0x25: {  	[tilespmem:s22], [sflag:$0x1] =	stream.linear.gather [hbm4b:s9+s5], $0x50, $0x38;
	[tilespmem:$0x1D970] =	vst v63  }
0x26: {  	s24 =	simm.s32 $0x13970;
	s12 =	smul.u32 $0xAB, s5;
	s23 =	rddreg [dreg:$0x7]  }
0x27: {  	[tilespmem:s24], [sflag:$0x1] =	stream.linear.gather [hbm4b:s23+s5], $0x50, $0x38;
	[tilespmem:$0x1D970] =	vst v63  }
0x28: {  	s29 =	simm.s32 $0x138D0;
	s23 =	sadd.s32 $0x156, s12  }
0x29: {  	s11 =	simm.s32 $0x139C0;
	s25 =	rddreg [dreg:$0x8];
	s23 =	sshrl.u32 s23, $0x9  }
0x2a: {  	[tilespmem:s29], [sflag:$0x2] =	stream.linear.gather [hbm4b:s25+s5], $0x50, $0x38;
	[tilespmem:$0x1D970] =	vst v63  }
0x2b: {  	s13 =	simm.s32 $0x13A60;
	s7 =	rddreg [dreg:$0x9];
	s23 =	sand.u32 $0x7F, s23  }
0x2c: {  	[tilespmem:s11], [sflag:$0x2] =	stream.linear.gather [hbm4b:s7+s5], $0x50, $0x38;
	[tilespmem:$0x1D970] =	vst v63  }
0x2d: {  	s4 =	sadd.s32 $0xAB, s12;
	s23 =	smul.u32 $0x3, s23;
	_ =	swait.ge [sflag:s26], $0x50  }
0x2e: {  	p1 =	por $0x1, $0x1;
	s4 =	sshrl.u32 s4, $0x9;
	[sflag:s26] =	ssyncset.done $0x0  }
0x2f: {  	s4 =	sand.u32 $0x7F, s4;
	s23 =	ssub.s32 $0x0, s23;
	[sflag:s26] =	ssyncadd.s32 $0xFFFFFFB0  }
0x30: {  	s4 =	smul.u32 $0x3, s4;
	s23 =	sadd.s32 $0x2, s23;
	_ =	swait.ge [sflag:s26], $0x50  }
0x31: {  	p1 =	por p1, p1;
	s23 =	sand.u32 $0xFF, s23;
	[sflag:s26] =	ssyncset.done $0x0  }
0x32: {  	s4 =	ssub.s32 $0x0, s4;
	s24 =	sadd.s32 @!p1 $0x7, s23;
	[sflag:s26] =	ssyncadd.s32 $0xFFFFFFB0  }
0x33: {  	[tilespmem:s13], [sflag:$0x4] =	stream.indirect.gather [hbm4b:s1+s28], $0x80, s22, s28, $0xb8;
	[tilespmem:$0x1D970] =	vst v63  }
0x34: {  	s4 =	sadd.s32 $0x1, s4;
	_ =	swait.ge @!p1 [sflag:s24], $0x2800  }
0x35: {  	p2 =	por $0x1, $0x1;
	s4 =	sand.u32 $0xFF, s4;
	s25 =	rddreg [dreg:$0x5]  }
0x36: {  	s12 =	smul.u32 $0xA000, s4;
	s25 =	simm.s32 @!p2 $0xFFFFFF85  }
0x37: {  	s7 =	smul.u32 $0x140, s4;
	s25 =	sadd.s32 $0x0, s25  }
0x38: {  	s25 =	smul.u32 $0x50, s25  }
0x39: {  	s2 =	sand.u32 $0xFF, s5;
	s29 =	smul.u32 $0x50, s23  }
0x3a: {  	s11 =	sadd.s32 $0x1, s4;
	s23 =	sadd.s32 $0x1, s23;
	s25 =	sadd.s32 s8, s25  }
0x3b: {  	s15 =	sadd.s32 $0x13880, s29;
	[sflag:s24] =	ssyncset.done @!p1 $0x0;
	s14 =	sshrl.u32 s25, $0x3  }
0x3c: {  	[sflag:s24] =	ssyncadd.s32 @!p1 $0xFFFFD800;
	s25 =	smul.u32 $0xAB, s2;
	s24 =	sadd.s32 s6, s14  }
0x3d: {  	[tilespmem:s15], [sflag:s23] =	stream.linear.gather [hbm4b:s24+s5], $0x50, $0x38;
	[tilespmem:$0x1D970] =	vst v63  }
0x3e: {  	s29 =	sadd.s32 $0x13970, s29;
	s24 =	sadd.s32 $0x9C40, s24;
	s25 =	sshrl.u32 s25, $0x9  }
0x3f: {  	[tilespmem:s29], [sflag:s23] =	stream.linear.gather [hbm4b:s24+s5], $0x50, $0x38;
	[tilespmem:$0x1D970] =	vst v63  }
0x40: {  	s25 =	smul.u32 $0x3, s25;
	_ =	swait.ge [sflag:s11], $0x50  }
0x41: {  	s4 =	sadd.s32 $0x4, s4;
	s23 =	sshrl.u32 s7, $0x2;
	[sflag:s11] =	ssyncset.done $0x0  }
0x42: {  	s29 =	sshrl.u32 s12, $0x2;
	s25 =	ssub.s32 $0x0, s25;
	[sflag:s11] =	ssyncadd.s32 $0xFFFFFFB0  }
0x43: {  	s23 =	sadd.s32 $0x13880, s23;
	s25 =	sand.u32 $0xFF, s25;
	_ =	swait.ge [sflag:s11], $0x50  }
0x44: {  	s29 =	sadd.s32 $0x13A60, s29;
	s13 =	smul.u32 $0xA000, s25;
	[sflag:s11] =	ssyncset.done $0x0  }
0x45: {  	s14 =	smul.u32 $0x140, s25;
	s15 =	sadd.s32 $0x4, s25;
	[sflag:s11] =	ssyncadd.s32 $0xFFFFFFB0  }
0x46: {  	[tilespmem:s29], [sflag:s4] =	stream.indirect.gather [hbm4b:s1+s28], $0x80, s23, s28, $0xb8;
	[tilespmem:$0x1D970] =	vst v63  }
0x47: {  	s2 =	sadd.s32 $0x7, s25;
	_ =	swait.ge [sflag:s15], $0x2800  }
0x48: {  	s24 =	sshrl.u32 s13, $0x2;
	s29 =	sshrl.u32 s14, $0x2;
	[sflag:s15] =	ssyncset.done $0x0  }
0x49: {  	s7 =	sadd.s32 $0x13A60, s24;
	s11 =	sadd.s32 $0x13970, s29;
	[sflag:s15] =	ssyncadd.s32 $0xFFFFD800  }
0x4a: {  	[spmem:s3] =	stream.indirect.scatter.add.f32 [tilespmem:s7], [sflag:s2], $0x80, s11, s28, $0xb8;
	[tilespmem:$0x1D970] =	vst v63  }
0x4b: {  	v1 =	vld [tilespmem:s29+$0x13970];
	_ =	sdelay $0x7  }
0x4c: {  	[tilespmem:v1+s21+$0x0] =	vst.idx.add.f32.msk $0xffff, v0  }
0x4d: {  	v1 =	vld [tilespmem:s29+$0x13980];
	_ =	sdelay $0x7  }
0x4e: {  	[tilespmem:v1+s21+$0x0] =	vst.idx.add.f32.msk $0xffff, v0  }
0x4f: {  	v1 =	vld [tilespmem:s29+$0x13990];
	_ =	sdelay $0x7  }
0x50: {  	[tilespmem:v1+s21+$0x0] =	vst.idx.add.f32.msk $0xffff, v0  }
0x51: {  	v1 =	vld [tilespmem:s29+$0x139A0]  }
0x52: {  	s4 =	simm.s32 $0x1  }
0x53: {  	s12 =	smul.u32 $0xAB, s4;
	_ =	sdelay $0x1  }
0x54: {  	s13 =	sadd.s32 $0x156, s12  }
0x55: {  	s23 =	sadd.s32 $0xAB, s12;
	s24 =	sshrl.u32 s13, $0x9  }
0x56: {  	s23 =	sshrl.u32 s23, $0x9;
	s24 =	sand.u32 $0x7F, s24  }
0x57: {  	s23 =	sand.u32 $0x7F, s23;
	s24 =	smul.u32 $0x3, s24  }
0x58: {  	p6 =	por $0x0, $0x0;
	s14 =	smul.u32 $0x3, s23;
	[tilespmem:v1+s21+$0x0] =	vst.idx.add.f32.msk $0xffff, v0  }
0x59: {  	p1 =	por p6, p6;
	s15 =	ssub.s32 $0x1, s24;
	v1 =	vld [tilespmem:s29+$0x139B0]  }
0x5a: {  	s23 =	simm.s32 $0x2;
	s24 =	ssub.s32 $0x1, s14;
	s25 =	sadd.s32 $0x2, s15  }
.LBB2_2:
0x5b: {  	_ =	sdelay $0x4  }
0x5c: {  	s2 =	sand.u32 $0xFF, s25  }
0x5d: {  	s29 =	sadd.s32 @!p1 $0x7, s2;
	[tilespmem:v1+s21+$0x0] =	vst.idx.add.f32.msk $0xffff, v0  }
0x5e: {  	_ =	swait.ge @!p1 [sflag:s29], $0x2800  }
0x5f: {  	p4 =	slt.u32 s4, $0x7B;
	s11 =	rddreg [dreg:$0x5]  }
0x60: {  	s12 =	sand.u32 $0xFF, s4;
	s7 =	smul.u32 $0x50, s2;
	s11 =	simm.s32 @!p4 $0xFFFFFF85  }
0x61: {  	s24 =	sadd.s32 $0x1, s24;
	s12 =	smul.u32 $0xAB, s12;
	s11 =	sadd.s32 s11, s4  }
0x62: {  	s24 =	sand.u32 $0xFF, s24;
	s11 =	smul.u32 $0x50, s11  }
0x63: {  	s2 =	sadd.s32 $0x1, s2;
	s13 =	smul.u32 $0x140, s24  }
0x64: {  	s14 =	smul.u32 $0xA000, s24;
	s12 =	sshrl.u32 s12, $0x9;
	s11 =	sadd.s32 s8, s11  }
0x65: {  	s12 =	smul.u32 $0x3, s12;
	[sflag:s29] =	ssyncset.done @!p1 $0x0;
	s11 =	sshrl.u32 s11, $0x3  }
0x66: {  	[sflag:s29] =	ssyncadd.s32 @!p1 $0xFFFFD800;
	s29 =	sadd.s32 $0x13880, s7;
	s11 =	sadd.s32 s6, s11  }
0x67: {  	[tilespmem:s29], [sflag:s2] =	stream.linear.gather [hbm4b:s11+s5], $0x50, $0x38;
	[tilespmem:$0x1D970] =	vst v63  }
0x68: {  	s7 =	sadd.s32 $0x13970, s7;
	s15 =	sadd.s32 $0x9C40, s11;
	s11 =	sadd.s32 $0x1, s24  }
0x69: {  	[tilespmem:s7], [sflag:s2] =	stream.linear.gather [hbm4b:s15+s5], $0x50, $0x38;
	[tilespmem:$0x1D970] =	vst v63  }
0x6a: {  	s25 =	smov.u32 s23;
	s13 =	sshrl.u32 s13, $0x2;
	_ =	swait.ge [sflag:s11], $0x50  }
0x6b: {  	s14 =	sshrl.u32 s14, $0x2;
	s12 =	ssub.s32 s4, s12;
	[sflag:s11] =	ssyncset.done $0x0  }
0x6c: {  	s4 =	smov.u32 s25;
	s12 =	sand.u32 $0xFF, s12;
	[sflag:s11] =	ssyncadd.s32 $0xFFFFFFB0  }
0x6d: {  	s25 =	sadd.s32 $0x4, s12;
	s29 =	sadd.s32 $0x13A60, s14;
	_ =	swait.ge [sflag:s11], $0x50  }
0x6e: {  	s14 =	smul.u32 $0xA000, s12;
	s7 =	sadd.s32 $0x13880, s13;
	[sflag:s11] =	ssyncset.done $0x0  }
0x6f: {  	s15 =	sadd.s32 $0x4, s24;
	s24 =	smul.u32 $0x140, s12;
	[sflag:s11] =	ssyncadd.s32 $0xFFFFFFB0  }
0x70: {  	[tilespmem:s29], [sflag:s15] =	stream.indirect.gather [hbm4b:s1+s28], $0x80, s7, s28, $0xb8;
	[tilespmem:$0x1D970] =	vst v63  }
0x71: {  	s13 =	sshrl.u32 s14, $0x2;
	_ =	swait.ge [sflag:s25], $0x2800  }
0x72: {  	s12 =	sadd.s32 $0x7, s12;
	s29 =	sshrl.u32 s24, $0x2;
	[sflag:s25] =	ssyncset.done $0x0  }
0x73: {  	s14 =	sadd.s32 $0x13A60, s13;
	s15 =	sadd.s32 $0x13970, s29;
	[sflag:s25] =	ssyncadd.s32 $0xFFFFD800  }
0x74: {  	[spmem:s3] =	stream.indirect.scatter.add.f32 [tilespmem:s14], [sflag:s12], $0x80, s15, s28, $0xb8;
	[tilespmem:$0x1D970] =	vst v63  }
0x75: {  	v1 =	vld [tilespmem:s29+$0x13970];
	_ =	sdelay $0x7  }
0x76: {  	[tilespmem:v1+s21+$0x0] =	vst.idx.add.f32.msk $0xffff, v0  }
0x77: {  	v1 =	vld [tilespmem:s29+$0x13980];
	_ =	sdelay $0x7  }
0x78: {  	[tilespmem:v1+s21+$0x0] =	vst.idx.add.f32.msk $0xffff, v0  }
0x79: {  	v1 =	vld [tilespmem:s29+$0x13990];
	_ =	sdelay $0x7  }
0x7a: {  	[tilespmem:v1+s21+$0x0] =	vst.idx.add.f32.msk $0xffff, v0  }
0x7b: {  	v1 =	vld [tilespmem:s29+$0x139A0];
	_ =	sdelay $0x1  }
0x7c: {  	s24 =	smul.u32 $0xAB, s4;
	_ =	sdelay $0x1  }
0x7d: {  	p3 =	seq.s32 s23, $0x0;
	s23 =	sadd.s32 $0x1, s23;
	s7 =	sadd.s32 $0x156, s24  }
0x7e: {  	p2 =	sne.s32 s23, $0x7D;
	s25 =	sadd.s32 $0xAB, s24;
	s7 =	sshrl.u32 s7, $0x9  }
.Ltmp0:
0x7f: {  	s11 =	sshrl.u32 s25, $0x9;
	s7 =	sand.u32 $0x7F, s7;
	(pc) =	sbr.rel @p2 .LBB2_2-.Ltmp0, $4  }
0x80: {  	s11 =	sand.u32 $0x7F, s11;
	s7 =	smul.u32 $0x3, s7  }
0x81: {  	s11 =	smul.u32 $0x3, s11;
	[tilespmem:v1+s21+$0x0] =	vst.idx.add.f32.msk $0xffff, v0  }
0x82: {  	v1 =	vld [tilespmem:s29+$0x139B0];
	s29 =	ssub.s32 s4, s7  }
0x83: {  	p1 =	por p3, p3;
	s24 =	ssub.s32 s4, s11;
	s25 =	sadd.s32 $0x2, s29  }
0x84: {  	_ =	sdelay $0x5  }
0x85: {  	s2 =	sand.u32 $0xFF, s25  }
0x86: {  	s7 =	sadd.s32 @!p1 $0x7, s2;
	[tilespmem:v1+s21+$0x0] =	vst.idx.add.f32.msk $0xffff, v0  }
0x87: {  	_ =	swait.ge @!p1 [sflag:s7], $0x2800  }
0x88: {  	p2 =	slt.u32 s4, $0x7B;
	s11 =	rddreg [dreg:$0x5]  }
0x89: {  	s11 =	simm.s32 @!p2 $0xFFFFFF85  }
0x8a: {  	s11 =	sadd.s32 s11, s4  }
0x8b: {  	s11 =	smul.u32 $0x50, s11  }
0x8c: {  	s12 =	smul.u32 $0x50, s2  }
0x8d: {  	s15 =	sand.u32 $0xFF, s4;
	s2 =	sadd.s32 $0x1, s2;
	s11 =	sadd.s32 s8, s11  }
0x8e: {  	s14 =	sadd.s32 $0x13880, s12;
	[sflag:s7] =	ssyncset.done @!p1 $0x0;
	s13 =	sshrl.u32 s11, $0x3  }
0x8f: {  	[sflag:s7] =	ssyncadd.s32 @!p1 $0xFFFFD800;
	s7 =	sadd.s32 s6, s13;
	s13 =	sadd.s32 $0x1, s24  }
0x90: {  	[tilespmem:s14], [sflag:s2] =	stream.linear.gather [hbm4b:s7+s5], $0x50, $0x38;
	[tilespmem:$0x1D970] =	vst v63  }
0x91: {  	s23 =	smul.u32 $0xAB, s15;
	s13 =	sand.u32 $0xFF, s13  }
0x92: {  	s12 =	sadd.s32 $0x13970, s12;
	s7 =	sadd.s32 $0x9C40, s7;
	s25 =	smul.u32 $0x140, s13  }
0x93: {  	[tilespmem:s12], [sflag:s2] =	stream.linear.gather [hbm4b:s7+s5], $0x50, $0x38;
	[tilespmem:$0x1D970] =	vst v63  }
0x94: {  	s24 =	sadd.s32 $0x1, s13;
	s29 =	smul.u32 $0xA000, s13;
	s2 =	sshrl.u32 s23, $0x9  }
0x95: {  	_ =	swait.ge [sflag:s24], $0x50;
	s2 =	smul.u32 $0x3, s2  }
0x96: {  	s14 =	sadd.s32 $0x4, s13;
	s11 =	sshrl.u32 s25, $0x2;
	[sflag:s24] =	ssyncset.done $0x0  }
0x97: {  	s12 =	sshrl.u32 s29, $0x2;
	[sflag:s24] =	ssyncadd.s32 $0xFFFFFFB0;
	s2 =	ssub.s32 s4, s2  }
0x98: {  	s7 =	sadd.s32 $0x13A60, s12;
	_ =	swait.ge [sflag:s24], $0x50;
	s2 =	sand.u32 $0xFF, s2  }
0x99: {  	s4 =	sadd.s32 $0x13880, s11;
	[sflag:s24] =	ssyncset.done $0x0;
	s15 =	smul.u32 $0xA000, s2  }
0x9a: {  	s23 =	smul.u32 $0x140, s2;
	[sflag:s24] =	ssyncadd.s32 $0xFFFFFFB0;
	s24 =	sadd.s32 $0x4, s2  }
0x9b: {  	[tilespmem:s7], [sflag:s14] =	stream.indirect.gather [hbm4b:s1+s28], $0x80, s4, s28, $0xb8;
	[tilespmem:$0x1D970] =	vst v63  }
0x9c: {  	s2 =	sadd.s32 $0x7, s2;
	_ =	swait.ge [sflag:s24], $0x2800  }
0x9d: {  	s4 =	sshrl.u32 s15, $0x2;
	s7 =	sshrl.u32 s23, $0x2;
	[sflag:s24] =	ssyncset.done $0x0  }
0x9e: {  	s4 =	sadd.s32 $0x13A60, s4;
	s25 =	sadd.s32 $0x13970, s7;
	[sflag:s24] =	ssyncadd.s32 $0xFFFFD800  }
0x9f: {  	[spmem:s3] =	stream.indirect.scatter.add.f32 [tilespmem:s4], [sflag:s2], $0x80, s25, s28, $0xb8;
	[tilespmem:$0x1D970] =	vst v63  }
0xa0: {  	v1 =	vld [tilespmem:s7+$0x13970];
	_ =	sdelay $0x7  }
0xa1: {  	[tilespmem:v1+s21+$0x0] =	vst.idx.add.f32.msk $0xffff, v0  }
0xa2: {  	v1 =	vld [tilespmem:s7+$0x13980];
	_ =	sdelay $0x7  }
0xa3: {  	[tilespmem:v1+s21+$0x0] =	vst.idx.add.f32.msk $0xffff, v0  }
0xa4: {  	v1 =	vld [tilespmem:s7+$0x13990];
	_ =	sdelay $0x7  }
0xa5: {  	[tilespmem:v1+s21+$0x0] =	vst.idx.add.f32.msk $0xffff, v0  }
0xa6: {  	v1 =	vld [tilespmem:s7+$0x139A0];
	_ =	sdelay $0x7  }
0xa7: {  	[tilespmem:v1+s21+$0x0] =	vst.idx.add.f32.msk $0xffff, v0  }
0xa8: {  	v1 =	vld [tilespmem:s7+$0x139B0];
	_ =	sdelay $0x7  }
0xa9: {  	[tilespmem:v1+s21+$0x0] =	vst.idx.add.f32.msk $0xffff, v0  }
0xaa: {  	_ =	swait.ge [sflag:s30], $0x2800  }
0xab: {  	[sflag:s30] =	ssyncset.done $0x0  }
0xac: {  	[sflag:s30] =	ssyncadd.s32 $0xFFFFD800  }
0xad: {  	_ =	swait.ge [sflag:s31], $0x2800  }
0xae: {  	[sflag:s31] =	ssyncset.done $0x0  }
0xaf: {  	[sflag:s31] =	ssyncadd.s32 $0xFFFFD800  }
0xb0: {  	_ =	swait.ge [sflag:s26], $0x50  }
0xb1: {  	[sflag:s26] =	ssyncset.done $0x0  }
0xb2: {  	[sflag:s26] =	ssyncadd.s32 $0xFFFFFFB0  }
0xb3: {  	_ =	swait.ge [sflag:s26], $0x50  }
0xb4: {  	[sflag:s26] =	ssyncset.done $0x0  }
0xb5: {  	[sflag:s26] =	ssyncadd.s32 $0xFFFFFFB0  }
0xb6: {  	[bflag:$0x0] =	sbarrier.arrive $0xFFFF  }
0xb7: {  	s29 =	rddreg [dreg:$0xa]  }
0xb8: {  	[hbm:s29], [sflag:s10] =	dma.local [spmem:s18], $0x2700  }
0xb9: {  	_ =	swait.ge [sflag:s19], $0x2700  }
0xba: {  	[sflag:s19] =	ssyncset.done $0x0  }
0xbb: {  	s2 =	rddreg [dreg:$0xb];
	[sflag:s19] =	ssyncadd.s32 $0xFFFFD900  }
0xbc: {  	[hbm:s2], [sflag:s10] =	dma.local @!p0 [spmem:s20], $0x100  }
0xbd: {  	s2 =	simm.s32 @!p0 $0xA  }
0xbe: {  	s0 =	sadd.s32 $0x1, s0;
	_ =	swait.ge @!p0 [sflag:s2], $0x100  }
0xbf: {  	p1 =	sne.s32 s0, s17;
	[sflag:s2] =	ssyncset.done @!p0 $0x0  }
.Ltmp1:
0xc0: {  	[sflag:s2] =	ssyncadd.s32 @!p0 $0xFFFFFF00;
	(pc) =	sbr.rel @p1 .LBB2_1-.Ltmp1, $4  }
0xc1: {  	[hbm4b:s16+s5] =	stream.linear.scatter [tilespmem:s21], [sflag:$0xA], $0x2710, $0x38;
	[tilespmem:$0x1D970] =	vst v63  }
0xc2: {  	_ =	swait.ge [sflag:s19], $0x2710  }
0xc3: {  	[sflag:s19] =	ssyncset.done $0x0  }
0xc4: {  	[sflag:s19] =	ssyncadd.s32 $0xFFFFD8F0  }
0xc5: {  	_ =	sfence.sel $0x180000  }
0xc6: {  	[bflag:$0x0] =	sbarrier.arrive $0xFFFF  }
0xc7: {  	_ =	strace $0x90000047  }
0xc8: {  	s0 =	stileid.u32;
	[bflag:$0x2] =	sbarrier.arrive $0xFFFF  }
0xc9: {  	p0 =	sne.s32 s0, $0x0;
	s0 =	rddreg [dreg:$0x4]  }
0xca: {  	s0 =	sadd.s32 @!p0 $0x100000, s0  }
0xcb: {  	[sflag:s0] =	ssyncadd.tile.s32 @!p0 $0x1;
	_ =	shalt  }
.Lfunc_end2:
_tile_overlayer_lowered:
.L_overlay_start_2:
0xcc: {  	(tag) =	ssettag $0x2  }
0xcd: {  	s0 =	rddreg [dreg:$0x0];
	s2 =	stileid.u32  }
0xce: {  	s1 =	rddreg [dreg:$0x1];
	p0 =	sne.s32 s2, $0x0  }
0xcf: {  	s3 =	rddreg [dreg:$0x2];
	[bflag:$0x3] =	sbarrier.arrive $0xFFFF;
	s2 =	simm.s32 @!p0 $0x1C0A  }
0xd0: {  	[timem:s3], [sflag:s2] =	dma.local @!p0 [hbm:s0], s1  }
0xd1: {  	s0 =	simm.s32 @!p0 $0xA  }
0xd2: {  	_ =	swait.ge @!p0 [sflag:s0], s1  }
0xd3: {  	s1 =	ssub.s32 @!p0 $0x0, s1;
	[sflag:s0] =	ssyncset.done @!p0 $0x0  }
0xd4: {  	[sflag:s0] =	ssyncadd.s32 @!p0 s1  }
0xd5: {  	[bflag:$0x3] =	sbarrier.arrive $0xFFFF  }
0xd6: {  	_ =	shalt  }

// kernel: kernel.14.cloned.1.call-start
scs
__scs_entry_jumppad:
0x0: {  	(pc) =	sbr.rel $0x88, $3  }
0x1: {  	(tag) =	ssettag $0x0;
	lr =	simm.s32 $0x1  }
0x2: {  	[smem:$0x3F8D] =	sst lr;
	_ =	strace $0xD0000000  }
0x3: {  	_ = 	snop  }
0x4: {  	_ = 	snop  }
0x5: {  	_ = 	snop  }
0x6: {  	_ = 	snop  }
0x7: {  	_ = 	snop  }
__scs_overlays_trampoline_lowered:
0x8: {  	[smem:$0x3F9C] =	sst s0  }
0x9: {  	[smem:$0x3F9D] =	sst s1  }
0xa: {  	[smem:$0x3F9E] =	sst s2  }
0xb: {  	[smem:$0x3F9F] =	sst s3  }
0xc: {  	[smem:$0x3FA0] =	sst s4  }
0xd: {  	[smem:$0x3FA1] =	sst s5  }
0xe: {  	[smem:$0x3FA2] =	sst s6  }
0xf: {  	[smem:$0x3FA3] =	sst s7  }
0x10: {  	[smem:$0x3FA4] =	sst s8  }
0x11: {  	[smem:$0x3FA5] =	sst s9;
	s0 =	simm.s32 @!p0 $0x0  }
0x12: {  	s1 =	sld [smem:$0x3F8B];
	s0 =	simm.s32 @p0 $0x1  }
0x13: {  	[smem:$0x3FA6] =	sst s0;
	s0 =	simm.s32 @!p1 $0x0  }
0x14: {  	s2 =	sld [smem:$0x3F8A];
	s0 =	simm.s32 @p1 $0x1  }
0x15: {  	[smem:$0x3FA7] =	sst s0;
	s0 =	simm.s32 @!p2 $0x0  }
0x16: {  	s3 =	sld [smem:$0x3FDB];
	s0 =	simm.s32 @p2 $0x1  }
0x17: {  	s4 =	simm.s32 $0x1BF5;
	[smem:$0x3FA9] =	sst s0  }
0x18: {  	s0 =	sld [smem:$0x3F8C];
	_ =	swait.ge [sflag:s4], $0x0  }
0x19: {  	s7 =	sld [smem:$0x3F8D]  }
0x1a: {  	s8 =	sadd.s32 $0xFFFFE003, lr  }
0x1b: {  	s9 =	sadd.s32 $0xFFFFFEF7, lr;
	s5 =	simm.s32 $0xFFFFFFFF;
	p2 =	slt.u32 s8, $0xFFFFF086  }
0x1c: {  	p1 =	slt.u32 s9, $0xF7A;
	s5 =	simm.s32 @!p2 $0x0  }
0x1d: {  	s5 =	simm.s32 @p1 $0x1;
	p0 =	seq.s32 s7, s2  }
0x1e: {  	s7 =	smul.u32 @!p0 $0xF7A, s2;
	p2 =	seq.s32 @!p0 s5, $0x0  }
0x1f: {  	s9 =	smul.u32 $0xF7A, s1;
	s8 =	simm.s32 @!p0 $0x1BF5;
	p2 =	por !p2, p0  }
0x20: {  	[sflag:s8] =	ssyncset.s32 @!p0 $0xFFFFF086;
	s6 =	sadd.s32 @!p0 s3, s7;
	s7 =	simm.s32 @!p0 $0x108  }
0x21: {  	s3 =	sadd.s32 s3, s9;
	s6 =	sadd.s32 @!p0 $0x88, s6;
	s7 =	simm.s32 @p2 $0x1082  }
0x22: {  	[simem:s7], [sflag:s8] =	dma.local @!p0 [hbm:s6], $0xF7A  }
0x23: {  	s9 =	sor.u32 $0xD0000000, s2;
	s6 =	simm.s32 $0x108;
	_ =	swait.ge @!p0 [sflag:s8], $0x0  }
0x24: {  	s3 =	sadd.s32 $0x88, s3;
	s6 =	simm.s32 @!p1 $0x1082;
	[sflag:s4] =	ssyncset.s32 $0xFFFFF086  }
0x25: {  	[simem:s6], [sflag:s4] =	dma.local [hbm:s3], $0xF7A  }
0x26: {  	[smem:$0x3F8D] =	sst s1;
	(tag) =	ssettag s2;
	_ =	strace s9  }
0x27: {  	s1 =	sld [smem:$0x3F9D]  }
0x28: {  	s2 =	sld [smem:$0x3F9E]  }
0x29: {  	s4 =	sld [smem:$0x3FA0]  }
0x2a: {  	p0 =	seq.s32 s5, $0x0;
	s5 =	sld [smem:$0x3FA1]  }
0x2b: {  	s6 =	sld [smem:$0x3FA2]  }
0x2c: {  	s7 =	sld [smem:$0x3FA3]  }
0x2d: {  	s3 =	simm.s32 $0x108;
	s8 =	sld [smem:$0x3FA4]  }
0x2e: {  	s3 =	simm.s32 @!p0 $0x1082;
	s9 =	sld [smem:$0x3FA5]  }
0x2f: {  	lr =	sadd.s32 s0, s3;
	s0 =	sld [smem:$0x3F9C]  }
0x30: {  	s3 =	sld [smem:$0x3F9F]  }
0x31: {  	[smem:$0x3FA8] =	sst s10  }
0x32: {  	s10 =	sld [smem:$0x3FA6];
	_ =	sdelay $0x3  }
0x33: {  	p0 =	seq.s32 s10, $0x1;
	s10 =	sld [smem:$0x3FA8];
	_ =	sdelay $0x3  }
0x34: {  	[smem:$0x3FA8] =	sst s10  }
0x35: {  	s10 =	sld [smem:$0x3FA7];
	_ =	sdelay $0x3  }
0x36: {  	p1 =	seq.s32 s10, $0x1;
	s10 =	sld [smem:$0x3FA8];
	_ =	sdelay $0x3  }
0x37: {  	[smem:$0x3FA8] =	sst s10  }
0x38: {  	s10 =	sld [smem:$0x3FA9]  }
0x39: {  	_ = 	snop;
	(pc) =	sbr.ind lr, $3  }
0x3a: {  	_ = 	snop  }
0x3b: {  	_ = 	snop  }
0x3c: {  	p2 =	seq.s32 s10, $0x1;
	s10 =	sld [smem:$0x3FA8]  }
0x3d: {  	_ =	shalt  }
0x3e: {  	_ =	shalt  }
0x3f: {  	_ =	shalt  }
0x40: {  	_ =	shalt  }
0x41: {  	_ =	shalt  }
0x42: {  	_ =	shalt  }
0x43: {  	_ =	shalt  }
0x44: {  	_ =	shalt  }
0x45: {  	_ =	shalt  }
0x46: {  	_ =	shalt  }
0x47: {  	_ =	shalt  }
0x48: {  	_ =	shalt  }
0x49: {  	_ =	shalt  }
0x4a: {  	_ =	shalt  }
0x4b: {  	_ =	shalt  }
0x4c: {  	_ =	shalt  }
0x4d: {  	_ =	shalt  }
0x4e: {  	_ =	shalt  }
0x4f: {  	_ =	shalt  }
0x50: {  	_ =	shalt  }
0x51: {  	_ =	shalt  }
0x52: {  	_ =	shalt  }
0x53: {  	_ =	shalt  }
0x54: {  	_ =	shalt  }
0x55: {  	_ =	shalt  }
0x56: {  	_ =	shalt  }
0x57: {  	_ =	shalt  }
0x58: {  	_ =	shalt  }
0x59: {  	_ =	shalt  }
0x5a: {  	_ =	shalt  }
0x5b: {  	_ =	shalt  }
0x5c: {  	_ =	shalt  }
0x5d: {  	_ =	shalt  }
0x5e: {  	_ =	shalt  }
0x5f: {  	_ =	shalt  }
0x60: {  	_ =	shalt  }
0x61: {  	_ =	shalt  }
0x62: {  	_ =	shalt  }
0x63: {  	_ =	shalt  }
0x64: {  	_ =	shalt  }
0x65: {  	_ =	shalt  }
0x66: {  	_ =	shalt  }
0x67: {  	_ =	shalt  }
0x68: {  	_ =	shalt  }
0x69: {  	_ =	shalt  }
0x6a: {  	_ =	shalt  }
0x6b: {  	_ =	shalt  }
0x6c: {  	_ =	shalt  }
0x6d: {  	_ =	shalt  }
0x6e: {  	_ =	shalt  }
0x6f: {  	_ =	shalt  }
0x70: {  	_ =	shalt  }
0x71: {  	_ =	shalt  }
0x72: {  	_ =	shalt  }
0x73: {  	_ =	shalt  }
0x74: {  	_ =	shalt  }
0x75: {  	_ =	shalt  }
0x76: {  	_ =	shalt  }
0x77: {  	_ =	shalt  }
0x78: {  	_ =	shalt  }
0x79: {  	_ =	shalt  }
0x7a: {  	_ =	shalt  }
0x7b: {  	_ =	shalt  }
0x7c: {  	_ =	shalt  }
0x7d: {  	_ =	shalt  }
0x7e: {  	_ =	shalt  }
0x7f: {  	_ =	shalt  }
0x80: {  	_ =	shalt  }
0x81: {  	_ =	shalt  }
0x82: {  	_ =	shalt  }
0x83: {  	_ =	shalt  }
0x84: {  	_ =	shalt  }
0x85: {  	_ =	shalt  }
0x86: {  	_ =	shalt  }
0x87: {  	_ =	shalt  }
.Lfunc_end0:
.L_simem_size_0:
called_computation.1_lowered:
.L_overlay_start_0:
0x88: {  	s2 =	sld [smem:$0x3FD9]  }
0x89: {  	s3 =	sld [smem:$0x3FFE];
	_ =	sdelay $0x1  }
0x8a: {  	s1 =	srdreg.scid  }
0x8b: {  	s0 =	sand.u32 $0x1, s1  }
0x8c: {  	s17 =	sshll.u32 s0, $0xA;
	s2 =	sadd.s32 s3, s2  }
0x8d: {  	s2 =	sadd.s32 s2, s17  }
0x8e: {  	[smem:$0x3FB4] =	sst s2  }
0x8f: {  	_ = 	snop  }
0x90: {  	s18 =	sld [smem:$0x3FD0];
	(tm) =	ssettm $0x1  }
0x91: {  	s19 =	sld [smem:$0x3FFB];
	_ =	sdelay $0x3  }
0x92: {  	_ =	strace s19  }
0x93: {  	s2 =	sld [smem:$0x3FFC];
	_ =	sdelay $0x3  }
0x94: {  	_ =	strace s2  }
0x95: {  	s2 =	sld [smem:$0x3FFD];
	_ =	sdelay $0x3  }
0x96: {  	_ =	strace s2  }
0x97: {  	_ =	strace $0x8FFFFFFF  }
0x98: {  	s20 =	sld [smem:$0x3FDB];
	_ =	sdelay $0x1  }
0x99: {  	s4 =	simm.s32 $_scs_section_size  }
0x9a: {  	s5 =	simm.s32 $_size__tile_overlayer_lowered;
	s6 =	simm.s32 $_tile_overlayer_lowered  }
0x9b: {  	s7 =	simm.s32 $0x1BFF;
	s21 =	sshll.u32 s6, $0x1;
	s4 =	sadd.s32 s4, s20  }
0x9c: {  	s22 =	simm.s32 $0x0;
	s5 =	sshll.u32 s5, $0x1;
	s6 =	sadd.s32 s21, s4  }
0x9d: {  	[timem:s22], [sflag:s7] =	dma.local [hbm:s6], s5  }
0x9e: {  	_ =	swait.ge [sflag:s7], s5  }
0x9f: {  	s5 =	ssub.s32 $0x0, s5;
	[sflag:s7] =	ssyncset.done $0x0  }
0xa0: {  	[sflag:s7] =	ssyncadd.s32 s5;
	_ =	sdelay $0x1  }
0xa1: {  	s23 =	simm.s32 $0x1B8B  }
0xa2: {  	_ =	swait.ge [sflag:s23], $0x1  }
0xa3: {  	[sflag:s23] =	ssyncset.done $0x0  }
0xa4: {  	[sflag:s23] =	ssyncadd.s32 $0xFFFFFFFF  }
0xa5: {  	s5 =	sld [smem:$0x0]  }
0xa6: {  	s6 =	sand.u32 $0xFFFFFFFE, s1  }
0xa7: {  	p0 =	sne.s32 s1, s6  }
0xa8: {  	s6 =	sshll.u32 @p0 s6, $0xE  }
0xa9: {  	s6 =	sadd.s32 @p0 $0x11B8D, s6;
	s7 =	sshll.u32 @p0 s5, $0x11  }
0xaa: {  	s6 =	sor.u32 @p0 s7, s6  }
0xab: {  	[sflag:s6] =	ssyncadd.remote.s32 @p0 $0x1;
	_ =	sdelay $0x1  }
0xac: {  	s6 =	simm.s32 @p0 $0x1B8D  }
0xad: {  	_ =	swait.eq @p0 [sflag:s6], $0x1  }
0xae: {  	[sflag:s6] =	ssyncadd.s32 @p0 $0xFFFFFFFF  }
0xaf: {  	s7 =	sshll.u32 @!p0 s1, $0xE  }
0xb0: {  	s7 =	sor.u32 @!p0 $0x4000, s7;
	s6 =	simm.s32 @!p0 $0x1B8D  }
0xb1: {  	s5 =	sshll.u32 @!p0 s5, $0x11;
	s7 =	sadd.s32 @!p0 $0x11B8D, s7;
	_ =	swait.eq @!p0 [sflag:s6], $0x1  }
0xb2: {  	s5 =	sor.u32 @!p0 s5, s7;
	[sflag:s6] =	ssyncadd.s32 @!p0 $0xFFFFFFFF  }
0xb3: {  	s25 =	simm.s32 $0x1B8E;
	s24 =	sld [smem:$0x3FFE];
	[sflag:s5] =	ssyncadd.remote.s32 @!p0 $0x1  }
0xb4: {  	s26 =	simm.s32 $execute0_lowered;
	[smem:$0x3FD2] =	sst s25  }
0xb5: {  	s6 =	sshll.u32 s26, $0x1;
	_ =	strace $0x8000004C;
	[dreg:$0x1] =	wrdreg $0xFFFFFFFF  }
0xb6: {  	s28 =	simm.s32 $_size_execute0_lowered;
	s4 =	sadd.s32 s4, s6;
	[dreg:$0x0] =	wrdreg $0x0  }
0xb7: {  	s6 =	sshll.u32 s28, $0x1;
	[dreg:$0x2] =	wrdreg s4  }
0xb8: {  	[dreg:$0x3] =	wrdreg s6  }
0xb9: {  	[dreg:$0x4] =	wrdreg $0xC0  }
0xba: {  	_ =	task [dreg:s22], $0x5FFFF  }
0xbb: {  	[dreg:$0x1] =	wrdreg $0xFFFFFFFF  }
0xbc: {  	[dreg:$0x0] =	wrdreg $0x60  }
0xbd: {  	[dreg:$0x2] =	wrdreg s24  }
0xbe: {  	[dreg:$0x3] =	wrdreg s18  }
0xbf: {  	[dreg:$0x4] =	wrdreg $0x0  }
0xc0: {  	[dreg:$0x5] =	wrdreg $0x9  }
0xc1: {  	_ =	task.clear_ibuf [dreg:s22], $0x6FFFF;
	_ =	strace $0x9000004C  }
0xc2: {  	s29 =	simm.s32 $0x9;
	_ =	strace $0x8000004E  }
0xc3: {  	_ =	swait.ge [sflag:s29], $0x1  }
0xc4: {  	[sflag:s29] =	ssyncadd.s32 $0xFFFFFFFF  }
0xc5: {  	_ =	strace $0x9000004E  }
0xc6: {  	_ =	sfence  }
0xc7: {  	s30 =	sld [smem:$0x0];
	_ =	sdelay $0x2  }
0xc8: {  	s31 =	sshll.u32 s1, $0xD;
	s1 =	sshrl.u32 s1, $0x2  }
0xc9: {  	s4 =	sand.u32 $0x4000, s31;
	s1 =	sadd.s32 s1, s30  }
0xca: {  	s0 =	sor.u32 s4, s0;
	s1 =	sshll.u32 s1, $0x11  }
0xcb: {  	s0 =	sor.u32 s1, s0  }
0xcc: {  	s0 =	sadd.s32 $0x8F2B, s0  }
0xcd: {  	[sflag:s0] =	ssyncadd.remote.s32 $0x1  }
0xce: {  	_ =	sfence.sel $0xFFFF  }
0xcf: {  	[dreg:$0x0] =	wrdreg $0xFFFFFFFF;
	(pc) =	sbr.abs _section_cstart, $3  }
0xd0: {  	[dreg:$0x1] =	wrdreg $0xFFFFFFFF  }
0xd1: {  	_ =	task.clear_ibuf [dreg:s22], $0x2FFFF;
	_ =	strace $0x9FFFFFFF  }
0xd2: {  	(tm) =	ssettm $0x7FFFFFFF  }
0xd3: {  	_ =	shalt  }
tec
execute0_lowered:
.L_overlay_start_1:
0x0: {  	(tag) =	ssettag $0x1  }
0x1: {  	s0 =	rddreg [dreg:$0x0]  }
0x2: {  	s2 =	rddreg [dreg:$0x2];
	s1 =	srdreg.scid;
	s4 =	simm.s32 $0x0  }
0x3: {  	s12 =	stileid.u32;
	s29 =	simm.s32 $0x2;
	s1 =	sand.u32 $0x1, s1  }
0x4: {  	[smem:$0x7FF] =	sst s4;
	s8 =	smul.u32 $0x13800, s12;
	s5 =	sadd.s32 $0x3FE00, s0  }
0x5: {  	s7 =	sadd.s32 $0x5200, s0;
	s0 =	sadd.s32 $0xB5200, s0;
	s11 =	sshll.u32 s12, $0x6  }
0x6: {  	p0 =	sne.s32 s12, $0xF;
	s3 =	sshll.u32 s1, $0x4;
	_ =	strace $0x8000004D  }
0x7: {  	s9 =	ssub.s32 $0x2, s1;
	s1 =	smul.u32 $0x138800, s1;
	[dreg:$0x4] =	wrdreg s29  }
0x8: {  	s3 =	sor.u32 s12, s3;
	s23 =	sshrl.u32 s9, $0x1;
	s10 =	sadd.s32 s8, s2  }
0x9: {  	s6 =	smul.u32 $0x2710, s3;
	s3 =	ssub.s32 s9, s23;
	s9 =	sor.u32 $0x1C0D, s11  }
0xa: {  	s11 =	sadd.s32 $0x138000, s2;
	s8 =	sadd.s32 s8, s1;
	s28 =	smax.u32 s3, $0x1  }
0xb: {  	s1 =	sshrl.u32 s1, $0x3;
	s3 =	sshrl.u32 s10, $0x3;
	[dreg:$0xb] =	wrdreg s28  }
0xc: {  	s8 =	sshrl.u32 s8, $0x3;
	s10 =	sshrl.u32 @!p0 s11, $0x3;
	[dreg:$0xc] =	wrdreg s3  }
0xd: {  	s1 =	sadd.s32 s0, s1;
	s0 =	sadd.s32 s0, s8;
	[dreg:$0xd] =	wrdreg s10  }
0xe: {  	s24 =	sshrl.u32 s6, $0x3;
	s26 =	sadd.s32 $0x27000, s1;
	[dreg:$0x9] =	wrdreg s0  }
0xf: {  	s13 =	sadd.s32 s7, s24;
	[dreg:$0xa] =	wrdreg s26  }
0x10: {  	s30 =	simm.s32 $0x3;
	s14 =	sadd.s32 $0x9C40, s13;
	[dreg:$0x5] =	wrdreg s13  }
0x11: {  	s31 =	simm.s32 $0x0;
	s25 =	sadd.s32 $0xA, s13;
	[dreg:$0x6] =	wrdreg s14  }
0x12: {  	s23 =	simm.s32 $0x1;
	s13 =	sadd.s32 $0x9C4A, s13;
	[dreg:$0x7] =	wrdreg s25  }
0x13: {  	s8 =	simm.s32 $0xD;
	s24 =	simm.s32 $0x50;
	[dreg:$0x8] =	wrdreg s13  }
.LBB2_1:
0x14: {  	s0 =	rddreg [dreg:$0x1]  }
0x15: {  	[spmem:s3], [sflag:s9] =	dma.local [hbm:s0], $0x2700  }
0x16: {  	_ =	swait.ge [sflag:s8], $0x2700  }
0x17: {  	[sflag:s8] =	ssyncset.done $0x0  }
0x18: {  	[sflag:s8] =	ssyncadd.s32 $0xFFFFD900  }
0x19: {  	[spmem:s10], [sflag:s9] =	dma.local @!p0 [hbm:s0], $0x100  }
0x1a: {  	s0 =	simm.s32 @!p0 $0xD  }
0x1b: {  	_ =	swait.ge @!p0 [sflag:s0], $0x100  }
0x1c: {  	[sflag:s0] =	ssyncset.done @!p0 $0x0  }
0x1d: {  	[sflag:s0] =	ssyncadd.s32 @!p0 $0xFFFFFF00  }
0x1e: {  	[bflag:$0x0] =	sbarrier.arrive $0xFFFF  }
0x1f: {  	s1 =	simm.s32 $0x13880;
	s16 =	rddreg [dreg:$0x5]  }
0x20: {  	[tilespmem:s1], [sflag:$0x1] =	stream.linear.gather [hbm4b:s16+s4], $0x50, $0x38;
	[tilespmem:$0x1DB00] =	vst v63  }
0x21: {  	s18 =	simm.s32 $0x139C0;
	s17 =	rddreg [dreg:$0x6]  }
0x22: {  	[tilespmem:s18], [sflag:$0x1] =	stream.linear.gather [hbm4b:s17+s4], $0x50, $0x38;
	[tilespmem:$0x1DB00] =	vst v63  }
0x23: {  	s20 =	simm.s32 $0x138D0;
	s19 =	rddreg [dreg:$0x7]  }
0x24: {  	[tilespmem:s20], [sflag:$0x2] =	stream.linear.gather [hbm4b:s19+s4], $0x50, $0x38;
	[tilespmem:$0x1DB00] =	vst v63  }
0x25: {  	s22 =	simm.s32 $0x13A10;
	s21 =	rddreg [dreg:$0x8]  }
0x26: {  	[tilespmem:s22], [sflag:$0x2] =	stream.linear.gather [hbm4b:s21+s4], $0x50, $0x38;
	[tilespmem:$0x1DB00] =	vst v63  }
0x27: {  	_ =	swait.ge [sflag:s23], $0x50  }
0x28: {  	[sflag:s23] =	ssyncset.done $0x0  }
0x29: {  	[sflag:s23] =	ssyncadd.s32 $0xFFFFFFB0  }
0x2a: {  	_ =	swait.ge [sflag:s23], $0x50  }
0x2b: {  	[sflag:s23] =	ssyncset.done $0x0  }
0x2c: {  	s25 =	simm.s32 $0x13B00;
	s26 =	simm.s32 $0x2;
	[sflag:s23] =	ssyncadd.s32 $0xFFFFFFB0  }
0x2d: {  	[tilespmem:s25], [sflag:$0x5] =	stream.indirect.gather [hbm4b:s5+s24], $0x80, s1, s24, $0xb8;
	[tilespmem:$0x1DB00] =	vst v63  }
0x2e: {  	p1 =	por $0x1, $0x1;
	s1 =	sand.u32 $0x3, s26  }
0x2f: {  	p2 =	por $0x1, $0x1;
	s0 =	simm.s32 $0x1;
	s3 =	sadd.s32 @!p1 $0x9, s1  }
0x30: {  	s13 =	sand.u32 $0x3, s4;
	s28 =	sand.u32 $0x3, s0;
	_ =	swait.ge @!p1 [sflag:s3], $0x2800  }
0x31: {  	s11 =	sadd.s32 $0x9, s13;
	s14 =	smul.u32 $0xA000, s28;
	s8 =	rddreg [dreg:$0x4]  }
0x32: {  	s12 =	smul.u32 $0x140, s28;
	s10 =	sadd.s32 $0x5, s28;
	s8 =	simm.s32 @!p2 $0xFFFFFF85  }
0x33: {  	s14 =	sshrl.u32 s14, $0x2;
	s19 =	smul.u32 $0x140, s13;
	s8 =	sadd.s32 $0x0, s8  }
0x34: {  	s17 =	sadd.s32 $0x1, s28;
	s20 =	sand.u32 $0x3, s0;
	s8 =	smul.u32 $0x50, s8  }
0x35: {  	s18 =	sshrl.u32 s12, $0x2;
	s12 =	simm.s32 $0x2;
	s28 =	smul.u32 $0x140, s20  }
0x36: {  	s14 =	sadd.s32 $0x13B00, s14;
	s15 =	smul.u32 $0x50, s1;
	s8 =	sadd.s32 s6, s8  }
0x37: {  	s1 =	sadd.s32 $0x1, s1;
	[sflag:s3] =	ssyncset.done @!p1 $0x0;
	s8 =	sshrl.u32 s8, $0x3  }
0x38: {  	s29 =	sadd.s32 $0x13880, s15;
	[sflag:s3] =	ssyncadd.s32 @!p1 $0xFFFFD800;
	s8 =	sadd.s32 s7, s8  }
0x39: {  	[tilespmem:s29], [sflag:s1] =	stream.linear.gather [hbm4b:s8+s4], $0x50, $0x38;
	[tilespmem:$0x1DB00] =	vst v63  }
0x3a: {  	s26 =	smul.u32 $0xA000, s20;
	s16 =	sadd.s32 $0x139C0, s15;
	s8 =	sadd.s32 $0x9C40, s8  }
0x3b: {  	[tilespmem:s16], [sflag:s1] =	stream.linear.gather [hbm4b:s8+s4], $0x50, $0x38;
	[tilespmem:$0x1DB00] =	vst v63  }
0x3c: {  	s21 =	sshrl.u32 s19, $0x2;
	s25 =	smul.u32 $0xA000, s13;
	_ =	swait.ge [sflag:s17], $0x50  }
0x3d: {  	s15 =	sshrl.u32 s26, $0x2;
	s26 =	sadd.s32 $0x5, s13;
	[sflag:s17] =	ssyncset.done $0x0  }
0x3e: {  	s3 =	sand.u32 $0x3, s12;
	p2 =	por $0x1, $0x1;
	[sflag:s17] =	ssyncadd.s32 $0xFFFFFFB0  }
0x3f: {  	s22 =	smul.u32 $0x140, s3;
	s29 =	simm.s32 $0x3;
	_ =	swait.ge [sflag:s17], $0x50  }
0x40: {  	s8 =	sshrl.u32 s25, $0x2;
	s25 =	smul.u32 $0xA000, s3;
	[sflag:s17] =	ssyncset.done $0x0  }
0x41: {  	s1 =	sadd.s32 $0x13880, s18;
	s19 =	sadd.s32 $0x13B00, s8;
	[sflag:s17] =	ssyncadd.s32 $0xFFFFFFB0  }
0x42: {  	[tilespmem:s14], [sflag:s10] =	stream.indirect.gather [hbm4b:s5+s24], $0x80, s1, s24, $0xb8;
	[tilespmem:$0x1DB00] =	vst v63  }
0x43: {  	s8 =	sadd.s32 $0x139C0, s21;
	s21 =	sadd.s32 $0x9, s20;
	s1 =	sshrl.u32 s22, $0x2  }
0x44: {  	s10 =	sshrl.u32 s25, $0x2;
	s22 =	sadd.s32 $0x13B00, s15;
	s14 =	sshrl.u32 s28, $0x2  }
0x45: {  	s15 =	sand.u32 $0x3, s29;
	s25 =	sadd.s32 $0x139C0, s14;
	_ =	swait.ge [sflag:s26], $0x2800  }
.LBB2_2:
0x46: {  	s28 =	sadd.s32 @!p2 $0x9, s15  }
0x47: {  	[sflag:s26] =	ssyncset.done $0x0;
	s29 =	smov.u32 s12;
	s12 =	sadd.s32 $0x1, s12  }
0x48: {  	s14 =	smov.u32 s3;
	s3 =	sand.u32 $0x3, s12;
	[sflag:s26] =	ssyncadd.s32 $0xFFFFD800  }
0x49: {  	[spmem:s2] =	stream.indirect.scatter.add.f32 [tilespmem:s19], [sflag:s11], $0x80, s8, s24, $0xb8;
	[tilespmem:$0x1DB00] =	vst v63  }
0x4a: {  	s13 =	smov.u32 s20;
	p3 =	slt.u32 s0, $0x7B;
	s17 =	smul.u32 $0x140, s3  }
0x4b: {  	s20 =	sand.u32 $0x3, s29;
	p1 =	sne.s32 s12, $0x7D;
	s18 =	smul.u32 $0xA000, s3  }
0x4c: {  	s19 =	sadd.s32 $0x9, s20;
	s16 =	smul.u32 $0xA000, s20;
	_ =	swait.ge @!p2 [sflag:s28], $0x2800  }
0x4d: {  	s11 =	smov.u32 s21;
	s21 =	smov.u32 s19;
	s26 =	rddreg [dreg:$0x4]  }
0x4e: {  	s8 =	sshrl.u32 s17, $0x2;
	s18 =	sshrl.u32 s18, $0x2;
	s26 =	simm.s32 @!p3 $0xFFFFFF85  }
0x4f: {  	s17 =	smul.u32 $0x140, s20;
	s16 =	sshrl.u32 s16, $0x2;
	s26 =	sadd.s32 s26, s0  }
0x50: {  	[sflag:s28] =	ssyncset.done @!p2 $0x0;
	s16 =	sadd.s32 $0x13B00, s16;
	s19 =	smul.u32 $0x50, s26  }
0x51: {  	s0 =	smov.u32 s29;
	s29 =	smov.u32 s1;
	s1 =	smov.u32 s8  }
0x52: {  	s8 =	sadd.s32 $0x1, s15;
	s26 =	smul.u32 $0x50, s15;
	s15 =	sadd.s32 s6, s19  }
0x53: {  	[sflag:s28] =	ssyncadd.s32 @!p2 $0xFFFFD800;
	s28 =	smov.u32 s10;
	s15 =	sshrl.u32 s15, $0x3  }
0x54: {  	s10 =	smov.u32 s18;
	s19 =	sadd.s32 $0x13880, s26;
	s15 =	sadd.s32 s7, s15  }
0x55: {  	[tilespmem:s19], [sflag:s8] =	stream.linear.gather [hbm4b:s15+s4], $0x50, $0x38;
	[tilespmem:$0x1DB00] =	vst v63  }
0x56: {  	s19 =	sadd.s32 $0x139C0, s26;
	s15 =	sadd.s32 $0x9C40, s15;
	s26 =	sadd.s32 $0x1, s14  }
0x57: {  	[tilespmem:s19], [sflag:s8] =	stream.linear.gather [hbm4b:s15+s4], $0x50, $0x38;
	[tilespmem:$0x1DB00] =	vst v63  }
0x58: {  	s17 =	sshrl.u32 s17, $0x2;
	s28 =	sadd.s32 $0x13B00, s28;
	_ =	swait.ge [sflag:s26], $0x50  }
0x59: {  	s17 =	sadd.s32 $0x139C0, s17;
	s18 =	sadd.s32 $0x13880, s29;
	[sflag:s26] =	ssyncset.done $0x0  }
0x5a: {  	s29 =	sadd.s32 $0x2, s0;
	p2 =	slt.u32 s0, $0x2;
	[sflag:s26] =	ssyncadd.s32 $0xFFFFFFB0  }
.Ltmp0:
0x5b: {  	s14 =	sadd.s32 $0x5, s14;
	_ =	swait.ge [sflag:s26], $0x50;
	(pc) =	sbr.rel @p1 .LBB2_2-.Ltmp0, $4  }
0x5c: {  	s19 =	smov.u32 s22;
	s22 =	smov.u32 s16;
	[sflag:s26] =	ssyncset.done $0x0  }
0x5d: {  	s8 =	smov.u32 s25;
	[sflag:s26] =	ssyncadd.s32 $0xFFFFFFB0;
	s26 =	sadd.s32 $0x5, s13  }
0x5e: {  	[tilespmem:s28], [sflag:s14] =	stream.indirect.gather [hbm4b:s5+s24], $0x80, s18, s24, $0xb8;
	[tilespmem:$0x1DB00] =	vst v63  }
0x5f: {  	s25 =	smov.u32 s17;
	s15 =	sand.u32 $0x3, s29;
	_ =	swait.ge [sflag:s26], $0x2800  }
0x60: {  	[sflag:s26] =	ssyncset.done $0x0  }
0x61: {  	[sflag:s26] =	ssyncadd.s32 $0xFFFFD800  }
0x62: {  	[spmem:s2] =	stream.indirect.scatter.add.f32 [tilespmem:s19], [sflag:s11], $0x80, s8, s24, $0xb8;
	[tilespmem:$0x1DB00] =	vst v63  }
0x63: {  	s8 =	sadd.s32 @!p2 $0x9, s15  }
0x64: {  	_ =	swait.ge @!p2 [sflag:s8], $0x2800  }
0x65: {  	p1 =	slt.u32 s0, $0x7B;
	s11 =	rddreg [dreg:$0x4]  }
0x66: {  	s11 =	simm.s32 @!p1 $0xFFFFFF85  }
0x67: {  	s13 =	sadd.s32 s11, s0  }
0x68: {  	s0 =	smul.u32 $0x50, s13;
	_ =	sdelay $0x1  }
0x69: {  	s14 =	smul.u32 $0x50, s15;
	s0 =	sadd.s32 s6, s0  }
0x6a: {  	s12 =	sadd.s32 $0x1, s15;
	[sflag:s8] =	ssyncset.done @!p2 $0x0;
	s0 =	sshrl.u32 s0, $0x3  }
0x6b: {  	s15 =	sadd.s32 $0x13880, s14;
	[sflag:s8] =	ssyncadd.s32 @!p2 $0xFFFFD800;
	s0 =	sadd.s32 s7, s0  }
0x6c: {  	[tilespmem:s15], [sflag:s12] =	stream.linear.gather [hbm4b:s0+s4], $0x50, $0x38;
	[tilespmem:$0x1DB00] =	vst v63  }
0x6d: {  	s17 =	sadd.s32 $0x1, s3;
	s16 =	sadd.s32 $0x139C0, s14;
	s0 =	sadd.s32 $0x9C40, s0  }
0x6e: {  	[tilespmem:s16], [sflag:s12] =	stream.linear.gather [hbm4b:s0+s4], $0x50, $0x38;
	[tilespmem:$0x1DB00] =	vst v63  }
0x6f: {  	_ =	swait.ge [sflag:s17], $0x50  }
0x70: {  	[sflag:s17] =	ssyncset.done $0x0  }
0x71: {  	[sflag:s17] =	ssyncadd.s32 $0xFFFFFFB0  }
0x72: {  	_ =	swait.ge [sflag:s17], $0x50  }
0x73: {  	s18 =	sadd.s32 $0x5, s3;
	s1 =	sadd.s32 $0x13880, s1;
	[sflag:s17] =	ssyncset.done $0x0  }
0x74: {  	s20 =	sadd.s32 $0x5, s20;
	s19 =	sadd.s32 $0x13B00, s10;
	[sflag:s17] =	ssyncadd.s32 $0xFFFFFFB0  }
0x75: {  	[tilespmem:s19], [sflag:s18] =	stream.indirect.gather [hbm4b:s5+s24], $0x80, s1, s24, $0xb8;
	[tilespmem:$0x1DB00] =	vst v63  }
0x76: {  	_ =	swait.ge [sflag:s20], $0x2800  }
0x77: {  	[sflag:s20] =	ssyncset.done $0x0  }
0x78: {  	[sflag:s20] =	ssyncadd.s32 $0xFFFFD800  }
0x79: {  	[spmem:s2] =	stream.indirect.scatter.add.f32 [tilespmem:s22], [sflag:s21], $0x80, s25, s24, $0xb8;
	[tilespmem:$0x1DB00] =	vst v63  }
0x7a: {  	s22 =	simm.s32 $0xC  }
0x7b: {  	_ =	swait.ge [sflag:s22], $0x2800  }
0x7c: {  	[sflag:s22] =	ssyncset.done $0x0  }
0x7d: {  	s25 =	simm.s32 $0x9;
	[sflag:s22] =	ssyncadd.s32 $0xFFFFD800  }
0x7e: {  	_ =	swait.ge [sflag:s25], $0x2800  }
0x7f: {  	[sflag:s25] =	ssyncset.done $0x0  }
0x80: {  	s26 =	simm.s32 $0x6;
	[sflag:s25] =	ssyncadd.s32 $0xFFFFD800  }
0x81: {  	_ =	swait.ge [sflag:s26], $0x2800  }
0x82: {  	[sflag:s26] =	ssyncset.done $0x0  }
0x83: {  	[sflag:s26] =	ssyncadd.s32 $0xFFFFD800  }
0x84: {  	_ =	swait.ge [sflag:s30], $0x50  }
0x85: {  	[sflag:s30] =	ssyncset.done $0x0  }
0x86: {  	[sflag:s30] =	ssyncadd.s32 $0xFFFFFFB0  }
0x87: {  	_ =	swait.ge [sflag:s30], $0x50  }
0x88: {  	[sflag:s30] =	ssyncset.done $0x0  }
0x89: {  	[sflag:s30] =	ssyncadd.s32 $0xFFFFFFB0  }
0x8a: {  	[bflag:$0x0] =	sbarrier.arrive $0xFFFF  }
0x8b: {  	s28 =	rddreg [dreg:$0x9]  }
0x8c: {  	s8 =	simm.s32 $0xD;
	s3 =	rddreg [dreg:$0xc]  }
0x8d: {  	[hbm:s28], [sflag:s9] =	dma.local [spmem:s3], $0x2700  }
0x8e: {  	_ =	swait.ge [sflag:s8], $0x2700  }
0x8f: {  	[sflag:s8] =	ssyncset.done $0x0;
	s0 =	rddreg [dreg:$0xa]  }
0x90: {  	s10 =	rddreg [dreg:$0xd];
	[sflag:s8] =	ssyncadd.s32 $0xFFFFD900  }
0x91: {  	[hbm:s0], [sflag:s9] =	dma.local @!p0 [spmem:s10], $0x100  }
0x92: {  	s0 =	simm.s32 @!p0 $0xD  }
0x93: {  	_ =	swait.ge @!p0 [sflag:s0], $0x100  }
0x94: {  	s31 =	sadd.s32 $0x1, s31;
	s29 =	rddreg [dreg:$0xb]  }
0x95: {  	p1 =	sne.s32 s31, s29  }
.Ltmp1:
0x96: {  	_ = 	snop;
	(pc) =	sbr.rel @p1 .LBB2_1-.Ltmp1, $3  }
0x97: {  	_ =	sdelay $0x1  }
0x98: {  	[sflag:s0] =	ssyncset.done @!p0 $0x0  }
0x99: {  	[sflag:s0] =	ssyncadd.s32 @!p0 $0xFFFFFF00  }
0x9a: {  	_ =	sfence.sel $0x180000  }
0x9b: {  	[bflag:$0x0] =	sbarrier.arrive $0xFFFF  }
0x9c: {  	_ =	strace $0x9000004D  }
0x9d: {  	s0 =	stileid.u32;
	[bflag:$0x2] =	sbarrier.arrive $0xFFFF  }
0x9e: {  	p0 =	sne.s32 s0, $0x0;
	s0 =	rddreg [dreg:$0x3]  }
0x9f: {  	s0 =	sadd.s32 @!p0 $0x100000, s0  }
0xa0: {  	[sflag:s0] =	ssyncadd.tile.s32 @!p0 $0x1;
	_ =	shalt  }
.Lfunc_end2:
_tile_overlayer_lowered:
.L_overlay_start_2:
0xa1: {  	(tag) =	ssettag $0x2  }
0xa2: {  	s0 =	rddreg [dreg:$0x0];
	s2 =	stileid.u32  }
0xa3: {  	s1 =	rddreg [dreg:$0x1];
	p0 =	sne.s32 s2, $0x0  }
0xa4: {  	s3 =	rddreg [dreg:$0x2];
	[bflag:$0x3] =	sbarrier.arrive $0xFFFF;
	s2 =	simm.s32 @!p0 $0x1C0D  }
0xa5: {  	[timem:s3], [sflag:s2] =	dma.local @!p0 [hbm:s0], s1  }
0xa6: {  	s0 =	simm.s32 @!p0 $0xD  }
0xa7: {  	_ =	swait.ge @!p0 [sflag:s0], s1  }
0xa8: {  	s1 =	ssub.s32 @!p0 $0x0, s1;
	[sflag:s0] =	ssyncset.done @!p0 $0x0  }
0xa9: {  	[sflag:s0] =	ssyncadd.s32 @!p0 s1  }
0xaa: {  	[bflag:$0x3] =	sbarrier.arrive $0xFFFF  }
0xab: {  	_ =	shalt  }

// kernel: kernel.17.cloned.1.call-start
scs
__scs_entry_jumppad:
0x0: {  	(pc) =	sbr.rel $0x88, $3  }
0x1: {  	(tag) =	ssettag $0x0;
	lr =	simm.s32 $0x1  }
0x2: {  	[smem:$0x3F8D] =	sst lr;
	_ =	strace $0xD0000000  }
0x3: {  	_ = 	snop  }
0x4: {  	_ = 	snop  }
0x5: {  	_ = 	snop  }
0x6: {  	_ = 	snop  }
0x7: {  	_ = 	snop  }
__scs_overlays_trampoline_lowered:
0x8: {  	[smem:$0x3F9C] =	sst s0  }
0x9: {  	[smem:$0x3F9D] =	sst s1  }
0xa: {  	[smem:$0x3F9E] =	sst s2  }
0xb: {  	[smem:$0x3F9F] =	sst s3  }
0xc: {  	[smem:$0x3FA0] =	sst s4  }
0xd: {  	[smem:$0x3FA1] =	sst s5  }
0xe: {  	[smem:$0x3FA2] =	sst s6  }
0xf: {  	[smem:$0x3FA3] =	sst s7  }
0x10: {  	[smem:$0x3FA4] =	sst s8  }
0x11: {  	[smem:$0x3FA5] =	sst s9;
	s0 =	simm.s32 @!p0 $0x0  }
0x12: {  	s1 =	sld [smem:$0x3F8B];
	s0 =	simm.s32 @p0 $0x1  }
0x13: {  	[smem:$0x3FA6] =	sst s0;
	s0 =	simm.s32 @!p1 $0x0  }
0x14: {  	s2 =	sld [smem:$0x3F8A];
	s0 =	simm.s32 @p1 $0x1  }
0x15: {  	[smem:$0x3FA7] =	sst s0;
	s0 =	simm.s32 @!p2 $0x0  }
0x16: {  	s3 =	sld [smem:$0x3FDB];
	s0 =	simm.s32 @p2 $0x1  }
0x17: {  	s4 =	simm.s32 $0x1BF5;
	[smem:$0x3FA9] =	sst s0  }
0x18: {  	s0 =	sld [smem:$0x3F8C];
	_ =	swait.ge [sflag:s4], $0x0  }
0x19: {  	s7 =	sld [smem:$0x3F8D]  }
0x1a: {  	s8 =	sadd.s32 $0xFFFFE003, lr  }
0x1b: {  	s9 =	sadd.s32 $0xFFFFFEF7, lr;
	s5 =	simm.s32 $0xFFFFFFFF;
	p2 =	slt.u32 s8, $0xFFFFF086  }
0x1c: {  	p1 =	slt.u32 s9, $0xF7A;
	s5 =	simm.s32 @!p2 $0x0  }
0x1d: {  	s5 =	simm.s32 @p1 $0x1;
	p0 =	seq.s32 s7, s2  }
0x1e: {  	s7 =	smul.u32 @!p0 $0xF7A, s2;
	p2 =	seq.s32 @!p0 s5, $0x0  }
0x1f: {  	s9 =	smul.u32 $0xF7A, s1;
	s8 =	simm.s32 @!p0 $0x1BF5;
	p2 =	por !p2, p0  }
0x20: {  	[sflag:s8] =	ssyncset.s32 @!p0 $0xFFFFF086;
	s6 =	sadd.s32 @!p0 s3, s7;
	s7 =	simm.s32 @!p0 $0x108  }
0x21: {  	s3 =	sadd.s32 s3, s9;
	s6 =	sadd.s32 @!p0 $0x88, s6;
	s7 =	simm.s32 @p2 $0x1082  }
0x22: {  	[simem:s7], [sflag:s8] =	dma.local @!p0 [hbm:s6], $0xF7A  }
0x23: {  	s9 =	sor.u32 $0xD0000000, s2;
	s6 =	simm.s32 $0x108;
	_ =	swait.ge @!p0 [sflag:s8], $0x0  }
0x24: {  	s3 =	sadd.s32 $0x88, s3;
	s6 =	simm.s32 @!p1 $0x1082;
	[sflag:s4] =	ssyncset.s32 $0xFFFFF086  }
0x25: {  	[simem:s6], [sflag:s4] =	dma.local [hbm:s3], $0xF7A  }
0x26: {  	[smem:$0x3F8D] =	sst s1;
	(tag) =	ssettag s2;
	_ =	strace s9  }
0x27: {  	s1 =	sld [smem:$0x3F9D]  }
0x28: {  	s2 =	sld [smem:$0x3F9E]  }
0x29: {  	s4 =	sld [smem:$0x3FA0]  }
0x2a: {  	p0 =	seq.s32 s5, $0x0;
	s5 =	sld [smem:$0x3FA1]  }
0x2b: {  	s6 =	sld [smem:$0x3FA2]  }
0x2c: {  	s7 =	sld [smem:$0x3FA3]  }
0x2d: {  	s3 =	simm.s32 $0x108;
	s8 =	sld [smem:$0x3FA4]  }
0x2e: {  	s3 =	simm.s32 @!p0 $0x1082;
	s9 =	sld [smem:$0x3FA5]  }
0x2f: {  	lr =	sadd.s32 s0, s3;
	s0 =	sld [smem:$0x3F9C]  }
0x30: {  	s3 =	sld [smem:$0x3F9F]  }
0x31: {  	[smem:$0x3FA8] =	sst s10  }
0x32: {  	s10 =	sld [smem:$0x3FA6];
	_ =	sdelay $0x3  }
0x33: {  	p0 =	seq.s32 s10, $0x1;
	s10 =	sld [smem:$0x3FA8];
	_ =	sdelay $0x3  }
0x34: {  	[smem:$0x3FA8] =	sst s10  }
0x35: {  	s10 =	sld [smem:$0x3FA7];
	_ =	sdelay $0x3  }
0x36: {  	p1 =	seq.s32 s10, $0x1;
	s10 =	sld [smem:$0x3FA8];
	_ =	sdelay $0x3  }
0x37: {  	[smem:$0x3FA8] =	sst s10  }
0x38: {  	s10 =	sld [smem:$0x3FA9]  }
0x39: {  	_ = 	snop;
	(pc) =	sbr.ind lr, $3  }
0x3a: {  	_ = 	snop  }
0x3b: {  	_ = 	snop  }
0x3c: {  	p2 =	seq.s32 s10, $0x1;
	s10 =	sld [smem:$0x3FA8]  }
0x3d: {  	_ =	shalt  }
0x3e: {  	_ =	shalt  }
0x3f: {  	_ =	shalt  }
0x40: {  	_ =	shalt  }
0x41: {  	_ =	shalt  }
0x42: {  	_ =	shalt  }
0x43: {  	_ =	shalt  }
0x44: {  	_ =	shalt  }
0x45: {  	_ =	shalt  }
0x46: {  	_ =	shalt  }
0x47: {  	_ =	shalt  }
0x48: {  	_ =	shalt  }
0x49: {  	_ =	shalt  }
0x4a: {  	_ =	shalt  }
0x4b: {  	_ =	shalt  }
0x4c: {  	_ =	shalt  }
0x4d: {  	_ =	shalt  }
0x4e: {  	_ =	shalt  }
0x4f: {  	_ =	shalt  }
0x50: {  	_ =	shalt  }
0x51: {  	_ =	shalt  }
0x52: {  	_ =	shalt  }
0x53: {  	_ =	shalt  }
0x54: {  	_ =	shalt  }
0x55: {  	_ =	shalt  }
0x56: {  	_ =	shalt  }
0x57: {  	_ =	shalt  }
0x58: {  	_ =	shalt  }
0x59: {  	_ =	shalt  }
0x5a: {  	_ =	shalt  }
0x5b: {  	_ =	shalt  }
0x5c: {  	_ =	shalt  }
0x5d: {  	_ =	shalt  }
0x5e: {  	_ =	shalt  }
0x5f: {  	_ =	shalt  }
0x60: {  	_ =	shalt  }
0x61: {  	_ =	shalt  }
0x62: {  	_ =	shalt  }
0x63: {  	_ =	shalt  }
0x64: {  	_ =	shalt  }
0x65: {  	_ =	shalt  }
0x66: {  	_ =	shalt  }
0x67: {  	_ =	shalt  }
0x68: {  	_ =	shalt  }
0x69: {  	_ =	shalt  }
0x6a: {  	_ =	shalt  }
0x6b: {  	_ =	shalt  }
0x6c: {  	_ =	shalt  }
0x6d: {  	_ =	shalt  }
0x6e: {  	_ =	shalt  }
0x6f: {  	_ =	shalt  }
0x70: {  	_ =	shalt  }
0x71: {  	_ =	shalt  }
0x72: {  	_ =	shalt  }
0x73: {  	_ =	shalt  }
0x74: {  	_ =	shalt  }
0x75: {  	_ =	shalt  }
0x76: {  	_ =	shalt  }
0x77: {  	_ =	shalt  }
0x78: {  	_ =	shalt  }
0x79: {  	_ =	shalt  }
0x7a: {  	_ =	shalt  }
0x7b: {  	_ =	shalt  }
0x7c: {  	_ =	shalt  }
0x7d: {  	_ =	shalt  }
0x7e: {  	_ =	shalt  }
0x7f: {  	_ =	shalt  }
0x80: {  	_ =	shalt  }
0x81: {  	_ =	shalt  }
0x82: {  	_ =	shalt  }
0x83: {  	_ =	shalt  }
0x84: {  	_ =	shalt  }
0x85: {  	_ =	shalt  }
0x86: {  	_ =	shalt  }
0x87: {  	_ =	shalt  }
.Lfunc_end0:
.L_simem_size_0:
called_computation.2_lowered:
.L_overlay_start_0:
0x88: {  	s2 =	sld [smem:$0x3FD9]  }
0x89: {  	s3 =	sld [smem:$0x3FFE];
	_ =	sdelay $0x1  }
0x8a: {  	s1 =	srdreg.scid  }
0x8b: {  	s0 =	sand.u32 $0x1, s1  }
0x8c: {  	s17 =	sshll.u32 s0, $0xA;
	s2 =	sadd.s32 s3, s2  }
0x8d: {  	s2 =	sadd.s32 s2, s17  }
0x8e: {  	[smem:$0x3FB4] =	sst s2  }
0x8f: {  	_ = 	snop  }
0x90: {  	s2 =	sld [smem:$0x3FD0];
	(tm) =	ssettm $0x1  }
0x91: {  	s18 =	sld [smem:$0x3FFB];
	_ =	sdelay $0x3  }
0x92: {  	_ =	strace s18  }
0x93: {  	s3 =	sld [smem:$0x3FFC];
	_ =	sdelay $0x3  }
0x94: {  	_ =	strace s3  }
0x95: {  	s3 =	sld [smem:$0x3FFD];
	_ =	sdelay $0x3  }
0x96: {  	_ =	strace s3  }
0x97: {  	_ =	strace $0x8FFFFFFF  }
0x98: {  	s19 =	sld [smem:$0x3FDB];
	_ =	sdelay $0x1  }
0x99: {  	s4 =	simm.s32 $_scs_section_size  }
0x9a: {  	s5 =	simm.s32 $_size__tile_overlayer_lowered;
	s6 =	simm.s32 $_tile_overlayer_lowered  }
0x9b: {  	s22 =	simm.s32 $0x1BFF;
	s21 =	sshll.u32 s6, $0x1;
	s3 =	sadd.s32 s4, s19  }
0x9c: {  	s7 =	simm.s32 $0x0;
	s20 =	sshll.u32 s5, $0x1;
	s5 =	sadd.s32 s21, s3  }
0x9d: {  	[timem:s7], [sflag:s22] =	dma.local [hbm:s5], s20  }
0x9e: {  	_ =	swait.ge [sflag:s22], s20  }
0x9f: {  	s4 =	ssub.s32 $0x0, s20;
	[sflag:s22] =	ssyncset.done $0x0  }
0xa0: {  	[sflag:s22] =	ssyncadd.s32 s4;
	_ =	sdelay $0x1  }
0xa1: {  	s23 =	simm.s32 $0x1B8B  }
0xa2: {  	_ =	swait.ge [sflag:s23], $0x1  }
0xa3: {  	[sflag:s23] =	ssyncset.done $0x0  }
0xa4: {  	s25 =	simm.s32 $0x1B8E;
	s24 =	sld [smem:$0x3FFE];
	[sflag:s23] =	ssyncadd.s32 $0xFFFFFFFF  }
0xa5: {  	s26 =	simm.s32 $execute0_lowered;
	[smem:$0x3FD2] =	sst s25  }
0xa6: {  	s5 =	sshll.u32 s26, $0x1;
	_ =	strace $0x80000049;
	[dreg:$0x1] =	wrdreg $0xFFFFFFFF  }
0xa7: {  	s28 =	simm.s32 $_size_execute0_lowered;
	s3 =	sadd.s32 s3, s5;
	[dreg:$0x0] =	wrdreg $0x0  }
0xa8: {  	s5 =	sshll.u32 s28, $0x1;
	[dreg:$0x2] =	wrdreg s3  }
0xa9: {  	[dreg:$0x3] =	wrdreg s5  }
0xaa: {  	[dreg:$0x4] =	wrdreg $0xC0  }
0xab: {  	_ =	task [dreg:s7], $0x5FFFF  }
0xac: {  	[dreg:$0x1] =	wrdreg $0xFFFFFFFF  }
0xad: {  	[dreg:$0x0] =	wrdreg $0x60  }
0xae: {  	[dreg:$0x2] =	wrdreg s24  }
0xaf: {  	[dreg:$0x3] =	wrdreg s2  }
0xb0: {  	[dreg:$0x4] =	wrdreg $0x0  }
0xb1: {  	[dreg:$0x5] =	wrdreg $0xA  }
0xb2: {  	_ =	task.clear_ibuf [dreg:s7], $0x6FFFF;
	_ =	strace $0x90000049  }
0xb3: {  	s29 =	simm.s32 $0xA;
	_ =	strace $0x8000004B  }
0xb4: {  	_ =	swait.ge [sflag:s29], $0x1  }
0xb5: {  	[sflag:s29] =	ssyncadd.s32 $0xFFFFFFFF  }
0xb6: {  	_ =	strace $0x9000004B  }
0xb7: {  	_ =	sfence  }
0xb8: {  	s30 =	sld [smem:$0x0];
	_ =	sdelay $0x2  }
0xb9: {  	s31 =	sshll.u32 s1, $0xD;
	s1 =	sshrl.u32 s1, $0x2  }
0xba: {  	s3 =	sand.u32 $0x4000, s31;
	s1 =	sadd.s32 s1, s30  }
0xbb: {  	s0 =	sor.u32 s3, s0;
	s1 =	sshll.u32 s1, $0x11  }
0xbc: {  	s0 =	sor.u32 s1, s0  }
0xbd: {  	s0 =	sadd.s32 $0x8F2B, s0  }
0xbe: {  	[sflag:s0] =	ssyncadd.remote.s32 $0x1  }
0xbf: {  	_ =	sfence.sel $0xFFFF  }
0xc0: {  	[dreg:$0x0] =	wrdreg $0xFFFFFFFF;
	(pc) =	sbr.abs _section_cstart, $3  }
0xc1: {  	[dreg:$0x1] =	wrdreg $0xFFFFFFFF  }
0xc2: {  	_ =	task.clear_ibuf [dreg:s7], $0x2FFFF;
	_ =	strace $0x9FFFFFFF  }
0xc3: {  	(tm) =	ssettm $0x7FFFFFFF  }
tec
execute0_lowered:
.L_overlay_start_1:
0x0: {  	(tag) =	ssettag $0x1  }
0x1: {  	s0 =	rddreg [dreg:$0x0]  }
0x2: {  	s2 =	rddreg [dreg:$0x2];
	s1 =	srdreg.scid;
	s4 =	simm.s32 $0x0  }
0x3: {  	s12 =	stileid.u32;
	s29 =	simm.s32 $0x2;
	s1 =	sand.u32 $0x1, s1  }
0x4: {  	[smem:$0x7FF] =	sst s4;
	s8 =	smul.u32 $0x13800, s12;
	s5 =	sadd.s32 $0x18C00, s0  }
0x5: {  	s7 =	sadd.s32 $0x5200, s0;
	s0 =	sadd.s32 $0x67000, s0;
	s11 =	sshll.u32 s12, $0x6  }
0x6: {  	p0 =	sne.s32 s12, $0xF;
	s3 =	sshll.u32 s1, $0x4;
	_ =	strace $0x8000004A  }
0x7: {  	s9 =	ssub.s32 $0x2, s1;
	s1 =	smul.u32 $0x138800, s1;
	[dreg:$0x4] =	wrdreg s29  }
0x8: {  	s3 =	sor.u32 s12, s3;
	s23 =	sshrl.u32 s9, $0x1;
	s10 =	sadd.s32 s8, s2  }
0x9: {  	s6 =	smul.u32 $0x2710, s3;
	s3 =	ssub.s32 s9, s23;
	s9 =	sor.u32 $0x1C0D, s11  }
0xa: {  	s11 =	sadd.s32 $0x138000, s2;
	s8 =	sadd.s32 s8, s1;
	s28 =	smax.u32 s3, $0x1  }
0xb: {  	s1 =	sshrl.u32 s1, $0x3;
	s3 =	sshrl.u32 s10, $0x3;
	[dreg:$0xb] =	wrdreg s28  }
0xc: {  	s8 =	sshrl.u32 s8, $0x3;
	s10 =	sshrl.u32 @!p0 s11, $0x3;
	[dreg:$0xc] =	wrdreg s3  }
0xd: {  	s1 =	sadd.s32 s0, s1;
	s0 =	sadd.s32 s0, s8;
	[dreg:$0xd] =	wrdreg s10  }
0xe: {  	s24 =	sshrl.u32 s6, $0x3;
	s26 =	sadd.s32 $0x27000, s1;
	[dreg:$0x9] =	wrdreg s0  }
0xf: {  	s13 =	sadd.s32 s7, s24;
	[dreg:$0xa] =	wrdreg s26  }
0x10: {  	s30 =	simm.s32 $0x3;
	s14 =	sadd.s32 $0x9C40, s13;
	[dreg:$0x5] =	wrdreg s13  }
0x11: {  	s31 =	simm.s32 $0x0;
	s25 =	sadd.s32 $0xA, s13;
	[dreg:$0x6] =	wrdreg s14  }
0x12: {  	s23 =	simm.s32 $0x1;
	s13 =	sadd.s32 $0x9C4A, s13;
	[dreg:$0x7] =	wrdreg s25  }
0x13: {  	s8 =	simm.s32 $0xD;
	s24 =	simm.s32 $0x50;
	[dreg:$0x8] =	wrdreg s13  }
.LBB2_1:
0x14: {  	s0 =	rddreg [dreg:$0x1]  }
0x15: {  	[spmem:s3], [sflag:s9] =	dma.local [hbm:s0], $0x2700  }
0x16: {  	_ =	swait.ge [sflag:s8], $0x2700  }
0x17: {  	[sflag:s8] =	ssyncset.done $0x0  }
0x18: {  	[sflag:s8] =	ssyncadd.s32 $0xFFFFD900  }
0x19: {  	[spmem:s10], [sflag:s9] =	dma.local @!p0 [hbm:s0], $0x100  }
0x1a: {  	s0 =	simm.s32 @!p0 $0xD  }
0x1b: {  	_ =	swait.ge @!p0 [sflag:s0], $0x100  }
0x1c: {  	[sflag:s0] =	ssyncset.done @!p0 $0x0  }
0x1d: {  	[sflag:s0] =	ssyncadd.s32 @!p0 $0xFFFFFF00  }
0x1e: {  	[bflag:$0x0] =	sbarrier.arrive $0xFFFF  }
0x1f: {  	s1 =	simm.s32 $0x13880;
	s16 =	rddreg [dreg:$0x5]  }
0x20: {  	[tilespmem:s1], [sflag:$0x1] =	stream.linear.gather [hbm4b:s16+s4], $0x50, $0x38;
	[tilespmem:$0x1DB00] =	vst v63  }
0x21: {  	s18 =	simm.s32 $0x139C0;
	s17 =	rddreg [dreg:$0x6]  }
0x22: {  	[tilespmem:s18], [sflag:$0x1] =	stream.linear.gather [hbm4b:s17+s4], $0x50, $0x38;
	[tilespmem:$0x1DB00] =	vst v63  }
0x23: {  	s20 =	simm.s32 $0x138D0;
	s19 =	rddreg [dreg:$0x7]  }
0x24: {  	[tilespmem:s20], [sflag:$0x2] =	stream.linear.gather [hbm4b:s19+s4], $0x50, $0x38;
	[tilespmem:$0x1DB00] =	vst v63  }
0x25: {  	s22 =	simm.s32 $0x13A10;
	s21 =	rddreg [dreg:$0x8]  }
0x26: {  	[tilespmem:s22], [sflag:$0x2] =	stream.linear.gather [hbm4b:s21+s4], $0x50, $0x38;
	[tilespmem:$0x1DB00] =	vst v63  }
0x27: {  	_ =	swait.ge [sflag:s23], $0x50  }
0x28: {  	[sflag:s23] =	ssyncset.done $0x0  }
0x29: {  	[sflag:s23] =	ssyncadd.s32 $0xFFFFFFB0  }
0x2a: {  	_ =	swait.ge [sflag:s23], $0x50  }
0x2b: {  	[sflag:s23] =	ssyncset.done $0x0  }
0x2c: {  	s25 =	simm.s32 $0x13B00;
	s26 =	simm.s32 $0x2;
	[sflag:s23] =	ssyncadd.s32 $0xFFFFFFB0  }
0x2d: {  	[tilespmem:s25], [sflag:$0x5] =	stream.indirect.gather [hbm4b:s5+s24], $0x80, s1, s24, $0xb8;
	[tilespmem:$0x1DB00] =	vst v63  }
0x2e: {  	p1 =	por $0x1, $0x1;
	s1 =	sand.u32 $0x3, s26  }
0x2f: {  	p2 =	por $0x1, $0x1;
	s0 =	simm.s32 $0x1;
	s3 =	sadd.s32 @!p1 $0x9, s1  }
0x30: {  	s13 =	sand.u32 $0x3, s4;
	s28 =	sand.u32 $0x3, s0;
	_ =	swait.ge @!p1 [sflag:s3], $0x2800  }
0x31: {  	s11 =	sadd.s32 $0x9, s13;
	s14 =	smul.u32 $0xA000, s28;
	s8 =	rddreg [dreg:$0x4]  }
0x32: {  	s12 =	smul.u32 $0x140, s28;
	s10 =	sadd.s32 $0x5, s28;
	s8 =	simm.s32 @!p2 $0xFFFFFF85  }
0x33: {  	s14 =	sshrl.u32 s14, $0x2;
	s19 =	smul.u32 $0x140, s13;
	s8 =	sadd.s32 $0x0, s8  }
0x34: {  	s17 =	sadd.s32 $0x1, s28;
	s20 =	sand.u32 $0x3, s0;
	s8 =	smul.u32 $0x50, s8  }
0x35: {  	s18 =	sshrl.u32 s12, $0x2;
	s12 =	simm.s32 $0x2;
	s28 =	smul.u32 $0x140, s20  }
0x36: {  	s14 =	sadd.s32 $0x13B00, s14;
	s15 =	smul.u32 $0x50, s1;
	s8 =	sadd.s32 s6, s8  }
0x37: {  	s1 =	sadd.s32 $0x1, s1;
	[sflag:s3] =	ssyncset.done @!p1 $0x0;
	s8 =	sshrl.u32 s8, $0x3  }
0x38: {  	s29 =	sadd.s32 $0x13880, s15;
	[sflag:s3] =	ssyncadd.s32 @!p1 $0xFFFFD800;
	s8 =	sadd.s32 s7, s8  }
0x39: {  	[tilespmem:s29], [sflag:s1] =	stream.linear.gather [hbm4b:s8+s4], $0x50, $0x38;
	[tilespmem:$0x1DB00] =	vst v63  }
0x3a: {  	s26 =	smul.u32 $0xA000, s20;
	s16 =	sadd.s32 $0x139C0, s15;
	s8 =	sadd.s32 $0x9C40, s8  }
0x3b: {  	[tilespmem:s16], [sflag:s1] =	stream.linear.gather [hbm4b:s8+s4], $0x50, $0x38;
	[tilespmem:$0x1DB00] =	vst v63  }
0x3c: {  	s21 =	sshrl.u32 s19, $0x2;
	s25 =	smul.u32 $0xA000, s13;
	_ =	swait.ge [sflag:s17], $0x50  }
0x3d: {  	s15 =	sshrl.u32 s26, $0x2;
	s26 =	sadd.s32 $0x5, s13;
	[sflag:s17] =	ssyncset.done $0x0  }
0x3e: {  	s3 =	sand.u32 $0x3, s12;
	p2 =	por $0x1, $0x1;
	[sflag:s17] =	ssyncadd.s32 $0xFFFFFFB0  }
0x3f: {  	s22 =	smul.u32 $0x140, s3;
	s29 =	simm.s32 $0x3;
	_ =	swait.ge [sflag:s17], $0x50  }
0x40: {  	s8 =	sshrl.u32 s25, $0x2;
	s25 =	smul.u32 $0xA000, s3;
	[sflag:s17] =	ssyncset.done $0x0  }
0x41: {  	s1 =	sadd.s32 $0x13880, s18;
	s19 =	sadd.s32 $0x13B00, s8;
	[sflag:s17] =	ssyncadd.s32 $0xFFFFFFB0  }
0x42: {  	[tilespmem:s14], [sflag:s10] =	stream.indirect.gather [hbm4b:s5+s24], $0x80, s1, s24, $0xb8;
	[tilespmem:$0x1DB00] =	vst v63  }
0x43: {  	s8 =	sadd.s32 $0x139C0, s21;
	s21 =	sadd.s32 $0x9, s20;
	s1 =	sshrl.u32 s22, $0x2  }
0x44: {  	s10 =	sshrl.u32 s25, $0x2;
	s22 =	sadd.s32 $0x13B00, s15;
	s14 =	sshrl.u32 s28, $0x2  }
0x45: {  	s15 =	sand.u32 $0x3, s29;
	s25 =	sadd.s32 $0x139C0, s14;
	_ =	swait.ge [sflag:s26], $0x2800  }
.LBB2_2:
0x46: {  	s28 =	sadd.s32 @!p2 $0x9, s15  }
0x47: {  	[sflag:s26] =	ssyncset.done $0x0;
	s29 =	smov.u32 s12;
	s12 =	sadd.s32 $0x1, s12  }
0x48: {  	s14 =	smov.u32 s3;
	s3 =	sand.u32 $0x3, s12;
	[sflag:s26] =	ssyncadd.s32 $0xFFFFD800  }
0x49: {  	[spmem:s2] =	stream.indirect.scatter.add.f32 [tilespmem:s19], [sflag:s11], $0x80, s8, s24, $0xb8;
	[tilespmem:$0x1DB00] =	vst v63  }
0x4a: {  	s13 =	smov.u32 s20;
	p3 =	slt.u32 s0, $0x7B;
	s17 =	smul.u32 $0x140, s3  }
0x4b: {  	s20 =	sand.u32 $0x3, s29;
	p1 =	sne.s32 s12, $0x7D;
	s18 =	smul.u32 $0xA000, s3  }
0x4c: {  	s19 =	sadd.s32 $0x9, s20;
	s16 =	smul.u32 $0xA000, s20;
	_ =	swait.ge @!p2 [sflag:s28], $0x2800  }
0x4d: {  	s11 =	smov.u32 s21;
	s21 =	smov.u32 s19;
	s26 =	rddreg [dreg:$0x4]  }
0x4e: {  	s8 =	sshrl.u32 s17, $0x2;
	s18 =	sshrl.u32 s18, $0x2;
	s26 =	simm.s32 @!p3 $0xFFFFFF85  }
0x4f: {  	s17 =	smul.u32 $0x140, s20;
	s16 =	sshrl.u32 s16, $0x2;
	s26 =	sadd.s32 s26, s0  }
0x50: {  	[sflag:s28] =	ssyncset.done @!p2 $0x0;
	s16 =	sadd.s32 $0x13B00, s16;
	s19 =	smul.u32 $0x50, s26  }
0x51: {  	s0 =	smov.u32 s29;
	s29 =	smov.u32 s1;
	s1 =	smov.u32 s8  }
0x52: {  	s8 =	sadd.s32 $0x1, s15;
	s26 =	smul.u32 $0x50, s15;
	s15 =	sadd.s32 s6, s19  }
0x53: {  	[sflag:s28] =	ssyncadd.s32 @!p2 $0xFFFFD800;
	s28 =	smov.u32 s10;
	s15 =	sshrl.u32 s15, $0x3  }
0x54: {  	s10 =	smov.u32 s18;
	s19 =	sadd.s32 $0x13880, s26;
	s15 =	sadd.s32 s7, s15  }
0x55: {  	[tilespmem:s19], [sflag:s8] =	stream.linear.gather [hbm4b:s15+s4], $0x50, $0x38;
	[tilespmem:$0x1DB00] =	vst v63  }
0x56: {  	s19 =	sadd.s32 $0x139C0, s26;
	s15 =	sadd.s32 $0x9C40, s15;
	s26 =	sadd.s32 $0x1, s14  }
0x57: {  	[tilespmem:s19], [sflag:s8] =	stream.linear.gather [hbm4b:s15+s4], $0x50, $0x38;
	[tilespmem:$0x1DB00] =	vst v63  }
0x58: {  	s17 =	sshrl.u32 s17, $0x2;
	s28 =	sadd.s32 $0x13B00, s28;
	_ =	swait.ge [sflag:s26], $0x50  }
0x59: {  	s17 =	sadd.s32 $0x139C0, s17;
	s18 =	sadd.s32 $0x13880, s29;
	[sflag:s26] =	ssyncset.done $0x0  }
0x5a: {  	s29 =	sadd.s32 $0x2, s0;
	p2 =	slt.u32 s0, $0x2;
	[sflag:s26] =	ssyncadd.s32 $0xFFFFFFB0  }
.Ltmp0:
0x5b: {  	s14 =	sadd.s32 $0x5, s14;
	_ =	swait.ge [sflag:s26], $0x50;
	(pc) =	sbr.rel @p1 .LBB2_2-.Ltmp0, $4  }
0x5c: {  	s19 =	smov.u32 s22;
	s22 =	smov.u32 s16;
	[sflag:s26] =	ssyncset.done $0x0  }
0x5d: {  	s8 =	smov.u32 s25;
	[sflag:s26] =	ssyncadd.s32 $0xFFFFFFB0;
	s26 =	sadd.s32 $0x5, s13  }
0x5e: {  	[tilespmem:s28], [sflag:s14] =	stream.indirect.gather [hbm4b:s5+s24], $0x80, s18, s24, $0xb8;
	[tilespmem:$0x1DB00] =	vst v63  }
0x5f: {  	s25 =	smov.u32 s17;
	s15 =	sand.u32 $0x3, s29;
	_ =	swait.ge [sflag:s26], $0x2800  }
0x60: {  	[sflag:s26] =	ssyncset.done $0x0  }
0x61: {  	[sflag:s26] =	ssyncadd.s32 $0xFFFFD800  }
0x62: {  	[spmem:s2] =	stream.indirect.scatter.add.f32 [tilespmem:s19], [sflag:s11], $0x80, s8, s24, $0xb8;
	[tilespmem:$0x1DB00] =	vst v63  }
0x63: {  	s8 =	sadd.s32 @!p2 $0x9, s15  }
0x64: {  	_ =	swait.ge @!p2 [sflag:s8], $0x2800  }
0x65: {  	p1 =	slt.u32 s0, $0x7B;
	s11 =	rddreg [dreg:$0x4]  }
0x66: {  	s11 =	simm.s32 @!p1 $0xFFFFFF85  }
0x67: {  	s13 =	sadd.s32 s11, s0  }
0x68: {  	s0 =	smul.u32 $0x50, s13;
	_ =	sdelay $0x1  }
0x69: {  	s14 =	smul.u32 $0x50, s15;
	s0 =	sadd.s32 s6, s0  }
0x6a: {  	s12 =	sadd.s32 $0x1, s15;
	[sflag:s8] =	ssyncset.done @!p2 $0x0;
	s0 =	sshrl.u32 s0, $0x3  }
0x6b: {  	s15 =	sadd.s32 $0x13880, s14;
	[sflag:s8] =	ssyncadd.s32 @!p2 $0xFFFFD800;
	s0 =	sadd.s32 s7, s0  }
0x6c: {  	[tilespmem:s15], [sflag:s12] =	stream.linear.gather [hbm4b:s0+s4], $0x50, $0x38;
	[tilespmem:$0x1DB00] =	vst v63  }
0x6d: {  	s17 =	sadd.s32 $0x1, s3;
	s16 =	sadd.s32 $0x139C0, s14;
	s0 =	sadd.s32 $0x9C40, s0  }
0x6e: {  	[tilespmem:s16], [sflag:s12] =	stream.linear.gather [hbm4b:s0+s4], $0x50, $0x38;
	[tilespmem:$0x1DB00] =	vst v63  }
0x6f: {  	_ =	swait.ge [sflag:s17], $0x50  }
0x70: {  	[sflag:s17] =	ssyncset.done $0x0  }
0x71: {  	[sflag:s17] =	ssyncadd.s32 $0xFFFFFFB0  }
0x72: {  	_ =	swait.ge [sflag:s17], $0x50  }
0x73: {  	s18 =	sadd.s32 $0x5, s3;
	s1 =	sadd.s32 $0x13880, s1;
	[sflag:s17] =	ssyncset.done $0x0  }
0x74: {  	s20 =	sadd.s32 $0x5, s20;
	s19 =	sadd.s32 $0x13B00, s10;
	[sflag:s17] =	ssyncadd.s32 $0xFFFFFFB0  }
0x75: {  	[tilespmem:s19], [sflag:s18] =	stream.indirect.gather [hbm4b:s5+s24], $0x80, s1, s24, $0xb8;
	[tilespmem:$0x1DB00] =	vst v63  }
0x76: {  	_ =	swait.ge [sflag:s20], $0x2800  }
0x77: {  	[sflag:s20] =	ssyncset.done $0x0  }
0x78: {  	[sflag:s20] =	ssyncadd.s32 $0xFFFFD800  }
0x79: {  	[spmem:s2] =	stream.indirect.scatter.add.f32 [tilespmem:s22], [sflag:s21], $0x80, s25, s24, $0xb8;
	[tilespmem:$0x1DB00] =	vst v63  }
0x7a: {  	s22 =	simm.s32 $0xC  }
0x7b: {  	_ =	swait.ge [sflag:s22], $0x2800  }
0x7c: {  	[sflag:s22] =	ssyncset.done $0x0  }
0x7d: {  	s25 =	simm.s32 $0x9;
	[sflag:s22] =	ssyncadd.s32 $0xFFFFD800  }
0x7e: {  	_ =	swait.ge [sflag:s25], $0x2800  }
0x7f: {  	[sflag:s25] =	ssyncset.done $0x0  }
0x80: {  	s26 =	simm.s32 $0x6;
	[sflag:s25] =	ssyncadd.s32 $0xFFFFD800  }
0x81: {  	_ =	swait.ge [sflag:s26], $0x2800  }
0x82: {  	[sflag:s26] =	ssyncset.done $0x0  }
0x83: {  	[sflag:s26] =	ssyncadd.s32 $0xFFFFD800  }
0x84: {  	_ =	swait.ge [sflag:s30], $0x50  }
0x85: {  	[sflag:s30] =	ssyncset.done $0x0  }
0x86: {  	[sflag:s30] =	ssyncadd.s32 $0xFFFFFFB0  }
0x87: {  	_ =	swait.ge [sflag:s30], $0x50  }
0x88: {  	[sflag:s30] =	ssyncset.done $0x0  }
0x89: {  	[sflag:s30] =	ssyncadd.s32 $0xFFFFFFB0  }
0x8a: {  	[bflag:$0x0] =	sbarrier.arrive $0xFFFF  }
0x8b: {  	s28 =	rddreg [dreg:$0x9]  }
0x8c: {  	s8 =	simm.s32 $0xD;
	s3 =	rddreg [dreg:$0xc]  }
0x8d: {  	[hbm:s28], [sflag:s9] =	dma.local [spmem:s3], $0x2700  }
0x8e: {  	_ =	swait.ge [sflag:s8], $0x2700  }
0x8f: {  	[sflag:s8] =	ssyncset.done $0x0;
	s0 =	rddreg [dreg:$0xa]  }
0x90: {  	s10 =	rddreg [dreg:$0xd];
	[sflag:s8] =	ssyncadd.s32 $0xFFFFD900  }
0x91: {  	[hbm:s0], [sflag:s9] =	dma.local @!p0 [spmem:s10], $0x100  }
0x92: {  	s0 =	simm.s32 @!p0 $0xD  }
0x93: {  	_ =	swait.ge @!p0 [sflag:s0], $0x100  }
0x94: {  	s31 =	sadd.s32 $0x1, s31;
	s29 =	rddreg [dreg:$0xb]  }
0x95: {  	p1 =	sne.s32 s31, s29  }
.Ltmp1:
0x96: {  	_ = 	snop;
	(pc) =	sbr.rel @p1 .LBB2_1-.Ltmp1, $3  }
0x97: {  	_ =	sdelay $0x1  }
0x98: {  	[sflag:s0] =	ssyncset.done @!p0 $0x0  }
0x99: {  	[sflag:s0] =	ssyncadd.s32 @!p0 $0xFFFFFF00  }
0x9a: {  	_ =	sfence.sel $0x180000  }
0x9b: {  	[bflag:$0x0] =	sbarrier.arrive $0xFFFF  }
0x9c: {  	_ =	strace $0x9000004A  }
0x9d: {  	s0 =	stileid.u32;
	[bflag:$0x2] =	sbarrier.arrive $0xFFFF  }
0x9e: {  	p0 =	sne.s32 s0, $0x0;
	s0 =	rddreg [dreg:$0x3]  }
0x9f: {  	s0 =	sadd.s32 @!p0 $0x100000, s0  }
0xa0: {  	[sflag:s0] =	ssyncadd.tile.s32 @!p0 $0x1;
	_ =	shalt  }
.Lfunc_end2:
_tile_overlayer_lowered:
.L_overlay_start_2:
0xa1: {  	(tag) =	ssettag $0x2  }
0xa2: {  	s0 =	rddreg [dreg:$0x0];
	s2 =	stileid.u32  }
0xa3: {  	s1 =	rddreg [dreg:$0x1];
	p0 =	sne.s32 s2, $0x0  }
0xa4: {  	s3 =	rddreg [dreg:$0x2];
	[bflag:$0x3] =	sbarrier.arrive $0xFFFF;
	s2 =	simm.s32 @!p0 $0x1C0D  }
0xa5: {  	[timem:s3], [sflag:s2] =	dma.local @!p0 [hbm:s0], s1  }
0xa6: {  	s0 =	simm.s32 @!p0 $0xD  }
0xa7: {  	_ =	swait.ge @!p0 [sflag:s0], s1  }
0xa8: {  	s1 =	ssub.s32 @!p0 $0x0, s1;
	[sflag:s0] =	ssyncset.done @!p0 $0x0  }
0xa9: {  	[sflag:s0] =	ssyncadd.s32 @!p0 s1  }
0xaa: {  	[bflag:$0x3] =	sbarrier.arrive $0xFFFF  }
0xab: {  	_ =	shalt  }

// kernel: kernel.20.cloned.1.call-start
scs
__scs_entry_jumppad:
0x0: {  	(pc) =	sbr.rel $0x88, $3  }
0x1: {  	(tag) =	ssettag $0x0;
	lr =	simm.s32 $0x1  }
0x2: {  	[smem:$0x3F8D] =	sst lr;
	_ =	strace $0xD0000000  }
0x3: {  	_ = 	snop  }
0x4: {  	_ = 	snop  }
0x5: {  	_ = 	snop  }
0x6: {  	_ = 	snop  }
0x7: {  	_ = 	snop  }
__scs_overlays_trampoline_lowered:
0x8: {  	[smem:$0x3F9C] =	sst s0  }
0x9: {  	[smem:$0x3F9D] =	sst s1  }
0xa: {  	[smem:$0x3F9E] =	sst s2  }
0xb: {  	[smem:$0x3F9F] =	sst s3  }
0xc: {  	[smem:$0x3FA0] =	sst s4  }
0xd: {  	[smem:$0x3FA1] =	sst s5  }
0xe: {  	[smem:$0x3FA2] =	sst s6  }
0xf: {  	[smem:$0x3FA3] =	sst s7  }
0x10: {  	[smem:$0x3FA4] =	sst s8  }
0x11: {  	[smem:$0x3FA5] =	sst s9;
	s0 =	simm.s32 @!p0 $0x0  }
0x12: {  	s1 =	sld [smem:$0x3F8B];
	s0 =	simm.s32 @p0 $0x1  }
0x13: {  	[smem:$0x3FA6] =	sst s0;
	s0 =	simm.s32 @!p1 $0x0  }
0x14: {  	s2 =	sld [smem:$0x3F8A];
	s0 =	simm.s32 @p1 $0x1  }
0x15: {  	[smem:$0x3FA7] =	sst s0;
	s0 =	simm.s32 @!p2 $0x0  }
0x16: {  	s3 =	sld [smem:$0x3FDB];
	s0 =	simm.s32 @p2 $0x1  }
0x17: {  	s4 =	simm.s32 $0x1BF5;
	[smem:$0x3FA9] =	sst s0  }
0x18: {  	s0 =	sld [smem:$0x3F8C];
	_ =	swait.ge [sflag:s4], $0x0  }
0x19: {  	s7 =	sld [smem:$0x3F8D]  }
0x1a: {  	s8 =	sadd.s32 $0xFFFFE003, lr  }
0x1b: {  	s9 =	sadd.s32 $0xFFFFFEF7, lr;
	s5 =	simm.s32 $0xFFFFFFFF;
	p2 =	slt.u32 s8, $0xFFFFF086  }
0x1c: {  	p1 =	slt.u32 s9, $0xF7A;
	s5 =	simm.s32 @!p2 $0x0  }
0x1d: {  	s5 =	simm.s32 @p1 $0x1;
	p0 =	seq.s32 s7, s2  }
0x1e: {  	s7 =	smul.u32 @!p0 $0xF7A, s2;
	p2 =	seq.s32 @!p0 s5, $0x0  }
0x1f: {  	s9 =	smul.u32 $0xF7A, s1;
	s8 =	simm.s32 @!p0 $0x1BF5;
	p2 =	por !p2, p0  }
0x20: {  	[sflag:s8] =	ssyncset.s32 @!p0 $0xFFFFF086;
	s6 =	sadd.s32 @!p0 s3, s7;
	s7 =	simm.s32 @!p0 $0x108  }
0x21: {  	s3 =	sadd.s32 s3, s9;
	s6 =	sadd.s32 @!p0 $0x88, s6;
	s7 =	simm.s32 @p2 $0x1082  }
0x22: {  	[simem:s7], [sflag:s8] =	dma.local @!p0 [hbm:s6], $0xF7A  }
0x23: {  	s9 =	sor.u32 $0xD0000000, s2;
	s6 =	simm.s32 $0x108;
	_ =	swait.ge @!p0 [sflag:s8], $0x0  }
0x24: {  	s3 =	sadd.s32 $0x88, s3;
	s6 =	simm.s32 @!p1 $0x1082;
	[sflag:s4] =	ssyncset.s32 $0xFFFFF086  }
0x25: {  	[simem:s6], [sflag:s4] =	dma.local [hbm:s3], $0xF7A  }
0x26: {  	[smem:$0x3F8D] =	sst s1;
	(tag) =	ssettag s2;
	_ =	strace s9  }
0x27: {  	s1 =	sld [smem:$0x3F9D]  }
0x28: {  	s2 =	sld [smem:$0x3F9E]  }
0x29: {  	s4 =	sld [smem:$0x3FA0]  }
0x2a: {  	p0 =	seq.s32 s5, $0x0;
	s5 =	sld [smem:$0x3FA1]  }
0x2b: {  	s6 =	sld [smem:$0x3FA2]  }
0x2c: {  	s7 =	sld [smem:$0x3FA3]  }
0x2d: {  	s3 =	simm.s32 $0x108;
	s8 =	sld [smem:$0x3FA4]  }
0x2e: {  	s3 =	simm.s32 @!p0 $0x1082;
	s9 =	sld [smem:$0x3FA5]  }
0x2f: {  	lr =	sadd.s32 s0, s3;
	s0 =	sld [smem:$0x3F9C]  }
0x30: {  	s3 =	sld [smem:$0x3F9F]  }
0x31: {  	[smem:$0x3FA8] =	sst s10  }
0x32: {  	s10 =	sld [smem:$0x3FA6];
	_ =	sdelay $0x3  }
0x33: {  	p0 =	seq.s32 s10, $0x1;
	s10 =	sld [smem:$0x3FA8];
	_ =	sdelay $0x3  }
0x34: {  	[smem:$0x3FA8] =	sst s10  }
0x35: {  	s10 =	sld [smem:$0x3FA7];
	_ =	sdelay $0x3  }
0x36: {  	p1 =	seq.s32 s10, $0x1;
	s10 =	sld [smem:$0x3FA8];
	_ =	sdelay $0x3  }
0x37: {  	[smem:$0x3FA8] =	sst s10  }
0x38: {  	s10 =	sld [smem:$0x3FA9]  }
0x39: {  	_ = 	snop;
	(pc) =	sbr.ind lr, $3  }
0x3a: {  	_ = 	snop  }
0x3b: {  	_ = 	snop  }
0x3c: {  	p2 =	seq.s32 s10, $0x1;
	s10 =	sld [smem:$0x3FA8]  }
0x3d: {  	_ =	shalt  }
0x3e: {  	_ =	shalt  }
0x3f: {  	_ =	shalt  }
0x40: {  	_ =	shalt  }
0x41: {  	_ =	shalt  }
0x42: {  	_ =	shalt  }
0x43: {  	_ =	shalt  }
0x44: {  	_ =	shalt  }
0x45: {  	_ =	shalt  }
0x46: {  	_ =	shalt  }
0x47: {  	_ =	shalt  }
0x48: {  	_ =	shalt  }
0x49: {  	_ =	shalt  }
0x4a: {  	_ =	shalt  }
0x4b: {  	_ =	shalt  }
0x4c: {  	_ =	shalt  }
0x4d: {  	_ =	shalt  }
0x4e: {  	_ =	shalt  }
0x4f: {  	_ =	shalt  }
0x50: {  	_ =	shalt  }
0x51: {  	_ =	shalt  }
0x52: {  	_ =	shalt  }
0x53: {  	_ =	shalt  }
0x54: {  	_ =	shalt  }
0x55: {  	_ =	shalt  }
0x56: {  	_ =	shalt  }
0x57: {  	_ =	shalt  }
0x58: {  	_ =	shalt  }
0x59: {  	_ =	shalt  }
0x5a: {  	_ =	shalt  }
0x5b: {  	_ =	shalt  }
0x5c: {  	_ =	shalt  }
0x5d: {  	_ =	shalt  }
0x5e: {  	_ =	shalt  }
0x5f: {  	_ =	shalt  }
0x60: {  	_ =	shalt  }
0x61: {  	_ =	shalt  }
0x62: {  	_ =	shalt  }
0x63: {  	_ =	shalt  }
0x64: {  	_ =	shalt  }
0x65: {  	_ =	shalt  }
0x66: {  	_ =	shalt  }
0x67: {  	_ =	shalt  }
0x68: {  	_ =	shalt  }
0x69: {  	_ =	shalt  }
0x6a: {  	_ =	shalt  }
0x6b: {  	_ =	shalt  }
0x6c: {  	_ =	shalt  }
0x6d: {  	_ =	shalt  }
0x6e: {  	_ =	shalt  }
0x6f: {  	_ =	shalt  }
0x70: {  	_ =	shalt  }
0x71: {  	_ =	shalt  }
0x72: {  	_ =	shalt  }
0x73: {  	_ =	shalt  }
0x74: {  	_ =	shalt  }
0x75: {  	_ =	shalt  }
0x76: {  	_ =	shalt  }
0x77: {  	_ =	shalt  }
0x78: {  	_ =	shalt  }
0x79: {  	_ =	shalt  }
0x7a: {  	_ =	shalt  }
0x7b: {  	_ =	shalt  }
0x7c: {  	_ =	shalt  }
0x7d: {  	_ =	shalt  }
0x7e: {  	_ =	shalt  }
0x7f: {  	_ =	shalt  }
0x80: {  	_ =	shalt  }
0x81: {  	_ =	shalt  }
0x82: {  	_ =	shalt  }
0x83: {  	_ =	shalt  }
0x84: {  	_ =	shalt  }
0x85: {  	_ =	shalt  }
0x86: {  	_ =	shalt  }
0x87: {  	_ =	shalt  }
.Lfunc_end0:
.L_simem_size_0:
called_computation.3_lowered:
.L_overlay_start_0:
0x88: {  	s2 =	sld [smem:$0x3FD9]  }
0x89: {  	s3 =	sld [smem:$0x3FFE];
	_ =	sdelay $0x1  }
0x8a: {  	s1 =	srdreg.scid  }
0x8b: {  	s0 =	sand.u32 $0x1, s1  }
0x8c: {  	s17 =	sshll.u32 s0, $0xA;
	s2 =	sadd.s32 s3, s2  }
0x8d: {  	s2 =	sadd.s32 s2, s17  }
0x8e: {  	[smem:$0x3FB4] =	sst s2  }
0x8f: {  	_ = 	snop  }
0x90: {  	s2 =	sld [smem:$0x3FD0];
	(tm) =	ssettm $0x1  }
0x91: {  	s18 =	sld [smem:$0x3FFB];
	_ =	sdelay $0x3  }
0x92: {  	_ =	strace s18  }
0x93: {  	s3 =	sld [smem:$0x3FFC];
	_ =	sdelay $0x3  }
0x94: {  	_ =	strace s3  }
0x95: {  	s3 =	sld [smem:$0x3FFD];
	_ =	sdelay $0x3  }
0x96: {  	_ =	strace s3  }
0x97: {  	_ =	strace $0x8FFFFFFF  }
0x98: {  	s19 =	sld [smem:$0x3FDB];
	_ =	sdelay $0x1  }
0x99: {  	s4 =	simm.s32 $_scs_section_size  }
0x9a: {  	s5 =	simm.s32 $_size__tile_overlayer_lowered;
	s6 =	simm.s32 $_tile_overlayer_lowered  }
0x9b: {  	s22 =	simm.s32 $0x1BFF;
	s21 =	sshll.u32 s6, $0x1;
	s3 =	sadd.s32 s4, s19  }
0x9c: {  	s7 =	simm.s32 $0x0;
	s20 =	sshll.u32 s5, $0x1;
	s5 =	sadd.s32 s21, s3  }
0x9d: {  	[timem:s7], [sflag:s22] =	dma.local [hbm:s5], s20  }
0x9e: {  	_ =	swait.ge [sflag:s22], s20  }
0x9f: {  	s4 =	ssub.s32 $0x0, s20;
	[sflag:s22] =	ssyncset.done $0x0  }
0xa0: {  	[sflag:s22] =	ssyncadd.s32 s4;
	_ =	sdelay $0x1  }
0xa1: {  	s23 =	simm.s32 $0x1B8B  }
0xa2: {  	_ =	swait.ge [sflag:s23], $0x1  }
0xa3: {  	[sflag:s23] =	ssyncset.done $0x0  }
0xa4: {  	s25 =	simm.s32 $0x1B8E;
	s24 =	sld [smem:$0x3FFE];
	[sflag:s23] =	ssyncadd.s32 $0xFFFFFFFF  }
0xa5: {  	s26 =	simm.s32 $execute0_lowered;
	[smem:$0x3FD2] =	sst s25  }
0xa6: {  	s5 =	sshll.u32 s26, $0x1;
	_ =	strace $0x8000004F;
	[dreg:$0x1] =	wrdreg $0xFFFFFFFF  }
0xa7: {  	s28 =	simm.s32 $_size_execute0_lowered;
	s3 =	sadd.s32 s3, s5;
	[dreg:$0x0] =	wrdreg $0x0  }
0xa8: {  	s5 =	sshll.u32 s28, $0x1;
	[dreg:$0x2] =	wrdreg s3  }
0xa9: {  	[dreg:$0x3] =	wrdreg s5  }
0xaa: {  	[dreg:$0x4] =	wrdreg $0xC0  }
0xab: {  	_ =	task [dreg:s7], $0x5FFFF  }
0xac: {  	[dreg:$0x1] =	wrdreg $0xFFFFFFFF  }
0xad: {  	[dreg:$0x0] =	wrdreg $0x60  }
0xae: {  	[dreg:$0x2] =	wrdreg s24  }
0xaf: {  	[dreg:$0x3] =	wrdreg s2  }
0xb0: {  	[dreg:$0x4] =	wrdreg $0x0  }
0xb1: {  	[dreg:$0x5] =	wrdreg $0x9  }
0xb2: {  	_ =	task.clear_ibuf [dreg:s7], $0x6FFFF;
	_ =	strace $0x9000004F  }
0xb3: {  	s29 =	simm.s32 $0x9;
	_ =	strace $0x80000051  }
0xb4: {  	_ =	swait.ge [sflag:s29], $0x1  }
0xb5: {  	[sflag:s29] =	ssyncadd.s32 $0xFFFFFFFF  }
0xb6: {  	_ =	strace $0x90000051  }
0xb7: {  	_ =	sfence  }
0xb8: {  	s30 =	sld [smem:$0x0];
	_ =	sdelay $0x2  }
0xb9: {  	s31 =	sshll.u32 s1, $0xD;
	s1 =	sshrl.u32 s1, $0x2  }
0xba: {  	s3 =	sand.u32 $0x4000, s31;
	s1 =	sadd.s32 s1, s30  }
0xbb: {  	s0 =	sor.u32 s3, s0;
	s1 =	sshll.u32 s1, $0x11  }
0xbc: {  	s0 =	sor.u32 s1, s0  }
0xbd: {  	s0 =	sadd.s32 $0x8F2B, s0  }
0xbe: {  	[sflag:s0] =	ssyncadd.remote.s32 $0x1  }
0xbf: {  	_ =	sfence.sel $0xFFFF  }
0xc0: {  	[dreg:$0x0] =	wrdreg $0xFFFFFFFF;
	(pc) =	sbr.abs _section_cstart, $3  }
0xc1: {  	[dreg:$0x1] =	wrdreg $0xFFFFFFFF  }
0xc2: {  	_ =	task.clear_ibuf [dreg:s7], $0x2FFFF;
	_ =	strace $0x9FFFFFFF  }
0xc3: {  	(tm) =	ssettm $0x7FFFFFFF  }
tec
execute0_lowered:
.L_overlay_start_1:
0x0: {  	(tag) =	ssettag $0x1  }
0x1: {  	s0 =	rddreg [dreg:$0x0]  }
0x2: {  	s2 =	rddreg [dreg:$0x2];
	s1 =	srdreg.scid;
	s4 =	simm.s32 $0x0  }
0x3: {  	s12 =	stileid.u32;
	s29 =	simm.s32 $0x2;
	s1 =	sand.u32 $0x1, s1  }
0x4: {  	[smem:$0x7FF] =	sst s4;
	s8 =	smul.u32 $0x13800, s12;
	s5 =	sadd.s32 $0x66E00, s0  }
0x5: {  	s7 =	sadd.s32 $0x5200, s0;
	s0 =	sadd.s32 $0x8E000, s0;
	s11 =	sshll.u32 s12, $0x6  }
0x6: {  	p0 =	sne.s32 s12, $0xF;
	s3 =	sshll.u32 s1, $0x4;
	_ =	strace $0x80000050  }
0x7: {  	s9 =	ssub.s32 $0x2, s1;
	s1 =	smul.u32 $0x138800, s1;
	[dreg:$0x4] =	wrdreg s29  }
0x8: {  	s3 =	sor.u32 s12, s3;
	s23 =	sshrl.u32 s9, $0x1;
	s10 =	sadd.s32 s8, s2  }
0x9: {  	s6 =	smul.u32 $0x2710, s3;
	s3 =	ssub.s32 s9, s23;
	s9 =	sor.u32 $0x1C0D, s11  }
0xa: {  	s11 =	sadd.s32 $0x138000, s2;
	s8 =	sadd.s32 s8, s1;
	s28 =	smax.u32 s3, $0x1  }
0xb: {  	s1 =	sshrl.u32 s1, $0x3;
	s3 =	sshrl.u32 s10, $0x3;
	[dreg:$0xb] =	wrdreg s28  }
0xc: {  	s8 =	sshrl.u32 s8, $0x3;
	s10 =	sshrl.u32 @!p0 s11, $0x3;
	[dreg:$0xc] =	wrdreg s3  }
0xd: {  	s1 =	sadd.s32 s0, s1;
	s0 =	sadd.s32 s0, s8;
	[dreg:$0xd] =	wrdreg s10  }
0xe: {  	s24 =	sshrl.u32 s6, $0x3;
	s26 =	sadd.s32 $0x27000, s1;
	[dreg:$0x9] =	wrdreg s0  }
0xf: {  	s13 =	sadd.s32 s7, s24;
	[dreg:$0xa] =	wrdreg s26  }
0x10: {  	s30 =	simm.s32 $0x3;
	s14 =	sadd.s32 $0x9C40, s13;
	[dreg:$0x5] =	wrdreg s13  }
0x11: {  	s31 =	simm.s32 $0x0;
	s25 =	sadd.s32 $0xA, s13;
	[dreg:$0x6] =	wrdreg s14  }
0x12: {  	s23 =	simm.s32 $0x1;
	s13 =	sadd.s32 $0x9C4A, s13;
	[dreg:$0x7] =	wrdreg s25  }
0x13: {  	s8 =	simm.s32 $0xD;
	s24 =	simm.s32 $0x50;
	[dreg:$0x8] =	wrdreg s13  }
.LBB2_1:
0x14: {  	s0 =	rddreg [dreg:$0x1]  }
0x15: {  	[spmem:s3], [sflag:s9] =	dma.local [hbm:s0], $0x2700  }
0x16: {  	_ =	swait.ge [sflag:s8], $0x2700  }
0x17: {  	[sflag:s8] =	ssyncset.done $0x0  }
0x18: {  	[sflag:s8] =	ssyncadd.s32 $0xFFFFD900  }
0x19: {  	[spmem:s10], [sflag:s9] =	dma.local @!p0 [hbm:s0], $0x100  }
0x1a: {  	s0 =	simm.s32 @!p0 $0xD  }
0x1b: {  	_ =	swait.ge @!p0 [sflag:s0], $0x100  }
0x1c: {  	[sflag:s0] =	ssyncset.done @!p0 $0x0  }
0x1d: {  	[sflag:s0] =	ssyncadd.s32 @!p0 $0xFFFFFF00  }
0x1e: {  	[bflag:$0x0] =	sbarrier.arrive $0xFFFF  }
0x1f: {  	s1 =	simm.s32 $0x13880;
	s16 =	rddreg [dreg:$0x5]  }
0x20: {  	[tilespmem:s1], [sflag:$0x1] =	stream.linear.gather [hbm4b:s16+s4], $0x50, $0x38;
	[tilespmem:$0x1DB00] =	vst v63  }
0x21: {  	s18 =	simm.s32 $0x139C0;
	s17 =	rddreg [dreg:$0x6]  }
0x22: {  	[tilespmem:s18], [sflag:$0x1] =	stream.linear.gather [hbm4b:s17+s4], $0x50, $0x38;
	[tilespmem:$0x1DB00] =	vst v63  }
0x23: {  	s20 =	simm.s32 $0x138D0;
	s19 =	rddreg [dreg:$0x7]  }
0x24: {  	[tilespmem:s20], [sflag:$0x2] =	stream.linear.gather [hbm4b:s19+s4], $0x50, $0x38;
	[tilespmem:$0x1DB00] =	vst v63  }
0x25: {  	s22 =	simm.s32 $0x13A10;
	s21 =	rddreg [dreg:$0x8]  }
0x26: {  	[tilespmem:s22], [sflag:$0x2] =	stream.linear.gather [hbm4b:s21+s4], $0x50, $0x38;
	[tilespmem:$0x1DB00] =	vst v63  }
0x27: {  	_ =	swait.ge [sflag:s23], $0x50  }
0x28: {  	[sflag:s23] =	ssyncset.done $0x0  }
0x29: {  	[sflag:s23] =	ssyncadd.s32 $0xFFFFFFB0  }
0x2a: {  	_ =	swait.ge [sflag:s23], $0x50  }
0x2b: {  	[sflag:s23] =	ssyncset.done $0x0  }
0x2c: {  	s25 =	simm.s32 $0x13B00;
	s26 =	simm.s32 $0x2;
	[sflag:s23] =	ssyncadd.s32 $0xFFFFFFB0  }
0x2d: {  	[tilespmem:s25], [sflag:$0x5] =	stream.indirect.gather [hbm4b:s5+s24], $0x80, s1, s24, $0xb8;
	[tilespmem:$0x1DB00] =	vst v63  }
0x2e: {  	p1 =	por $0x1, $0x1;
	s1 =	sand.u32 $0x3, s26  }
0x2f: {  	p2 =	por $0x1, $0x1;
	s0 =	simm.s32 $0x1;
	s3 =	sadd.s32 @!p1 $0x9, s1  }
0x30: {  	s13 =	sand.u32 $0x3, s4;
	s28 =	sand.u32 $0x3, s0;
	_ =	swait.ge @!p1 [sflag:s3], $0x2800  }
0x31: {  	s11 =	sadd.s32 $0x9, s13;
	s14 =	smul.u32 $0xA000, s28;
	s8 =	rddreg [dreg:$0x4]  }
0x32: {  	s12 =	smul.u32 $0x140, s28;
	s10 =	sadd.s32 $0x5, s28;
	s8 =	simm.s32 @!p2 $0xFFFFFF85  }
0x33: {  	s14 =	sshrl.u32 s14, $0x2;
	s19 =	smul.u32 $0x140, s13;
	s8 =	sadd.s32 $0x0, s8  }
0x34: {  	s17 =	sadd.s32 $0x1, s28;
	s20 =	sand.u32 $0x3, s0;
	s8 =	smul.u32 $0x50, s8  }
0x35: {  	s18 =	sshrl.u32 s12, $0x2;
	s12 =	simm.s32 $0x2;
	s28 =	smul.u32 $0x140, s20  }
0x36: {  	s14 =	sadd.s32 $0x13B00, s14;
	s15 =	smul.u32 $0x50, s1;
	s8 =	sadd.s32 s6, s8  }
0x37: {  	s1 =	sadd.s32 $0x1, s1;
	[sflag:s3] =	ssyncset.done @!p1 $0x0;
	s8 =	sshrl.u32 s8, $0x3  }
0x38: {  	s29 =	sadd.s32 $0x13880, s15;
	[sflag:s3] =	ssyncadd.s32 @!p1 $0xFFFFD800;
	s8 =	sadd.s32 s7, s8  }
0x39: {  	[tilespmem:s29], [sflag:s1] =	stream.linear.gather [hbm4b:s8+s4], $0x50, $0x38;
	[tilespmem:$0x1DB00] =	vst v63  }
0x3a: {  	s26 =	smul.u32 $0xA000, s20;
	s16 =	sadd.s32 $0x139C0, s15;
	s8 =	sadd.s32 $0x9C40, s8  }
0x3b: {  	[tilespmem:s16], [sflag:s1] =	stream.linear.gather [hbm4b:s8+s4], $0x50, $0x38;
	[tilespmem:$0x1DB00] =	vst v63  }
0x3c: {  	s21 =	sshrl.u32 s19, $0x2;
	s25 =	smul.u32 $0xA000, s13;
	_ =	swait.ge [sflag:s17], $0x50  }
0x3d: {  	s15 =	sshrl.u32 s26, $0x2;
	s26 =	sadd.s32 $0x5, s13;
	[sflag:s17] =	ssyncset.done $0x0  }
0x3e: {  	s3 =	sand.u32 $0x3, s12;
	p2 =	por $0x1, $0x1;
	[sflag:s17] =	ssyncadd.s32 $0xFFFFFFB0  }
0x3f: {  	s22 =	smul.u32 $0x140, s3;
	s29 =	simm.s32 $0x3;
	_ =	swait.ge [sflag:s17], $0x50  }
0x40: {  	s8 =	sshrl.u32 s25, $0x2;
	s25 =	smul.u32 $0xA000, s3;
	[sflag:s17] =	ssyncset.done $0x0  }
0x41: {  	s1 =	sadd.s32 $0x13880, s18;
	s19 =	sadd.s32 $0x13B00, s8;
	[sflag:s17] =	ssyncadd.s32 $0xFFFFFFB0  }
0x42: {  	[tilespmem:s14], [sflag:s10] =	stream.indirect.gather [hbm4b:s5+s24], $0x80, s1, s24, $0xb8;
	[tilespmem:$0x1DB00] =	vst v63  }
0x43: {  	s8 =	sadd.s32 $0x139C0, s21;
	s21 =	sadd.s32 $0x9, s20;
	s1 =	sshrl.u32 s22, $0x2  }
0x44: {  	s10 =	sshrl.u32 s25, $0x2;
	s22 =	sadd.s32 $0x13B00, s15;
	s14 =	sshrl.u32 s28, $0x2  }
0x45: {  	s15 =	sand.u32 $0x3, s29;
	s25 =	sadd.s32 $0x139C0, s14;
	_ =	swait.ge [sflag:s26], $0x2800  }
.LBB2_2:
0x46: {  	s28 =	sadd.s32 @!p2 $0x9, s15  }
0x47: {  	[sflag:s26] =	ssyncset.done $0x0;
	s29 =	smov.u32 s12;
	s12 =	sadd.s32 $0x1, s12  }
0x48: {  	s14 =	smov.u32 s3;
	s3 =	sand.u32 $0x3, s12;
	[sflag:s26] =	ssyncadd.s32 $0xFFFFD800  }
0x49: {  	[spmem:s2] =	stream.indirect.scatter.add.f32 [tilespmem:s19], [sflag:s11], $0x80, s8, s24, $0xb8;
	[tilespmem:$0x1DB00] =	vst v63  }
0x4a: {  	s13 =	smov.u32 s20;
	p3 =	slt.u32 s0, $0x7B;
	s17 =	smul.u32 $0x140, s3  }
0x4b: {  	s20 =	sand.u32 $0x3, s29;
	p1 =	sne.s32 s12, $0x7D;
	s18 =	smul.u32 $0xA000, s3  }
0x4c: {  	s19 =	sadd.s32 $0x9, s20;
	s16 =	smul.u32 $0xA000, s20;
	_ =	swait.ge @!p2 [sflag:s28], $0x2800  }
0x4d: {  	s11 =	smov.u32 s21;
	s21 =	smov.u32 s19;
	s26 =	rddreg [dreg:$0x4]  }
0x4e: {  	s8 =	sshrl.u32 s17, $0x2;
	s18 =	sshrl.u32 s18, $0x2;
	s26 =	simm.s32 @!p3 $0xFFFFFF85  }
0x4f: {  	s17 =	smul.u32 $0x140, s20;
	s16 =	sshrl.u32 s16, $0x2;
	s26 =	sadd.s32 s26, s0  }
0x50: {  	[sflag:s28] =	ssyncset.done @!p2 $0x0;
	s16 =	sadd.s32 $0x13B00, s16;
	s19 =	smul.u32 $0x50, s26  }
0x51: {  	s0 =	smov.u32 s29;
	s29 =	smov.u32 s1;
	s1 =	smov.u32 s8  }
0x52: {  	s8 =	sadd.s32 $0x1, s15;
	s26 =	smul.u32 $0x50, s15;
	s15 =	sadd.s32 s6, s19  }
0x53: {  	[sflag:s28] =	ssyncadd.s32 @!p2 $0xFFFFD800;
	s28 =	smov.u32 s10;
	s15 =	sshrl.u32 s15, $0x3  }
0x54: {  	s10 =	smov.u32 s18;
	s19 =	sadd.s32 $0x13880, s26;
	s15 =	sadd.s32 s7, s15  }
0x55: {  	[tilespmem:s19], [sflag:s8] =	stream.linear.gather [hbm4b:s15+s4], $0x50, $0x38;
	[tilespmem:$0x1DB00] =	vst v63  }
0x56: {  	s19 =	sadd.s32 $0x139C0, s26;
	s15 =	sadd.s32 $0x9C40, s15;
	s26 =	sadd.s32 $0x1, s14  }
0x57: {  	[tilespmem:s19], [sflag:s8] =	stream.linear.gather [hbm4b:s15+s4], $0x50, $0x38;
	[tilespmem:$0x1DB00] =	vst v63  }
0x58: {  	s17 =	sshrl.u32 s17, $0x2;
	s28 =	sadd.s32 $0x13B00, s28;
	_ =	swait.ge [sflag:s26], $0x50  }
0x59: {  	s17 =	sadd.s32 $0x139C0, s17;
	s18 =	sadd.s32 $0x13880, s29;
	[sflag:s26] =	ssyncset.done $0x0  }
0x5a: {  	s29 =	sadd.s32 $0x2, s0;
	p2 =	slt.u32 s0, $0x2;
	[sflag:s26] =	ssyncadd.s32 $0xFFFFFFB0  }
.Ltmp0:
0x5b: {  	s14 =	sadd.s32 $0x5, s14;
	_ =	swait.ge [sflag:s26], $0x50;
	(pc) =	sbr.rel @p1 .LBB2_2-.Ltmp0, $4  }
0x5c: {  	s19 =	smov.u32 s22;
	s22 =	smov.u32 s16;
	[sflag:s26] =	ssyncset.done $0x0  }
0x5d: {  	s8 =	smov.u32 s25;
	[sflag:s26] =	ssyncadd.s32 $0xFFFFFFB0;
	s26 =	sadd.s32 $0x5, s13  }
0x5e: {  	[tilespmem:s28], [sflag:s14] =	stream.indirect.gather [hbm4b:s5+s24], $0x80, s18, s24, $0xb8;
	[tilespmem:$0x1DB00] =	vst v63  }
0x5f: {  	s25 =	smov.u32 s17;
	s15 =	sand.u32 $0x3, s29;
	_ =	swait.ge [sflag:s26], $0x2800  }
0x60: {  	[sflag:s26] =	ssyncset.done $0x0  }
0x61: {  	[sflag:s26] =	ssyncadd.s32 $0xFFFFD800  }
0x62: {  	[spmem:s2] =	stream.indirect.scatter.add.f32 [tilespmem:s19], [sflag:s11], $0x80, s8, s24, $0xb8;
	[tilespmem:$0x1DB00] =	vst v63  }
0x63: {  	s8 =	sadd.s32 @!p2 $0x9, s15  }
0x64: {  	_ =	swait.ge @!p2 [sflag:s8], $0x2800  }
0x65: {  	p1 =	slt.u32 s0, $0x7B;
	s11 =	rddreg [dreg:$0x4]  }
0x66: {  	s11 =	simm.s32 @!p1 $0xFFFFFF85  }
0x67: {  	s13 =	sadd.s32 s11, s0  }
0x68: {  	s0 =	smul.u32 $0x50, s13;
	_ =	sdelay $0x1  }
0x69: {  	s14 =	smul.u32 $0x50, s15;
	s0 =	sadd.s32 s6, s0  }
0x6a: {  	s12 =	sadd.s32 $0x1, s15;
	[sflag:s8] =	ssyncset.done @!p2 $0x0;
	s0 =	sshrl.u32 s0, $0x3  }
0x6b: {  	s15 =	sadd.s32 $0x13880, s14;
	[sflag:s8] =	ssyncadd.s32 @!p2 $0xFFFFD800;
	s0 =	sadd.s32 s7, s0  }
0x6c: {  	[tilespmem:s15], [sflag:s12] =	stream.linear.gather [hbm4b:s0+s4], $0x50, $0x38;
	[tilespmem:$0x1DB00] =	vst v63  }
0x6d: {  	s17 =	sadd.s32 $0x1, s3;
	s16 =	sadd.s32 $0x139C0, s14;
	s0 =	sadd.s32 $0x9C40, s0  }
0x6e: {  	[tilespmem:s16], [sflag:s12] =	stream.linear.gather [hbm4b:s0+s4], $0x50, $0x38;
	[tilespmem:$0x1DB00] =	vst v63  }
0x6f: {  	_ =	swait.ge [sflag:s17], $0x50  }
0x70: {  	[sflag:s17] =	ssyncset.done $0x0  }
0x71: {  	[sflag:s17] =	ssyncadd.s32 $0xFFFFFFB0  }
0x72: {  	_ =	swait.ge [sflag:s17], $0x50  }
0x73: {  	s18 =	sadd.s32 $0x5, s3;
	s1 =	sadd.s32 $0x13880, s1;
	[sflag:s17] =	ssyncset.done $0x0  }
0x74: {  	s20 =	sadd.s32 $0x5, s20;
	s19 =	sadd.s32 $0x13B00, s10;
	[sflag:s17] =	ssyncadd.s32 $0xFFFFFFB0  }
0x75: {  	[tilespmem:s19], [sflag:s18] =	stream.indirect.gather [hbm4b:s5+s24], $0x80, s1, s24, $0xb8;
	[tilespmem:$0x1DB00] =	vst v63  }
0x76: {  	_ =	swait.ge [sflag:s20], $0x2800  }
0x77: {  	[sflag:s20] =	ssyncset.done $0x0  }
0x78: {  	[sflag:s20] =	ssyncadd.s32 $0xFFFFD800  }
0x79: {  	[spmem:s2] =	stream.indirect.scatter.add.f32 [tilespmem:s22], [sflag:s21], $0x80, s25, s24, $0xb8;
	[tilespmem:$0x1DB00] =	vst v63  }
0x7a: {  	s22 =	simm.s32 $0xC  }
0x7b: {  	_ =	swait.ge [sflag:s22], $0x2800  }
0x7c: {  	[sflag:s22] =	ssyncset.done $0x0  }
0x7d: {  	s25 =	simm.s32 $0x9;
	[sflag:s22] =	ssyncadd.s32 $0xFFFFD800  }
0x7e: {  	_ =	swait.ge [sflag:s25], $0x2800  }
0x7f: {  	[sflag:s25] =	ssyncset.done $0x0  }
0x80: {  	s26 =	simm.s32 $0x6;
	[sflag:s25] =	ssyncadd.s32 $0xFFFFD800  }
0x81: {  	_ =	swait.ge [sflag:s26], $0x2800  }
0x82: {  	[sflag:s26] =	ssyncset.done $0x0  }
0x83: {  	[sflag:s26] =	ssyncadd.s32 $0xFFFFD800  }
0x84: {  	_ =	swait.ge [sflag:s30], $0x50  }
0x85: {  	[sflag:s30] =	ssyncset.done $0x0  }
0x86: {  	[sflag:s30] =	ssyncadd.s32 $0xFFFFFFB0  }
0x87: {  	_ =	swait.ge [sflag:s30], $0x50  }
0x88: {  	[sflag:s30] =	ssyncset.done $0x0  }
0x89: {  	[sflag:s30] =	ssyncadd.s32 $0xFFFFFFB0  }
0x8a: {  	[bflag:$0x0] =	sbarrier.arrive $0xFFFF  }
0x8b: {  	s28 =	rddreg [dreg:$0x9]  }
0x8c: {  	s8 =	simm.s32 $0xD;
	s3 =	rddreg [dreg:$0xc]  }
0x8d: {  	[hbm:s28], [sflag:s9] =	dma.local [spmem:s3], $0x2700  }
0x8e: {  	_ =	swait.ge [sflag:s8], $0x2700  }
0x8f: {  	[sflag:s8] =	ssyncset.done $0x0;
	s0 =	rddreg [dreg:$0xa]  }
0x90: {  	s10 =	rddreg [dreg:$0xd];
	[sflag:s8] =	ssyncadd.s32 $0xFFFFD900  }
0x91: {  	[hbm:s0], [sflag:s9] =	dma.local @!p0 [spmem:s10], $0x100  }
0x92: {  	s0 =	simm.s32 @!p0 $0xD  }
0x93: {  	_ =	swait.ge @!p0 [sflag:s0], $0x100  }
0x94: {  	s31 =	sadd.s32 $0x1, s31;
	s29 =	rddreg [dreg:$0xb]  }
0x95: {  	p1 =	sne.s32 s31, s29  }
.Ltmp1:
0x96: {  	_ = 	snop;
	(pc) =	sbr.rel @p1 .LBB2_1-.Ltmp1, $3  }
0x97: {  	_ =	sdelay $0x1  }
0x98: {  	[sflag:s0] =	ssyncset.done @!p0 $0x0  }
0x99: {  	[sflag:s0] =	ssyncadd.s32 @!p0 $0xFFFFFF00  }
0x9a: {  	_ =	sfence.sel $0x180000  }
0x9b: {  	[bflag:$0x0] =	sbarrier.arrive $0xFFFF  }
0x9c: {  	_ =	strace $0x90000050  }
0x9d: {  	s0 =	stileid.u32;
	[bflag:$0x2] =	sbarrier.arrive $0xFFFF  }
0x9e: {  	p0 =	sne.s32 s0, $0x0;
	s0 =	rddreg [dreg:$0x3]  }
0x9f: {  	s0 =	sadd.s32 @!p0 $0x100000, s0  }
0xa0: {  	[sflag:s0] =	ssyncadd.tile.s32 @!p0 $0x1;
	_ =	shalt  }
.Lfunc_end2:
_tile_overlayer_lowered:
.L_overlay_start_2:
0xa1: {  	(tag) =	ssettag $0x2  }
0xa2: {  	s0 =	rddreg [dreg:$0x0];
	s2 =	stileid.u32  }
0xa3: {  	s1 =	rddreg [dreg:$0x1];
	p0 =	sne.s32 s2, $0x0  }
0xa4: {  	s3 =	rddreg [dreg:$0x2];
	[bflag:$0x3] =	sbarrier.arrive $0xFFFF;
	s2 =	simm.s32 @!p0 $0x1C0D  }
0xa5: {  	[timem:s3], [sflag:s2] =	dma.local @!p0 [hbm:s0], s1  }
0xa6: {  	s0 =	simm.s32 @!p0 $0xD  }
0xa7: {  	_ =	swait.ge @!p0 [sflag:s0], s1  }
0xa8: {  	s1 =	ssub.s32 @!p0 $0x0, s1;
	[sflag:s0] =	ssyncset.done @!p0 $0x0  }
0xa9: {  	[sflag:s0] =	ssyncadd.s32 @!p0 s1  }
0xaa: {  	[bflag:$0x3] =	sbarrier.arrive $0xFFFF  }
0xab: {  	_ =	shalt  }

// kernel: kernel.23.cloned.1.call-start
scs
__scs_entry_jumppad:
0x0: {  	(pc) =	sbr.rel $0x88, $3  }
0x1: {  	(tag) =	ssettag $0x0;
	lr =	simm.s32 $0x1  }
0x2: {  	[smem:$0x3F8D] =	sst lr;
	_ =	strace $0xD0000000  }
0x3: {  	_ = 	snop  }
0x4: {  	_ = 	snop  }
0x5: {  	_ = 	snop  }
0x6: {  	_ = 	snop  }
0x7: {  	_ = 	snop  }
__scs_overlays_trampoline_lowered:
0x8: {  	[smem:$0x3F9C] =	sst s0  }
0x9: {  	[smem:$0x3F9D] =	sst s1  }
0xa: {  	[smem:$0x3F9E] =	sst s2  }
0xb: {  	[smem:$0x3F9F] =	sst s3  }
0xc: {  	[smem:$0x3FA0] =	sst s4  }
0xd: {  	[smem:$0x3FA1] =	sst s5  }
0xe: {  	[smem:$0x3FA2] =	sst s6  }
0xf: {  	[smem:$0x3FA3] =	sst s7  }
0x10: {  	[smem:$0x3FA4] =	sst s8  }
0x11: {  	[smem:$0x3FA5] =	sst s9;
	s0 =	simm.s32 @!p0 $0x0  }
0x12: {  	s1 =	sld [smem:$0x3F8B];
	s0 =	simm.s32 @p0 $0x1  }
0x13: {  	[smem:$0x3FA6] =	sst s0;
	s0 =	simm.s32 @!p1 $0x0  }
0x14: {  	s2 =	sld [smem:$0x3F8A];
	s0 =	simm.s32 @p1 $0x1  }
0x15: {  	[smem:$0x3FA7] =	sst s0;
	s0 =	simm.s32 @!p2 $0x0  }
0x16: {  	s3 =	sld [smem:$0x3FDB];
	s0 =	simm.s32 @p2 $0x1  }
0x17: {  	s4 =	simm.s32 $0x1BF5;
	[smem:$0x3FA9] =	sst s0  }
0x18: {  	s0 =	sld [smem:$0x3F8C];
	_ =	swait.ge [sflag:s4], $0x0  }
0x19: {  	s7 =	sld [smem:$0x3F8D]  }
0x1a: {  	s8 =	sadd.s32 $0xFFFFE003, lr  }
0x1b: {  	s9 =	sadd.s32 $0xFFFFFEF7, lr;
	s5 =	simm.s32 $0xFFFFFFFF;
	p2 =	slt.u32 s8, $0xFFFFF086  }
0x1c: {  	p1 =	slt.u32 s9, $0xF7A;
	s5 =	simm.s32 @!p2 $0x0  }
0x1d: {  	s5 =	simm.s32 @p1 $0x1;
	p0 =	seq.s32 s7, s2  }
0x1e: {  	s7 =	smul.u32 @!p0 $0xF7A, s2;
	p2 =	seq.s32 @!p0 s5, $0x0  }
0x1f: {  	s9 =	smul.u32 $0xF7A, s1;
	s8 =	simm.s32 @!p0 $0x1BF5;
	p2 =	por !p2, p0  }
0x20: {  	[sflag:s8] =	ssyncset.s32 @!p0 $0xFFFFF086;
	s6 =	sadd.s32 @!p0 s3, s7;
	s7 =	simm.s32 @!p0 $0x108  }
0x21: {  	s3 =	sadd.s32 s3, s9;
	s6 =	sadd.s32 @!p0 $0x88, s6;
	s7 =	simm.s32 @p2 $0x1082  }
0x22: {  	[simem:s7], [sflag:s8] =	dma.local @!p0 [hbm:s6], $0xF7A  }
0x23: {  	s9 =	sor.u32 $0xD0000000, s2;
	s6 =	simm.s32 $0x108;
	_ =	swait.ge @!p0 [sflag:s8], $0x0  }
0x24: {  	s3 =	sadd.s32 $0x88, s3;
	s6 =	simm.s32 @!p1 $0x1082;
	[sflag:s4] =	ssyncset.s32 $0xFFFFF086  }
0x25: {  	[simem:s6], [sflag:s4] =	dma.local [hbm:s3], $0xF7A  }
0x26: {  	[smem:$0x3F8D] =	sst s1;
	(tag) =	ssettag s2;
	_ =	strace s9  }
0x27: {  	s1 =	sld [smem:$0x3F9D]  }
0x28: {  	s2 =	sld [smem:$0x3F9E]  }
0x29: {  	s4 =	sld [smem:$0x3FA0]  }
0x2a: {  	p0 =	seq.s32 s5, $0x0;
	s5 =	sld [smem:$0x3FA1]  }
0x2b: {  	s6 =	sld [smem:$0x3FA2]  }
0x2c: {  	s7 =	sld [smem:$0x3FA3]  }
0x2d: {  	s3 =	simm.s32 $0x108;
	s8 =	sld [smem:$0x3FA4]  }
0x2e: {  	s3 =	simm.s32 @!p0 $0x1082;
	s9 =	sld [smem:$0x3FA5]  }
0x2f: {  	lr =	sadd.s32 s0, s3;
	s0 =	sld [smem:$0x3F9C]  }
0x30: {  	s3 =	sld [smem:$0x3F9F]  }
0x31: {  	[smem:$0x3FA8] =	sst s10  }
0x32: {  	s10 =	sld [smem:$0x3FA6];
	_ =	sdelay $0x3  }
0x33: {  	p0 =	seq.s32 s10, $0x1;
	s10 =	sld [smem:$0x3FA8];
	_ =	sdelay $0x3  }
0x34: {  	[smem:$0x3FA8] =	sst s10  }
0x35: {  	s10 =	sld [smem:$0x3FA7];
	_ =	sdelay $0x3  }
0x36: {  	p1 =	seq.s32 s10, $0x1;
	s10 =	sld [smem:$0x3FA8];
	_ =	sdelay $0x3  }
0x37: {  	[smem:$0x3FA8] =	sst s10  }
0x38: {  	s10 =	sld [smem:$0x3FA9]  }
0x39: {  	_ = 	snop;
	(pc) =	sbr.ind lr, $3  }
0x3a: {  	_ = 	snop  }
0x3b: {  	_ = 	snop  }
0x3c: {  	p2 =	seq.s32 s10, $0x1;
	s10 =	sld [smem:$0x3FA8]  }
0x3d: {  	_ =	shalt  }
0x3e: {  	_ =	shalt  }
0x3f: {  	_ =	shalt  }
0x40: {  	_ =	shalt  }
0x41: {  	_ =	shalt  }
0x42: {  	_ =	shalt  }
0x43: {  	_ =	shalt  }
0x44: {  	_ =	shalt  }
0x45: {  	_ =	shalt  }
0x46: {  	_ =	shalt  }
0x47: {  	_ =	shalt  }
0x48: {  	_ =	shalt  }
0x49: {  	_ =	shalt  }
0x4a: {  	_ =	shalt  }
0x4b: {  	_ =	shalt  }
0x4c: {  	_ =	shalt  }
0x4d: {  	_ =	shalt  }
0x4e: {  	_ =	shalt  }
0x4f: {  	_ =	shalt  }
0x50: {  	_ =	shalt  }
0x51: {  	_ =	shalt  }
0x52: {  	_ =	shalt  }
0x53: {  	_ =	shalt  }
0x54: {  	_ =	shalt  }
0x55: {  	_ =	shalt  }
0x56: {  	_ =	shalt  }
0x57: {  	_ =	shalt  }
0x58: {  	_ =	shalt  }
0x59: {  	_ =	shalt  }
0x5a: {  	_ =	shalt  }
0x5b: {  	_ =	shalt  }
0x5c: {  	_ =	shalt  }
0x5d: {  	_ =	shalt  }
0x5e: {  	_ =	shalt  }
0x5f: {  	_ =	shalt  }
0x60: {  	_ =	shalt  }
0x61: {  	_ =	shalt  }
0x62: {  	_ =	shalt  }
0x63: {  	_ =	shalt  }
0x64: {  	_ =	shalt  }
0x65: {  	_ =	shalt  }
0x66: {  	_ =	shalt  }
0x67: {  	_ =	shalt  }
0x68: {  	_ =	shalt  }
0x69: {  	_ =	shalt  }
0x6a: {  	_ =	shalt  }
0x6b: {  	_ =	shalt  }
0x6c: {  	_ =	shalt  }
0x6d: {  	_ =	shalt  }
0x6e: {  	_ =	shalt  }
0x6f: {  	_ =	shalt  }
0x70: {  	_ =	shalt  }
0x71: {  	_ =	shalt  }
0x72: {  	_ =	shalt  }
0x73: {  	_ =	shalt  }
0x74: {  	_ =	shalt  }
0x75: {  	_ =	shalt  }
0x76: {  	_ =	shalt  }
0x77: {  	_ =	shalt  }
0x78: {  	_ =	shalt  }
0x79: {  	_ =	shalt  }
0x7a: {  	_ =	shalt  }
0x7b: {  	_ =	shalt  }
0x7c: {  	_ =	shalt  }
0x7d: {  	_ =	shalt  }
0x7e: {  	_ =	shalt  }
0x7f: {  	_ =	shalt  }
0x80: {  	_ =	shalt  }
0x81: {  	_ =	shalt  }
0x82: {  	_ =	shalt  }
0x83: {  	_ =	shalt  }
0x84: {  	_ =	shalt  }
0x85: {  	_ =	shalt  }
0x86: {  	_ =	shalt  }
0x87: {  	_ =	shalt  }
.Lfunc_end0:
.L_simem_size_0:
called_computation.4_lowered:
.L_overlay_start_0:
0x88: {  	s2 =	sld [smem:$0x3FD9]  }
0x89: {  	s3 =	sld [smem:$0x3FFE];
	_ =	sdelay $0x1  }
0x8a: {  	s1 =	srdreg.scid  }
0x8b: {  	s0 =	sand.u32 $0x1, s1  }
0x8c: {  	s17 =	sshll.u32 s0, $0xA;
	s2 =	sadd.s32 s3, s2  }
0x8d: {  	s2 =	sadd.s32 s2, s17  }
0x8e: {  	[smem:$0x3FB4] =	sst s2  }
0x8f: {  	_ = 	snop  }
0x90: {  	s2 =	sld [smem:$0x3FD0];
	(tm) =	ssettm $0x1  }
0x91: {  	s18 =	sld [smem:$0x3FFB];
	_ =	sdelay $0x3  }
0x92: {  	_ =	strace s18  }
0x93: {  	s3 =	sld [smem:$0x3FFC];
	_ =	sdelay $0x3  }
0x94: {  	_ =	strace s3  }
0x95: {  	s3 =	sld [smem:$0x3FFD];
	_ =	sdelay $0x3  }
0x96: {  	_ =	strace s3  }
0x97: {  	_ =	strace $0x8FFFFFFF  }
0x98: {  	s19 =	sld [smem:$0x3FDB];
	_ =	sdelay $0x1  }
0x99: {  	s4 =	simm.s32 $_scs_section_size  }
0x9a: {  	s5 =	simm.s32 $_size__tile_overlayer_lowered;
	s6 =	simm.s32 $_tile_overlayer_lowered  }
0x9b: {  	s22 =	simm.s32 $0x1BFF;
	s21 =	sshll.u32 s6, $0x1;
	s3 =	sadd.s32 s4, s19  }
0x9c: {  	s7 =	simm.s32 $0x0;
	s20 =	sshll.u32 s5, $0x1;
	s5 =	sadd.s32 s21, s3  }
0x9d: {  	[timem:s7], [sflag:s22] =	dma.local [hbm:s5], s20  }
0x9e: {  	_ =	swait.ge [sflag:s22], s20  }
0x9f: {  	s4 =	ssub.s32 $0x0, s20;
	[sflag:s22] =	ssyncset.done $0x0  }
0xa0: {  	[sflag:s22] =	ssyncadd.s32 s4;
	_ =	sdelay $0x1  }
0xa1: {  	s23 =	simm.s32 $0x1B8B  }
0xa2: {  	_ =	swait.ge [sflag:s23], $0x1  }
0xa3: {  	[sflag:s23] =	ssyncset.done $0x0  }
0xa4: {  	s25 =	simm.s32 $0x1B8E;
	s24 =	sld [smem:$0x3FFE];
	[sflag:s23] =	ssyncadd.s32 $0xFFFFFFFF  }
0xa5: {  	s26 =	simm.s32 $execute0_lowered;
	[smem:$0x3FD2] =	sst s25  }
0xa6: {  	s5 =	sshll.u32 s26, $0x1;
	_ =	strace $0x80000052;
	[dreg:$0x1] =	wrdreg $0xFFFFFFFF  }
0xa7: {  	s28 =	simm.s32 $_size_execute0_lowered;
	s3 =	sadd.s32 s3, s5;
	[dreg:$0x0] =	wrdreg $0x0  }
0xa8: {  	s5 =	sshll.u32 s28, $0x1;
	[dreg:$0x2] =	wrdreg s3  }
0xa9: {  	[dreg:$0x3] =	wrdreg s5  }
0xaa: {  	[dreg:$0x4] =	wrdreg $0xC0  }
0xab: {  	_ =	task [dreg:s7], $0x5FFFF  }
0xac: {  	[dreg:$0x1] =	wrdreg $0xFFFFFFFF  }
0xad: {  	[dreg:$0x0] =	wrdreg $0x60  }
0xae: {  	[dreg:$0x2] =	wrdreg s2  }
0xaf: {  	[dreg:$0x3] =	wrdreg s24  }
0xb0: {  	[dreg:$0x4] =	wrdreg $0x0  }
0xb1: {  	[dreg:$0x5] =	wrdreg $0x9  }
0xb2: {  	_ =	task.clear_ibuf [dreg:s7], $0x6FFFF;
	_ =	strace $0x90000052  }
0xb3: {  	s29 =	simm.s32 $0x9;
	_ =	strace $0x80000054  }
0xb4: {  	_ =	swait.ge [sflag:s29], $0x1  }
0xb5: {  	[sflag:s29] =	ssyncadd.s32 $0xFFFFFFFF  }
0xb6: {  	_ =	strace $0x90000054  }
0xb7: {  	_ =	sfence  }
0xb8: {  	s30 =	sld [smem:$0x0];
	_ =	sdelay $0x2  }
0xb9: {  	s31 =	sshll.u32 s1, $0xD;
	s1 =	sshrl.u32 s1, $0x2  }
0xba: {  	s3 =	sand.u32 $0x4000, s31;
	s1 =	sadd.s32 s1, s30  }
0xbb: {  	s0 =	sor.u32 s3, s0;
	s1 =	sshll.u32 s1, $0x11  }
0xbc: {  	s0 =	sor.u32 s1, s0  }
0xbd: {  	s0 =	sadd.s32 $0x8F2B, s0  }
0xbe: {  	[sflag:s0] =	ssyncadd.remote.s32 $0x1  }
0xbf: {  	_ =	sfence.sel $0xFFFF  }
0xc0: {  	[dreg:$0x0] =	wrdreg $0xFFFFFFFF;
	(pc) =	sbr.abs _section_cstart, $3  }
0xc1: {  	[dreg:$0x1] =	wrdreg $0xFFFFFFFF  }
0xc2: {  	_ =	task.clear_ibuf [dreg:s7], $0x2FFFF;
	_ =	strace $0x9FFFFFFF  }
0xc3: {  	(tm) =	ssettm $0x7FFFFFFF  }
tec
execute0_lowered:
.L_overlay_start_1:
0x0: {  	(tag) =	ssettag $0x1  }
0x1: {  	s1 =	rddreg [dreg:$0x0]  }
0x2: {  	s0 =	rddreg [dreg:$0x1]  }
0x3: {  	s2 =	rddreg [dreg:$0x2]  }
0x4: {  	s3 =	srdreg.scid;
	s4 =	simm.s32 $0x0;
	s7 =	stileid.u32  }
0x5: {  	s29 =	simm.s32 $0x2;
	s3 =	sand.u32 $0x1, s3;
	[smem:$0x7FF] =	sst s4  }
0x6: {  	s8 =	smul.u32 $0x2700, s7;
	s10 =	sadd.s32 $0x18C00, s0;
	s12 =	sshll.u32 s7, $0x6  }
0x7: {  	p0 =	sne.s32 s7, $0xF;
	s5 =	sshll.u32 s3, $0x4;
	_ =	strace $0x80000053  }
0x8: {  	s9 =	ssub.s32 $0x2, s3;
	[dreg:$0x5] =	wrdreg s10;
	s3 =	smul.u32 $0x27100, s3  }
0x9: {  	[dreg:$0x4] =	wrdreg s29;
	s6 =	sor.u32 s7, s5;
	s5 =	sadd.s32 $0x5200, s0  }
0xa: {  	s0 =	sadd.s32 $0x19200, s0;
	s23 =	sshrl.u32 s9, $0x1;
	s11 =	sadd.s32 s8, s2  }
0xb: {  	s6 =	smul.u32 $0x2710, s6;
	s10 =	ssub.s32 s9, s23;
	s9 =	sor.u32 $0x1C0D, s12  }
0xc: {  	s12 =	sadd.s32 $0x27000, s2;
	s8 =	sadd.s32 s8, s3;
	s7 =	sshrl.u32 s11, $0x3  }
0xd: {  	s3 =	sshrl.u32 s3, $0x3;
	s28 =	smax.u32 s10, $0x1;
	[dreg:$0xd] =	wrdreg s7  }
0xe: {  	s8 =	sshrl.u32 s8, $0x3;
	s10 =	sshrl.u32 @!p0 s12, $0x3;
	[dreg:$0xc] =	wrdreg s28  }
0xf: {  	s3 =	sadd.s32 s0, s3;
	s0 =	sadd.s32 s0, s8;
	[dreg:$0xe] =	wrdreg s10  }
0x10: {  	s24 =	sshrl.u32 s6, $0x3;
	s26 =	sadd.s32 $0x4E00, s3;
	[dreg:$0xa] =	wrdreg s0  }
0x11: {  	s13 =	sadd.s32 s5, s24;
	[dreg:$0xb] =	wrdreg s26  }
0x12: {  	s30 =	simm.s32 $0x3;
	s14 =	sadd.s32 $0x9C40, s13;
	[dreg:$0x6] =	wrdreg s13  }
0x13: {  	s31 =	simm.s32 $0x0;
	s25 =	sadd.s32 $0xA, s13;
	[dreg:$0x7] =	wrdreg s14  }
0x14: {  	s23 =	simm.s32 $0x1;
	s13 =	sadd.s32 $0x9C4A, s13;
	[dreg:$0x8] =	wrdreg s25  }
0x15: {  	s8 =	simm.s32 $0xD;
	s24 =	simm.s32 $0x50;
	[dreg:$0x9] =	wrdreg s13  }
.LBB2_1:
0x16: {  	s0 =	rddreg [dreg:$0x5]  }
0x17: {  	[spmem:s7], [sflag:s9] =	dma.local [hbm:s0], $0x4E0  }
0x18: {  	_ =	swait.ge [sflag:s8], $0x4E0  }
0x19: {  	[sflag:s8] =	ssyncset.done $0x0  }
0x1a: {  	[sflag:s8] =	ssyncadd.s32 $0xFFFFFB20  }
0x1b: {  	[spmem:s10], [sflag:s9] =	dma.local @!p0 [hbm:s0], $0x20  }
0x1c: {  	s0 =	simm.s32 @!p0 $0xD  }
0x1d: {  	_ =	swait.ge @!p0 [sflag:s0], $0x20  }
0x1e: {  	[sflag:s0] =	ssyncset.done @!p0 $0x0  }
0x1f: {  	[sflag:s0] =	ssyncadd.s32 @!p0 $0xFFFFFFE0  }
0x20: {  	[bflag:$0x0] =	sbarrier.arrive $0xFFFF  }
0x21: {  	s3 =	simm.s32 $0x2710;
	s14 =	rddreg [dreg:$0x6]  }
0x22: {  	[tilespmem:s3], [sflag:$0x1] =	stream.linear.gather [hbm4b:s14+s4], $0x50, $0x38;
	[tilespmem:$0x3D90] =	vst v63  }
0x23: {  	s16 =	simm.s32 $0x2850;
	s15 =	rddreg [dreg:$0x7]  }
0x24: {  	[tilespmem:s16], [sflag:$0x1] =	stream.linear.gather [hbm4b:s15+s4], $0x50, $0x38;
	[tilespmem:$0x3D90] =	vst v63  }
0x25: {  	s18 =	simm.s32 $0x2760;
	s17 =	rddreg [dreg:$0x8]  }
0x26: {  	[tilespmem:s18], [sflag:$0x2] =	stream.linear.gather [hbm4b:s17+s4], $0x50, $0x38;
	[tilespmem:$0x3D90] =	vst v63  }
0x27: {  	s20 =	simm.s32 $0x28A0;
	s19 =	rddreg [dreg:$0x9]  }
0x28: {  	[tilespmem:s20], [sflag:$0x2] =	stream.linear.gather [hbm4b:s19+s4], $0x50, $0x38;
	[tilespmem:$0x3D90] =	vst v63  }
0x29: {  	_ =	swait.ge [sflag:s23], $0x50  }
0x2a: {  	[sflag:s23] =	ssyncset.done $0x0  }
0x2b: {  	[sflag:s23] =	ssyncadd.s32 $0xFFFFFFB0  }
0x2c: {  	_ =	swait.ge [sflag:s23], $0x50  }
0x2d: {  	[sflag:s23] =	ssyncset.done $0x0  }
0x2e: {  	s21 =	simm.s32 $0x2990;
	s22 =	simm.s32 $0x2;
	[sflag:s23] =	ssyncadd.s32 $0xFFFFFFB0  }
0x2f: {  	[tilespmem:s21], [sflag:$0x5] =	stream.indirect.gather [hbm4b:s1+s24], $0x10, s3, s24, $0xb8;
	[tilespmem:$0x3D90] =	vst v63  }
0x30: {  	p1 =	por $0x1, $0x1;
	s0 =	simm.s32 $0x1;
	s3 =	sand.u32 $0x3, s22  }
0x31: {  	s11 =	sand.u32 $0x3, s0;
	s8 =	sadd.s32 @!p1 $0x9, s3  }
0x32: {  	p2 =	por $0x1, $0x1;
	s13 =	smul.u32 $0x140, s11;
	_ =	swait.ge @!p1 [sflag:s8], $0x500  }
0x33: {  	s29 =	sadd.s32 $0x1, s11;
	s14 =	sand.u32 $0x3, s4;
	s10 =	rddreg [dreg:$0x4]  }
0x34: {  	s12 =	sadd.s32 $0x9, s14;
	s15 =	smul.u32 $0x1400, s11;
	s10 =	simm.s32 @!p2 $0xFFFFFF85  }
0x35: {  	s7 =	sshrl.u32 s13, $0x2;
	s16 =	smul.u32 $0x1400, s14;
	s10 =	sadd.s32 $0x0, s10  }
0x36: {  	s13 =	simm.s32 $0x2;
	s20 =	sand.u32 $0x3, s0;
	s10 =	smul.u32 $0x50, s10  }
0x37: {  	s28 =	sadd.s32 $0x5, s14;
	s11 =	sadd.s32 $0x5, s11;
	s17 =	smul.u32 $0x1400, s20  }
0x38: {  	s15 =	sshrl.u32 s15, $0x2;
	s19 =	smul.u32 $0x50, s3;
	s10 =	sadd.s32 s6, s10  }
0x39: {  	s3 =	sadd.s32 $0x1, s3;
	[sflag:s8] =	ssyncset.done @!p1 $0x0;
	s10 =	sshrl.u32 s10, $0x3  }
0x3a: {  	s25 =	sadd.s32 $0x2710, s19;
	[sflag:s8] =	ssyncadd.s32 @!p1 $0xFFFFFB00;
	s10 =	sadd.s32 s5, s10  }
0x3b: {  	[tilespmem:s25], [sflag:s3] =	stream.linear.gather [hbm4b:s10+s4], $0x50, $0x38;
	[tilespmem:$0x3D90] =	vst v63  }
0x3c: {  	s21 =	smul.u32 $0x140, s14;
	s26 =	sadd.s32 $0x2850, s19;
	s10 =	sadd.s32 $0x9C40, s10  }
0x3d: {  	[tilespmem:s26], [sflag:s3] =	stream.linear.gather [hbm4b:s10+s4], $0x50, $0x38;
	[tilespmem:$0x3D90] =	vst v63  }
0x3e: {  	s15 =	sadd.s32 $0x2990, s15;
	s18 =	smul.u32 $0x140, s20;
	_ =	swait.ge [sflag:s29], $0x50  }
0x3f: {  	s21 =	sshrl.u32 s21, $0x2;
	s19 =	sshrl.u32 s17, $0x2;
	[sflag:s29] =	ssyncset.done $0x0  }
0x40: {  	s8 =	sadd.s32 $0x2710, s7;
	p2 =	por $0x1, $0x1;
	[sflag:s29] =	ssyncadd.s32 $0xFFFFFFB0  }
0x41: {  	s3 =	sand.u32 $0x3, s13;
	s10 =	sshrl.u32 s16, $0x2;
	_ =	swait.ge [sflag:s29], $0x50  }
0x42: {  	s26 =	sadd.s32 $0x2850, s21;
	s22 =	smul.u32 $0x140, s3;
	[sflag:s29] =	ssyncset.done $0x0  }
0x43: {  	s21 =	sadd.s32 $0x9, s20;
	s25 =	smul.u32 $0x1400, s3;
	[sflag:s29] =	ssyncadd.s32 $0xFFFFFFB0  }
0x44: {  	[tilespmem:s15], [sflag:s11] =	stream.indirect.gather [hbm4b:s1+s24], $0x10, s8, s24, $0xb8;
	[tilespmem:$0x3D90] =	vst v63  }
0x45: {  	s29 =	simm.s32 $0x3;
	s8 =	sadd.s32 $0x2990, s10;
	s10 =	sshrl.u32 s22, $0x2  }
0x46: {  	s11 =	sshrl.u32 s25, $0x2;
	s22 =	sadd.s32 $0x2990, s19;
	s15 =	sshrl.u32 s18, $0x2  }
0x47: {  	s19 =	sand.u32 $0x3, s29;
	s25 =	sadd.s32 $0x2850, s15;
	_ =	swait.ge [sflag:s28], $0x500  }
.LBB2_2:
0x48: {  	s29 =	sadd.s32 @!p2 $0x9, s19  }
0x49: {  	[sflag:s28] =	ssyncset.done $0x0;
	s7 =	smov.u32 s13;
	s13 =	sadd.s32 $0x1, s13  }
0x4a: {  	s15 =	smov.u32 s3;
	s3 =	sand.u32 $0x3, s13;
	[sflag:s28] =	ssyncadd.s32 $0xFFFFFB00  }
0x4b: {  	[spmem:s2] =	stream.indirect.scatter.add.f32 [tilespmem:s8], [sflag:s12], $0x10, s26, s24, $0xb8;
	[tilespmem:$0x3D90] =	vst v63  }
0x4c: {  	s14 =	smov.u32 s20;
	p3 =	slt.u32 s0, $0x7B;
	s17 =	smul.u32 $0x140, s3  }
0x4d: {  	s20 =	sand.u32 $0x3, s7;
	p1 =	sne.s32 s13, $0x7D;
	s18 =	smul.u32 $0x1400, s3  }
0x4e: {  	s26 =	sadd.s32 $0x9, s20;
	s16 =	smul.u32 $0x1400, s20;
	_ =	swait.ge @!p2 [sflag:s29], $0x500  }
0x4f: {  	s12 =	smov.u32 s21;
	s21 =	smov.u32 s26;
	s28 =	rddreg [dreg:$0x4]  }
0x50: {  	s8 =	sshrl.u32 s17, $0x2;
	s18 =	sshrl.u32 s18, $0x2;
	s28 =	simm.s32 @!p3 $0xFFFFFF85  }
0x51: {  	s17 =	smul.u32 $0x140, s20;
	s16 =	sshrl.u32 s16, $0x2;
	s26 =	sadd.s32 s28, s0  }
0x52: {  	[sflag:s29] =	ssyncset.done @!p2 $0x0;
	s16 =	sadd.s32 $0x2990, s16;
	s26 =	smul.u32 $0x50, s26  }
0x53: {  	s0 =	smov.u32 s7;
	s7 =	smul.u32 $0x50, s19;
	s28 =	smov.u32 s10  }
0x54: {  	s10 =	smov.u32 s8;
	s8 =	sadd.s32 $0x1, s19;
	s19 =	sadd.s32 s6, s26  }
0x55: {  	[sflag:s29] =	ssyncadd.s32 @!p2 $0xFFFFFB00;
	s29 =	smov.u32 s11;
	s19 =	sshrl.u32 s19, $0x3  }
0x56: {  	s11 =	smov.u32 s18;
	s26 =	sadd.s32 $0x2710, s7;
	s19 =	sadd.s32 s5, s19  }
0x57: {  	[tilespmem:s26], [sflag:s8] =	stream.linear.gather [hbm4b:s19+s4], $0x50, $0x38;
	[tilespmem:$0x3D90] =	vst v63  }
0x58: {  	s7 =	sadd.s32 $0x2850, s7;
	s26 =	sadd.s32 $0x9C40, s19;
	s19 =	sadd.s32 $0x1, s15  }
0x59: {  	[tilespmem:s7], [sflag:s8] =	stream.linear.gather [hbm4b:s26+s4], $0x50, $0x38;
	[tilespmem:$0x3D90] =	vst v63  }
0x5a: {  	s17 =	sshrl.u32 s17, $0x2;
	s18 =	sadd.s32 $0x2990, s29;
	_ =	swait.ge [sflag:s19], $0x50  }
0x5b: {  	s17 =	sadd.s32 $0x2850, s17;
	s29 =	sadd.s32 $0x2, s0;
	[sflag:s19] =	ssyncset.done $0x0  }
0x5c: {  	s8 =	smov.u32 s22;
	s22 =	smov.u32 s16;
	[sflag:s19] =	ssyncadd.s32 $0xFFFFFFB0  }
.Ltmp0:
0x5d: {  	s26 =	smov.u32 s25;
	_ =	swait.ge [sflag:s19], $0x50;
	(pc) =	sbr.rel @p1 .LBB2_2-.Ltmp0, $4  }
0x5e: {  	s25 =	smov.u32 s17;
	s16 =	sadd.s32 $0x5, s15;
	[sflag:s19] =	ssyncset.done $0x0  }
0x5f: {  	s17 =	sadd.s32 $0x2710, s28;
	s28 =	sadd.s32 $0x5, s14;
	[sflag:s19] =	ssyncadd.s32 $0xFFFFFFB0  }
0x60: {  	[tilespmem:s18], [sflag:s16] =	stream.indirect.gather [hbm4b:s1+s24], $0x10, s17, s24, $0xb8;
	[tilespmem:$0x3D90] =	vst v63  }
0x61: {  	p2 =	slt.u32 s0, $0x2;
	s19 =	sand.u32 $0x3, s29;
	_ =	swait.ge [sflag:s28], $0x500  }
0x62: {  	[sflag:s28] =	ssyncset.done $0x0  }
0x63: {  	s7 =	sadd.s32 @!p2 $0x9, s19;
	[sflag:s28] =	ssyncadd.s32 $0xFFFFFB00  }
0x64: {  	[spmem:s2] =	stream.indirect.scatter.add.f32 [tilespmem:s8], [sflag:s12], $0x10, s26, s24, $0xb8;
	[tilespmem:$0x3D90] =	vst v63  }
0x65: {  	_ =	swait.ge @!p2 [sflag:s7], $0x500  }
0x66: {  	p1 =	slt.u32 s0, $0x7B;
	s8 =	rddreg [dreg:$0x4]  }
0x67: {  	s8 =	simm.s32 @!p1 $0xFFFFFF85  }
0x68: {  	s8 =	sadd.s32 s8, s0  }
0x69: {  	s0 =	smul.u32 $0x50, s8;
	_ =	sdelay $0x1  }
0x6a: {  	s12 =	smul.u32 $0x50, s19;
	s0 =	sadd.s32 s6, s0  }
0x6b: {  	s13 =	sadd.s32 $0x1, s19;
	[sflag:s7] =	ssyncset.done @!p2 $0x0;
	s0 =	sshrl.u32 s0, $0x3  }
0x6c: {  	s14 =	sadd.s32 $0x2710, s12;
	[sflag:s7] =	ssyncadd.s32 @!p2 $0xFFFFFB00;
	s0 =	sadd.s32 s5, s0  }
0x6d: {  	[tilespmem:s14], [sflag:s13] =	stream.linear.gather [hbm4b:s0+s4], $0x50, $0x38;
	[tilespmem:$0x3D90] =	vst v63  }
0x6e: {  	s16 =	sadd.s32 $0x1, s3;
	s15 =	sadd.s32 $0x2850, s12;
	s0 =	sadd.s32 $0x9C40, s0  }
0x6f: {  	[tilespmem:s15], [sflag:s13] =	stream.linear.gather [hbm4b:s0+s4], $0x50, $0x38;
	[tilespmem:$0x3D90] =	vst v63  }
0x70: {  	_ =	swait.ge [sflag:s16], $0x50  }
0x71: {  	[sflag:s16] =	ssyncset.done $0x0  }
0x72: {  	[sflag:s16] =	ssyncadd.s32 $0xFFFFFFB0  }
0x73: {  	_ =	swait.ge [sflag:s16], $0x50  }
0x74: {  	s17 =	sadd.s32 $0x5, s3;
	s18 =	sadd.s32 $0x2710, s10;
	[sflag:s16] =	ssyncset.done $0x0  }
0x75: {  	s20 =	sadd.s32 $0x5, s20;
	s19 =	sadd.s32 $0x2990, s11;
	[sflag:s16] =	ssyncadd.s32 $0xFFFFFFB0  }
0x76: {  	[tilespmem:s19], [sflag:s17] =	stream.indirect.gather [hbm4b:s1+s24], $0x10, s18, s24, $0xb8;
	[tilespmem:$0x3D90] =	vst v63  }
0x77: {  	_ =	swait.ge [sflag:s20], $0x500  }
0x78: {  	[sflag:s20] =	ssyncset.done $0x0  }
0x79: {  	[sflag:s20] =	ssyncadd.s32 $0xFFFFFB00  }
0x7a: {  	[spmem:s2] =	stream.indirect.scatter.add.f32 [tilespmem:s22], [sflag:s21], $0x10, s25, s24, $0xb8;
	[tilespmem:$0x3D90] =	vst v63  }
0x7b: {  	s22 =	simm.s32 $0xC  }
0x7c: {  	_ =	swait.ge [sflag:s22], $0x500  }
0x7d: {  	[sflag:s22] =	ssyncset.done $0x0  }
0x7e: {  	s25 =	simm.s32 $0x9;
	[sflag:s22] =	ssyncadd.s32 $0xFFFFFB00  }
0x7f: {  	_ =	swait.ge [sflag:s25], $0x500  }
0x80: {  	[sflag:s25] =	ssyncset.done $0x0  }
0x81: {  	s26 =	simm.s32 $0x6;
	[sflag:s25] =	ssyncadd.s32 $0xFFFFFB00  }
0x82: {  	_ =	swait.ge [sflag:s26], $0x500  }
0x83: {  	[sflag:s26] =	ssyncset.done $0x0  }
0x84: {  	[sflag:s26] =	ssyncadd.s32 $0xFFFFFB00  }
0x85: {  	_ =	swait.ge [sflag:s30], $0x50  }
0x86: {  	[sflag:s30] =	ssyncset.done $0x0  }
0x87: {  	[sflag:s30] =	ssyncadd.s32 $0xFFFFFFB0  }
0x88: {  	_ =	swait.ge [sflag:s30], $0x50  }
0x89: {  	[sflag:s30] =	ssyncset.done $0x0  }
0x8a: {  	[sflag:s30] =	ssyncadd.s32 $0xFFFFFFB0  }
0x8b: {  	[bflag:$0x0] =	sbarrier.arrive $0xFFFF  }
0x8c: {  	s28 =	rddreg [dreg:$0xa]  }
0x8d: {  	s8 =	simm.s32 $0xD;
	s7 =	rddreg [dreg:$0xd]  }
0x8e: {  	[hbm:s28], [sflag:s9] =	dma.local [spmem:s7], $0x4E0  }
0x8f: {  	_ =	swait.ge [sflag:s8], $0x4E0  }
0x90: {  	[sflag:s8] =	ssyncset.done $0x0;
	s0 =	rddreg [dreg:$0xb]  }
0x91: {  	s10 =	rddreg [dreg:$0xe];
	[sflag:s8] =	ssyncadd.s32 $0xFFFFFB20  }
0x92: {  	[hbm:s0], [sflag:s9] =	dma.local @!p0 [spmem:s10], $0x20  }
0x93: {  	s0 =	simm.s32 @!p0 $0xD  }
0x94: {  	_ =	swait.ge @!p0 [sflag:s0], $0x20  }
0x95: {  	s31 =	sadd.s32 $0x1, s31;
	s29 =	rddreg [dreg:$0xc]  }
0x96: {  	p1 =	sne.s32 s31, s29  }
.Ltmp1:
0x97: {  	_ = 	snop;
	(pc) =	sbr.rel @p1 .LBB2_1-.Ltmp1, $3  }
0x98: {  	_ =	sdelay $0x1  }
0x99: {  	[sflag:s0] =	ssyncset.done @!p0 $0x0  }
0x9a: {  	[sflag:s0] =	ssyncadd.s32 @!p0 $0xFFFFFFE0  }
0x9b: {  	_ =	sfence.sel $0x180000  }
0x9c: {  	[bflag:$0x0] =	sbarrier.arrive $0xFFFF  }
0x9d: {  	_ =	strace $0x90000053  }
0x9e: {  	s0 =	stileid.u32;
	[bflag:$0x2] =	sbarrier.arrive $0xFFFF  }
0x9f: {  	p0 =	sne.s32 s0, $0x0;
	s0 =	rddreg [dreg:$0x3]  }
0xa0: {  	s0 =	sadd.s32 @!p0 $0x100000, s0  }
0xa1: {  	[sflag:s0] =	ssyncadd.tile.s32 @!p0 $0x1;
	_ =	shalt  }
.Lfunc_end2:
_tile_overlayer_lowered:
.L_overlay_start_2:
0xa2: {  	(tag) =	ssettag $0x2  }
0xa3: {  	s0 =	rddreg [dreg:$0x0];
	s2 =	stileid.u32  }
0xa4: {  	s1 =	rddreg [dreg:$0x1];
	p0 =	sne.s32 s2, $0x0  }
0xa5: {  	s3 =	rddreg [dreg:$0x2];
	[bflag:$0x3] =	sbarrier.arrive $0xFFFF;
	s2 =	simm.s32 @!p0 $0x1C0D  }
0xa6: {  	[timem:s3], [sflag:s2] =	dma.local @!p0 [hbm:s0], s1  }
0xa7: {  	s0 =	simm.s32 @!p0 $0xD  }
0xa8: {  	_ =	swait.ge @!p0 [sflag:s0], s1  }
0xa9: {  	s1 =	ssub.s32 @!p0 $0x0, s1;
	[sflag:s0] =	ssyncset.done @!p0 $0x0  }
0xaa: {  	[sflag:s0] =	ssyncadd.s32 @!p0 s1  }
0xab: {  	[bflag:$0x3] =	sbarrier.arrive $0xFFFF  }
0xac: {  	_ =	shalt  }

</sc_bundles>
